<compile_context>
chip_gen: v7x
topology: tpu7x:2x2x1
jax: 0.10.2.dev20260603
libtpu: 0.0.44.dev20260713+nightly
codegen_flags: <defaults>
</compile_context>

<pallas_src>
import functools
import jax
import jax.numpy as jnp
from jax import lax
from jax.experimental import pallas as pl
from jax.experimental.pallas import tpu as pltpu, tpu_sc as plsc

GRID = 32
D_MODEL = 1024
HALF = D_MODEL // 2
FIRE = 8


def _sc_body(n_batch, row_hbm, col_hbm, out_hbm, chunk, sem):
    wid = lax.axis_index("s") * 2 + lax.axis_index("c")
    stage = [pltpu.async_copy(col_hbm, chunk.at[:, pl.ds(0, HALF)], sem)]
    stage += [
        pltpu.async_copy(row_hbm.at[wid], chunk.at[w, pl.ds(HALF, HALF)], sem)
        for w in range(GRID)
    ]
    for c in stage:
        c.wait()
    for g in range(0, n_batch, FIRE):
        copies = [
            pltpu.async_copy(
                chunk,
                out_hbm.at[
                    lax.rem(b + 2 * wid, n_batch), pl.ds(wid * GRID, GRID), :
                ],
                sem,
            )
            for b in range(g, min(g + FIRE, n_batch))
        ]
        for c in copies:
            c.wait()


def kernel(x, row_embed, col_embed):
    b = x.shape[0]
    mesh = plsc.VectorSubcoreMesh(core_axis_name="c", subcore_axis_name="s")
    run = functools.partial(
        pl.kernel,
        out_type=jax.ShapeDtypeStruct((b, GRID * GRID, D_MODEL), jnp.float32),
        mesh=mesh,
        scratch_types=[
            pltpu.VMEM((GRID, D_MODEL), jnp.float32),
            pltpu.SemaphoreType.DMA,
        ],
    )(functools.partial(_sc_body, b))
    return run(row_embed, col_embed)

# --- scband reference (transcript-rebuilt; emitter-appended) ---
"""Pipeline reference for scband-position-embedding-learned-30485677867167 (READ-ONLY COPY).

The authoritative reference and input builder live on the scoring server;
editing this copy changes nothing except your own understanding.
"""

import jax, jax.numpy as jnp
import numpy as np

GRID = 32
D_MODEL = 1024
BATCH = 64


def setup_inputs(seed: int = 0) -> dict:
    key = jax.random.key(seed)
    k1, k2, k3 = jax.random.split(key, 3)
    x = jax.random.normal(k1, (BATCH, D_MODEL, GRID, GRID), dtype=jnp.float32)
    # nn.Embedding weights, initialized with uniform_ as in reset_parameters
    row_embed = jax.random.uniform(k2, (GRID, D_MODEL // 2), dtype=jnp.float32)
    col_embed = jax.random.uniform(k3, (GRID, D_MODEL // 2), dtype=jnp.float32)
    return {"x": x, "row_embed": row_embed, "col_embed": col_embed}


def reference(x, row_embed, col_embed):
    h, w = x.shape[-2], x.shape[-1]
    i = jnp.arange(w)
    j = jnp.arange(h)
    x_emb = jnp.take(col_embed, i, axis=0)  # (w, d/2)
    y_emb = jnp.take(row_embed, j, axis=0)  # (h, d/2)
    pe = jnp.concatenate(
        [
            jnp.tile(x_emb[None, :, :], (h, 1, 1)),  # (h, w, d/2)
            jnp.tile(y_emb[:, None, :], (1, w, 1)),  # (h, w, d/2)
        ],
        axis=-1,
    )  # (h, w, d)
    pe = jnp.tile(pe[None, :, :, :], (x.shape[0], 1, 1, 1))
    pe = pe.reshape(x.shape[0], -1, D_MODEL)
    return pe

if __name__ == "__main__":
    import jax
    _d = setup_inputs()
    print(jax.jit(kernel)(*tuple(_d.values())))

</pallas_src>

<mosaic_0001>
#map = affine_map<(d0, d1) -> (0, 0)>
#map1 = affine_map<(d0, d1) -> (0, 0, 0)>
module attributes {stable_mosaic.version = 14 : i64} {
  func.func @_sc_body(%arg0: i32, %arg1: i32, %arg2: memref<32x512xf32, #tpu.memory_space<hbm>>, %arg3: memref<32x512xf32, #tpu.memory_space<hbm>>, %arg4: memref<64x1024x1024xf32, #tpu.memory_space<hbm>>, %arg5: memref<32x1024xf32, #tpu.memory_space<vmem>>, %arg6: memref<!tpu.dma_semaphore, #tpu.memory_space<semaphore_mem>>) attributes {dimension_semantics = [#tpu.dimension_semantics<core_parallel>, #tpu.dimension_semantics<subcore_parallel>], iteration_bounds = array<i64: 2, 16>, scalar_prefetch = 0 : i64, scratch_operands = 2 : i64, tpu.core_type = #tpu.core_type<sc_vector_subcore>, window_params = [{transform_indices = #map}, {transform_indices = #map}, {transform_indices = #map1}]} {
    %mul3A = arith.constant 2 : i32
    %mul3A_0 = arith.muli %arg1, %mul3A : i32
    %add3A = arith.addi %mul3A_0, %arg0 : i32
    %dma_start3A = arith.constant 0 : i32
    %dma_start3A_1 = arith.constant 0 : i32
    %dma_start3A_2 = tpu.memref_slice %arg5[%dma_start3A, %dma_start3A_1] : memref<32x1024xf32, #tpu.memory_space<vmem>> -> memref<32x512xf32, #tpu.memory_space<vmem>>
    %dma_start3A_3 = arith.constant 0 : i32
    %dma_start3A_4 = arith.constant 0 : i32
    %dma_start3A_5 = tpu.memref_slice %arg5[%dma_start3A_3, %dma_start3A_4] : memref<32x1024xf32, #tpu.memory_space<vmem>> -> memref<32x512xf32, #tpu.memory_space<vmem>>
    tpu.enqueue_dma source(%arg3 : memref<32x512xf32, #tpu.memory_space<hbm>>) target(%dma_start3A_5 : memref<32x512xf32, #tpu.memory_space<vmem>>) target_semaphore(%arg6 : memref<!tpu.dma_semaphore, #tpu.memory_space<semaphore_mem>>)
    %dma_start3A_6 = arith.constant 0 : i32
    %dma_start3A_7 = arith.constant 512 : i32
    %dma_start3A_8 = tpu.memref_slice %arg5[%dma_start3A_6, %dma_start3A_7] : memref<32x1024xf32, #tpu.memory_space<vmem>> -> memref<1x512xf32, #tpu.memory_space<vmem>>
    %dma_start3A_9 = tpu.memref_squeeze %dma_start3A_8 : memref<1x512xf32, #tpu.memory_space<vmem>> -> memref<512xf32, #tpu.memory_space<vmem>>
    %dma_start3A_10 = arith.constant 0 : i32
    %dma_start3A_11 = tpu.memref_slice %arg2[%add3A, %dma_start3A_10] : memref<32x512xf32, #tpu.memory_space<hbm>> -> memref<1x512xf32, #tpu.memory_space<hbm>>
    %dma_start3A_12 = tpu.memref_squeeze %dma_start3A_11 : memref<1x512xf32, #tpu.memory_space<hbm>> -> memref<512xf32, #tpu.memory_space<hbm>>
    %dma_start3A_13 = arith.constant 512 : i32
    %dma_start3A_14 = tpu.memref_slice %arg5[%dma_start3A_6, %dma_start3A_13] : memref<32x1024xf32, #tpu.memory_space<vmem>> -> memref<1x512xf32, #tpu.memory_space<vmem>>
    %dma_start3A_15 = tpu.memref_squeeze %dma_start3A_14 : memref<1x512xf32, #tpu.memory_space<vmem>> -> memref<512xf32, #tpu.memory_space<vmem>>
    %dma_start3A_16 = arith.constant 0 : i32
    %dma_start3A_17 = tpu.memref_slice %arg2[%add3A, %dma_start3A_16] : memref<32x512xf32, #tpu.memory_space<hbm>> -> memref<1x512xf32, #tpu.memory_space<hbm>>
    %dma_start3A_18 = tpu.memref_squeeze %dma_start3A_17 : memref<1x512xf32, #tpu.memory_space<hbm>> -> memref<512xf32, #tpu.memory_space<hbm>>
    tpu.enqueue_dma source(%dma_start3A_18 : memref<512xf32, #tpu.memory_space<hbm>>) target(%dma_start3A_15 : memref<512xf32, #tpu.memory_space<vmem>>) target_semaphore(%arg6 : memref<!tpu.dma_semaphore, #tpu.memory_space<semaphore_mem>>)
    %dma_start3A_19 = arith.constant 1 : i32
    %dma_start3A_20 = arith.constant 512 : i32
    %dma_start3A_21 = tpu.memref_slice %arg5[%dma_start3A_19, %dma_start3A_20] : memref<32x1024xf32, #tpu.memory_space<vmem>> -> memref<1x512xf32, #tpu.memory_space<vmem>>
    %dma_start3A_22 = tpu.memref_squeeze %dma_start3A_21 : memref<1x512xf32, #tpu.memory_space<vmem>> -> memref<512xf32, #tpu.memory_space<vmem>>
    %dma_start3A_23 = arith.constant 0 : i32
    %dma_start3A_24 = tpu.memref_slice %arg2[%add3A, %dma_start3A_23] : memref<32x512xf32, #tpu.memory_space<hbm>> -> memref<1x512xf32, #tpu.memory_space<hbm>>
    %dma_start3A_25 = tpu.memref_squeeze %dma_start3A_24 : memref<1x512xf32, #tpu.memory_space<hbm>> -> memref<512xf32, #tpu.memory_space<hbm>>
    %dma_start3A_26 = arith.constant 512 : i32
    %dma_start3A_27 = tpu.memref_slice %arg5[%dma_start3A_19, %dma_start3A_26] : memref<32x1024xf32, #tpu.memory_space<vmem>> -> memref<1x512xf32, #tpu.memory_space<vmem>>
    %dma_start3A_28 = tpu.memref_squeeze %dma_start3A_27 : memref<1x512xf32, #tpu.memory_space<vmem>> -> memref<512xf32, #tpu.memory_space<vmem>>
    %dma_start3A_29 = arith.constant 0 : i32
    %dma_start3A_30 = tpu.memref_slice %arg2[%add3A, %dma_start3A_29] : memref<32x512xf32, #tpu.memory_space<hbm>> -> memref<1x512xf32, #tpu.memory_space<hbm>>
    %dma_start3A_31 = tpu.memref_squeeze %dma_start3A_30 : memref<1x512xf32, #tpu.memory_space<hbm>> -> memref<512xf32, #tpu.memory_space<hbm>>
    tpu.enqueue_dma source(%dma_start3A_31 : memref<512xf32, #tpu.memory_space<hbm>>) target(%dma_start3A_28 : memref<512xf32, #tpu.memory_space<vmem>>) target_semaphore(%arg6 : memref<!tpu.dma_semaphore, #tpu.memory_space<semaphore_mem>>)
    %dma_start3A_32 = arith.constant 2 : i32
    %dma_start3A_33 = arith.constant 512 : i32
    %dma_start3A_34 = tpu.memref_slice %arg5[%dma_start3A_32, %dma_start3A_33] : memref<32x1024xf32, #tpu.memory_space<vmem>> -> memref<1x512xf32, #tpu.memory_space<vmem>>
    %dma_start3A_35 = tpu.memref_squeeze %dma_start3A_34 : memref<1x512xf32, #tpu.memory_space<vmem>> -> memref<512xf32, #tpu.memory_space<vmem>>
    %dma_start3A_36 = arith.constant 0 : i32
    %dma_start3A_37 = tpu.memref_slice %arg2[%add3A, %dma_start3A_36] : memref<32x512xf32, #tpu.memory_space<hbm>> -> memref<1x512xf32, #tpu.memory_space<hbm>>
    %dma_start3A_38 = tpu.memref_squeeze %dma_start3A_37 : memref<1x512xf32, #tpu.memory_space<hbm>> -> memref<512xf32, #tpu.memory_space<hbm>>
    %dma_start3A_39 = arith.constant 512 : i32
    %dma_start3A_40 = tpu.memref_slice %arg5[%dma_start3A_32, %dma_start3A_39] : memref<32x1024xf32, #tpu.memory_space<vmem>> -> memref<1x512xf32, #tpu.memory_space<vmem>>
    %dma_start3A_41 = tpu.memref_squeeze %dma_start3A_40 : memref<1x512xf32, #tpu.memory_space<vmem>> -> memref<512xf32, #tpu.memory_space<vmem>>
    %dma_start3A_42 = arith.constant 0 : i32
    %dma_start3A_43 = tpu.memref_slice %arg2[%add3A, %dma_start3A_42] : memref<32x512xf32, #tpu.memory_space<hbm>> -> memref<1x512xf32, #tpu.memory_space<hbm>>
    %dma_start3A_44 = tpu.memref_squeeze %dma_start3A_43 : memref<1x512xf32, #tpu.memory_space<hbm>> -> memref<512xf32, #tpu.memory_space<hbm>>
    tpu.enqueue_dma source(%dma_start3A_44 : memref<512xf32, #tpu.memory_space<hbm>>) target(%dma_start3A_41 : memref<512xf32, #tpu.memory_space<vmem>>) target_semaphore(%arg6 : memref<!tpu.dma_semaphore, #tpu.memory_space<semaphore_mem>>)
    %dma_start3A_45 = arith.constant 3 : i32
    %dma_start3A_46 = arith.constant 512 : i32
    %dma_start3A_47 = tpu.memref_slice %arg5[%dma_start3A_45, %dma_start3A_46] : memref<32x1024xf32, #tpu.memory_space<vmem>> -> memref<1x512xf32, #tpu.memory_space<vmem>>
    %dma_start3A_48 = tpu.memref_squeeze %dma_start3A_47 : memref<1x512xf32, #tpu.memory_space<vmem>> -> memref<512xf32, #tpu.memory_space<vmem>>
    %dma_start3A_49 = arith.constant 0 : i32
    %dma_start3A_50 = tpu.memref_slice %arg2[%add3A, %dma_start3A_49] : memref<32x512xf32, #tpu.memory_space<hbm>> -> memref<1x512xf32, #tpu.memory_space<hbm>>
    %dma_start3A_51 = tpu.memref_squeeze %dma_start3A_50 : memref<1x512xf32, #tpu.memory_space<hbm>> -> memref<512xf32, #tpu.memory_space<hbm>>
    %dma_start3A_52 = arith.constant 512 : i32
    %dma_start3A_53 = tpu.memref_slice %arg5[%dma_start3A_45, %dma_start3A_52] : memref<32x1024xf32, #tpu.memory_space<vmem>> -> memref<1x512xf32, #tpu.memory_space<vmem>>
    %dma_start3A_54 = tpu.memref_squeeze %dma_start3A_53 : memref<1x512xf32, #tpu.memory_space<vmem>> -> memref<512xf32, #tpu.memory_space<vmem>>
    %dma_start3A_55 = arith.constant 0 : i32
    %dma_start3A_56 = tpu.memref_slice %arg2[%add3A, %dma_start3A_55] : memref<32x512xf32, #tpu.memory_space<hbm>> -> memref<1x512xf32, #tpu.memory_space<hbm>>
    %dma_start3A_57 = tpu.memref_squeeze %dma_start3A_56 : memref<1x512xf32, #tpu.memory_space<hbm>> -> memref<512xf32, #tpu.memory_space<hbm>>
    tpu.enqueue_dma source(%dma_start3A_57 : memref<512xf32, #tpu.memory_space<hbm>>) target(%dma_start3A_54 : memref<512xf32, #tpu.memory_space<vmem>>) target_semaphore(%arg6 : memref<!tpu.dma_semaphore, #tpu.memory_space<semaphore_mem>>)
    %dma_start3A_58 = arith.constant 4 : i32
    %dma_start3A_59 = arith.constant 512 : i32
    %dma_start3A_60 = tpu.memref_slice %arg5[%dma_start3A_58, %dma_start3A_59] : memref<32x1024xf32, #tpu.memory_space<vmem>> -> memref<1x512xf32, #tpu.memory_space<vmem>>
    %dma_start3A_61 = tpu.memref_squeeze %dma_start3A_60 : memref<1x512xf32, #tpu.memory_space<vmem>> -> memref<512xf32, #tpu.memory_space<vmem>>
    %dma_start3A_62 = arith.constant 0 : i32
    %dma_start3A_63 = tpu.memref_slice %arg2[%add3A, %dma_start3A_62] : memref<32x512xf32, #tpu.memory_space<hbm>> -> memref<1x512xf32, #tpu.memory_space<hbm>>
    %dma_start3A_64 = tpu.memref_squeeze %dma_start3A_63 : memref<1x512xf32, #tpu.memory_space<hbm>> -> memref<512xf32, #tpu.memory_space<hbm>>
    %dma_start3A_65 = arith.constant 512 : i32
    %dma_start3A_66 = tpu.memref_slice %arg5[%dma_start3A_58, %dma_start3A_65] : memref<32x1024xf32, #tpu.memory_space<vmem>> -> memref<1x512xf32, #tpu.memory_space<vmem>>
    %dma_start3A_67 = tpu.memref_squeeze %dma_start3A_66 : memref<1x512xf32, #tpu.memory_space<vmem>> -> memref<512xf32, #tpu.memory_space<vmem>>
    %dma_start3A_68 = arith.constant 0 : i32
    %dma_start3A_69 = tpu.memref_slice %arg2[%add3A, %dma_start3A_68] : memref<32x512xf32, #tpu.memory_space<hbm>> -> memref<1x512xf32, #tpu.memory_space<hbm>>
    %dma_start3A_70 = tpu.memref_squeeze %dma_start3A_69 : memref<1x512xf32, #tpu.memory_space<hbm>> -> memref<512xf32, #tpu.memory_space<hbm>>
    tpu.enqueue_dma source(%dma_start3A_70 : memref<512xf32, #tpu.memory_space<hbm>>) target(%dma_start3A_67 : memref<512xf32, #tpu.memory_space<vmem>>) target_semaphore(%arg6 : memref<!tpu.dma_semaphore, #tpu.memory_space<semaphore_mem>>)
    %dma_start3A_71 = arith.constant 5 : i32
    %dma_start3A_72 = arith.constant 512 : i32
    %dma_start3A_73 = tpu.memref_slice %arg5[%dma_start3A_71, %dma_start3A_72] : memref<32x1024xf32, #tpu.memory_space<vmem>> -> memref<1x512xf32, #tpu.memory_space<vmem>>
    %dma_start3A_74 = tpu.memref_squeeze %dma_start3A_73 : memref<1x512xf32, #tpu.memory_space<vmem>> -> memref<512xf32, #tpu.memory_space<vmem>>
    %dma_start3A_75 = arith.constant 0 : i32
    %dma_start3A_76 = tpu.memref_slice %arg2[%add3A, %dma_start3A_75] : memref<32x512xf32, #tpu.memory_space<hbm>> -> memref<1x512xf32, #tpu.memory_space<hbm>>
    %dma_start3A_77 = tpu.memref_squeeze %dma_start3A_76 : memref<1x512xf32, #tpu.memory_space<hbm>> -> memref<512xf32, #tpu.memory_space<hbm>>
    %dma_start3A_78 = arith.constant 512 : i32
    %dma_start3A_79 = tpu.memref_slice %arg5[%dma_start3A_71, %dma_start3A_78] : memref<32x1024xf32, #tpu.memory_space<vmem>> -> memref<1x512xf32, #tpu.memory_space<vmem>>
    %dma_start3A_80 = tpu.memref_squeeze %dma_start3A_79 : memref<1x512xf32, #tpu.memory_space<vmem>> -> memref<512xf32, #tpu.memory_space<vmem>>
    %dma_start3A_81 = arith.constant 0 : i32
    %dma_start3A_82 = tpu.memref_slice %arg2[%add3A, %dma_start3A_81] : memref<32x512xf32, #tpu.memory_space<hbm>> -> memref<1x512xf32, #tpu.memory_space<hbm>>
    %dma_start3A_83 = tpu.memref_squeeze %dma_start3A_82 : memref<1x512xf32, #tpu.memory_space<hbm>> -> memref<512xf32, #tpu.memory_space<hbm>>
    tpu.enqueue_dma source(%dma_start3A_83 : memref<512xf32, #tpu.memory_space<hbm>>) target(%dma_start3A_80 : memref<512xf32, #tpu.memory_space<vmem>>) target_semaphore(%arg6 : memref<!tpu.dma_semaphore, #tpu.memory_space<semaphore_mem>>)
    %dma_start3A_84 = arith.constant 6 : i32
    %dma_start3A_85 = arith.constant 512 : i32
    %dma_start3A_86 = tpu.memref_slice %arg5[%dma_start3A_84, %dma_start3A_85] : memref<32x1024xf32, #tpu.memory_space<vmem>> -> memref<1x512xf32, #tpu.memory_space<vmem>>
    %dma_start3A_87 = tpu.memref_squeeze %dma_start3A_86 : memref<1x512xf32, #tpu.memory_space<vmem>> -> memref<512xf32, #tpu.memory_space<vmem>>
    %dma_start3A_88 = arith.constant 0 : i32
    %dma_start3A_89 = tpu.memref_slice %arg2[%add3A, %dma_start3A_88] : memref<32x512xf32, #tpu.memory_space<hbm>> -> memref<1x512xf32, #tpu.memory_space<hbm>>
    %dma_start3A_90 = tpu.memref_squeeze %dma_start3A_89 : memref<1x512xf32, #tpu.memory_space<hbm>> -> memref<512xf32, #tpu.memory_space<hbm>>
    %dma_start3A_91 = arith.constant 512 : i32
    %dma_start3A_92 = tpu.memref_slice %arg5[%dma_start3A_84, %dma_start3A_91] : memref<32x1024xf32, #tpu.memory_space<vmem>> -> memref<1x512xf32, #tpu.memory_space<vmem>>
    %dma_start3A_93 = tpu.memref_squeeze %dma_start3A_92 : memref<1x512xf32, #tpu.memory_space<vmem>> -> memref<512xf32, #tpu.memory_space<vmem>>
    %dma_start3A_94 = arith.constant 0 : i32
    %dma_start3A_95 = tpu.memref_slice %arg2[%add3A, %dma_start3A_94] : memref<32x512xf32, #tpu.memory_space<hbm>> -> memref<1x512xf32, #tpu.memory_space<hbm>>
    %dma_start3A_96 = tpu.memref_squeeze %dma_start3A_95 : memref<1x512xf32, #tpu.memory_space<hbm>> -> memref<512xf32, #tpu.memory_space<hbm>>
    tpu.enqueue_dma source(%dma_start3A_96 : memref<512xf32, #tpu.memory_space<hbm>>) target(%dma_start3A_93 : memref<512xf32, #tpu.memory_space<vmem>>) target_semaphore(%arg6 : memref<!tpu.dma_semaphore, #tpu.memory_space<semaphore_mem>>)
    %dma_start3A_97 = arith.constant 7 : i32
    %dma_start3A_98 = arith.constant 512 : i32
    %dma_start3A_99 = tpu.memref_slice %arg5[%dma_start3A_97, %dma_start3A_98] : memref<32x1024xf32, #tpu.memory_space<vmem>> -> memref<1x512xf32, #tpu.memory_space<vmem>>
    %dma_start3A_100 = tpu.memref_squeeze %dma_start3A_99 : memref<1x512xf32, #tpu.memory_space<vmem>> -> memref<512xf32, #tpu.memory_space<vmem>>
    %dma_start3A_101 = arith.constant 0 : i32
    %dma_start3A_102 = tpu.memref_slice %arg2[%add3A, %dma_start3A_101] : memref<32x512xf32, #tpu.memory_space<hbm>> -> memref<1x512xf32, #tpu.memory_space<hbm>>
    %dma_start3A_103 = tpu.memref_squeeze %dma_start3A_102 : memref<1x512xf32, #tpu.memory_space<hbm>> -> memref<512xf32, #tpu.memory_space<hbm>>
    %dma_start3A_104 = arith.constant 512 : i32
    %dma_start3A_105 = tpu.memref_slice %arg5[%dma_start3A_97, %dma_start3A_104] : memref<32x1024xf32, #tpu.memory_space<vmem>> -> memref<1x512xf32, #tpu.memory_space<vmem>>
    %dma_start3A_106 = tpu.memref_squeeze %dma_start3A_105 : memref<1x512xf32, #tpu.memory_space<vmem>> -> memref<512xf32, #tpu.memory_space<vmem>>
    %dma_start3A_107 = arith.constant 0 : i32
    %dma_start3A_108 = tpu.memref_slice %arg2[%add3A, %dma_start3A_107] : memref<32x512xf32, #tpu.memory_space<hbm>> -> memref<1x512xf32, #tpu.memory_space<hbm>>
    %dma_start3A_109 = tpu.memref_squeeze %dma_start3A_108 : memref<1x512xf32, #tpu.memory_space<hbm>> -> memref<512xf32, #tpu.memory_space<hbm>>
    tpu.enqueue_dma source(%dma_start3A_109 : memref<512xf32, #tpu.memory_space<hbm>>) target(%dma_start3A_106 : memref<512xf32, #tpu.memory_space<vmem>>) target_semaphore(%arg6 : memref<!tpu.dma_semaphore, #tpu.memory_space<semaphore_mem>>)
    %dma_start3A_110 = arith.constant 8 : i32
    %dma_start3A_111 = arith.constant 512 : i32
    %dma_start3A_112 = tpu.memref_slice %arg5[%dma_start3A_110, %dma_start3A_111] : memref<32x1024xf32, #tpu.memory_space<vmem>> -> memref<1x512xf32, #tpu.memory_space<vmem>>
    %dma_start3A_113 = tpu.memref_squeeze %dma_start3A_112 : memref<1x512xf32, #tpu.memory_space<vmem>> -> memref<512xf32, #tpu.memory_space<vmem>>
    %dma_start3A_114 = arith.constant 0 : i32
    %dma_start3A_115 = tpu.memref_slice %arg2[%add3A, %dma_start3A_114] : memref<32x512xf32, #tpu.memory_space<hbm>> -> memref<1x512xf32, #tpu.memory_space<hbm>>
    %dma_start3A_116 = tpu.memref_squeeze %dma_start3A_115 : memref<1x512xf32, #tpu.memory_space<hbm>> -> memref<512xf32, #tpu.memory_space<hbm>>
    %dma_start3A_117 = arith.constant 512 : i32
    %dma_start3A_118 = tpu.memref_slice %arg5[%dma_start3A_110, %dma_start3A_117] : memref<32x1024xf32, #tpu.memory_space<vmem>> -> memref<1x512xf32, #tpu.memory_space<vmem>>
    %dma_start3A_119 = tpu.memref_squeeze %dma_start3A_118 : memref<1x512xf32, #tpu.memory_space<vmem>> -> memref<512xf32, #tpu.memory_space<vmem>>
    %dma_start3A_120 = arith.constant 0 : i32
    %dma_start3A_121 = tpu.memref_slice %arg2[%add3A, %dma_start3A_120] : memref<32x512xf32, #tpu.memory_space<hbm>> -> memref<1x512xf32, #tpu.memory_space<hbm>>
    %dma_start3A_122 = tpu.memref_squeeze %dma_start3A_121 : memref<1x512xf32, #tpu.memory_space<hbm>> -> memref<512xf32, #tpu.memory_space<hbm>>
    tpu.enqueue_dma source(%dma_start3A_122 : memref<512xf32, #tpu.memory_space<hbm>>) target(%dma_start3A_119 : memref<512xf32, #tpu.memory_space<vmem>>) target_semaphore(%arg6 : memref<!tpu.dma_semaphore, #tpu.memory_space<semaphore_mem>>)
    %dma_start3A_123 = arith.constant 9 : i32
    %dma_start3A_124 = arith.constant 512 : i32
    %dma_start3A_125 = tpu.memref_slice %arg5[%dma_start3A_123, %dma_start3A_124] : memref<32x1024xf32, #tpu.memory_space<vmem>> -> memref<1x512xf32, #tpu.memory_space<vmem>>
    %dma_start3A_126 = tpu.memref_squeeze %dma_start3A_125 : memref<1x512xf32, #tpu.memory_space<vmem>> -> memref<512xf32, #tpu.memory_space<vmem>>
    %dma_start3A_127 = arith.constant 0 : i32
    %dma_start3A_128 = tpu.memref_slice %arg2[%add3A, %dma_start3A_127] : memref<32x512xf32, #tpu.memory_space<hbm>> -> memref<1x512xf32, #tpu.memory_space<hbm>>
    %dma_start3A_129 = tpu.memref_squeeze %dma_start3A_128 : memref<1x512xf32, #tpu.memory_space<hbm>> -> memref<512xf32, #tpu.memory_space<hbm>>
    %dma_start3A_130 = arith.constant 512 : i32
    %dma_start3A_131 = tpu.memref_slice %arg5[%dma_start3A_123, %dma_start3A_130] : memref<32x1024xf32, #tpu.memory_space<vmem>> -> memref<1x512xf32, #tpu.memory_space<vmem>>
    %dma_start3A_132 = tpu.memref_squeeze %dma_start3A_131 : memref<1x512xf32, #tpu.memory_space<vmem>> -> memref<512xf32, #tpu.memory_space<vmem>>
    %dma_start3A_133 = arith.constant 0 : i32
    %dma_start3A_134 = tpu.memref_slice %arg2[%add3A, %dma_start3A_133] : memref<32x512xf32, #tpu.memory_space<hbm>> -> memref<1x512xf32, #tpu.memory_space<hbm>>
    %dma_start3A_135 = tpu.memref_squeeze %dma_start3A_134 : memref<1x512xf32, #tpu.memory_space<hbm>> -> memref<512xf32, #tpu.memory_space<hbm>>
    tpu.enqueue_dma source(%dma_start3A_135 : memref<512xf32, #tpu.memory_space<hbm>>) target(%dma_start3A_132 : memref<512xf32, #tpu.memory_space<vmem>>) target_semaphore(%arg6 : memref<!tpu.dma_semaphore, #tpu.memory_space<semaphore_mem>>)
    %dma_start3A_136 = arith.constant 10 : i32
    %dma_start3A_137 = arith.constant 512 : i32
    %dma_start3A_138 = tpu.memref_slice %arg5[%dma_start3A_136, %dma_start3A_137] : memref<32x1024xf32, #tpu.memory_space<vmem>> -> memref<1x512xf32, #tpu.memory_space<vmem>>
    %dma_start3A_139 = tpu.memref_squeeze %dma_start3A_138 : memref<1x512xf32, #tpu.memory_space<vmem>> -> memref<512xf32, #tpu.memory_space<vmem>>
    %dma_start3A_140 = arith.constant 0 : i32
    %dma_start3A_141 = tpu.memref_slice %arg2[%add3A, %dma_start3A_140] : memref<32x512xf32, #tpu.memory_space<hbm>> -> memref<1x512xf32, #tpu.memory_space<hbm>>
    %dma_start3A_142 = tpu.memref_squeeze %dma_start3A_141 : memref<1x512xf32, #tpu.memory_space<hbm>> -> memref<512xf32, #tpu.memory_space<hbm>>
    %dma_start3A_143 = arith.constant 512 : i32
    %dma_start3A_144 = tpu.memref_slice %arg5[%dma_start3A_136, %dma_start3A_143] : memref<32x1024xf32, #tpu.memory_space<vmem>> -> memref<1x512xf32, #tpu.memory_space<vmem>>
    %dma_start3A_145 = tpu.memref_squeeze %dma_start3A_144 : memref<1x512xf32, #tpu.memory_space<vmem>> -> memref<512xf32, #tpu.memory_space<vmem>>
    %dma_start3A_146 = arith.constant 0 : i32
    %dma_start3A_147 = tpu.memref_slice %arg2[%add3A, %dma_start3A_146] : memref<32x512xf32, #tpu.memory_space<hbm>> -> memref<1x512xf32, #tpu.memory_space<hbm>>
    %dma_start3A_148 = tpu.memref_squeeze %dma_start3A_147 : memref<1x512xf32, #tpu.memory_space<hbm>> -> memref<512xf32, #tpu.memory_space<hbm>>
    tpu.enqueue_dma source(%dma_start3A_148 : memref<512xf32, #tpu.memory_space<hbm>>) target(%dma_start3A_145 : memref<512xf32, #tpu.memory_space<vmem>>) target_semaphore(%arg6 : memref<!tpu.dma_semaphore, #tpu.memory_space<semaphore_mem>>)
    %dma_start3A_149 = arith.constant 11 : i32
    %dma_start3A_150 = arith.constant 512 : i32
    %dma_start3A_151 = tpu.memref_slice %arg5[%dma_start3A_149, %dma_start3A_150] : memref<32x1024xf32, #tpu.memory_space<vmem>> -> memref<1x512xf32, #tpu.memory_space<vmem>>
    %dma_start3A_152 = tpu.memref_squeeze %dma_start3A_151 : memref<1x512xf32, #tpu.memory_space<vmem>> -> memref<512xf32, #tpu.memory_space<vmem>>
    %dma_start3A_153 = arith.constant 0 : i32
    %dma_start3A_154 = tpu.memref_slice %arg2[%add3A, %dma_start3A_153] : memref<32x512xf32, #tpu.memory_space<hbm>> -> memref<1x512xf32, #tpu.memory_space<hbm>>
    %dma_start3A_155 = tpu.memref_squeeze %dma_start3A_154 : memref<1x512xf32, #tpu.memory_space<hbm>> -> memref<512xf32, #tpu.memory_space<hbm>>
    %dma_start3A_156 = arith.constant 512 : i32
    %dma_start3A_157 = tpu.memref_slice %arg5[%dma_start3A_149, %dma_start3A_156] : memref<32x1024xf32, #tpu.memory_space<vmem>> -> memref<1x512xf32, #tpu.memory_space<vmem>>
    %dma_start3A_158 = tpu.memref_squeeze %dma_start3A_157 : memref<1x512xf32, #tpu.memory_space<vmem>> -> memref<512xf32, #tpu.memory_space<vmem>>
    %dma_start3A_159 = arith.constant 0 : i32
    %dma_start3A_160 = tpu.memref_slice %arg2[%add3A, %dma_start3A_159] : memref<32x512xf32, #tpu.memory_space<hbm>> -> memref<1x512xf32, #tpu.memory_space<hbm>>
    %dma_start3A_161 = tpu.memref_squeeze %dma_start3A_160 : memref<1x512xf32, #tpu.memory_space<hbm>> -> memref<512xf32, #tpu.memory_space<hbm>>
    tpu.enqueue_dma source(%dma_start3A_161 : memref<512xf32, #tpu.memory_space<hbm>>) target(%dma_start3A_158 : memref<512xf32, #tpu.memory_space<vmem>>) target_semaphore(%arg6 : memref<!tpu.dma_semaphore, #tpu.memory_space<semaphore_mem>>)
    %dma_start3A_162 = arith.constant 12 : i32
    %dma_start3A_163 = arith.constant 512 : i32
    %dma_start3A_164 = tpu.memref_slice %arg5[%dma_start3A_162, %dma_start3A_163] : memref<32x1024xf32, #tpu.memory_space<vmem>> -> memref<1x512xf32, #tpu.memory_space<vmem>>
    %dma_start3A_165 = tpu.memref_squeeze %dma_start3A_164 : memref<1x512xf32, #tpu.memory_space<vmem>> -> memref<512xf32, #tpu.memory_space<vmem>>
    %dma_start3A_166 = arith.constant 0 : i32
    %dma_start3A_167 = tpu.memref_slice %arg2[%add3A, %dma_start3A_166] : memref<32x512xf32, #tpu.memory_space<hbm>> -> memref<1x512xf32, #tpu.memory_space<hbm>>
    %dma_start3A_168 = tpu.memref_squeeze %dma_start3A_167 : memref<1x512xf32, #tpu.memory_space<hbm>> -> memref<512xf32, #tpu.memory_space<hbm>>
    %dma_start3A_169 = arith.constant 512 : i32
    %dma_start3A_170 = tpu.memref_slice %arg5[%dma_start3A_162, %dma_start3A_169] : memref<32x1024xf32, #tpu.memory_space<vmem>> -> memref<1x512xf32, #tpu.memory_space<vmem>>
    %dma_start3A_171 = tpu.memref_squeeze %dma_start3A_170 : memref<1x512xf32, #tpu.memory_space<vmem>> -> memref<512xf32, #tpu.memory_space<vmem>>
    %dma_start3A_172 = arith.constant 0 : i32
    %dma_start3A_173 = tpu.memref_slice %arg2[%add3A, %dma_start3A_172] : memref<32x512xf32, #tpu.memory_space<hbm>> -> memref<1x512xf32, #tpu.memory_space<hbm>>
    %dma_start3A_174 = tpu.memref_squeeze %dma_start3A_173 : memref<1x512xf32, #tpu.memory_space<hbm>> -> memref<512xf32, #tpu.memory_space<hbm>>
    tpu.enqueue_dma source(%dma_start3A_174 : memref<512xf32, #tpu.memory_space<hbm>>) target(%dma_start3A_171 : memref<512xf32, #tpu.memory_space<vmem>>) target_semaphore(%arg6 : memref<!tpu.dma_semaphore, #tpu.memory_space<semaphore_mem>>)
    %dma_start3A_175 = arith.constant 13 : i32
    %dma_start3A_176 = arith.constant 512 : i32
    %dma_start3A_177 = tpu.memref_slice %arg5[%dma_start3A_175, %dma_start3A_176] : memref<32x1024xf32, #tpu.memory_space<vmem>> -> memref<1x512xf32, #tpu.memory_space<vmem>>
    %dma_start3A_178 = tpu.memref_squeeze %dma_start3A_177 : memref<1x512xf32, #tpu.memory_space<vmem>> -> memref<512xf32, #tpu.memory_space<vmem>>
    %dma_start3A_179 = arith.constant 0 : i32
    %dma_start3A_180 = tpu.memref_slice %arg2[%add3A, %dma_start3A_179] : memref<32x512xf32, #tpu.memory_space<hbm>> -> memref<1x512xf32, #tpu.memory_space<hbm>>
    %dma_start3A_181 = tpu.memref_squeeze %dma_start3A_180 : memref<1x512xf32, #tpu.memory_space<hbm>> -> memref<512xf32, #tpu.memory_space<hbm>>
    %dma_start3A_182 = arith.constant 512 : i32
    %dma_start3A_183 = tpu.memref_slice %arg5[%dma_start3A_175, %dma_start3A_182] : memref<32x1024xf32, #tpu.memory_space<vmem>> -> memref<1x512xf32, #tpu.memory_space<vmem>>
    %dma_start3A_184 = tpu.memref_squeeze %dma_start3A_183 : memref<1x512xf32, #tpu.memory_space<vmem>> -> memref<512xf32, #tpu.memory_space<vmem>>
    %dma_start3A_185 = arith.constant 0 : i32
    %dma_start3A_186 = tpu.memref_slice %arg2[%add3A, %dma_start3A_185] : memref<32x512xf32, #tpu.memory_space<hbm>> -> memref<1x512xf32, #tpu.memory_space<hbm>>
    %dma_start3A_187 = tpu.memref_squeeze %dma_start3A_186 : memref<1x512xf32, #tpu.memory_space<hbm>> -> memref<512xf32, #tpu.memory_space<hbm>>
    tpu.enqueue_dma source(%dma_start3A_187 : memref<512xf32, #tpu.memory_space<hbm>>) target(%dma_start3A_184 : memref<512xf32, #tpu.memory_space<vmem>>) target_semaphore(%arg6 : memref<!tpu.dma_semaphore, #tpu.memory_space<semaphore_mem>>)
    %dma_start3A_188 = arith.constant 14 : i32
    %dma_start3A_189 = arith.constant 512 : i32
    %dma_start3A_190 = tpu.memref_slice %arg5[%dma_start3A_188, %dma_start3A_189] : memref<32x1024xf32, #tpu.memory_space<vmem>> -> memref<1x512xf32, #tpu.memory_space<vmem>>
    %dma_start3A_191 = tpu.memref_squeeze %dma_start3A_190 : memref<1x512xf32, #tpu.memory_space<vmem>> -> memref<512xf32, #tpu.memory_space<vmem>>
    %dma_start3A_192 = arith.constant 0 : i32
    %dma_start3A_193 = tpu.memref_slice %arg2[%add3A, %dma_start3A_192] : memref<32x512xf32, #tpu.memory_space<hbm>> -> memref<1x512xf32, #tpu.memory_space<hbm>>
    %dma_start3A_194 = tpu.memref_squeeze %dma_start3A_193 : memref<1x512xf32, #tpu.memory_space<hbm>> -> memref<512xf32, #tpu.memory_space<hbm>>
    %dma_start3A_195 = arith.constant 512 : i32
    %dma_start3A_196 = tpu.memref_slice %arg5[%dma_start3A_188, %dma_start3A_195] : memref<32x1024xf32, #tpu.memory_space<vmem>> -> memref<1x512xf32, #tpu.memory_space<vmem>>
    %dma_start3A_197 = tpu.memref_squeeze %dma_start3A_196 : memref<1x512xf32, #tpu.memory_space<vmem>> -> memref<512xf32, #tpu.memory_space<vmem>>
    %dma_start3A_198 = arith.constant 0 : i32
    %dma_start3A_199 = tpu.memref_slice %arg2[%add3A, %dma_start3A_198] : memref<32x512xf32, #tpu.memory_space<hbm>> -> memref<1x512xf32, #tpu.memory_space<hbm>>
    %dma_start3A_200 = tpu.memref_squeeze %dma_start3A_199 : memref<1x512xf32, #tpu.memory_space<hbm>> -> memref<512xf32, #tpu.memory_space<hbm>>
    tpu.enqueue_dma source(%dma_start3A_200 : memref<512xf32, #tpu.memory_space<hbm>>) target(%dma_start3A_197 : memref<512xf32, #tpu.memory_space<vmem>>) target_semaphore(%arg6 : memref<!tpu.dma_semaphore, #tpu.memory_space<semaphore_mem>>)
    %dma_start3A_201 = arith.constant 15 : i32
    %dma_start3A_202 = arith.constant 512 : i32
    %dma_start3A_203 = tpu.memref_slice %arg5[%dma_start3A_201, %dma_start3A_202] : memref<32x1024xf32, #tpu.memory_space<vmem>> -> memref<1x512xf32, #tpu.memory_space<vmem>>
    %dma_start3A_204 = tpu.memref_squeeze %dma_start3A_203 : memref<1x512xf32, #tpu.memory_space<vmem>> -> memref<512xf32, #tpu.memory_space<vmem>>
    %dma_start3A_205 = arith.constant 0 : i32
    %dma_start3A_206 = tpu.memref_slice %arg2[%add3A, %dma_start3A_205] : memref<32x512xf32, #tpu.memory_space<hbm>> -> memref<1x512xf32, #tpu.memory_space<hbm>>
    %dma_start3A_207 = tpu.memref_squeeze %dma_start3A_206 : memref<1x512xf32, #tpu.memory_space<hbm>> -> memref<512xf32, #tpu.memory_space<hbm>>
    %dma_start3A_208 = arith.constant 512 : i32
    %dma_start3A_209 = tpu.memref_slice %arg5[%dma_start3A_201, %dma_start3A_208] : memref<32x1024xf32, #tpu.memory_space<vmem>> -> memref<1x512xf32, #tpu.memory_space<vmem>>
    %dma_start3A_210 = tpu.memref_squeeze %dma_start3A_209 : memref<1x512xf32, #tpu.memory_space<vmem>> -> memref<512xf32, #tpu.memory_space<vmem>>
    %dma_start3A_211 = arith.constant 0 : i32
    %dma_start3A_212 = tpu.memref_slice %arg2[%add3A, %dma_start3A_211] : memref<32x512xf32, #tpu.memory_space<hbm>> -> memref<1x512xf32, #tpu.memory_space<hbm>>
    %dma_start3A_213 = tpu.memref_squeeze %dma_start3A_212 : memref<1x512xf32, #tpu.memory_space<hbm>> -> memref<512xf32, #tpu.memory_space<hbm>>
    tpu.enqueue_dma source(%dma_start3A_213 : memref<512xf32, #tpu.memory_space<hbm>>) target(%dma_start3A_210 : memref<512xf32, #tpu.memory_space<vmem>>) target_semaphore(%arg6 : memref<!tpu.dma_semaphore, #tpu.memory_space<semaphore_mem>>)
    %dma_start3A_214 = arith.constant 16 : i32
    %dma_start3A_215 = arith.constant 512 : i32
    %dma_start3A_216 = tpu.memref_slice %arg5[%dma_start3A_214, %dma_start3A_215] : memref<32x1024xf32, #tpu.memory_space<vmem>> -> memref<1x512xf32, #tpu.memory_space<vmem>>
    %dma_start3A_217 = tpu.memref_squeeze %dma_start3A_216 : memref<1x512xf32, #tpu.memory_space<vmem>> -> memref<512xf32, #tpu.memory_space<vmem>>
    %dma_start3A_218 = arith.constant 0 : i32
    %dma_start3A_219 = tpu.memref_slice %arg2[%add3A, %dma_start3A_218] : memref<32x512xf32, #tpu.memory_space<hbm>> -> memref<1x512xf32, #tpu.memory_space<hbm>>
    %dma_start3A_220 = tpu.memref_squeeze %dma_start3A_219 : memref<1x512xf32, #tpu.memory_space<hbm>> -> memref<512xf32, #tpu.memory_space<hbm>>
    %dma_start3A_221 = arith.constant 512 : i32
    %dma_start3A_222 = tpu.memref_slice %arg5[%dma_start3A_214, %dma_start3A_221] : memref<32x1024xf32, #tpu.memory_space<vmem>> -> memref<1x512xf32, #tpu.memory_space<vmem>>
    %dma_start3A_223 = tpu.memref_squeeze %dma_start3A_222 : memref<1x512xf32, #tpu.memory_space<vmem>> -> memref<512xf32, #tpu.memory_space<vmem>>
    %dma_start3A_224 = arith.constant 0 : i32
    %dma_start3A_225 = tpu.memref_slice %arg2[%add3A, %dma_start3A_224] : memref<32x512xf32, #tpu.memory_space<hbm>> -> memref<1x512xf32, #tpu.memory_space<hbm>>
    %dma_start3A_226 = tpu.memref_squeeze %dma_start3A_225 : memref<1x512xf32, #tpu.memory_space<hbm>> -> memref<512xf32, #tpu.memory_space<hbm>>
    tpu.enqueue_dma source(%dma_start3A_226 : memref<512xf32, #tpu.memory_space<hbm>>) target(%dma_start3A_223 : memref<512xf32, #tpu.memory_space<vmem>>) target_semaphore(%arg6 : memref<!tpu.dma_semaphore, #tpu.memory_space<semaphore_mem>>)
    %dma_start3A_227 = arith.constant 17 : i32
    %dma_start3A_228 = arith.constant 512 : i32
    %dma_start3A_229 = tpu.memref_slice %arg5[%dma_start3A_227, %dma_start3A_228] : memref<32x1024xf32, #tpu.memory_space<vmem>> -> memref<1x512xf32, #tpu.memory_space<vmem>>
    %dma_start3A_230 = tpu.memref_squeeze %dma_start3A_229 : memref<1x512xf32, #tpu.memory_space<vmem>> -> memref<512xf32, #tpu.memory_space<vmem>>
    %dma_start3A_231 = arith.constant 0 : i32
    %dma_start3A_232 = tpu.memref_slice %arg2[%add3A, %dma_start3A_231] : memref<32x512xf32, #tpu.memory_space<hbm>> -> memref<1x512xf32, #tpu.memory_space<hbm>>
    %dma_start3A_233 = tpu.memref_squeeze %dma_start3A_232 : memref<1x512xf32, #tpu.memory_space<hbm>> -> memref<512xf32, #tpu.memory_space<hbm>>
    %dma_start3A_234 = arith.constant 512 : i32
    %dma_start3A_235 = tpu.memref_slice %arg5[%dma_start3A_227, %dma_start3A_234] : memref<32x1024xf32, #tpu.memory_space<vmem>> -> memref<1x512xf32, #tpu.memory_space<vmem>>
    %dma_start3A_236 = tpu.memref_squeeze %dma_start3A_235 : memref<1x512xf32, #tpu.memory_space<vmem>> -> memref<512xf32, #tpu.memory_space<vmem>>
    %dma_start3A_237 = arith.constant 0 : i32
    %dma_start3A_238 = tpu.memref_slice %arg2[%add3A, %dma_start3A_237] : memref<32x512xf32, #tpu.memory_space<hbm>> -> memref<1x512xf32, #tpu.memory_space<hbm>>
    %dma_start3A_239 = tpu.memref_squeeze %dma_start3A_238 : memref<1x512xf32, #tpu.memory_space<hbm>> -> memref<512xf32, #tpu.memory_space<hbm>>
    tpu.enqueue_dma source(%dma_start3A_239 : memref<512xf32, #tpu.memory_space<hbm>>) target(%dma_start3A_236 : memref<512xf32, #tpu.memory_space<vmem>>) target_semaphore(%arg6 : memref<!tpu.dma_semaphore, #tpu.memory_space<semaphore_mem>>)
    %dma_start3A_240 = arith.constant 18 : i32
    %dma_start3A_241 = arith.constant 512 : i32
    %dma_start3A_242 = tpu.memref_slice %arg5[%dma_start3A_240, %dma_start3A_241] : memref<32x1024xf32, #tpu.memory_space<vmem>> -> memref<1x512xf32, #tpu.memory_space<vmem>>
    %dma_start3A_243 = tpu.memref_squeeze %dma_start3A_242 : memref<1x512xf32, #tpu.memory_space<vmem>> -> memref<512xf32, #tpu.memory_space<vmem>>
    %dma_start3A_244 = arith.constant 0 : i32
    %dma_start3A_245 = tpu.memref_slice %arg2[%add3A, %dma_start3A_244] : memref<32x512xf32, #tpu.memory_space<hbm>> -> memref<1x512xf32, #tpu.memory_space<hbm>>
    %dma_start3A_246 = tpu.memref_squeeze %dma_start3A_245 : memref<1x512xf32, #tpu.memory_space<hbm>> -> memref<512xf32, #tpu.memory_space<hbm>>
    %dma_start3A_247 = arith.constant 512 : i32
    %dma_start3A_248 = tpu.memref_slice %arg5[%dma_start3A_240, %dma_start3A_247] : memref<32x1024xf32, #tpu.memory_space<vmem>> -> memref<1x512xf32, #tpu.memory_space<vmem>>
    %dma_start3A_249 = tpu.memref_squeeze %dma_start3A_248 : memref<1x512xf32, #tpu.memory_space<vmem>> -> memref<512xf32, #tpu.memory_space<vmem>>
    %dma_start3A_250 = arith.constant 0 : i32
    %dma_start3A_251 = tpu.memref_slice %arg2[%add3A, %dma_start3A_250] : memref<32x512xf32, #tpu.memory_space<hbm>> -> memref<1x512xf32, #tpu.memory_space<hbm>>
    %dma_start3A_252 = tpu.memref_squeeze %dma_start3A_251 : memref<1x512xf32, #tpu.memory_space<hbm>> -> memref<512xf32, #tpu.memory_space<hbm>>
    tpu.enqueue_dma source(%dma_start3A_252 : memref<512xf32, #tpu.memory_space<hbm>>) target(%dma_start3A_249 : memref<512xf32, #tpu.memory_space<vmem>>) target_semaphore(%arg6 : memref<!tpu.dma_semaphore, #tpu.memory_space<semaphore_mem>>)
    %dma_start3A_253 = arith.constant 19 : i32
    %dma_start3A_254 = arith.constant 512 : i32
    %dma_start3A_255 = tpu.memref_slice %arg5[%dma_start3A_253, %dma_start3A_254] : memref<32x1024xf32, #tpu.memory_space<vmem>> -> memref<1x512xf32, #tpu.memory_space<vmem>>
    %dma_start3A_256 = tpu.memref_squeeze %dma_start3A_255 : memref<1x512xf32, #tpu.memory_space<vmem>> -> memref<512xf32, #tpu.memory_space<vmem>>
    %dma_start3A_257 = arith.constant 0 : i32
    %dma_start3A_258 = tpu.memref_slice %arg2[%add3A, %dma_start3A_257] : memref<32x512xf32, #tpu.memory_space<hbm>> -> memref<1x512xf32, #tpu.memory_space<hbm>>
    %dma_start3A_259 = tpu.memref_squeeze %dma_start3A_258 : memref<1x512xf32, #tpu.memory_space<hbm>> -> memref<512xf32, #tpu.memory_space<hbm>>
    %dma_start3A_260 = arith.constant 512 : i32
    %dma_start3A_261 = tpu.memref_slice %arg5[%dma_start3A_253, %dma_start3A_260] : memref<32x1024xf32, #tpu.memory_space<vmem>> -> memref<1x512xf32, #tpu.memory_space<vmem>>
    %dma_start3A_262 = tpu.memref_squeeze %dma_start3A_261 : memref<1x512xf32, #tpu.memory_space<vmem>> -> memref<512xf32, #tpu.memory_space<vmem>>
    %dma_start3A_263 = arith.constant 0 : i32
    %dma_start3A_264 = tpu.memref_slice %arg2[%add3A, %dma_start3A_263] : memref<32x512xf32, #tpu.memory_space<hbm>> -> memref<1x512xf32, #tpu.memory_space<hbm>>
    %dma_start3A_265 = tpu.memref_squeeze %dma_start3A_264 : memref<1x512xf32, #tpu.memory_space<hbm>> -> memref<512xf32, #tpu.memory_space<hbm>>
    tpu.enqueue_dma source(%dma_start3A_265 : memref<512xf32, #tpu.memory_space<hbm>>) target(%dma_start3A_262 : memref<512xf32, #tpu.memory_space<vmem>>) target_semaphore(%arg6 : memref<!tpu.dma_semaphore, #tpu.memory_space<semaphore_mem>>)
    %dma_start3A_266 = arith.constant 20 : i32
    %dma_start3A_267 = arith.constant 512 : i32
    %dma_start3A_268 = tpu.memref_slice %arg5[%dma_start3A_266, %dma_start3A_267] : memref<32x1024xf32, #tpu.memory_space<vmem>> -> memref<1x512xf32, #tpu.memory_space<vmem>>
    %dma_start3A_269 = tpu.memref_squeeze %dma_start3A_268 : memref<1x512xf32, #tpu.memory_space<vmem>> -> memref<512xf32, #tpu.memory_space<vmem>>
    %dma_start3A_270 = arith.constant 0 : i32
    %dma_start3A_271 = tpu.memref_slice %arg2[%add3A, %dma_start3A_270] : memref<32x512xf32, #tpu.memory_space<hbm>> -> memref<1x512xf32, #tpu.memory_space<hbm>>
    %dma_start3A_272 = tpu.memref_squeeze %dma_start3A_271 : memref<1x512xf32, #tpu.memory_space<hbm>> -> memref<512xf32, #tpu.memory_space<hbm>>
    %dma_start3A_273 = arith.constant 512 : i32
    %dma_start3A_274 = tpu.memref_slice %arg5[%dma_start3A_266, %dma_start3A_273] : memref<32x1024xf32, #tpu.memory_space<vmem>> -> memref<1x512xf32, #tpu.memory_space<vmem>>
    %dma_start3A_275 = tpu.memref_squeeze %dma_start3A_274 : memref<1x512xf32, #tpu.memory_space<vmem>> -> memref<512xf32, #tpu.memory_space<vmem>>
    %dma_start3A_276 = arith.constant 0 : i32
    %dma_start3A_277 = tpu.memref_slice %arg2[%add3A, %dma_start3A_276] : memref<32x512xf32, #tpu.memory_space<hbm>> -> memref<1x512xf32, #tpu.memory_space<hbm>>
    %dma_start3A_278 = tpu.memref_squeeze %dma_start3A_277 : memref<1x512xf32, #tpu.memory_space<hbm>> -> memref<512xf32, #tpu.memory_space<hbm>>
    tpu.enqueue_dma source(%dma_start3A_278 : memref<512xf32, #tpu.memory_space<hbm>>) target(%dma_start3A_275 : memref<512xf32, #tpu.memory_space<vmem>>) target_semaphore(%arg6 : memref<!tpu.dma_semaphore, #tpu.memory_space<semaphore_mem>>)
    %dma_start3A_279 = arith.constant 21 : i32
    %dma_start3A_280 = arith.constant 512 : i32
    %dma_start3A_281 = tpu.memref_slice %arg5[%dma_start3A_279, %dma_start3A_280] : memref<32x1024xf32, #tpu.memory_space<vmem>> -> memref<1x512xf32, #tpu.memory_space<vmem>>
    %dma_start3A_282 = tpu.memref_squeeze %dma_start3A_281 : memref<1x512xf32, #tpu.memory_space<vmem>> -> memref<512xf32, #tpu.memory_space<vmem>>
    %dma_start3A_283 = arith.constant 0 : i32
    %dma_start3A_284 = tpu.memref_slice %arg2[%add3A, %dma_start3A_283] : memref<32x512xf32, #tpu.memory_space<hbm>> -> memref<1x512xf32, #tpu.memory_space<hbm>>
    %dma_start3A_285 = tpu.memref_squeeze %dma_start3A_284 : memref<1x512xf32, #tpu.memory_space<hbm>> -> memref<512xf32, #tpu.memory_space<hbm>>
    %dma_start3A_286 = arith.constant 512 : i32
    %dma_start3A_287 = tpu.memref_slice %arg5[%dma_start3A_279, %dma_start3A_286] : memref<32x1024xf32, #tpu.memory_space<vmem>> -> memref<1x512xf32, #tpu.memory_space<vmem>>
    %dma_start3A_288 = tpu.memref_squeeze %dma_start3A_287 : memref<1x512xf32, #tpu.memory_space<vmem>> -> memref<512xf32, #tpu.memory_space<vmem>>
    %dma_start3A_289 = arith.constant 0 : i32
    %dma_start3A_290 = tpu.memref_slice %arg2[%add3A, %dma_start3A_289] : memref<32x512xf32, #tpu.memory_space<hbm>> -> memref<1x512xf32, #tpu.memory_space<hbm>>
    %dma_start3A_291 = tpu.memref_squeeze %dma_start3A_290 : memref<1x512xf32, #tpu.memory_space<hbm>> -> memref<512xf32, #tpu.memory_space<hbm>>
    tpu.enqueue_dma source(%dma_start3A_291 : memref<512xf32, #tpu.memory_space<hbm>>) target(%dma_start3A_288 : memref<512xf32, #tpu.memory_space<vmem>>) target_semaphore(%arg6 : memref<!tpu.dma_semaphore, #tpu.memory_space<semaphore_mem>>)
    %dma_start3A_292 = arith.constant 22 : i32
    %dma_start3A_293 = arith.constant 512 : i32
    %dma_start3A_294 = tpu.memref_slice %arg5[%dma_start3A_292, %dma_start3A_293] : memref<32x1024xf32, #tpu.memory_space<vmem>> -> memref<1x512xf32, #tpu.memory_space<vmem>>
    %dma_start3A_295 = tpu.memref_squeeze %dma_start3A_294 : memref<1x512xf32, #tpu.memory_space<vmem>> -> memref<512xf32, #tpu.memory_space<vmem>>
    %dma_start3A_296 = arith.constant 0 : i32
    %dma_start3A_297 = tpu.memref_slice %arg2[%add3A, %dma_start3A_296] : memref<32x512xf32, #tpu.memory_space<hbm>> -> memref<1x512xf32, #tpu.memory_space<hbm>>
    %dma_start3A_298 = tpu.memref_squeeze %dma_start3A_297 : memref<1x512xf32, #tpu.memory_space<hbm>> -> memref<512xf32, #tpu.memory_space<hbm>>
    %dma_start3A_299 = arith.constant 512 : i32
    %dma_start3A_300 = tpu.memref_slice %arg5[%dma_start3A_292, %dma_start3A_299] : memref<32x1024xf32, #tpu.memory_space<vmem>> -> memref<1x512xf32, #tpu.memory_space<vmem>>
    %dma_start3A_301 = tpu.memref_squeeze %dma_start3A_300 : memref<1x512xf32, #tpu.memory_space<vmem>> -> memref<512xf32, #tpu.memory_space<vmem>>
    %dma_start3A_302 = arith.constant 0 : i32
    %dma_start3A_303 = tpu.memref_slice %arg2[%add3A, %dma_start3A_302] : memref<32x512xf32, #tpu.memory_space<hbm>> -> memref<1x512xf32, #tpu.memory_space<hbm>>
    %dma_start3A_304 = tpu.memref_squeeze %dma_start3A_303 : memref<1x512xf32, #tpu.memory_space<hbm>> -> memref<512xf32, #tpu.memory_space<hbm>>
    tpu.enqueue_dma source(%dma_start3A_304 : memref<512xf32, #tpu.memory_space<hbm>>) target(%dma_start3A_301 : memref<512xf32, #tpu.memory_space<vmem>>) target_semaphore(%arg6 : memref<!tpu.dma_semaphore, #tpu.memory_space<semaphore_mem>>)
    %dma_start3A_305 = arith.constant 23 : i32
    %dma_start3A_306 = arith.constant 512 : i32
    %dma_start3A_307 = tpu.memref_slice %arg5[%dma_start3A_305, %dma_start3A_306] : memref<32x1024xf32, #tpu.memory_space<vmem>> -> memref<1x512xf32, #tpu.memory_space<vmem>>
    %dma_start3A_308 = tpu.memref_squeeze %dma_start3A_307 : memref<1x512xf32, #tpu.memory_space<vmem>> -> memref<512xf32, #tpu.memory_space<vmem>>
    %dma_start3A_309 = arith.constant 0 : i32
    %dma_start3A_310 = tpu.memref_slice %arg2[%add3A, %dma_start3A_309] : memref<32x512xf32, #tpu.memory_space<hbm>> -> memref<1x512xf32, #tpu.memory_space<hbm>>
    %dma_start3A_311 = tpu.memref_squeeze %dma_start3A_310 : memref<1x512xf32, #tpu.memory_space<hbm>> -> memref<512xf32, #tpu.memory_space<hbm>>
    %dma_start3A_312 = arith.constant 512 : i32
    %dma_start3A_313 = tpu.memref_slice %arg5[%dma_start3A_305, %dma_start3A_312] : memref<32x1024xf32, #tpu.memory_space<vmem>> -> memref<1x512xf32, #tpu.memory_space<vmem>>
    %dma_start3A_314 = tpu.memref_squeeze %dma_start3A_313 : memref<1x512xf32, #tpu.memory_space<vmem>> -> memref<512xf32, #tpu.memory_space<vmem>>
    %dma_start3A_315 = arith.constant 0 : i32
    %dma_start3A_316 = tpu.memref_slice %arg2[%add3A, %dma_start3A_315] : memref<32x512xf32, #tpu.memory_space<hbm>> -> memref<1x512xf32, #tpu.memory_space<hbm>>
    %dma_start3A_317 = tpu.memref_squeeze %dma_start3A_316 : memref<1x512xf32, #tpu.memory_space<hbm>> -> memref<512xf32, #tpu.memory_space<hbm>>
    tpu.enqueue_dma source(%dma_start3A_317 : memref<512xf32, #tpu.memory_space<hbm>>) target(%dma_start3A_314 : memref<512xf32, #tpu.memory_space<vmem>>) target_semaphore(%arg6 : memref<!tpu.dma_semaphore, #tpu.memory_space<semaphore_mem>>)
    %dma_start3A_318 = arith.constant 24 : i32
    %dma_start3A_319 = arith.constant 512 : i32
    %dma_start3A_320 = tpu.memref_slice %arg5[%dma_start3A_318, %dma_start3A_319] : memref<32x1024xf32, #tpu.memory_space<vmem>> -> memref<1x512xf32, #tpu.memory_space<vmem>>
    %dma_start3A_321 = tpu.memref_squeeze %dma_start3A_320 : memref<1x512xf32, #tpu.memory_space<vmem>> -> memref<512xf32, #tpu.memory_space<vmem>>
    %dma_start3A_322 = arith.constant 0 : i32
    %dma_start3A_323 = tpu.memref_slice %arg2[%add3A, %dma_start3A_322] : memref<32x512xf32, #tpu.memory_space<hbm>> -> memref<1x512xf32, #tpu.memory_space<hbm>>
    %dma_start3A_324 = tpu.memref_squeeze %dma_start3A_323 : memref<1x512xf32, #tpu.memory_space<hbm>> -> memref<512xf32, #tpu.memory_space<hbm>>
    %dma_start3A_325 = arith.constant 512 : i32
    %dma_start3A_326 = tpu.memref_slice %arg5[%dma_start3A_318, %dma_start3A_325] : memref<32x1024xf32, #tpu.memory_space<vmem>> -> memref<1x512xf32, #tpu.memory_space<vmem>>
    %dma_start3A_327 = tpu.memref_squeeze %dma_start3A_326 : memref<1x512xf32, #tpu.memory_space<vmem>> -> memref<512xf32, #tpu.memory_space<vmem>>
    %dma_start3A_328 = arith.constant 0 : i32
    %dma_start3A_329 = tpu.memref_slice %arg2[%add3A, %dma_start3A_328] : memref<32x512xf32, #tpu.memory_space<hbm>> -> memref<1x512xf32, #tpu.memory_space<hbm>>
    %dma_start3A_330 = tpu.memref_squeeze %dma_start3A_329 : memref<1x512xf32, #tpu.memory_space<hbm>> -> memref<512xf32, #tpu.memory_space<hbm>>
    tpu.enqueue_dma source(%dma_start3A_330 : memref<512xf32, #tpu.memory_space<hbm>>) target(%dma_start3A_327 : memref<512xf32, #tpu.memory_space<vmem>>) target_semaphore(%arg6 : memref<!tpu.dma_semaphore, #tpu.memory_space<semaphore_mem>>)
    %dma_start3A_331 = arith.constant 25 : i32
    %dma_start3A_332 = arith.constant 512 : i32
    %dma_start3A_333 = tpu.memref_slice %arg5[%dma_start3A_331, %dma_start3A_332] : memref<32x1024xf32, #tpu.memory_space<vmem>> -> memref<1x512xf32, #tpu.memory_space<vmem>>
    %dma_start3A_334 = tpu.memref_squeeze %dma_start3A_333 : memref<1x512xf32, #tpu.memory_space<vmem>> -> memref<512xf32, #tpu.memory_space<vmem>>
    %dma_start3A_335 = arith.constant 0 : i32
    %dma_start3A_336 = tpu.memref_slice %arg2[%add3A, %dma_start3A_335] : memref<32x512xf32, #tpu.memory_space<hbm>> -> memref<1x512xf32, #tpu.memory_space<hbm>>
    %dma_start3A_337 = tpu.memref_squeeze %dma_start3A_336 : memref<1x512xf32, #tpu.memory_space<hbm>> -> memref<512xf32, #tpu.memory_space<hbm>>
    %dma_start3A_338 = arith.constant 512 : i32
    %dma_start3A_339 = tpu.memref_slice %arg5[%dma_start3A_331, %dma_start3A_338] : memref<32x1024xf32, #tpu.memory_space<vmem>> -> memref<1x512xf32, #tpu.memory_space<vmem>>
    %dma_start3A_340 = tpu.memref_squeeze %dma_start3A_339 : memref<1x512xf32, #tpu.memory_space<vmem>> -> memref<512xf32, #tpu.memory_space<vmem>>
    %dma_start3A_341 = arith.constant 0 : i32
    %dma_start3A_342 = tpu.memref_slice %arg2[%add3A, %dma_start3A_341] : memref<32x512xf32, #tpu.memory_space<hbm>> -> memref<1x512xf32, #tpu.memory_space<hbm>>
    %dma_start3A_343 = tpu.memref_squeeze %dma_start3A_342 : memref<1x512xf32, #tpu.memory_space<hbm>> -> memref<512xf32, #tpu.memory_space<hbm>>
    tpu.enqueue_dma source(%dma_start3A_343 : memref<512xf32, #tpu.memory_space<hbm>>) target(%dma_start3A_340 : memref<512xf32, #tpu.memory_space<vmem>>) target_semaphore(%arg6 : memref<!tpu.dma_semaphore, #tpu.memory_space<semaphore_mem>>)
    %dma_start3A_344 = arith.constant 26 : i32
    %dma_start3A_345 = arith.constant 512 : i32
    %dma_start3A_346 = tpu.memref_slice %arg5[%dma_start3A_344, %dma_start3A_345] : memref<32x1024xf32, #tpu.memory_space<vmem>> -> memref<1x512xf32, #tpu.memory_space<vmem>>
    %dma_start3A_347 = tpu.memref_squeeze %dma_start3A_346 : memref<1x512xf32, #tpu.memory_space<vmem>> -> memref<512xf32, #tpu.memory_space<vmem>>
    %dma_start3A_348 = arith.constant 0 : i32
    %dma_start3A_349 = tpu.memref_slice %arg2[%add3A, %dma_start3A_348] : memref<32x512xf32, #tpu.memory_space<hbm>> -> memref<1x512xf32, #tpu.memory_space<hbm>>
    %dma_start3A_350 = tpu.memref_squeeze %dma_start3A_349 : memref<1x512xf32, #tpu.memory_space<hbm>> -> memref<512xf32, #tpu.memory_space<hbm>>
    %dma_start3A_351 = arith.constant 512 : i32
    %dma_start3A_352 = tpu.memref_slice %arg5[%dma_start3A_344, %dma_start3A_351] : memref<32x1024xf32, #tpu.memory_space<vmem>> -> memref<1x512xf32, #tpu.memory_space<vmem>>
    %dma_start3A_353 = tpu.memref_squeeze %dma_start3A_352 : memref<1x512xf32, #tpu.memory_space<vmem>> -> memref<512xf32, #tpu.memory_space<vmem>>
    %dma_start3A_354 = arith.constant 0 : i32
    %dma_start3A_355 = tpu.memref_slice %arg2[%add3A, %dma_start3A_354] : memref<32x512xf32, #tpu.memory_space<hbm>> -> memref<1x512xf32, #tpu.memory_space<hbm>>
    %dma_start3A_356 = tpu.memref_squeeze %dma_start3A_355 : memref<1x512xf32, #tpu.memory_space<hbm>> -> memref<512xf32, #tpu.memory_space<hbm>>
    tpu.enqueue_dma source(%dma_start3A_356 : memref<512xf32, #tpu.memory_space<hbm>>) target(%dma_start3A_353 : memref<512xf32, #tpu.memory_space<vmem>>) target_semaphore(%arg6 : memref<!tpu.dma_semaphore, #tpu.memory_space<semaphore_mem>>)
    %dma_start3A_357 = arith.constant 27 : i32
    %dma_start3A_358 = arith.constant 512 : i32
    %dma_start3A_359 = tpu.memref_slice %arg5[%dma_start3A_357, %dma_start3A_358] : memref<32x1024xf32, #tpu.memory_space<vmem>> -> memref<1x512xf32, #tpu.memory_space<vmem>>
    %dma_start3A_360 = tpu.memref_squeeze %dma_start3A_359 : memref<1x512xf32, #tpu.memory_space<vmem>> -> memref<512xf32, #tpu.memory_space<vmem>>
    %dma_start3A_361 = arith.constant 0 : i32
    %dma_start3A_362 = tpu.memref_slice %arg2[%add3A, %dma_start3A_361] : memref<32x512xf32, #tpu.memory_space<hbm>> -> memref<1x512xf32, #tpu.memory_space<hbm>>
    %dma_start3A_363 = tpu.memref_squeeze %dma_start3A_362 : memref<1x512xf32, #tpu.memory_space<hbm>> -> memref<512xf32, #tpu.memory_space<hbm>>
    %dma_start3A_364 = arith.constant 512 : i32
    %dma_start3A_365 = tpu.memref_slice %arg5[%dma_start3A_357, %dma_start3A_364] : memref<32x1024xf32, #tpu.memory_space<vmem>> -> memref<1x512xf32, #tpu.memory_space<vmem>>
    %dma_start3A_366 = tpu.memref_squeeze %dma_start3A_365 : memref<1x512xf32, #tpu.memory_space<vmem>> -> memref<512xf32, #tpu.memory_space<vmem>>
    %dma_start3A_367 = arith.constant 0 : i32
    %dma_start3A_368 = tpu.memref_slice %arg2[%add3A, %dma_start3A_367] : memref<32x512xf32, #tpu.memory_space<hbm>> -> memref<1x512xf32, #tpu.memory_space<hbm>>
    %dma_start3A_369 = tpu.memref_squeeze %dma_start3A_368 : memref<1x512xf32, #tpu.memory_space<hbm>> -> memref<512xf32, #tpu.memory_space<hbm>>
    tpu.enqueue_dma source(%dma_start3A_369 : memref<512xf32, #tpu.memory_space<hbm>>) target(%dma_start3A_366 : memref<512xf32, #tpu.memory_space<vmem>>) target_semaphore(%arg6 : memref<!tpu.dma_semaphore, #tpu.memory_space<semaphore_mem>>)
    %dma_start3A_370 = arith.constant 28 : i32
    %dma_start3A_371 = arith.constant 512 : i32
    %dma_start3A_372 = tpu.memref_slice %arg5[%dma_start3A_370, %dma_start3A_371] : memref<32x1024xf32, #tpu.memory_space<vmem>> -> memref<1x512xf32, #tpu.memory_space<vmem>>
    %dma_start3A_373 = tpu.memref_squeeze %dma_start3A_372 : memref<1x512xf32, #tpu.memory_space<vmem>> -> memref<512xf32, #tpu.memory_space<vmem>>
    %dma_start3A_374 = arith.constant 0 : i32
    %dma_start3A_375 = tpu.memref_slice %arg2[%add3A, %dma_start3A_374] : memref<32x512xf32, #tpu.memory_space<hbm>> -> memref<1x512xf32, #tpu.memory_space<hbm>>
    %dma_start3A_376 = tpu.memref_squeeze %dma_start3A_375 : memref<1x512xf32, #tpu.memory_space<hbm>> -> memref<512xf32, #tpu.memory_space<hbm>>
    %dma_start3A_377 = arith.constant 512 : i32
    %dma_start3A_378 = tpu.memref_slice %arg5[%dma_start3A_370, %dma_start3A_377] : memref<32x1024xf32, #tpu.memory_space<vmem>> -> memref<1x512xf32, #tpu.memory_space<vmem>>
    %dma_start3A_379 = tpu.memref_squeeze %dma_start3A_378 : memref<1x512xf32, #tpu.memory_space<vmem>> -> memref<512xf32, #tpu.memory_space<vmem>>
    %dma_start3A_380 = arith.constant 0 : i32
    %dma_start3A_381 = tpu.memref_slice %arg2[%add3A, %dma_start3A_380] : memref<32x512xf32, #tpu.memory_space<hbm>> -> memref<1x512xf32, #tpu.memory_space<hbm>>
    %dma_start3A_382 = tpu.memref_squeeze %dma_start3A_381 : memref<1x512xf32, #tpu.memory_space<hbm>> -> memref<512xf32, #tpu.memory_space<hbm>>
    tpu.enqueue_dma source(%dma_start3A_382 : memref<512xf32, #tpu.memory_space<hbm>>) target(%dma_start3A_379 : memref<512xf32, #tpu.memory_space<vmem>>) target_semaphore(%arg6 : memref<!tpu.dma_semaphore, #tpu.memory_space<semaphore_mem>>)
    %dma_start3A_383 = arith.constant 29 : i32
    %dma_start3A_384 = arith.constant 512 : i32
    %dma_start3A_385 = tpu.memref_slice %arg5[%dma_start3A_383, %dma_start3A_384] : memref<32x1024xf32, #tpu.memory_space<vmem>> -> memref<1x512xf32, #tpu.memory_space<vmem>>
    %dma_start3A_386 = tpu.memref_squeeze %dma_start3A_385 : memref<1x512xf32, #tpu.memory_space<vmem>> -> memref<512xf32, #tpu.memory_space<vmem>>
    %dma_start3A_387 = arith.constant 0 : i32
    %dma_start3A_388 = tpu.memref_slice %arg2[%add3A, %dma_start3A_387] : memref<32x512xf32, #tpu.memory_space<hbm>> -> memref<1x512xf32, #tpu.memory_space<hbm>>
    %dma_start3A_389 = tpu.memref_squeeze %dma_start3A_388 : memref<1x512xf32, #tpu.memory_space<hbm>> -> memref<512xf32, #tpu.memory_space<hbm>>
    %dma_start3A_390 = arith.constant 512 : i32
    %dma_start3A_391 = tpu.memref_slice %arg5[%dma_start3A_383, %dma_start3A_390] : memref<32x1024xf32, #tpu.memory_space<vmem>> -> memref<1x512xf32, #tpu.memory_space<vmem>>
    %dma_start3A_392 = tpu.memref_squeeze %dma_start3A_391 : memref<1x512xf32, #tpu.memory_space<vmem>> -> memref<512xf32, #tpu.memory_space<vmem>>
    %dma_start3A_393 = arith.constant 0 : i32
    %dma_start3A_394 = tpu.memref_slice %arg2[%add3A, %dma_start3A_393] : memref<32x512xf32, #tpu.memory_space<hbm>> -> memref<1x512xf32, #tpu.memory_space<hbm>>
    %dma_start3A_395 = tpu.memref_squeeze %dma_start3A_394 : memref<1x512xf32, #tpu.memory_space<hbm>> -> memref<512xf32, #tpu.memory_space<hbm>>
    tpu.enqueue_dma source(%dma_start3A_395 : memref<512xf32, #tpu.memory_space<hbm>>) target(%dma_start3A_392 : memref<512xf32, #tpu.memory_space<vmem>>) target_semaphore(%arg6 : memref<!tpu.dma_semaphore, #tpu.memory_space<semaphore_mem>>)
    %dma_start3A_396 = arith.constant 30 : i32
    %dma_start3A_397 = arith.constant 512 : i32
    %dma_start3A_398 = tpu.memref_slice %arg5[%dma_start3A_396, %dma_start3A_397] : memref<32x1024xf32, #tpu.memory_space<vmem>> -> memref<1x512xf32, #tpu.memory_space<vmem>>
    %dma_start3A_399 = tpu.memref_squeeze %dma_start3A_398 : memref<1x512xf32, #tpu.memory_space<vmem>> -> memref<512xf32, #tpu.memory_space<vmem>>
    %dma_start3A_400 = arith.constant 0 : i32
    %dma_start3A_401 = tpu.memref_slice %arg2[%add3A, %dma_start3A_400] : memref<32x512xf32, #tpu.memory_space<hbm>> -> memref<1x512xf32, #tpu.memory_space<hbm>>
    %dma_start3A_402 = tpu.memref_squeeze %dma_start3A_401 : memref<1x512xf32, #tpu.memory_space<hbm>> -> memref<512xf32, #tpu.memory_space<hbm>>
    %dma_start3A_403 = arith.constant 512 : i32
    %dma_start3A_404 = tpu.memref_slice %arg5[%dma_start3A_396, %dma_start3A_403] : memref<32x1024xf32, #tpu.memory_space<vmem>> -> memref<1x512xf32, #tpu.memory_space<vmem>>
    %dma_start3A_405 = tpu.memref_squeeze %dma_start3A_404 : memref<1x512xf32, #tpu.memory_space<vmem>> -> memref<512xf32, #tpu.memory_space<vmem>>
    %dma_start3A_406 = arith.constant 0 : i32
    %dma_start3A_407 = tpu.memref_slice %arg2[%add3A, %dma_start3A_406] : memref<32x512xf32, #tpu.memory_space<hbm>> -> memref<1x512xf32, #tpu.memory_space<hbm>>
    %dma_start3A_408 = tpu.memref_squeeze %dma_start3A_407 : memref<1x512xf32, #tpu.memory_space<hbm>> -> memref<512xf32, #tpu.memory_space<hbm>>
    tpu.enqueue_dma source(%dma_start3A_408 : memref<512xf32, #tpu.memory_space<hbm>>) target(%dma_start3A_405 : memref<512xf32, #tpu.memory_space<vmem>>) target_semaphore(%arg6 : memref<!tpu.dma_semaphore, #tpu.memory_space<semaphore_mem>>)
    %dma_start3A_409 = arith.constant 31 : i32
    %dma_start3A_410 = arith.constant 512 : i32
    %dma_start3A_411 = tpu.memref_slice %arg5[%dma_start3A_409, %dma_start3A_410] : memref<32x1024xf32, #tpu.memory_space<vmem>> -> memref<1x512xf32, #tpu.memory_space<vmem>>
    %dma_start3A_412 = tpu.memref_squeeze %dma_start3A_411 : memref<1x512xf32, #tpu.memory_space<vmem>> -> memref<512xf32, #tpu.memory_space<vmem>>
    %dma_start3A_413 = arith.constant 0 : i32
    %dma_start3A_414 = tpu.memref_slice %arg2[%add3A, %dma_start3A_413] : memref<32x512xf32, #tpu.memory_space<hbm>> -> memref<1x512xf32, #tpu.memory_space<hbm>>
    %dma_start3A_415 = tpu.memref_squeeze %dma_start3A_414 : memref<1x512xf32, #tpu.memory_space<hbm>> -> memref<512xf32, #tpu.memory_space<hbm>>
    %dma_start3A_416 = arith.constant 512 : i32
    %dma_start3A_417 = tpu.memref_slice %arg5[%dma_start3A_409, %dma_start3A_416] : memref<32x1024xf32, #tpu.memory_space<vmem>> -> memref<1x512xf32, #tpu.memory_space<vmem>>
    %dma_start3A_418 = tpu.memref_squeeze %dma_start3A_417 : memref<1x512xf32, #tpu.memory_space<vmem>> -> memref<512xf32, #tpu.memory_space<vmem>>
    %dma_start3A_419 = arith.constant 0 : i32
    %dma_start3A_420 = tpu.memref_slice %arg2[%add3A, %dma_start3A_419] : memref<32x512xf32, #tpu.memory_space<hbm>> -> memref<1x512xf32, #tpu.memory_space<hbm>>
    %dma_start3A_421 = tpu.memref_squeeze %dma_start3A_420 : memref<1x512xf32, #tpu.memory_space<hbm>> -> memref<512xf32, #tpu.memory_space<hbm>>
    tpu.enqueue_dma source(%dma_start3A_421 : memref<512xf32, #tpu.memory_space<hbm>>) target(%dma_start3A_418 : memref<512xf32, #tpu.memory_space<vmem>>) target_semaphore(%arg6 : memref<!tpu.dma_semaphore, #tpu.memory_space<semaphore_mem>>)
    %dma_wait3A = arith.constant 0 : i32
    %dma_wait3A_422 = arith.constant 0 : i32
    %dma_wait3A_423 = tpu.memref_slice %arg5[%dma_wait3A, %dma_wait3A_422] : memref<32x1024xf32, #tpu.memory_space<vmem>> -> memref<32x512xf32, #tpu.memory_space<vmem>>
    %dma_wait3A_424 = arith.constant 0 : i32
    %dma_wait3A_425 = arith.constant 0 : i32
    %dma_wait3A_426 = tpu.memref_slice %arg5[%dma_wait3A_424, %dma_wait3A_425] : memref<32x1024xf32, #tpu.memory_space<vmem>> -> memref<32x512xf32, #tpu.memory_space<vmem>>
    tpu.wait_dma2 semaphore(%arg6 : memref<!tpu.dma_semaphore, #tpu.memory_space<semaphore_mem>>) src(%arg3 : memref<32x512xf32, #tpu.memory_space<hbm>>) dst(%dma_wait3A_426 : memref<32x512xf32, #tpu.memory_space<vmem>>)
    %dma_wait3A_427 = arith.constant 0 : i32
    %dma_wait3A_428 = arith.constant 512 : i32
    %dma_wait3A_429 = tpu.memref_slice %arg5[%dma_wait3A_427, %dma_wait3A_428] : memref<32x1024xf32, #tpu.memory_space<vmem>> -> memref<1x512xf32, #tpu.memory_space<vmem>>
    %dma_wait3A_430 = tpu.memref_squeeze %dma_wait3A_429 : memref<1x512xf32, #tpu.memory_space<vmem>> -> memref<512xf32, #tpu.memory_space<vmem>>
    %dma_wait3A_431 = arith.constant 0 : i32
    %dma_wait3A_432 = tpu.memref_slice %arg2[%add3A, %dma_wait3A_431] : memref<32x512xf32, #tpu.memory_space<hbm>> -> memref<1x512xf32, #tpu.memory_space<hbm>>
    %dma_wait3A_433 = tpu.memref_squeeze %dma_wait3A_432 : memref<1x512xf32, #tpu.memory_space<hbm>> -> memref<512xf32, #tpu.memory_space<hbm>>
    %dma_wait3A_434 = arith.constant 512 : i32
    %dma_wait3A_435 = tpu.memref_slice %arg5[%dma_wait3A_427, %dma_wait3A_434] : memref<32x1024xf32, #tpu.memory_space<vmem>> -> memref<1x512xf32, #tpu.memory_space<vmem>>
    %dma_wait3A_436 = tpu.memref_squeeze %dma_wait3A_435 : memref<1x512xf32, #tpu.memory_space<vmem>> -> memref<512xf32, #tpu.memory_space<vmem>>
    %dma_wait3A_437 = arith.constant 0 : i32
    %dma_wait3A_438 = tpu.memref_slice %arg2[%add3A, %dma_wait3A_437] : memref<32x512xf32, #tpu.memory_space<hbm>> -> memref<1x512xf32, #tpu.memory_space<hbm>>
    %dma_wait3A_439 = tpu.memref_squeeze %dma_wait3A_438 : memref<1x512xf32, #tpu.memory_space<hbm>> -> memref<512xf32, #tpu.memory_space<hbm>>
    tpu.wait_dma2 semaphore(%arg6 : memref<!tpu.dma_semaphore, #tpu.memory_space<semaphore_mem>>) src(%dma_wait3A_439 : memref<512xf32, #tpu.memory_space<hbm>>) dst(%dma_wait3A_436 : memref<512xf32, #tpu.memory_space<vmem>>)
    %dma_wait3A_440 = arith.constant 1 : i32
    %dma_wait3A_441 = arith.constant 512 : i32
    %dma_wait3A_442 = tpu.memref_slice %arg5[%dma_wait3A_440, %dma_wait3A_441] : memref<32x1024xf32, #tpu.memory_space<vmem>> -> memref<1x512xf32, #tpu.memory_space<vmem>>
    %dma_wait3A_443 = tpu.memref_squeeze %dma_wait3A_442 : memref<1x512xf32, #tpu.memory_space<vmem>> -> memref<512xf32, #tpu.memory_space<vmem>>
    %dma_wait3A_444 = arith.constant 0 : i32
    %dma_wait3A_445 = tpu.memref_slice %arg2[%add3A, %dma_wait3A_444] : memref<32x512xf32, #tpu.memory_space<hbm>> -> memref<1x512xf32, #tpu.memory_space<hbm>>
    %dma_wait3A_446 = tpu.memref_squeeze %dma_wait3A_445 : memref<1x512xf32, #tpu.memory_space<hbm>> -> memref<512xf32, #tpu.memory_space<hbm>>
    %dma_wait3A_447 = arith.constant 512 : i32
    %dma_wait3A_448 = tpu.memref_slice %arg5[%dma_wait3A_440, %dma_wait3A_447] : memref<32x1024xf32, #tpu.memory_space<vmem>> -> memref<1x512xf32, #tpu.memory_space<vmem>>
    %dma_wait3A_449 = tpu.memref_squeeze %dma_wait3A_448 : memref<1x512xf32, #tpu.memory_space<vmem>> -> memref<512xf32, #tpu.memory_space<vmem>>
    %dma_wait3A_450 = arith.constant 0 : i32
    %dma_wait3A_451 = tpu.memref_slice %arg2[%add3A, %dma_wait3A_450] : memref<32x512xf32, #tpu.memory_space<hbm>> -> memref<1x512xf32, #tpu.memory_space<hbm>>
    %dma_wait3A_452 = tpu.memref_squeeze %dma_wait3A_451 : memref<1x512xf32, #tpu.memory_space<hbm>> -> memref<512xf32, #tpu.memory_space<hbm>>
    tpu.wait_dma2 semaphore(%arg6 : memref<!tpu.dma_semaphore, #tpu.memory_space<semaphore_mem>>) src(%dma_wait3A_452 : memref<512xf32, #tpu.memory_space<hbm>>) dst(%dma_wait3A_449 : memref<512xf32, #tpu.memory_space<vmem>>)
    %dma_wait3A_453 = arith.constant 2 : i32
    %dma_wait3A_454 = arith.constant 512 : i32
    %dma_wait3A_455 = tpu.memref_slice %arg5[%dma_wait3A_453, %dma_wait3A_454] : memref<32x1024xf32, #tpu.memory_space<vmem>> -> memref<1x512xf32, #tpu.memory_space<vmem>>
    %dma_wait3A_456 = tpu.memref_squeeze %dma_wait3A_455 : memref<1x512xf32, #tpu.memory_space<vmem>> -> memref<512xf32, #tpu.memory_space<vmem>>
    %dma_wait3A_457 = arith.constant 0 : i32
    %dma_wait3A_458 = tpu.memref_slice %arg2[%add3A, %dma_wait3A_457] : memref<32x512xf32, #tpu.memory_space<hbm>> -> memref<1x512xf32, #tpu.memory_space<hbm>>
    %dma_wait3A_459 = tpu.memref_squeeze %dma_wait3A_458 : memref<1x512xf32, #tpu.memory_space<hbm>> -> memref<512xf32, #tpu.memory_space<hbm>>
    %dma_wait3A_460 = arith.constant 512 : i32
    %dma_wait3A_461 = tpu.memref_slice %arg5[%dma_wait3A_453, %dma_wait3A_460] : memref<32x1024xf32, #tpu.memory_space<vmem>> -> memref<1x512xf32, #tpu.memory_space<vmem>>
    %dma_wait3A_462 = tpu.memref_squeeze %dma_wait3A_461 : memref<1x512xf32, #tpu.memory_space<vmem>> -> memref<512xf32, #tpu.memory_space<vmem>>
    %dma_wait3A_463 = arith.constant 0 : i32
    %dma_wait3A_464 = tpu.memref_slice %arg2[%add3A, %dma_wait3A_463] : memref<32x512xf32, #tpu.memory_space<hbm>> -> memref<1x512xf32, #tpu.memory_space<hbm>>
    %dma_wait3A_465 = tpu.memref_squeeze %dma_wait3A_464 : memref<1x512xf32, #tpu.memory_space<hbm>> -> memref<512xf32, #tpu.memory_space<hbm>>
    tpu.wait_dma2 semaphore(%arg6 : memref<!tpu.dma_semaphore, #tpu.memory_space<semaphore_mem>>) src(%dma_wait3A_465 : memref<512xf32, #tpu.memory_space<hbm>>) dst(%dma_wait3A_462 : memref<512xf32, #tpu.memory_space<vmem>>)
    %dma_wait3A_466 = arith.constant 3 : i32
    %dma_wait3A_467 = arith.constant 512 : i32
    %dma_wait3A_468 = tpu.memref_slice %arg5[%dma_wait3A_466, %dma_wait3A_467] : memref<32x1024xf32, #tpu.memory_space<vmem>> -> memref<1x512xf32, #tpu.memory_space<vmem>>
    %dma_wait3A_469 = tpu.memref_squeeze %dma_wait3A_468 : memref<1x512xf32, #tpu.memory_space<vmem>> -> memref<512xf32, #tpu.memory_space<vmem>>
    %dma_wait3A_470 = arith.constant 0 : i32
    %dma_wait3A_471 = tpu.memref_slice %arg2[%add3A, %dma_wait3A_470] : memref<32x512xf32, #tpu.memory_space<hbm>> -> memref<1x512xf32, #tpu.memory_space<hbm>>
    %dma_wait3A_472 = tpu.memref_squeeze %dma_wait3A_471 : memref<1x512xf32, #tpu.memory_space<hbm>> -> memref<512xf32, #tpu.memory_space<hbm>>
    %dma_wait3A_473 = arith.constant 512 : i32
    %dma_wait3A_474 = tpu.memref_slice %arg5[%dma_wait3A_466, %dma_wait3A_473] : memref<32x1024xf32, #tpu.memory_space<vmem>> -> memref<1x512xf32, #tpu.memory_space<vmem>>
    %dma_wait3A_475 = tpu.memref_squeeze %dma_wait3A_474 : memref<1x512xf32, #tpu.memory_space<vmem>> -> memref<512xf32, #tpu.memory_space<vmem>>
    %dma_wait3A_476 = arith.constant 0 : i32
    %dma_wait3A_477 = tpu.memref_slice %arg2[%add3A, %dma_wait3A_476] : memref<32x512xf32, #tpu.memory_space<hbm>> -> memref<1x512xf32, #tpu.memory_space<hbm>>
    %dma_wait3A_478 = tpu.memref_squeeze %dma_wait3A_477 : memref<1x512xf32, #tpu.memory_space<hbm>> -> memref<512xf32, #tpu.memory_space<hbm>>
    tpu.wait_dma2 semaphore(%arg6 : memref<!tpu.dma_semaphore, #tpu.memory_space<semaphore_mem>>) src(%dma_wait3A_478 : memref<512xf32, #tpu.memory_space<hbm>>) dst(%dma_wait3A_475 : memref<512xf32, #tpu.memory_space<vmem>>)
    %dma_wait3A_479 = arith.constant 4 : i32
    %dma_wait3A_480 = arith.constant 512 : i32
    %dma_wait3A_481 = tpu.memref_slice %arg5[%dma_wait3A_479, %dma_wait3A_480] : memref<32x1024xf32, #tpu.memory_space<vmem>> -> memref<1x512xf32, #tpu.memory_space<vmem>>
    %dma_wait3A_482 = tpu.memref_squeeze %dma_wait3A_481 : memref<1x512xf32, #tpu.memory_space<vmem>> -> memref<512xf32, #tpu.memory_space<vmem>>
    %dma_wait3A_483 = arith.constant 0 : i32
    %dma_wait3A_484 = tpu.memref_slice %arg2[%add3A, %dma_wait3A_483] : memref<32x512xf32, #tpu.memory_space<hbm>> -> memref<1x512xf32, #tpu.memory_space<hbm>>
    %dma_wait3A_485 = tpu.memref_squeeze %dma_wait3A_484 : memref<1x512xf32, #tpu.memory_space<hbm>> -> memref<512xf32, #tpu.memory_space<hbm>>
    %dma_wait3A_486 = arith.constant 512 : i32
    %dma_wait3A_487 = tpu.memref_slice %arg5[%dma_wait3A_479, %dma_wait3A_486] : memref<32x1024xf32, #tpu.memory_space<vmem>> -> memref<1x512xf32, #tpu.memory_space<vmem>>
    %dma_wait3A_488 = tpu.memref_squeeze %dma_wait3A_487 : memref<1x512xf32, #tpu.memory_space<vmem>> -> memref<512xf32, #tpu.memory_space<vmem>>
    %dma_wait3A_489 = arith.constant 0 : i32
    %dma_wait3A_490 = tpu.memref_slice %arg2[%add3A, %dma_wait3A_489] : memref<32x512xf32, #tpu.memory_space<hbm>> -> memref<1x512xf32, #tpu.memory_space<hbm>>
    %dma_wait3A_491 = tpu.memref_squeeze %dma_wait3A_490 : memref<1x512xf32, #tpu.memory_space<hbm>> -> memref<512xf32, #tpu.memory_space<hbm>>
    tpu.wait_dma2 semaphore(%arg6 : memref<!tpu.dma_semaphore, #tpu.memory_space<semaphore_mem>>) src(%dma_wait3A_491 : memref<512xf32, #tpu.memory_space<hbm>>) dst(%dma_wait3A_488 : memref<512xf32, #tpu.memory_space<vmem>>)
    %dma_wait3A_492 = arith.constant 5 : i32
    %dma_wait3A_493 = arith.constant 512 : i32
    %dma_wait3A_494 = tpu.memref_slice %arg5[%dma_wait3A_492, %dma_wait3A_493] : memref<32x1024xf32, #tpu.memory_space<vmem>> -> memref<1x512xf32, #tpu.memory_space<vmem>>
    %dma_wait3A_495 = tpu.memref_squeeze %dma_wait3A_494 : memref<1x512xf32, #tpu.memory_space<vmem>> -> memref<512xf32, #tpu.memory_space<vmem>>
    %dma_wait3A_496 = arith.constant 0 : i32
    %dma_wait3A_497 = tpu.memref_slice %arg2[%add3A, %dma_wait3A_496] : memref<32x512xf32, #tpu.memory_space<hbm>> -> memref<1x512xf32, #tpu.memory_space<hbm>>
    %dma_wait3A_498 = tpu.memref_squeeze %dma_wait3A_497 : memref<1x512xf32, #tpu.memory_space<hbm>> -> memref<512xf32, #tpu.memory_space<hbm>>
    %dma_wait3A_499 = arith.constant 512 : i32
    %dma_wait3A_500 = tpu.memref_slice %arg5[%dma_wait3A_492, %dma_wait3A_499] : memref<32x1024xf32, #tpu.memory_space<vmem>> -> memref<1x512xf32, #tpu.memory_space<vmem>>
    %dma_wait3A_501 = tpu.memref_squeeze %dma_wait3A_500 : memref<1x512xf32, #tpu.memory_space<vmem>> -> memref<512xf32, #tpu.memory_space<vmem>>
    %dma_wait3A_502 = arith.constant 0 : i32
    %dma_wait3A_503 = tpu.memref_slice %arg2[%add3A, %dma_wait3A_502] : memref<32x512xf32, #tpu.memory_space<hbm>> -> memref<1x512xf32, #tpu.memory_space<hbm>>
    %dma_wait3A_504 = tpu.memref_squeeze %dma_wait3A_503 : memref<1x512xf32, #tpu.memory_space<hbm>> -> memref<512xf32, #tpu.memory_space<hbm>>
    tpu.wait_dma2 semaphore(%arg6 : memref<!tpu.dma_semaphore, #tpu.memory_space<semaphore_mem>>) src(%dma_wait3A_504 : memref<512xf32, #tpu.memory_space<hbm>>) dst(%dma_wait3A_501 : memref<512xf32, #tpu.memory_space<vmem>>)
    %dma_wait3A_505 = arith.constant 6 : i32
    %dma_wait3A_506 = arith.constant 512 : i32
    %dma_wait3A_507 = tpu.memref_slice %arg5[%dma_wait3A_505, %dma_wait3A_506] : memref<32x1024xf32, #tpu.memory_space<vmem>> -> memref<1x512xf32, #tpu.memory_space<vmem>>
    %dma_wait3A_508 = tpu.memref_squeeze %dma_wait3A_507 : memref<1x512xf32, #tpu.memory_space<vmem>> -> memref<512xf32, #tpu.memory_space<vmem>>
    %dma_wait3A_509 = arith.constant 0 : i32
    %dma_wait3A_510 = tpu.memref_slice %arg2[%add3A, %dma_wait3A_509] : memref<32x512xf32, #tpu.memory_space<hbm>> -> memref<1x512xf32, #tpu.memory_space<hbm>>
    %dma_wait3A_511 = tpu.memref_squeeze %dma_wait3A_510 : memref<1x512xf32, #tpu.memory_space<hbm>> -> memref<512xf32, #tpu.memory_space<hbm>>
    %dma_wait3A_512 = arith.constant 512 : i32
    %dma_wait3A_513 = tpu.memref_slice %arg5[%dma_wait3A_505, %dma_wait3A_512] : memref<32x1024xf32, #tpu.memory_space<vmem>> -> memref<1x512xf32, #tpu.memory_space<vmem>>
    %dma_wait3A_514 = tpu.memref_squeeze %dma_wait3A_513 : memref<1x512xf32, #tpu.memory_space<vmem>> -> memref<512xf32, #tpu.memory_space<vmem>>
    %dma_wait3A_515 = arith.constant 0 : i32
    %dma_wait3A_516 = tpu.memref_slice %arg2[%add3A, %dma_wait3A_515] : memref<32x512xf32, #tpu.memory_space<hbm>> -> memref<1x512xf32, #tpu.memory_space<hbm>>
    %dma_wait3A_517 = tpu.memref_squeeze %dma_wait3A_516 : memref<1x512xf32, #tpu.memory_space<hbm>> -> memref<512xf32, #tpu.memory_space<hbm>>
    tpu.wait_dma2 semaphore(%arg6 : memref<!tpu.dma_semaphore, #tpu.memory_space<semaphore_mem>>) src(%dma_wait3A_517 : memref<512xf32, #tpu.memory_space<hbm>>) dst(%dma_wait3A_514 : memref<512xf32, #tpu.memory_space<vmem>>)
    %dma_wait3A_518 = arith.constant 7 : i32
    %dma_wait3A_519 = arith.constant 512 : i32
    %dma_wait3A_520 = tpu.memref_slice %arg5[%dma_wait3A_518, %dma_wait3A_519] : memref<32x1024xf32, #tpu.memory_space<vmem>> -> memref<1x512xf32, #tpu.memory_space<vmem>>
    %dma_wait3A_521 = tpu.memref_squeeze %dma_wait3A_520 : memref<1x512xf32, #tpu.memory_space<vmem>> -> memref<512xf32, #tpu.memory_space<vmem>>
    %dma_wait3A_522 = arith.constant 0 : i32
    %dma_wait3A_523 = tpu.memref_slice %arg2[%add3A, %dma_wait3A_522] : memref<32x512xf32, #tpu.memory_space<hbm>> -> memref<1x512xf32, #tpu.memory_space<hbm>>
    %dma_wait3A_524 = tpu.memref_squeeze %dma_wait3A_523 : memref<1x512xf32, #tpu.memory_space<hbm>> -> memref<512xf32, #tpu.memory_space<hbm>>
    %dma_wait3A_525 = arith.constant 512 : i32
    %dma_wait3A_526 = tpu.memref_slice %arg5[%dma_wait3A_518, %dma_wait3A_525] : memref<32x1024xf32, #tpu.memory_space<vmem>> -> memref<1x512xf32, #tpu.memory_space<vmem>>
    %dma_wait3A_527 = tpu.memref_squeeze %dma_wait3A_526 : memref<1x512xf32, #tpu.memory_space<vmem>> -> memref<512xf32, #tpu.memory_space<vmem>>
    %dma_wait3A_528 = arith.constant 0 : i32
    %dma_wait3A_529 = tpu.memref_slice %arg2[%add3A, %dma_wait3A_528] : memref<32x512xf32, #tpu.memory_space<hbm>> -> memref<1x512xf32, #tpu.memory_space<hbm>>
    %dma_wait3A_530 = tpu.memref_squeeze %dma_wait3A_529 : memref<1x512xf32, #tpu.memory_space<hbm>> -> memref<512xf32, #tpu.memory_space<hbm>>
    tpu.wait_dma2 semaphore(%arg6 : memref<!tpu.dma_semaphore, #tpu.memory_space<semaphore_mem>>) src(%dma_wait3A_530 : memref<512xf32, #tpu.memory_space<hbm>>) dst(%dma_wait3A_527 : memref<512xf32, #tpu.memory_space<vmem>>)
    %dma_wait3A_531 = arith.constant 8 : i32
    %dma_wait3A_532 = arith.constant 512 : i32
    %dma_wait3A_533 = tpu.memref_slice %arg5[%dma_wait3A_531, %dma_wait3A_532] : memref<32x1024xf32, #tpu.memory_space<vmem>> -> memref<1x512xf32, #tpu.memory_space<vmem>>
    %dma_wait3A_534 = tpu.memref_squeeze %dma_wait3A_533 : memref<1x512xf32, #tpu.memory_space<vmem>> -> memref<512xf32, #tpu.memory_space<vmem>>
    %dma_wait3A_535 = arith.constant 0 : i32
    %dma_wait3A_536 = tpu.memref_slice %arg2[%add3A, %dma_wait3A_535] : memref<32x512xf32, #tpu.memory_space<hbm>> -> memref<1x512xf32, #tpu.memory_space<hbm>>
    %dma_wait3A_537 = tpu.memref_squeeze %dma_wait3A_536 : memref<1x512xf32, #tpu.memory_space<hbm>> -> memref<512xf32, #tpu.memory_space<hbm>>
    %dma_wait3A_538 = arith.constant 512 : i32
    %dma_wait3A_539 = tpu.memref_slice %arg5[%dma_wait3A_531, %dma_wait3A_538] : memref<32x1024xf32, #tpu.memory_space<vmem>> -> memref<1x512xf32, #tpu.memory_space<vmem>>
    %dma_wait3A_540 = tpu.memref_squeeze %dma_wait3A_539 : memref<1x512xf32, #tpu.memory_space<vmem>> -> memref<512xf32, #tpu.memory_space<vmem>>
    %dma_wait3A_541 = arith.constant 0 : i32
    %dma_wait3A_542 = tpu.memref_slice %arg2[%add3A, %dma_wait3A_541] : memref<32x512xf32, #tpu.memory_space<hbm>> -> memref<1x512xf32, #tpu.memory_space<hbm>>
    %dma_wait3A_543 = tpu.memref_squeeze %dma_wait3A_542 : memref<1x512xf32, #tpu.memory_space<hbm>> -> memref<512xf32, #tpu.memory_space<hbm>>
    tpu.wait_dma2 semaphore(%arg6 : memref<!tpu.dma_semaphore, #tpu.memory_space<semaphore_mem>>) src(%dma_wait3A_543 : memref<512xf32, #tpu.memory_space<hbm>>) dst(%dma_wait3A_540 : memref<512xf32, #tpu.memory_space<vmem>>)
    %dma_wait3A_544 = arith.constant 9 : i32
    %dma_wait3A_545 = arith.constant 512 : i32
    %dma_wait3A_546 = tpu.memref_slice %arg5[%dma_wait3A_544, %dma_wait3A_545] : memref<32x1024xf32, #tpu.memory_space<vmem>> -> memref<1x512xf32, #tpu.memory_space<vmem>>
    %dma_wait3A_547 = tpu.memref_squeeze %dma_wait3A_546 : memref<1x512xf32, #tpu.memory_space<vmem>> -> memref<512xf32, #tpu.memory_space<vmem>>
    %dma_wait3A_548 = arith.constant 0 : i32
    %dma_wait3A_549 = tpu.memref_slice %arg2[%add3A, %dma_wait3A_548] : memref<32x512xf32, #tpu.memory_space<hbm>> -> memref<1x512xf32, #tpu.memory_space<hbm>>
    %dma_wait3A_550 = tpu.memref_squeeze %dma_wait3A_549 : memref<1x512xf32, #tpu.memory_space<hbm>> -> memref<512xf32, #tpu.memory_space<hbm>>
    %dma_wait3A_551 = arith.constant 512 : i32
    %dma_wait3A_552 = tpu.memref_slice %arg5[%dma_wait3A_544, %dma_wait3A_551] : memref<32x1024xf32, #tpu.memory_space<vmem>> -> memref<1x512xf32, #tpu.memory_space<vmem>>
    %dma_wait3A_553 = tpu.memref_squeeze %dma_wait3A_552 : memref<1x512xf32, #tpu.memory_space<vmem>> -> memref<512xf32, #tpu.memory_space<vmem>>
    %dma_wait3A_554 = arith.constant 0 : i32
    %dma_wait3A_555 = tpu.memref_slice %arg2[%add3A, %dma_wait3A_554] : memref<32x512xf32, #tpu.memory_space<hbm>> -> memref<1x512xf32, #tpu.memory_space<hbm>>
    %dma_wait3A_556 = tpu.memref_squeeze %dma_wait3A_555 : memref<1x512xf32, #tpu.memory_space<hbm>> -> memref<512xf32, #tpu.memory_space<hbm>>
    tpu.wait_dma2 semaphore(%arg6 : memref<!tpu.dma_semaphore, #tpu.memory_space<semaphore_mem>>) src(%dma_wait3A_556 : memref<512xf32, #tpu.memory_space<hbm>>) dst(%dma_wait3A_553 : memref<512xf32, #tpu.memory_space<vmem>>)
    %dma_wait3A_557 = arith.constant 10 : i32
    %dma_wait3A_558 = arith.constant 512 : i32
    %dma_wait3A_559 = tpu.memref_slice %arg5[%dma_wait3A_557, %dma_wait3A_558] : memref<32x1024xf32, #tpu.memory_space<vmem>> -> memref<1x512xf32, #tpu.memory_space<vmem>>
    %dma_wait3A_560 = tpu.memref_squeeze %dma_wait3A_559 : memref<1x512xf32, #tpu.memory_space<vmem>> -> memref<512xf32, #tpu.memory_space<vmem>>
    %dma_wait3A_561 = arith.constant 0 : i32
    %dma_wait3A_562 = tpu.memref_slice %arg2[%add3A, %dma_wait3A_561] : memref<32x512xf32, #tpu.memory_space<hbm>> -> memref<1x512xf32, #tpu.memory_space<hbm>>
    %dma_wait3A_563 = tpu.memref_squeeze %dma_wait3A_562 : memref<1x512xf32, #tpu.memory_space<hbm>> -> memref<512xf32, #tpu.memory_space<hbm>>
    %dma_wait3A_564 = arith.constant 512 : i32
    %dma_wait3A_565 = tpu.memref_slice %arg5[%dma_wait3A_557, %dma_wait3A_564] : memref<32x1024xf32, #tpu.memory_space<vmem>> -> memref<1x512xf32, #tpu.memory_space<vmem>>
    %dma_wait3A_566 = tpu.memref_squeeze %dma_wait3A_565 : memref<1x512xf32, #tpu.memory_space<vmem>> -> memref<512xf32, #tpu.memory_space<vmem>>
    %dma_wait3A_567 = arith.constant 0 : i32
    %dma_wait3A_568 = tpu.memref_slice %arg2[%add3A, %dma_wait3A_567] : memref<32x512xf32, #tpu.memory_space<hbm>> -> memref<1x512xf32, #tpu.memory_space<hbm>>
    %dma_wait3A_569 = tpu.memref_squeeze %dma_wait3A_568 : memref<1x512xf32, #tpu.memory_space<hbm>> -> memref<512xf32, #tpu.memory_space<hbm>>
    tpu.wait_dma2 semaphore(%arg6 : memref<!tpu.dma_semaphore, #tpu.memory_space<semaphore_mem>>) src(%dma_wait3A_569 : memref<512xf32, #tpu.memory_space<hbm>>) dst(%dma_wait3A_566 : memref<512xf32, #tpu.memory_space<vmem>>)
    %dma_wait3A_570 = arith.constant 11 : i32
    %dma_wait3A_571 = arith.constant 512 : i32
    %dma_wait3A_572 = tpu.memref_slice %arg5[%dma_wait3A_570, %dma_wait3A_571] : memref<32x1024xf32, #tpu.memory_space<vmem>> -> memref<1x512xf32, #tpu.memory_space<vmem>>
    %dma_wait3A_573 = tpu.memref_squeeze %dma_wait3A_572 : memref<1x512xf32, #tpu.memory_space<vmem>> -> memref<512xf32, #tpu.memory_space<vmem>>
    %dma_wait3A_574 = arith.constant 0 : i32
    %dma_wait3A_575 = tpu.memref_slice %arg2[%add3A, %dma_wait3A_574] : memref<32x512xf32, #tpu.memory_space<hbm>> -> memref<1x512xf32, #tpu.memory_space<hbm>>
    %dma_wait3A_576 = tpu.memref_squeeze %dma_wait3A_575 : memref<1x512xf32, #tpu.memory_space<hbm>> -> memref<512xf32, #tpu.memory_space<hbm>>
    %dma_wait3A_577 = arith.constant 512 : i32
    %dma_wait3A_578 = tpu.memref_slice %arg5[%dma_wait3A_570, %dma_wait3A_577] : memref<32x1024xf32, #tpu.memory_space<vmem>> -> memref<1x512xf32, #tpu.memory_space<vmem>>
    %dma_wait3A_579 = tpu.memref_squeeze %dma_wait3A_578 : memref<1x512xf32, #tpu.memory_space<vmem>> -> memref<512xf32, #tpu.memory_space<vmem>>
    %dma_wait3A_580 = arith.constant 0 : i32
    %dma_wait3A_581 = tpu.memref_slice %arg2[%add3A, %dma_wait3A_580] : memref<32x512xf32, #tpu.memory_space<hbm>> -> memref<1x512xf32, #tpu.memory_space<hbm>>
    %dma_wait3A_582 = tpu.memref_squeeze %dma_wait3A_581 : memref<1x512xf32, #tpu.memory_space<hbm>> -> memref<512xf32, #tpu.memory_space<hbm>>
    tpu.wait_dma2 semaphore(%arg6 : memref<!tpu.dma_semaphore, #tpu.memory_space<semaphore_mem>>) src(%dma_wait3A_582 : memref<512xf32, #tpu.memory_space<hbm>>) dst(%dma_wait3A_579 : memref<512xf32, #tpu.memory_space<vmem>>)
    %dma_wait3A_583 = arith.constant 12 : i32
    %dma_wait3A_584 = arith.constant 512 : i32
    %dma_wait3A_585 = tpu.memref_slice %arg5[%dma_wait3A_583, %dma_wait3A_584] : memref<32x1024xf32, #tpu.memory_space<vmem>> -> memref<1x512xf32, #tpu.memory_space<vmem>>
    %dma_wait3A_586 = tpu.memref_squeeze %dma_wait3A_585 : memref<1x512xf32, #tpu.memory_space<vmem>> -> memref<512xf32, #tpu.memory_space<vmem>>
    %dma_wait3A_587 = arith.constant 0 : i32
    %dma_wait3A_588 = tpu.memref_slice %arg2[%add3A, %dma_wait3A_587] : memref<32x512xf32, #tpu.memory_space<hbm>> -> memref<1x512xf32, #tpu.memory_space<hbm>>
    %dma_wait3A_589 = tpu.memref_squeeze %dma_wait3A_588 : memref<1x512xf32, #tpu.memory_space<hbm>> -> memref<512xf32, #tpu.memory_space<hbm>>
    %dma_wait3A_590 = arith.constant 512 : i32
    %dma_wait3A_591 = tpu.memref_slice %arg5[%dma_wait3A_583, %dma_wait3A_590] : memref<32x1024xf32, #tpu.memory_space<vmem>> -> memref<1x512xf32, #tpu.memory_space<vmem>>
    %dma_wait3A_592 = tpu.memref_squeeze %dma_wait3A_591 : memref<1x512xf32, #tpu.memory_space<vmem>> -> memref<512xf32, #tpu.memory_space<vmem>>
    %dma_wait3A_593 = arith.constant 0 : i32
    %dma_wait3A_594 = tpu.memref_slice %arg2[%add3A, %dma_wait3A_593] : memref<32x512xf32, #tpu.memory_space<hbm>> -> memref<1x512xf32, #tpu.memory_space<hbm>>
    %dma_wait3A_595 = tpu.memref_squeeze %dma_wait3A_594 : memref<1x512xf32, #tpu.memory_space<hbm>> -> memref<512xf32, #tpu.memory_space<hbm>>
    tpu.wait_dma2 semaphore(%arg6 : memref<!tpu.dma_semaphore, #tpu.memory_space<semaphore_mem>>) src(%dma_wait3A_595 : memref<512xf32, #tpu.memory_space<hbm>>) dst(%dma_wait3A_592 : memref<512xf32, #tpu.memory_space<vmem>>)
    %dma_wait3A_596 = arith.constant 13 : i32
    %dma_wait3A_597 = arith.constant 512 : i32
    %dma_wait3A_598 = tpu.memref_slice %arg5[%dma_wait3A_596, %dma_wait3A_597] : memref<32x1024xf32, #tpu.memory_space<vmem>> -> memref<1x512xf32, #tpu.memory_space<vmem>>
    %dma_wait3A_599 = tpu.memref_squeeze %dma_wait3A_598 : memref<1x512xf32, #tpu.memory_space<vmem>> -> memref<512xf32, #tpu.memory_space<vmem>>
    %dma_wait3A_600 = arith.constant 0 : i32
    %dma_wait3A_601 = tpu.memref_slice %arg2[%add3A, %dma_wait3A_600] : memref<32x512xf32, #tpu.memory_space<hbm>> -> memref<1x512xf32, #tpu.memory_space<hbm>>
    %dma_wait3A_602 = tpu.memref_squeeze %dma_wait3A_601 : memref<1x512xf32, #tpu.memory_space<hbm>> -> memref<512xf32, #tpu.memory_space<hbm>>
    %dma_wait3A_603 = arith.constant 512 : i32
    %dma_wait3A_604 = tpu.memref_slice %arg5[%dma_wait3A_596, %dma_wait3A_603] : memref<32x1024xf32, #tpu.memory_space<vmem>> -> memref<1x512xf32, #tpu.memory_space<vmem>>
    %dma_wait3A_605 = tpu.memref_squeeze %dma_wait3A_604 : memref<1x512xf32, #tpu.memory_space<vmem>> -> memref<512xf32, #tpu.memory_space<vmem>>
    %dma_wait3A_606 = arith.constant 0 : i32
    %dma_wait3A_607 = tpu.memref_slice %arg2[%add3A, %dma_wait3A_606] : memref<32x512xf32, #tpu.memory_space<hbm>> -> memref<1x512xf32, #tpu.memory_space<hbm>>
    %dma_wait3A_608 = tpu.memref_squeeze %dma_wait3A_607 : memref<1x512xf32, #tpu.memory_space<hbm>> -> memref<512xf32, #tpu.memory_space<hbm>>
    tpu.wait_dma2 semaphore(%arg6 : memref<!tpu.dma_semaphore, #tpu.memory_space<semaphore_mem>>) src(%dma_wait3A_608 : memref<512xf32, #tpu.memory_space<hbm>>) dst(%dma_wait3A_605 : memref<512xf32, #tpu.memory_space<vmem>>)
    %dma_wait3A_609 = arith.constant 14 : i32
    %dma_wait3A_610 = arith.constant 512 : i32
    %dma_wait3A_611 = tpu.memref_slice %arg5[%dma_wait3A_609, %dma_wait3A_610] : memref<32x1024xf32, #tpu.memory_space<vmem>> -> memref<1x512xf32, #tpu.memory_space<vmem>>
    %dma_wait3A_612 = tpu.memref_squeeze %dma_wait3A_611 : memref<1x512xf32, #tpu.memory_space<vmem>> -> memref<512xf32, #tpu.memory_space<vmem>>
    %dma_wait3A_613 = arith.constant 0 : i32
    %dma_wait3A_614 = tpu.memref_slice %arg2[%add3A, %dma_wait3A_613] : memref<32x512xf32, #tpu.memory_space<hbm>> -> memref<1x512xf32, #tpu.memory_space<hbm>>
    %dma_wait3A_615 = tpu.memref_squeeze %dma_wait3A_614 : memref<1x512xf32, #tpu.memory_space<hbm>> -> memref<512xf32, #tpu.memory_space<hbm>>
    %dma_wait3A_616 = arith.constant 512 : i32
    %dma_wait3A_617 = tpu.memref_slice %arg5[%dma_wait3A_609, %dma_wait3A_616] : memref<32x1024xf32, #tpu.memory_space<vmem>> -> memref<1x512xf32, #tpu.memory_space<vmem>>
    %dma_wait3A_618 = tpu.memref_squeeze %dma_wait3A_617 : memref<1x512xf32, #tpu.memory_space<vmem>> -> memref<512xf32, #tpu.memory_space<vmem>>
    %dma_wait3A_619 = arith.constant 0 : i32
    %dma_wait3A_620 = tpu.memref_slice %arg2[%add3A, %dma_wait3A_619] : memref<32x512xf32, #tpu.memory_space<hbm>> -> memref<1x512xf32, #tpu.memory_space<hbm>>
    %dma_wait3A_621 = tpu.memref_squeeze %dma_wait3A_620 : memref<1x512xf32, #tpu.memory_space<hbm>> -> memref<512xf32, #tpu.memory_space<hbm>>
    tpu.wait_dma2 semaphore(%arg6 : memref<!tpu.dma_semaphore, #tpu.memory_space<semaphore_mem>>) src(%dma_wait3A_621 : memref<512xf32, #tpu.memory_space<hbm>>) dst(%dma_wait3A_618 : memref<512xf32, #tpu.memory_space<vmem>>)
    %dma_wait3A_622 = arith.constant 15 : i32
    %dma_wait3A_623 = arith.constant 512 : i32
    %dma_wait3A_624 = tpu.memref_slice %arg5[%dma_wait3A_622, %dma_wait3A_623] : memref<32x1024xf32, #tpu.memory_space<vmem>> -> memref<1x512xf32, #tpu.memory_space<vmem>>
    %dma_wait3A_625 = tpu.memref_squeeze %dma_wait3A_624 : memref<1x512xf32, #tpu.memory_space<vmem>> -> memref<512xf32, #tpu.memory_space<vmem>>
    %dma_wait3A_626 = arith.constant 0 : i32
    %dma_wait3A_627 = tpu.memref_slice %arg2[%add3A, %dma_wait3A_626] : memref<32x512xf32, #tpu.memory_space<hbm>> -> memref<1x512xf32, #tpu.memory_space<hbm>>
    %dma_wait3A_628 = tpu.memref_squeeze %dma_wait3A_627 : memref<1x512xf32, #tpu.memory_space<hbm>> -> memref<512xf32, #tpu.memory_space<hbm>>
    %dma_wait3A_629 = arith.constant 512 : i32
    %dma_wait3A_630 = tpu.memref_slice %arg5[%dma_wait3A_622, %dma_wait3A_629] : memref<32x1024xf32, #tpu.memory_space<vmem>> -> memref<1x512xf32, #tpu.memory_space<vmem>>
    %dma_wait3A_631 = tpu.memref_squeeze %dma_wait3A_630 : memref<1x512xf32, #tpu.memory_space<vmem>> -> memref<512xf32, #tpu.memory_space<vmem>>
    %dma_wait3A_632 = arith.constant 0 : i32
    %dma_wait3A_633 = tpu.memref_slice %arg2[%add3A, %dma_wait3A_632] : memref<32x512xf32, #tpu.memory_space<hbm>> -> memref<1x512xf32, #tpu.memory_space<hbm>>
    %dma_wait3A_634 = tpu.memref_squeeze %dma_wait3A_633 : memref<1x512xf32, #tpu.memory_space<hbm>> -> memref<512xf32, #tpu.memory_space<hbm>>
    tpu.wait_dma2 semaphore(%arg6 : memref<!tpu.dma_semaphore, #tpu.memory_space<semaphore_mem>>) src(%dma_wait3A_634 : memref<512xf32, #tpu.memory_space<hbm>>) dst(%dma_wait3A_631 : memref<512xf32, #tpu.memory_space<vmem>>)
    %dma_wait3A_635 = arith.constant 16 : i32
    %dma_wait3A_636 = arith.constant 512 : i32
    %dma_wait3A_637 = tpu.memref_slice %arg5[%dma_wait3A_635, %dma_wait3A_636] : memref<32x1024xf32, #tpu.memory_space<vmem>> -> memref<1x512xf32, #tpu.memory_space<vmem>>
    %dma_wait3A_638 = tpu.memref_squeeze %dma_wait3A_637 : memref<1x512xf32, #tpu.memory_space<vmem>> -> memref<512xf32, #tpu.memory_space<vmem>>
    %dma_wait3A_639 = arith.constant 0 : i32
    %dma_wait3A_640 = tpu.memref_slice %arg2[%add3A, %dma_wait3A_639] : memref<32x512xf32, #tpu.memory_space<hbm>> -> memref<1x512xf32, #tpu.memory_space<hbm>>
    %dma_wait3A_641 = tpu.memref_squeeze %dma_wait3A_640 : memref<1x512xf32, #tpu.memory_space<hbm>> -> memref<512xf32, #tpu.memory_space<hbm>>
    %dma_wait3A_642 = arith.constant 512 : i32
    %dma_wait3A_643 = tpu.memref_slice %arg5[%dma_wait3A_635, %dma_wait3A_642] : memref<32x1024xf32, #tpu.memory_space<vmem>> -> memref<1x512xf32, #tpu.memory_space<vmem>>
    %dma_wait3A_644 = tpu.memref_squeeze %dma_wait3A_643 : memref<1x512xf32, #tpu.memory_space<vmem>> -> memref<512xf32, #tpu.memory_space<vmem>>
    %dma_wait3A_645 = arith.constant 0 : i32
    %dma_wait3A_646 = tpu.memref_slice %arg2[%add3A, %dma_wait3A_645] : memref<32x512xf32, #tpu.memory_space<hbm>> -> memref<1x512xf32, #tpu.memory_space<hbm>>
    %dma_wait3A_647 = tpu.memref_squeeze %dma_wait3A_646 : memref<1x512xf32, #tpu.memory_space<hbm>> -> memref<512xf32, #tpu.memory_space<hbm>>
    tpu.wait_dma2 semaphore(%arg6 : memref<!tpu.dma_semaphore, #tpu.memory_space<semaphore_mem>>) src(%dma_wait3A_647 : memref<512xf32, #tpu.memory_space<hbm>>) dst(%dma_wait3A_644 : memref<512xf32, #tpu.memory_space<vmem>>)
    %dma_wait3A_648 = arith.constant 17 : i32
    %dma_wait3A_649 = arith.constant 512 : i32
    %dma_wait3A_650 = tpu.memref_slice %arg5[%dma_wait3A_648, %dma_wait3A_649] : memref<32x1024xf32, #tpu.memory_space<vmem>> -> memref<1x512xf32, #tpu.memory_space<vmem>>
    %dma_wait3A_651 = tpu.memref_squeeze %dma_wait3A_650 : memref<1x512xf32, #tpu.memory_space<vmem>> -> memref<512xf32, #tpu.memory_space<vmem>>
    %dma_wait3A_652 = arith.constant 0 : i32
    %dma_wait3A_653 = tpu.memref_slice %arg2[%add3A, %dma_wait3A_652] : memref<32x512xf32, #tpu.memory_space<hbm>> -> memref<1x512xf32, #tpu.memory_space<hbm>>
    %dma_wait3A_654 = tpu.memref_squeeze %dma_wait3A_653 : memref<1x512xf32, #tpu.memory_space<hbm>> -> memref<512xf32, #tpu.memory_space<hbm>>
    %dma_wait3A_655 = arith.constant 512 : i32
    %dma_wait3A_656 = tpu.memref_slice %arg5[%dma_wait3A_648, %dma_wait3A_655] : memref<32x1024xf32, #tpu.memory_space<vmem>> -> memref<1x512xf32, #tpu.memory_space<vmem>>
    %dma_wait3A_657 = tpu.memref_squeeze %dma_wait3A_656 : memref<1x512xf32, #tpu.memory_space<vmem>> -> memref<512xf32, #tpu.memory_space<vmem>>
    %dma_wait3A_658 = arith.constant 0 : i32
    %dma_wait3A_659 = tpu.memref_slice %arg2[%add3A, %dma_wait3A_658] : memref<32x512xf32, #tpu.memory_space<hbm>> -> memref<1x512xf32, #tpu.memory_space<hbm>>
    %dma_wait3A_660 = tpu.memref_squeeze %dma_wait3A_659 : memref<1x512xf32, #tpu.memory_space<hbm>> -> memref<512xf32, #tpu.memory_space<hbm>>
    tpu.wait_dma2 semaphore(%arg6 : memref<!tpu.dma_semaphore, #tpu.memory_space<semaphore_mem>>) src(%dma_wait3A_660 : memref<512xf32, #tpu.memory_space<hbm>>) dst(%dma_wait3A_657 : memref<512xf32, #tpu.memory_space<vmem>>)
    %dma_wait3A_661 = arith.constant 18 : i32
    %dma_wait3A_662 = arith.constant 512 : i32
    %dma_wait3A_663 = tpu.memref_slice %arg5[%dma_wait3A_661, %dma_wait3A_662] : memref<32x1024xf32, #tpu.memory_space<vmem>> -> memref<1x512xf32, #tpu.memory_space<vmem>>
    %dma_wait3A_664 = tpu.memref_squeeze %dma_wait3A_663 : memref<1x512xf32, #tpu.memory_space<vmem>> -> memref<512xf32, #tpu.memory_space<vmem>>
    %dma_wait3A_665 = arith.constant 0 : i32
    %dma_wait3A_666 = tpu.memref_slice %arg2[%add3A, %dma_wait3A_665] : memref<32x512xf32, #tpu.memory_space<hbm>> -> memref<1x512xf32, #tpu.memory_space<hbm>>
    %dma_wait3A_667 = tpu.memref_squeeze %dma_wait3A_666 : memref<1x512xf32, #tpu.memory_space<hbm>> -> memref<512xf32, #tpu.memory_space<hbm>>
    %dma_wait3A_668 = arith.constant 512 : i32
    %dma_wait3A_669 = tpu.memref_slice %arg5[%dma_wait3A_661, %dma_wait3A_668] : memref<32x1024xf32, #tpu.memory_space<vmem>> -> memref<1x512xf32, #tpu.memory_space<vmem>>
    %dma_wait3A_670 = tpu.memref_squeeze %dma_wait3A_669 : memref<1x512xf32, #tpu.memory_space<vmem>> -> memref<512xf32, #tpu.memory_space<vmem>>
    %dma_wait3A_671 = arith.constant 0 : i32
    %dma_wait3A_672 = tpu.memref_slice %arg2[%add3A, %dma_wait3A_671] : memref<32x512xf32, #tpu.memory_space<hbm>> -> memref<1x512xf32, #tpu.memory_space<hbm>>
    %dma_wait3A_673 = tpu.memref_squeeze %dma_wait3A_672 : memref<1x512xf32, #tpu.memory_space<hbm>> -> memref<512xf32, #tpu.memory_space<hbm>>
    tpu.wait_dma2 semaphore(%arg6 : memref<!tpu.dma_semaphore, #tpu.memory_space<semaphore_mem>>) src(%dma_wait3A_673 : memref<512xf32, #tpu.memory_space<hbm>>) dst(%dma_wait3A_670 : memref<512xf32, #tpu.memory_space<vmem>>)
    %dma_wait3A_674 = arith.constant 19 : i32
    %dma_wait3A_675 = arith.constant 512 : i32
    %dma_wait3A_676 = tpu.memref_slice %arg5[%dma_wait3A_674, %dma_wait3A_675] : memref<32x1024xf32, #tpu.memory_space<vmem>> -> memref<1x512xf32, #tpu.memory_space<vmem>>
    %dma_wait3A_677 = tpu.memref_squeeze %dma_wait3A_676 : memref<1x512xf32, #tpu.memory_space<vmem>> -> memref<512xf32, #tpu.memory_space<vmem>>
    %dma_wait3A_678 = arith.constant 0 : i32
    %dma_wait3A_679 = tpu.memref_slice %arg2[%add3A, %dma_wait3A_678] : memref<32x512xf32, #tpu.memory_space<hbm>> -> memref<1x512xf32, #tpu.memory_space<hbm>>
    %dma_wait3A_680 = tpu.memref_squeeze %dma_wait3A_679 : memref<1x512xf32, #tpu.memory_space<hbm>> -> memref<512xf32, #tpu.memory_space<hbm>>
    %dma_wait3A_681 = arith.constant 512 : i32
    %dma_wait3A_682 = tpu.memref_slice %arg5[%dma_wait3A_674, %dma_wait3A_681] : memref<32x1024xf32, #tpu.memory_space<vmem>> -> memref<1x512xf32, #tpu.memory_space<vmem>>
    %dma_wait3A_683 = tpu.memref_squeeze %dma_wait3A_682 : memref<1x512xf32, #tpu.memory_space<vmem>> -> memref<512xf32, #tpu.memory_space<vmem>>
    %dma_wait3A_684 = arith.constant 0 : i32
    %dma_wait3A_685 = tpu.memref_slice %arg2[%add3A, %dma_wait3A_684] : memref<32x512xf32, #tpu.memory_space<hbm>> -> memref<1x512xf32, #tpu.memory_space<hbm>>
    %dma_wait3A_686 = tpu.memref_squeeze %dma_wait3A_685 : memref<1x512xf32, #tpu.memory_space<hbm>> -> memref<512xf32, #tpu.memory_space<hbm>>
    tpu.wait_dma2 semaphore(%arg6 : memref<!tpu.dma_semaphore, #tpu.memory_space<semaphore_mem>>) src(%dma_wait3A_686 : memref<512xf32, #tpu.memory_space<hbm>>) dst(%dma_wait3A_683 : memref<512xf32, #tpu.memory_space<vmem>>)
    %dma_wait3A_687 = arith.constant 20 : i32
    %dma_wait3A_688 = arith.constant 512 : i32
    %dma_wait3A_689 = tpu.memref_slice %arg5[%dma_wait3A_687, %dma_wait3A_688] : memref<32x1024xf32, #tpu.memory_space<vmem>> -> memref<1x512xf32, #tpu.memory_space<vmem>>
    %dma_wait3A_690 = tpu.memref_squeeze %dma_wait3A_689 : memref<1x512xf32, #tpu.memory_space<vmem>> -> memref<512xf32, #tpu.memory_space<vmem>>
    %dma_wait3A_691 = arith.constant 0 : i32
    %dma_wait3A_692 = tpu.memref_slice %arg2[%add3A, %dma_wait3A_691] : memref<32x512xf32, #tpu.memory_space<hbm>> -> memref<1x512xf32, #tpu.memory_space<hbm>>
    %dma_wait3A_693 = tpu.memref_squeeze %dma_wait3A_692 : memref<1x512xf32, #tpu.memory_space<hbm>> -> memref<512xf32, #tpu.memory_space<hbm>>
    %dma_wait3A_694 = arith.constant 512 : i32
    %dma_wait3A_695 = tpu.memref_slice %arg5[%dma_wait3A_687, %dma_wait3A_694] : memref<32x1024xf32, #tpu.memory_space<vmem>> -> memref<1x512xf32, #tpu.memory_space<vmem>>
    %dma_wait3A_696 = tpu.memref_squeeze %dma_wait3A_695 : memref<1x512xf32, #tpu.memory_space<vmem>> -> memref<512xf32, #tpu.memory_space<vmem>>
    %dma_wait3A_697 = arith.constant 0 : i32
    %dma_wait3A_698 = tpu.memref_slice %arg2[%add3A, %dma_wait3A_697] : memref<32x512xf32, #tpu.memory_space<hbm>> -> memref<1x512xf32, #tpu.memory_space<hbm>>
    %dma_wait3A_699 = tpu.memref_squeeze %dma_wait3A_698 : memref<1x512xf32, #tpu.memory_space<hbm>> -> memref<512xf32, #tpu.memory_space<hbm>>
    tpu.wait_dma2 semaphore(%arg6 : memref<!tpu.dma_semaphore, #tpu.memory_space<semaphore_mem>>) src(%dma_wait3A_699 : memref<512xf32, #tpu.memory_space<hbm>>) dst(%dma_wait3A_696 : memref<512xf32, #tpu.memory_space<vmem>>)
    %dma_wait3A_700 = arith.constant 21 : i32
    %dma_wait3A_701 = arith.constant 512 : i32
    %dma_wait3A_702 = tpu.memref_slice %arg5[%dma_wait3A_700, %dma_wait3A_701] : memref<32x1024xf32, #tpu.memory_space<vmem>> -> memref<1x512xf32, #tpu.memory_space<vmem>>
    %dma_wait3A_703 = tpu.memref_squeeze %dma_wait3A_702 : memref<1x512xf32, #tpu.memory_space<vmem>> -> memref<512xf32, #tpu.memory_space<vmem>>
    %dma_wait3A_704 = arith.constant 0 : i32
    %dma_wait3A_705 = tpu.memref_slice %arg2[%add3A, %dma_wait3A_704] : memref<32x512xf32, #tpu.memory_space<hbm>> -> memref<1x512xf32, #tpu.memory_space<hbm>>
    %dma_wait3A_706 = tpu.memref_squeeze %dma_wait3A_705 : memref<1x512xf32, #tpu.memory_space<hbm>> -> memref<512xf32, #tpu.memory_space<hbm>>
    %dma_wait3A_707 = arith.constant 512 : i32
    %dma_wait3A_708 = tpu.memref_slice %arg5[%dma_wait3A_700, %dma_wait3A_707] : memref<32x1024xf32, #tpu.memory_space<vmem>> -> memref<1x512xf32, #tpu.memory_space<vmem>>
    %dma_wait3A_709 = tpu.memref_squeeze %dma_wait3A_708 : memref<1x512xf32, #tpu.memory_space<vmem>> -> memref<512xf32, #tpu.memory_space<vmem>>
    %dma_wait3A_710 = arith.constant 0 : i32
    %dma_wait3A_711 = tpu.memref_slice %arg2[%add3A, %dma_wait3A_710] : memref<32x512xf32, #tpu.memory_space<hbm>> -> memref<1x512xf32, #tpu.memory_space<hbm>>
    %dma_wait3A_712 = tpu.memref_squeeze %dma_wait3A_711 : memref<1x512xf32, #tpu.memory_space<hbm>> -> memref<512xf32, #tpu.memory_space<hbm>>
    tpu.wait_dma2 semaphore(%arg6 : memref<!tpu.dma_semaphore, #tpu.memory_space<semaphore_mem>>) src(%dma_wait3A_712 : memref<512xf32, #tpu.memory_space<hbm>>) dst(%dma_wait3A_709 : memref<512xf32, #tpu.memory_space<vmem>>)
    %dma_wait3A_713 = arith.constant 22 : i32
    %dma_wait3A_714 = arith.constant 512 : i32
    %dma_wait3A_715 = tpu.memref_slice %arg5[%dma_wait3A_713, %dma_wait3A_714] : memref<32x1024xf32, #tpu.memory_space<vmem>> -> memref<1x512xf32, #tpu.memory_space<vmem>>
    %dma_wait3A_716 = tpu.memref_squeeze %dma_wait3A_715 : memref<1x512xf32, #tpu.memory_space<vmem>> -> memref<512xf32, #tpu.memory_space<vmem>>
    %dma_wait3A_717 = arith.constant 0 : i32
    %dma_wait3A_718 = tpu.memref_slice %arg2[%add3A, %dma_wait3A_717] : memref<32x512xf32, #tpu.memory_space<hbm>> -> memref<1x512xf32, #tpu.memory_space<hbm>>
    %dma_wait3A_719 = tpu.memref_squeeze %dma_wait3A_718 : memref<1x512xf32, #tpu.memory_space<hbm>> -> memref<512xf32, #tpu.memory_space<hbm>>
    %dma_wait3A_720 = arith.constant 512 : i32
    %dma_wait3A_721 = tpu.memref_slice %arg5[%dma_wait3A_713, %dma_wait3A_720] : memref<32x1024xf32, #tpu.memory_space<vmem>> -> memref<1x512xf32, #tpu.memory_space<vmem>>
    %dma_wait3A_722 = tpu.memref_squeeze %dma_wait3A_721 : memref<1x512xf32, #tpu.memory_space<vmem>> -> memref<512xf32, #tpu.memory_space<vmem>>
    %dma_wait3A_723 = arith.constant 0 : i32
    %dma_wait3A_724 = tpu.memref_slice %arg2[%add3A, %dma_wait3A_723] : memref<32x512xf32, #tpu.memory_space<hbm>> -> memref<1x512xf32, #tpu.memory_space<hbm>>
    %dma_wait3A_725 = tpu.memref_squeeze %dma_wait3A_724 : memref<1x512xf32, #tpu.memory_space<hbm>> -> memref<512xf32, #tpu.memory_space<hbm>>
    tpu.wait_dma2 semaphore(%arg6 : memref<!tpu.dma_semaphore, #tpu.memory_space<semaphore_mem>>) src(%dma_wait3A_725 : memref<512xf32, #tpu.memory_space<hbm>>) dst(%dma_wait3A_722 : memref<512xf32, #tpu.memory_space<vmem>>)
    %dma_wait3A_726 = arith.constant 23 : i32
    %dma_wait3A_727 = arith.constant 512 : i32
    %dma_wait3A_728 = tpu.memref_slice %arg5[%dma_wait3A_726, %dma_wait3A_727] : memref<32x1024xf32, #tpu.memory_space<vmem>> -> memref<1x512xf32, #tpu.memory_space<vmem>>
    %dma_wait3A_729 = tpu.memref_squeeze %dma_wait3A_728 : memref<1x512xf32, #tpu.memory_space<vmem>> -> memref<512xf32, #tpu.memory_space<vmem>>
    %dma_wait3A_730 = arith.constant 0 : i32
    %dma_wait3A_731 = tpu.memref_slice %arg2[%add3A, %dma_wait3A_730] : memref<32x512xf32, #tpu.memory_space<hbm>> -> memref<1x512xf32, #tpu.memory_space<hbm>>
    %dma_wait3A_732 = tpu.memref_squeeze %dma_wait3A_731 : memref<1x512xf32, #tpu.memory_space<hbm>> -> memref<512xf32, #tpu.memory_space<hbm>>
    %dma_wait3A_733 = arith.constant 512 : i32
    %dma_wait3A_734 = tpu.memref_slice %arg5[%dma_wait3A_726, %dma_wait3A_733] : memref<32x1024xf32, #tpu.memory_space<vmem>> -> memref<1x512xf32, #tpu.memory_space<vmem>>
    %dma_wait3A_735 = tpu.memref_squeeze %dma_wait3A_734 : memref<1x512xf32, #tpu.memory_space<vmem>> -> memref<512xf32, #tpu.memory_space<vmem>>
    %dma_wait3A_736 = arith.constant 0 : i32
    %dma_wait3A_737 = tpu.memref_slice %arg2[%add3A, %dma_wait3A_736] : memref<32x512xf32, #tpu.memory_space<hbm>> -> memref<1x512xf32, #tpu.memory_space<hbm>>
    %dma_wait3A_738 = tpu.memref_squeeze %dma_wait3A_737 : memref<1x512xf32, #tpu.memory_space<hbm>> -> memref<512xf32, #tpu.memory_space<hbm>>
    tpu.wait_dma2 semaphore(%arg6 : memref<!tpu.dma_semaphore, #tpu.memory_space<semaphore_mem>>) src(%dma_wait3A_738 : memref<512xf32, #tpu.memory_space<hbm>>) dst(%dma_wait3A_735 : memref<512xf32, #tpu.memory_space<vmem>>)
    %dma_wait3A_739 = arith.constant 24 : i32
    %dma_wait3A_740 = arith.constant 512 : i32
    %dma_wait3A_741 = tpu.memref_slice %arg5[%dma_wait3A_739, %dma_wait3A_740] : memref<32x1024xf32, #tpu.memory_space<vmem>> -> memref<1x512xf32, #tpu.memory_space<vmem>>
    %dma_wait3A_742 = tpu.memref_squeeze %dma_wait3A_741 : memref<1x512xf32, #tpu.memory_space<vmem>> -> memref<512xf32, #tpu.memory_space<vmem>>
    %dma_wait3A_743 = arith.constant 0 : i32
    %dma_wait3A_744 = tpu.memref_slice %arg2[%add3A, %dma_wait3A_743] : memref<32x512xf32, #tpu.memory_space<hbm>> -> memref<1x512xf32, #tpu.memory_space<hbm>>
    %dma_wait3A_745 = tpu.memref_squeeze %dma_wait3A_744 : memref<1x512xf32, #tpu.memory_space<hbm>> -> memref<512xf32, #tpu.memory_space<hbm>>
    %dma_wait3A_746 = arith.constant 512 : i32
    %dma_wait3A_747 = tpu.memref_slice %arg5[%dma_wait3A_739, %dma_wait3A_746] : memref<32x1024xf32, #tpu.memory_space<vmem>> -> memref<1x512xf32, #tpu.memory_space<vmem>>
    %dma_wait3A_748 = tpu.memref_squeeze %dma_wait3A_747 : memref<1x512xf32, #tpu.memory_space<vmem>> -> memref<512xf32, #tpu.memory_space<vmem>>
    %dma_wait3A_749 = arith.constant 0 : i32
    %dma_wait3A_750 = tpu.memref_slice %arg2[%add3A, %dma_wait3A_749] : memref<32x512xf32, #tpu.memory_space<hbm>> -> memref<1x512xf32, #tpu.memory_space<hbm>>
    %dma_wait3A_751 = tpu.memref_squeeze %dma_wait3A_750 : memref<1x512xf32, #tpu.memory_space<hbm>> -> memref<512xf32, #tpu.memory_space<hbm>>
    tpu.wait_dma2 semaphore(%arg6 : memref<!tpu.dma_semaphore, #tpu.memory_space<semaphore_mem>>) src(%dma_wait3A_751 : memref<512xf32, #tpu.memory_space<hbm>>) dst(%dma_wait3A_748 : memref<512xf32, #tpu.memory_space<vmem>>)
    %dma_wait3A_752 = arith.constant 25 : i32
    %dma_wait3A_753 = arith.constant 512 : i32
    %dma_wait3A_754 = tpu.memref_slice %arg5[%dma_wait3A_752, %dma_wait3A_753] : memref<32x1024xf32, #tpu.memory_space<vmem>> -> memref<1x512xf32, #tpu.memory_space<vmem>>
    %dma_wait3A_755 = tpu.memref_squeeze %dma_wait3A_754 : memref<1x512xf32, #tpu.memory_space<vmem>> -> memref<512xf32, #tpu.memory_space<vmem>>
    %dma_wait3A_756 = arith.constant 0 : i32
    %dma_wait3A_757 = tpu.memref_slice %arg2[%add3A, %dma_wait3A_756] : memref<32x512xf32, #tpu.memory_space<hbm>> -> memref<1x512xf32, #tpu.memory_space<hbm>>
    %dma_wait3A_758 = tpu.memref_squeeze %dma_wait3A_757 : memref<1x512xf32, #tpu.memory_space<hbm>> -> memref<512xf32, #tpu.memory_space<hbm>>
    %dma_wait3A_759 = arith.constant 512 : i32
    %dma_wait3A_760 = tpu.memref_slice %arg5[%dma_wait3A_752, %dma_wait3A_759] : memref<32x1024xf32, #tpu.memory_space<vmem>> -> memref<1x512xf32, #tpu.memory_space<vmem>>
    %dma_wait3A_761 = tpu.memref_squeeze %dma_wait3A_760 : memref<1x512xf32, #tpu.memory_space<vmem>> -> memref<512xf32, #tpu.memory_space<vmem>>
    %dma_wait3A_762 = arith.constant 0 : i32
    %dma_wait3A_763 = tpu.memref_slice %arg2[%add3A, %dma_wait3A_762] : memref<32x512xf32, #tpu.memory_space<hbm>> -> memref<1x512xf32, #tpu.memory_space<hbm>>
    %dma_wait3A_764 = tpu.memref_squeeze %dma_wait3A_763 : memref<1x512xf32, #tpu.memory_space<hbm>> -> memref<512xf32, #tpu.memory_space<hbm>>
    tpu.wait_dma2 semaphore(%arg6 : memref<!tpu.dma_semaphore, #tpu.memory_space<semaphore_mem>>) src(%dma_wait3A_764 : memref<512xf32, #tpu.memory_space<hbm>>) dst(%dma_wait3A_761 : memref<512xf32, #tpu.memory_space<vmem>>)
    %dma_wait3A_765 = arith.constant 26 : i32
    %dma_wait3A_766 = arith.constant 512 : i32
    %dma_wait3A_767 = tpu.memref_slice %arg5[%dma_wait3A_765, %dma_wait3A_766] : memref<32x1024xf32, #tpu.memory_space<vmem>> -> memref<1x512xf32, #tpu.memory_space<vmem>>
    %dma_wait3A_768 = tpu.memref_squeeze %dma_wait3A_767 : memref<1x512xf32, #tpu.memory_space<vmem>> -> memref<512xf32, #tpu.memory_space<vmem>>
    %dma_wait3A_769 = arith.constant 0 : i32
    %dma_wait3A_770 = tpu.memref_slice %arg2[%add3A, %dma_wait3A_769] : memref<32x512xf32, #tpu.memory_space<hbm>> -> memref<1x512xf32, #tpu.memory_space<hbm>>
    %dma_wait3A_771 = tpu.memref_squeeze %dma_wait3A_770 : memref<1x512xf32, #tpu.memory_space<hbm>> -> memref<512xf32, #tpu.memory_space<hbm>>
    %dma_wait3A_772 = arith.constant 512 : i32
    %dma_wait3A_773 = tpu.memref_slice %arg5[%dma_wait3A_765, %dma_wait3A_772] : memref<32x1024xf32, #tpu.memory_space<vmem>> -> memref<1x512xf32, #tpu.memory_space<vmem>>
    %dma_wait3A_774 = tpu.memref_squeeze %dma_wait3A_773 : memref<1x512xf32, #tpu.memory_space<vmem>> -> memref<512xf32, #tpu.memory_space<vmem>>
    %dma_wait3A_775 = arith.constant 0 : i32
    %dma_wait3A_776 = tpu.memref_slice %arg2[%add3A, %dma_wait3A_775] : memref<32x512xf32, #tpu.memory_space<hbm>> -> memref<1x512xf32, #tpu.memory_space<hbm>>
    %dma_wait3A_777 = tpu.memref_squeeze %dma_wait3A_776 : memref<1x512xf32, #tpu.memory_space<hbm>> -> memref<512xf32, #tpu.memory_space<hbm>>
    tpu.wait_dma2 semaphore(%arg6 : memref<!tpu.dma_semaphore, #tpu.memory_space<semaphore_mem>>) src(%dma_wait3A_777 : memref<512xf32, #tpu.memory_space<hbm>>) dst(%dma_wait3A_774 : memref<512xf32, #tpu.memory_space<vmem>>)
    %dma_wait3A_778 = arith.constant 27 : i32
    %dma_wait3A_779 = arith.constant 512 : i32
    %dma_wait3A_780 = tpu.memref_slice %arg5[%dma_wait3A_778, %dma_wait3A_779] : memref<32x1024xf32, #tpu.memory_space<vmem>> -> memref<1x512xf32, #tpu.memory_space<vmem>>
    %dma_wait3A_781 = tpu.memref_squeeze %dma_wait3A_780 : memref<1x512xf32, #tpu.memory_space<vmem>> -> memref<512xf32, #tpu.memory_space<vmem>>
    %dma_wait3A_782 = arith.constant 0 : i32
    %dma_wait3A_783 = tpu.memref_slice %arg2[%add3A, %dma_wait3A_782] : memref<32x512xf32, #tpu.memory_space<hbm>> -> memref<1x512xf32, #tpu.memory_space<hbm>>
    %dma_wait3A_784 = tpu.memref_squeeze %dma_wait3A_783 : memref<1x512xf32, #tpu.memory_space<hbm>> -> memref<512xf32, #tpu.memory_space<hbm>>
    %dma_wait3A_785 = arith.constant 512 : i32
    %dma_wait3A_786 = tpu.memref_slice %arg5[%dma_wait3A_778, %dma_wait3A_785] : memref<32x1024xf32, #tpu.memory_space<vmem>> -> memref<1x512xf32, #tpu.memory_space<vmem>>
    %dma_wait3A_787 = tpu.memref_squeeze %dma_wait3A_786 : memref<1x512xf32, #tpu.memory_space<vmem>> -> memref<512xf32, #tpu.memory_space<vmem>>
    %dma_wait3A_788 = arith.constant 0 : i32
    %dma_wait3A_789 = tpu.memref_slice %arg2[%add3A, %dma_wait3A_788] : memref<32x512xf32, #tpu.memory_space<hbm>> -> memref<1x512xf32, #tpu.memory_space<hbm>>
    %dma_wait3A_790 = tpu.memref_squeeze %dma_wait3A_789 : memref<1x512xf32, #tpu.memory_space<hbm>> -> memref<512xf32, #tpu.memory_space<hbm>>
    tpu.wait_dma2 semaphore(%arg6 : memref<!tpu.dma_semaphore, #tpu.memory_space<semaphore_mem>>) src(%dma_wait3A_790 : memref<512xf32, #tpu.memory_space<hbm>>) dst(%dma_wait3A_787 : memref<512xf32, #tpu.memory_space<vmem>>)
    %dma_wait3A_791 = arith.constant 28 : i32
    %dma_wait3A_792 = arith.constant 512 : i32
    %dma_wait3A_793 = tpu.memref_slice %arg5[%dma_wait3A_791, %dma_wait3A_792] : memref<32x1024xf32, #tpu.memory_space<vmem>> -> memref<1x512xf32, #tpu.memory_space<vmem>>
    %dma_wait3A_794 = tpu.memref_squeeze %dma_wait3A_793 : memref<1x512xf32, #tpu.memory_space<vmem>> -> memref<512xf32, #tpu.memory_space<vmem>>
    %dma_wait3A_795 = arith.constant 0 : i32
    %dma_wait3A_796 = tpu.memref_slice %arg2[%add3A, %dma_wait3A_795] : memref<32x512xf32, #tpu.memory_space<hbm>> -> memref<1x512xf32, #tpu.memory_space<hbm>>
    %dma_wait3A_797 = tpu.memref_squeeze %dma_wait3A_796 : memref<1x512xf32, #tpu.memory_space<hbm>> -> memref<512xf32, #tpu.memory_space<hbm>>
    %dma_wait3A_798 = arith.constant 512 : i32
    %dma_wait3A_799 = tpu.memref_slice %arg5[%dma_wait3A_791, %dma_wait3A_798] : memref<32x1024xf32, #tpu.memory_space<vmem>> -> memref<1x512xf32, #tpu.memory_space<vmem>>
    %dma_wait3A_800 = tpu.memref_squeeze %dma_wait3A_799 : memref<1x512xf32, #tpu.memory_space<vmem>> -> memref<512xf32, #tpu.memory_space<vmem>>
    %dma_wait3A_801 = arith.constant 0 : i32
    %dma_wait3A_802 = tpu.memref_slice %arg2[%add3A, %dma_wait3A_801] : memref<32x512xf32, #tpu.memory_space<hbm>> -> memref<1x512xf32, #tpu.memory_space<hbm>>
    %dma_wait3A_803 = tpu.memref_squeeze %dma_wait3A_802 : memref<1x512xf32, #tpu.memory_space<hbm>> -> memref<512xf32, #tpu.memory_space<hbm>>
    tpu.wait_dma2 semaphore(%arg6 : memref<!tpu.dma_semaphore, #tpu.memory_space<semaphore_mem>>) src(%dma_wait3A_803 : memref<512xf32, #tpu.memory_space<hbm>>) dst(%dma_wait3A_800 : memref<512xf32, #tpu.memory_space<vmem>>)
    %dma_wait3A_804 = arith.constant 29 : i32
    %dma_wait3A_805 = arith.constant 512 : i32
    %dma_wait3A_806 = tpu.memref_slice %arg5[%dma_wait3A_804, %dma_wait3A_805] : memref<32x1024xf32, #tpu.memory_space<vmem>> -> memref<1x512xf32, #tpu.memory_space<vmem>>
    %dma_wait3A_807 = tpu.memref_squeeze %dma_wait3A_806 : memref<1x512xf32, #tpu.memory_space<vmem>> -> memref<512xf32, #tpu.memory_space<vmem>>
    %dma_wait3A_808 = arith.constant 0 : i32
    %dma_wait3A_809 = tpu.memref_slice %arg2[%add3A, %dma_wait3A_808] : memref<32x512xf32, #tpu.memory_space<hbm>> -> memref<1x512xf32, #tpu.memory_space<hbm>>
    %dma_wait3A_810 = tpu.memref_squeeze %dma_wait3A_809 : memref<1x512xf32, #tpu.memory_space<hbm>> -> memref<512xf32, #tpu.memory_space<hbm>>
    %dma_wait3A_811 = arith.constant 512 : i32
    %dma_wait3A_812 = tpu.memref_slice %arg5[%dma_wait3A_804, %dma_wait3A_811] : memref<32x1024xf32, #tpu.memory_space<vmem>> -> memref<1x512xf32, #tpu.memory_space<vmem>>
    %dma_wait3A_813 = tpu.memref_squeeze %dma_wait3A_812 : memref<1x512xf32, #tpu.memory_space<vmem>> -> memref<512xf32, #tpu.memory_space<vmem>>
    %dma_wait3A_814 = arith.constant 0 : i32
    %dma_wait3A_815 = tpu.memref_slice %arg2[%add3A, %dma_wait3A_814] : memref<32x512xf32, #tpu.memory_space<hbm>> -> memref<1x512xf32, #tpu.memory_space<hbm>>
    %dma_wait3A_816 = tpu.memref_squeeze %dma_wait3A_815 : memref<1x512xf32, #tpu.memory_space<hbm>> -> memref<512xf32, #tpu.memory_space<hbm>>
    tpu.wait_dma2 semaphore(%arg6 : memref<!tpu.dma_semaphore, #tpu.memory_space<semaphore_mem>>) src(%dma_wait3A_816 : memref<512xf32, #tpu.memory_space<hbm>>) dst(%dma_wait3A_813 : memref<512xf32, #tpu.memory_space<vmem>>)
    %dma_wait3A_817 = arith.constant 30 : i32
    %dma_wait3A_818 = arith.constant 512 : i32
    %dma_wait3A_819 = tpu.memref_slice %arg5[%dma_wait3A_817, %dma_wait3A_818] : memref<32x1024xf32, #tpu.memory_space<vmem>> -> memref<1x512xf32, #tpu.memory_space<vmem>>
    %dma_wait3A_820 = tpu.memref_squeeze %dma_wait3A_819 : memref<1x512xf32, #tpu.memory_space<vmem>> -> memref<512xf32, #tpu.memory_space<vmem>>
    %dma_wait3A_821 = arith.constant 0 : i32
    %dma_wait3A_822 = tpu.memref_slice %arg2[%add3A, %dma_wait3A_821] : memref<32x512xf32, #tpu.memory_space<hbm>> -> memref<1x512xf32, #tpu.memory_space<hbm>>
    %dma_wait3A_823 = tpu.memref_squeeze %dma_wait3A_822 : memref<1x512xf32, #tpu.memory_space<hbm>> -> memref<512xf32, #tpu.memory_space<hbm>>
    %dma_wait3A_824 = arith.constant 512 : i32
    %dma_wait3A_825 = tpu.memref_slice %arg5[%dma_wait3A_817, %dma_wait3A_824] : memref<32x1024xf32, #tpu.memory_space<vmem>> -> memref<1x512xf32, #tpu.memory_space<vmem>>
    %dma_wait3A_826 = tpu.memref_squeeze %dma_wait3A_825 : memref<1x512xf32, #tpu.memory_space<vmem>> -> memref<512xf32, #tpu.memory_space<vmem>>
    %dma_wait3A_827 = arith.constant 0 : i32
    %dma_wait3A_828 = tpu.memref_slice %arg2[%add3A, %dma_wait3A_827] : memref<32x512xf32, #tpu.memory_space<hbm>> -> memref<1x512xf32, #tpu.memory_space<hbm>>
    %dma_wait3A_829 = tpu.memref_squeeze %dma_wait3A_828 : memref<1x512xf32, #tpu.memory_space<hbm>> -> memref<512xf32, #tpu.memory_space<hbm>>
    tpu.wait_dma2 semaphore(%arg6 : memref<!tpu.dma_semaphore, #tpu.memory_space<semaphore_mem>>) src(%dma_wait3A_829 : memref<512xf32, #tpu.memory_space<hbm>>) dst(%dma_wait3A_826 : memref<512xf32, #tpu.memory_space<vmem>>)
    %dma_wait3A_830 = arith.constant 31 : i32
    %dma_wait3A_831 = arith.constant 512 : i32
    %dma_wait3A_832 = tpu.memref_slice %arg5[%dma_wait3A_830, %dma_wait3A_831] : memref<32x1024xf32, #tpu.memory_space<vmem>> -> memref<1x512xf32, #tpu.memory_space<vmem>>
    %dma_wait3A_833 = tpu.memref_squeeze %dma_wait3A_832 : memref<1x512xf32, #tpu.memory_space<vmem>> -> memref<512xf32, #tpu.memory_space<vmem>>
    %dma_wait3A_834 = arith.constant 0 : i32
    %dma_wait3A_835 = tpu.memref_slice %arg2[%add3A, %dma_wait3A_834] : memref<32x512xf32, #tpu.memory_space<hbm>> -> memref<1x512xf32, #tpu.memory_space<hbm>>
    %dma_wait3A_836 = tpu.memref_squeeze %dma_wait3A_835 : memref<1x512xf32, #tpu.memory_space<hbm>> -> memref<512xf32, #tpu.memory_space<hbm>>
    %dma_wait3A_837 = arith.constant 512 : i32
    %dma_wait3A_838 = tpu.memref_slice %arg5[%dma_wait3A_830, %dma_wait3A_837] : memref<32x1024xf32, #tpu.memory_space<vmem>> -> memref<1x512xf32, #tpu.memory_space<vmem>>
    %dma_wait3A_839 = tpu.memref_squeeze %dma_wait3A_838 : memref<1x512xf32, #tpu.memory_space<vmem>> -> memref<512xf32, #tpu.memory_space<vmem>>
    %dma_wait3A_840 = arith.constant 0 : i32
    %dma_wait3A_841 = tpu.memref_slice %arg2[%add3A, %dma_wait3A_840] : memref<32x512xf32, #tpu.memory_space<hbm>> -> memref<1x512xf32, #tpu.memory_space<hbm>>
    %dma_wait3A_842 = tpu.memref_squeeze %dma_wait3A_841 : memref<1x512xf32, #tpu.memory_space<hbm>> -> memref<512xf32, #tpu.memory_space<hbm>>
    tpu.wait_dma2 semaphore(%arg6 : memref<!tpu.dma_semaphore, #tpu.memory_space<semaphore_mem>>) src(%dma_wait3A_842 : memref<512xf32, #tpu.memory_space<hbm>>) dst(%dma_wait3A_839 : memref<512xf32, #tpu.memory_space<vmem>>)
    %mul3A_843 = arith.constant 2 : i32
    %mul3A_844 = arith.muli %mul3A_843, %add3A : i32
    %add3A_845 = arith.constant 0 : i32
    %add3A_846 = arith.addi %add3A_845, %mul3A_844 : i32
    %rem3A = arith.constant 64 : i32
    %rem3A_847 = arith.remsi %add3A_846, %rem3A : i32
    %mul3A_848 = arith.constant 32 : i32
    %mul3A_849 = arith.muli %add3A, %mul3A_848 : i32
    %dma_start3A_850 = arith.constant 0 : i32
    %dma_start3A_851 = tpu.memref_slice %arg4[%rem3A_847, %mul3A_849, %dma_start3A_850] : memref<64x1024x1024xf32, #tpu.memory_space<hbm>> -> memref<1x32x1024xf32, #tpu.memory_space<hbm>>
    %dma_start3A_852 = tpu.memref_squeeze %dma_start3A_851 : memref<1x32x1024xf32, #tpu.memory_space<hbm>> -> memref<32x1024xf32, #tpu.memory_space<hbm>>
    %dma_start3A_853 = arith.constant 0 : i32
    %dma_start3A_854 = tpu.memref_slice %arg4[%rem3A_847, %mul3A_849, %dma_start3A_853] : memref<64x1024x1024xf32, #tpu.memory_space<hbm>> -> memref<1x32x1024xf32, #tpu.memory_space<hbm>>
    %dma_start3A_855 = tpu.memref_squeeze %dma_start3A_854 : memref<1x32x1024xf32, #tpu.memory_space<hbm>> -> memref<32x1024xf32, #tpu.memory_space<hbm>>
    tpu.enqueue_dma source(%arg5 : memref<32x1024xf32, #tpu.memory_space<vmem>>) target(%dma_start3A_855 : memref<32x1024xf32, #tpu.memory_space<hbm>>) target_semaphore(%arg6 : memref<!tpu.dma_semaphore, #tpu.memory_space<semaphore_mem>>)
    %mul3A_856 = arith.constant 2 : i32
    %mul3A_857 = arith.muli %mul3A_856, %add3A : i32
    %add3A_858 = arith.constant 1 : i32
    %add3A_859 = arith.addi %add3A_858, %mul3A_857 : i32
    %rem3A_860 = arith.constant 64 : i32
    %rem3A_861 = arith.remsi %add3A_859, %rem3A_860 : i32
    %mul3A_862 = arith.constant 32 : i32
    %mul3A_863 = arith.muli %add3A, %mul3A_862 : i32
    %dma_start3A_864 = arith.constant 0 : i32
    %dma_start3A_865 = tpu.memref_slice %arg4[%rem3A_861, %mul3A_863, %dma_start3A_864] : memref<64x1024x1024xf32, #tpu.memory_space<hbm>> -> memref<1x32x1024xf32, #tpu.memory_space<hbm>>
    %dma_start3A_866 = tpu.memref_squeeze %dma_start3A_865 : memref<1x32x1024xf32, #tpu.memory_space<hbm>> -> memref<32x1024xf32, #tpu.memory_space<hbm>>
    %dma_start3A_867 = arith.constant 0 : i32
    %dma_start3A_868 = tpu.memref_slice %arg4[%rem3A_861, %mul3A_863, %dma_start3A_867] : memref<64x1024x1024xf32, #tpu.memory_space<hbm>> -> memref<1x32x1024xf32, #tpu.memory_space<hbm>>
    %dma_start3A_869 = tpu.memref_squeeze %dma_start3A_868 : memref<1x32x1024xf32, #tpu.memory_space<hbm>> -> memref<32x1024xf32, #tpu.memory_space<hbm>>
    tpu.enqueue_dma source(%arg5 : memref<32x1024xf32, #tpu.memory_space<vmem>>) target(%dma_start3A_869 : memref<32x1024xf32, #tpu.memory_space<hbm>>) target_semaphore(%arg6 : memref<!tpu.dma_semaphore, #tpu.memory_space<semaphore_mem>>)
    %mul3A_870 = arith.constant 2 : i32
    %mul3A_871 = arith.muli %mul3A_870, %add3A : i32
    %add3A_872 = arith.constant 2 : i32
    %add3A_873 = arith.addi %add3A_872, %mul3A_871 : i32
    %rem3A_874 = arith.constant 64 : i32
    %rem3A_875 = arith.remsi %add3A_873, %rem3A_874 : i32
    %mul3A_876 = arith.constant 32 : i32
    %mul3A_877 = arith.muli %add3A, %mul3A_876 : i32
    %dma_start3A_878 = arith.constant 0 : i32
    %dma_start3A_879 = tpu.memref_slice %arg4[%rem3A_875, %mul3A_877, %dma_start3A_878] : memref<64x1024x1024xf32, #tpu.memory_space<hbm>> -> memref<1x32x1024xf32, #tpu.memory_space<hbm>>
    %dma_start3A_880 = tpu.memref_squeeze %dma_start3A_879 : memref<1x32x1024xf32, #tpu.memory_space<hbm>> -> memref<32x1024xf32, #tpu.memory_space<hbm>>
    %dma_start3A_881 = arith.constant 0 : i32
    %dma_start3A_882 = tpu.memref_slice %arg4[%rem3A_875, %mul3A_877, %dma_start3A_881] : memref<64x1024x1024xf32, #tpu.memory_space<hbm>> -> memref<1x32x1024xf32, #tpu.memory_space<hbm>>
    %dma_start3A_883 = tpu.memref_squeeze %dma_start3A_882 : memref<1x32x1024xf32, #tpu.memory_space<hbm>> -> memref<32x1024xf32, #tpu.memory_space<hbm>>
    tpu.enqueue_dma source(%arg5 : memref<32x1024xf32, #tpu.memory_space<vmem>>) target(%dma_start3A_883 : memref<32x1024xf32, #tpu.memory_space<hbm>>) target_semaphore(%arg6 : memref<!tpu.dma_semaphore, #tpu.memory_space<semaphore_mem>>)
    %mul3A_884 = arith.constant 2 : i32
    %mul3A_885 = arith.muli %mul3A_884, %add3A : i32
    %add3A_886 = arith.constant 3 : i32
    %add3A_887 = arith.addi %add3A_886, %mul3A_885 : i32
    %rem3A_888 = arith.constant 64 : i32
    %rem3A_889 = arith.remsi %add3A_887, %rem3A_888 : i32
    %mul3A_890 = arith.constant 32 : i32
    %mul3A_891 = arith.muli %add3A, %mul3A_890 : i32
    %dma_start3A_892 = arith.constant 0 : i32
    %dma_start3A_893 = tpu.memref_slice %arg4[%rem3A_889, %mul3A_891, %dma_start3A_892] : memref<64x1024x1024xf32, #tpu.memory_space<hbm>> -> memref<1x32x1024xf32, #tpu.memory_space<hbm>>
    %dma_start3A_894 = tpu.memref_squeeze %dma_start3A_893 : memref<1x32x1024xf32, #tpu.memory_space<hbm>> -> memref<32x1024xf32, #tpu.memory_space<hbm>>
    %dma_start3A_895 = arith.constant 0 : i32
    %dma_start3A_896 = tpu.memref_slice %arg4[%rem3A_889, %mul3A_891, %dma_start3A_895] : memref<64x1024x1024xf32, #tpu.memory_space<hbm>> -> memref<1x32x1024xf32, #tpu.memory_space<hbm>>
    %dma_start3A_897 = tpu.memref_squeeze %dma_start3A_896 : memref<1x32x1024xf32, #tpu.memory_space<hbm>> -> memref<32x1024xf32, #tpu.memory_space<hbm>>
    tpu.enqueue_dma source(%arg5 : memref<32x1024xf32, #tpu.memory_space<vmem>>) target(%dma_start3A_897 : memref<32x1024xf32, #tpu.memory_space<hbm>>) target_semaphore(%arg6 : memref<!tpu.dma_semaphore, #tpu.memory_space<semaphore_mem>>)
    %mul3A_898 = arith.constant 2 : i32
    %mul3A_899 = arith.muli %mul3A_898, %add3A : i32
    %add3A_900 = arith.constant 4 : i32
    %add3A_901 = arith.addi %add3A_900, %mul3A_899 : i32
    %rem3A_902 = arith.constant 64 : i32
    %rem3A_903 = arith.remsi %add3A_901, %rem3A_902 : i32
    %mul3A_904 = arith.constant 32 : i32
    %mul3A_905 = arith.muli %add3A, %mul3A_904 : i32
    %dma_start3A_906 = arith.constant 0 : i32
    %dma_start3A_907 = tpu.memref_slice %arg4[%rem3A_903, %mul3A_905, %dma_start3A_906] : memref<64x1024x1024xf32, #tpu.memory_space<hbm>> -> memref<1x32x1024xf32, #tpu.memory_space<hbm>>
    %dma_start3A_908 = tpu.memref_squeeze %dma_start3A_907 : memref<1x32x1024xf32, #tpu.memory_space<hbm>> -> memref<32x1024xf32, #tpu.memory_space<hbm>>
    %dma_start3A_909 = arith.constant 0 : i32
    %dma_start3A_910 = tpu.memref_slice %arg4[%rem3A_903, %mul3A_905, %dma_start3A_909] : memref<64x1024x1024xf32, #tpu.memory_space<hbm>> -> memref<1x32x1024xf32, #tpu.memory_space<hbm>>
    %dma_start3A_911 = tpu.memref_squeeze %dma_start3A_910 : memref<1x32x1024xf32, #tpu.memory_space<hbm>> -> memref<32x1024xf32, #tpu.memory_space<hbm>>
    tpu.enqueue_dma source(%arg5 : memref<32x1024xf32, #tpu.memory_space<vmem>>) target(%dma_start3A_911 : memref<32x1024xf32, #tpu.memory_space<hbm>>) target_semaphore(%arg6 : memref<!tpu.dma_semaphore, #tpu.memory_space<semaphore_mem>>)
    %mul3A_912 = arith.constant 2 : i32
    %mul3A_913 = arith.muli %mul3A_912, %add3A : i32
    %add3A_914 = arith.constant 5 : i32
    %add3A_915 = arith.addi %add3A_914, %mul3A_913 : i32
    %rem3A_916 = arith.constant 64 : i32
    %rem3A_917 = arith.remsi %add3A_915, %rem3A_916 : i32
    %mul3A_918 = arith.constant 32 : i32
    %mul3A_919 = arith.muli %add3A, %mul3A_918 : i32
    %dma_start3A_920 = arith.constant 0 : i32
    %dma_start3A_921 = tpu.memref_slice %arg4[%rem3A_917, %mul3A_919, %dma_start3A_920] : memref<64x1024x1024xf32, #tpu.memory_space<hbm>> -> memref<1x32x1024xf32, #tpu.memory_space<hbm>>
    %dma_start3A_922 = tpu.memref_squeeze %dma_start3A_921 : memref<1x32x1024xf32, #tpu.memory_space<hbm>> -> memref<32x1024xf32, #tpu.memory_space<hbm>>
    %dma_start3A_923 = arith.constant 0 : i32
    %dma_start3A_924 = tpu.memref_slice %arg4[%rem3A_917, %mul3A_919, %dma_start3A_923] : memref<64x1024x1024xf32, #tpu.memory_space<hbm>> -> memref<1x32x1024xf32, #tpu.memory_space<hbm>>
    %dma_start3A_925 = tpu.memref_squeeze %dma_start3A_924 : memref<1x32x1024xf32, #tpu.memory_space<hbm>> -> memref<32x1024xf32, #tpu.memory_space<hbm>>
    tpu.enqueue_dma source(%arg5 : memref<32x1024xf32, #tpu.memory_space<vmem>>) target(%dma_start3A_925 : memref<32x1024xf32, #tpu.memory_space<hbm>>) target_semaphore(%arg6 : memref<!tpu.dma_semaphore, #tpu.memory_space<semaphore_mem>>)
    %mul3A_926 = arith.constant 2 : i32
    %mul3A_927 = arith.muli %mul3A_926, %add3A : i32
    %add3A_928 = arith.constant 6 : i32
    %add3A_929 = arith.addi %add3A_928, %mul3A_927 : i32
    %rem3A_930 = arith.constant 64 : i32
    %rem3A_931 = arith.remsi %add3A_929, %rem3A_930 : i32
    %mul3A_932 = arith.constant 32 : i32
    %mul3A_933 = arith.muli %add3A, %mul3A_932 : i32
    %dma_start3A_934 = arith.constant 0 : i32
    %dma_start3A_935 = tpu.memref_slice %arg4[%rem3A_931, %mul3A_933, %dma_start3A_934] : memref<64x1024x1024xf32, #tpu.memory_space<hbm>> -> memref<1x32x1024xf32, #tpu.memory_space<hbm>>
    %dma_start3A_936 = tpu.memref_squeeze %dma_start3A_935 : memref<1x32x1024xf32, #tpu.memory_space<hbm>> -> memref<32x1024xf32, #tpu.memory_space<hbm>>
    %dma_start3A_937 = arith.constant 0 : i32
    %dma_start3A_938 = tpu.memref_slice %arg4[%rem3A_931, %mul3A_933, %dma_start3A_937] : memref<64x1024x1024xf32, #tpu.memory_space<hbm>> -> memref<1x32x1024xf32, #tpu.memory_space<hbm>>
    %dma_start3A_939 = tpu.memref_squeeze %dma_start3A_938 : memref<1x32x1024xf32, #tpu.memory_space<hbm>> -> memref<32x1024xf32, #tpu.memory_space<hbm>>
    tpu.enqueue_dma source(%arg5 : memref<32x1024xf32, #tpu.memory_space<vmem>>) target(%dma_start3A_939 : memref<32x1024xf32, #tpu.memory_space<hbm>>) target_semaphore(%arg6 : memref<!tpu.dma_semaphore, #tpu.memory_space<semaphore_mem>>)
    %mul3A_940 = arith.constant 2 : i32
    %mul3A_941 = arith.muli %mul3A_940, %add3A : i32
    %add3A_942 = arith.constant 7 : i32
    %add3A_943 = arith.addi %add3A_942, %mul3A_941 : i32
    %rem3A_944 = arith.constant 64 : i32
    %rem3A_945 = arith.remsi %add3A_943, %rem3A_944 : i32
    %mul3A_946 = arith.constant 32 : i32
    %mul3A_947 = arith.muli %add3A, %mul3A_946 : i32
    %dma_start3A_948 = arith.constant 0 : i32
    %dma_start3A_949 = tpu.memref_slice %arg4[%rem3A_945, %mul3A_947, %dma_start3A_948] : memref<64x1024x1024xf32, #tpu.memory_space<hbm>> -> memref<1x32x1024xf32, #tpu.memory_space<hbm>>
    %dma_start3A_950 = tpu.memref_squeeze %dma_start3A_949 : memref<1x32x1024xf32, #tpu.memory_space<hbm>> -> memref<32x1024xf32, #tpu.memory_space<hbm>>
    %dma_start3A_951 = arith.constant 0 : i32
    %dma_start3A_952 = tpu.memref_slice %arg4[%rem3A_945, %mul3A_947, %dma_start3A_951] : memref<64x1024x1024xf32, #tpu.memory_space<hbm>> -> memref<1x32x1024xf32, #tpu.memory_space<hbm>>
    %dma_start3A_953 = tpu.memref_squeeze %dma_start3A_952 : memref<1x32x1024xf32, #tpu.memory_space<hbm>> -> memref<32x1024xf32, #tpu.memory_space<hbm>>
    tpu.enqueue_dma source(%arg5 : memref<32x1024xf32, #tpu.memory_space<vmem>>) target(%dma_start3A_953 : memref<32x1024xf32, #tpu.memory_space<hbm>>) target_semaphore(%arg6 : memref<!tpu.dma_semaphore, #tpu.memory_space<semaphore_mem>>)
    %dma_wait3A_954 = arith.constant 0 : i32
    %dma_wait3A_955 = tpu.memref_slice %arg4[%rem3A_847, %mul3A_849, %dma_wait3A_954] : memref<64x1024x1024xf32, #tpu.memory_space<hbm>> -> memref<1x32x1024xf32, #tpu.memory_space<hbm>>
    %dma_wait3A_956 = tpu.memref_squeeze %dma_wait3A_955 : memref<1x32x1024xf32, #tpu.memory_space<hbm>> -> memref<32x1024xf32, #tpu.memory_space<hbm>>
    %dma_wait3A_957 = arith.constant 0 : i32
    %dma_wait3A_958 = tpu.memref_slice %arg4[%rem3A_847, %mul3A_849, %dma_wait3A_957] : memref<64x1024x1024xf32, #tpu.memory_space<hbm>> -> memref<1x32x1024xf32, #tpu.memory_space<hbm>>
    %dma_wait3A_959 = tpu.memref_squeeze %dma_wait3A_958 : memref<1x32x1024xf32, #tpu.memory_space<hbm>> -> memref<32x1024xf32, #tpu.memory_space<hbm>>
    tpu.wait_dma2 semaphore(%arg6 : memref<!tpu.dma_semaphore, #tpu.memory_space<semaphore_mem>>) src(%arg5 : memref<32x1024xf32, #tpu.memory_space<vmem>>) dst(%dma_wait3A_959 : memref<32x1024xf32, #tpu.memory_space<hbm>>)
    %dma_wait3A_960 = arith.constant 0 : i32
    %dma_wait3A_961 = tpu.memref_slice %arg4[%rem3A_861, %mul3A_863, %dma_wait3A_960] : memref<64x1024x1024xf32, #tpu.memory_space<hbm>> -> memref<1x32x1024xf32, #tpu.memory_space<hbm>>
    %dma_wait3A_962 = tpu.memref_squeeze %dma_wait3A_961 : memref<1x32x1024xf32, #tpu.memory_space<hbm>> -> memref<32x1024xf32, #tpu.memory_space<hbm>>
    %dma_wait3A_963 = arith.constant 0 : i32
    %dma_wait3A_964 = tpu.memref_slice %arg4[%rem3A_861, %mul3A_863, %dma_wait3A_963] : memref<64x1024x1024xf32, #tpu.memory_space<hbm>> -> memref<1x32x1024xf32, #tpu.memory_space<hbm>>
    %dma_wait3A_965 = tpu.memref_squeeze %dma_wait3A_964 : memref<1x32x1024xf32, #tpu.memory_space<hbm>> -> memref<32x1024xf32, #tpu.memory_space<hbm>>
    tpu.wait_dma2 semaphore(%arg6 : memref<!tpu.dma_semaphore, #tpu.memory_space<semaphore_mem>>) src(%arg5 : memref<32x1024xf32, #tpu.memory_space<vmem>>) dst(%dma_wait3A_965 : memref<32x1024xf32, #tpu.memory_space<hbm>>)
    %dma_wait3A_966 = arith.constant 0 : i32
    %dma_wait3A_967 = tpu.memref_slice %arg4[%rem3A_875, %mul3A_877, %dma_wait3A_966] : memref<64x1024x1024xf32, #tpu.memory_space<hbm>> -> memref<1x32x1024xf32, #tpu.memory_space<hbm>>
    %dma_wait3A_968 = tpu.memref_squeeze %dma_wait3A_967 : memref<1x32x1024xf32, #tpu.memory_space<hbm>> -> memref<32x1024xf32, #tpu.memory_space<hbm>>
    %dma_wait3A_969 = arith.constant 0 : i32
    %dma_wait3A_970 = tpu.memref_slice %arg4[%rem3A_875, %mul3A_877, %dma_wait3A_969] : memref<64x1024x1024xf32, #tpu.memory_space<hbm>> -> memref<1x32x1024xf32, #tpu.memory_space<hbm>>
    %dma_wait3A_971 = tpu.memref_squeeze %dma_wait3A_970 : memref<1x32x1024xf32, #tpu.memory_space<hbm>> -> memref<32x1024xf32, #tpu.memory_space<hbm>>
    tpu.wait_dma2 semaphore(%arg6 : memref<!tpu.dma_semaphore, #tpu.memory_space<semaphore_mem>>) src(%arg5 : memref<32x1024xf32, #tpu.memory_space<vmem>>) dst(%dma_wait3A_971 : memref<32x1024xf32, #tpu.memory_space<hbm>>)
    %dma_wait3A_972 = arith.constant 0 : i32
    %dma_wait3A_973 = tpu.memref_slice %arg4[%rem3A_889, %mul3A_891, %dma_wait3A_972] : memref<64x1024x1024xf32, #tpu.memory_space<hbm>> -> memref<1x32x1024xf32, #tpu.memory_space<hbm>>
    %dma_wait3A_974 = tpu.memref_squeeze %dma_wait3A_973 : memref<1x32x1024xf32, #tpu.memory_space<hbm>> -> memref<32x1024xf32, #tpu.memory_space<hbm>>
    %dma_wait3A_975 = arith.constant 0 : i32
    %dma_wait3A_976 = tpu.memref_slice %arg4[%rem3A_889, %mul3A_891, %dma_wait3A_975] : memref<64x1024x1024xf32, #tpu.memory_space<hbm>> -> memref<1x32x1024xf32, #tpu.memory_space<hbm>>
    %dma_wait3A_977 = tpu.memref_squeeze %dma_wait3A_976 : memref<1x32x1024xf32, #tpu.memory_space<hbm>> -> memref<32x1024xf32, #tpu.memory_space<hbm>>
    tpu.wait_dma2 semaphore(%arg6 : memref<!tpu.dma_semaphore, #tpu.memory_space<semaphore_mem>>) src(%arg5 : memref<32x1024xf32, #tpu.memory_space<vmem>>) dst(%dma_wait3A_977 : memref<32x1024xf32, #tpu.memory_space<hbm>>)
    %dma_wait3A_978 = arith.constant 0 : i32
    %dma_wait3A_979 = tpu.memref_slice %arg4[%rem3A_903, %mul3A_905, %dma_wait3A_978] : memref<64x1024x1024xf32, #tpu.memory_space<hbm>> -> memref<1x32x1024xf32, #tpu.memory_space<hbm>>
    %dma_wait3A_980 = tpu.memref_squeeze %dma_wait3A_979 : memref<1x32x1024xf32, #tpu.memory_space<hbm>> -> memref<32x1024xf32, #tpu.memory_space<hbm>>
    %dma_wait3A_981 = arith.constant 0 : i32
    %dma_wait3A_982 = tpu.memref_slice %arg4[%rem3A_903, %mul3A_905, %dma_wait3A_981] : memref<64x1024x1024xf32, #tpu.memory_space<hbm>> -> memref<1x32x1024xf32, #tpu.memory_space<hbm>>
    %dma_wait3A_983 = tpu.memref_squeeze %dma_wait3A_982 : memref<1x32x1024xf32, #tpu.memory_space<hbm>> -> memref<32x1024xf32, #tpu.memory_space<hbm>>
    tpu.wait_dma2 semaphore(%arg6 : memref<!tpu.dma_semaphore, #tpu.memory_space<semaphore_mem>>) src(%arg5 : memref<32x1024xf32, #tpu.memory_space<vmem>>) dst(%dma_wait3A_983 : memref<32x1024xf32, #tpu.memory_space<hbm>>)
    %dma_wait3A_984 = arith.constant 0 : i32
    %dma_wait3A_985 = tpu.memref_slice %arg4[%rem3A_917, %mul3A_919, %dma_wait3A_984] : memref<64x1024x1024xf32, #tpu.memory_space<hbm>> -> memref<1x32x1024xf32, #tpu.memory_space<hbm>>
    %dma_wait3A_986 = tpu.memref_squeeze %dma_wait3A_985 : memref<1x32x1024xf32, #tpu.memory_space<hbm>> -> memref<32x1024xf32, #tpu.memory_space<hbm>>
    %dma_wait3A_987 = arith.constant 0 : i32
    %dma_wait3A_988 = tpu.memref_slice %arg4[%rem3A_917, %mul3A_919, %dma_wait3A_987] : memref<64x1024x1024xf32, #tpu.memory_space<hbm>> -> memref<1x32x1024xf32, #tpu.memory_space<hbm>>
    %dma_wait3A_989 = tpu.memref_squeeze %dma_wait3A_988 : memref<1x32x1024xf32, #tpu.memory_space<hbm>> -> memref<32x1024xf32, #tpu.memory_space<hbm>>
    tpu.wait_dma2 semaphore(%arg6 : memref<!tpu.dma_semaphore, #tpu.memory_space<semaphore_mem>>) src(%arg5 : memref<32x1024xf32, #tpu.memory_space<vmem>>) dst(%dma_wait3A_989 : memref<32x1024xf32, #tpu.memory_space<hbm>>)
    %dma_wait3A_990 = arith.constant 0 : i32
    %dma_wait3A_991 = tpu.memref_slice %arg4[%rem3A_931, %mul3A_933, %dma_wait3A_990] : memref<64x1024x1024xf32, #tpu.memory_space<hbm>> -> memref<1x32x1024xf32, #tpu.memory_space<hbm>>
    %dma_wait3A_992 = tpu.memref_squeeze %dma_wait3A_991 : memref<1x32x1024xf32, #tpu.memory_space<hbm>> -> memref<32x1024xf32, #tpu.memory_space<hbm>>
    %dma_wait3A_993 = arith.constant 0 : i32
    %dma_wait3A_994 = tpu.memref_slice %arg4[%rem3A_931, %mul3A_933, %dma_wait3A_993] : memref<64x1024x1024xf32, #tpu.memory_space<hbm>> -> memref<1x32x1024xf32, #tpu.memory_space<hbm>>
    %dma_wait3A_995 = tpu.memref_squeeze %dma_wait3A_994 : memref<1x32x1024xf32, #tpu.memory_space<hbm>> -> memref<32x1024xf32, #tpu.memory_space<hbm>>
    tpu.wait_dma2 semaphore(%arg6 : memref<!tpu.dma_semaphore, #tpu.memory_space<semaphore_mem>>) src(%arg5 : memref<32x1024xf32, #tpu.memory_space<vmem>>) dst(%dma_wait3A_995 : memref<32x1024xf32, #tpu.memory_space<hbm>>)
    %dma_wait3A_996 = arith.constant 0 : i32
    %dma_wait3A_997 = tpu.memref_slice %arg4[%rem3A_945, %mul3A_947, %dma_wait3A_996] : memref<64x1024x1024xf32, #tpu.memory_space<hbm>> -> memref<1x32x1024xf32, #tpu.memory_space<hbm>>
    %dma_wait3A_998 = tpu.memref_squeeze %dma_wait3A_997 : memref<1x32x1024xf32, #tpu.memory_space<hbm>> -> memref<32x1024xf32, #tpu.memory_space<hbm>>
    %dma_wait3A_999 = arith.constant 0 : i32
    %dma_wait3A_1000 = tpu.memref_slice %arg4[%rem3A_945, %mul3A_947, %dma_wait3A_999] : memref<64x1024x1024xf32, #tpu.memory_space<hbm>> -> memref<1x32x1024xf32, #tpu.memory_space<hbm>>
    %dma_wait3A_1001 = tpu.memref_squeeze %dma_wait3A_1000 : memref<1x32x1024xf32, #tpu.memory_space<hbm>> -> memref<32x1024xf32, #tpu.memory_space<hbm>>
    tpu.wait_dma2 semaphore(%arg6 : memref<!tpu.dma_semaphore, #tpu.memory_space<semaphore_mem>>) src(%arg5 : memref<32x1024xf32, #tpu.memory_space<vmem>>) dst(%dma_wait3A_1001 : memref<32x1024xf32, #tpu.memory_space<hbm>>)
    %mul3A_1002 = arith.constant 2 : i32
    %mul3A_1003 = arith.muli %mul3A_1002, %add3A : i32
    %add3A_1004 = arith.constant 8 : i32
    %add3A_1005 = arith.addi %add3A_1004, %mul3A_1003 : i32
    %rem3A_1006 = arith.constant 64 : i32
    %rem3A_1007 = arith.remsi %add3A_1005, %rem3A_1006 : i32
    %mul3A_1008 = arith.constant 32 : i32
    %mul3A_1009 = arith.muli %add3A, %mul3A_1008 : i32
    %dma_start3A_1010 = arith.constant 0 : i32
    %dma_start3A_1011 = tpu.memref_slice %arg4[%rem3A_1007, %mul3A_1009, %dma_start3A_1010] : memref<64x1024x1024xf32, #tpu.memory_space<hbm>> -> memref<1x32x1024xf32, #tpu.memory_space<hbm>>
    %dma_start3A_1012 = tpu.memref_squeeze %dma_start3A_1011 : memref<1x32x1024xf32, #tpu.memory_space<hbm>> -> memref<32x1024xf32, #tpu.memory_space<hbm>>
    %dma_start3A_1013 = arith.constant 0 : i32
    %dma_start3A_1014 = tpu.memref_slice %arg4[%rem3A_1007, %mul3A_1009, %dma_start3A_1013] : memref<64x1024x1024xf32, #tpu.memory_space<hbm>> -> memref<1x32x1024xf32, #tpu.memory_space<hbm>>
    %dma_start3A_1015 = tpu.memref_squeeze %dma_start3A_1014 : memref<1x32x1024xf32, #tpu.memory_space<hbm>> -> memref<32x1024xf32, #tpu.memory_space<hbm>>
    tpu.enqueue_dma source(%arg5 : memref<32x1024xf32, #tpu.memory_space<vmem>>) target(%dma_start3A_1015 : memref<32x1024xf32, #tpu.memory_space<hbm>>) target_semaphore(%arg6 : memref<!tpu.dma_semaphore, #tpu.memory_space<semaphore_mem>>)
    %mul3A_1016 = arith.constant 2 : i32
    %mul3A_1017 = arith.muli %mul3A_1016, %add3A : i32
    %add3A_1018 = arith.constant 9 : i32
    %add3A_1019 = arith.addi %add3A_1018, %mul3A_1017 : i32
    %rem3A_1020 = arith.constant 64 : i32
    %rem3A_1021 = arith.remsi %add3A_1019, %rem3A_1020 : i32
    %mul3A_1022 = arith.constant 32 : i32
    %mul3A_1023 = arith.muli %add3A, %mul3A_1022 : i32
    %dma_start3A_1024 = arith.constant 0 : i32
    %dma_start3A_1025 = tpu.memref_slice %arg4[%rem3A_1021, %mul3A_1023, %dma_start3A_1024] : memref<64x1024x1024xf32, #tpu.memory_space<hbm>> -> memref<1x32x1024xf32, #tpu.memory_space<hbm>>
    %dma_start3A_1026 = tpu.memref_squeeze %dma_start3A_1025 : memref<1x32x1024xf32, #tpu.memory_space<hbm>> -> memref<32x1024xf32, #tpu.memory_space<hbm>>
    %dma_start3A_1027 = arith.constant 0 : i32
    %dma_start3A_1028 = tpu.memref_slice %arg4[%rem3A_1021, %mul3A_1023, %dma_start3A_1027] : memref<64x1024x1024xf32, #tpu.memory_space<hbm>> -> memref<1x32x1024xf32, #tpu.memory_space<hbm>>
    %dma_start3A_1029 = tpu.memref_squeeze %dma_start3A_1028 : memref<1x32x1024xf32, #tpu.memory_space<hbm>> -> memref<32x1024xf32, #tpu.memory_space<hbm>>
    tpu.enqueue_dma source(%arg5 : memref<32x1024xf32, #tpu.memory_space<vmem>>) target(%dma_start3A_1029 : memref<32x1024xf32, #tpu.memory_space<hbm>>) target_semaphore(%arg6 : memref<!tpu.dma_semaphore, #tpu.memory_space<semaphore_mem>>)
    %mul3A_1030 = arith.constant 2 : i32
    %mul3A_1031 = arith.muli %mul3A_1030, %add3A : i32
    %add3A_1032 = arith.constant 10 : i32
    %add3A_1033 = arith.addi %add3A_1032, %mul3A_1031 : i32
    %rem3A_1034 = arith.constant 64 : i32
    %rem3A_1035 = arith.remsi %add3A_1033, %rem3A_1034 : i32
    %mul3A_1036 = arith.constant 32 : i32
    %mul3A_1037 = arith.muli %add3A, %mul3A_1036 : i32
    %dma_start3A_1038 = arith.constant 0 : i32
    %dma_start3A_1039 = tpu.memref_slice %arg4[%rem3A_1035, %mul3A_1037, %dma_start3A_1038] : memref<64x1024x1024xf32, #tpu.memory_space<hbm>> -> memref<1x32x1024xf32, #tpu.memory_space<hbm>>
    %dma_start3A_1040 = tpu.memref_squeeze %dma_start3A_1039 : memref<1x32x1024xf32, #tpu.memory_space<hbm>> -> memref<32x1024xf32, #tpu.memory_space<hbm>>
    %dma_start3A_1041 = arith.constant 0 : i32
    %dma_start3A_1042 = tpu.memref_slice %arg4[%rem3A_1035, %mul3A_1037, %dma_start3A_1041] : memref<64x1024x1024xf32, #tpu.memory_space<hbm>> -> memref<1x32x1024xf32, #tpu.memory_space<hbm>>
    %dma_start3A_1043 = tpu.memref_squeeze %dma_start3A_1042 : memref<1x32x1024xf32, #tpu.memory_space<hbm>> -> memref<32x1024xf32, #tpu.memory_space<hbm>>
    tpu.enqueue_dma source(%arg5 : memref<32x1024xf32, #tpu.memory_space<vmem>>) target(%dma_start3A_1043 : memref<32x1024xf32, #tpu.memory_space<hbm>>) target_semaphore(%arg6 : memref<!tpu.dma_semaphore, #tpu.memory_space<semaphore_mem>>)
    %mul3A_1044 = arith.constant 2 : i32
    %mul3A_1045 = arith.muli %mul3A_1044, %add3A : i32
    %add3A_1046 = arith.constant 11 : i32
    %add3A_1047 = arith.addi %add3A_1046, %mul3A_1045 : i32
    %rem3A_1048 = arith.constant 64 : i32
    %rem3A_1049 = arith.remsi %add3A_1047, %rem3A_1048 : i32
    %mul3A_1050 = arith.constant 32 : i32
    %mul3A_1051 = arith.muli %add3A, %mul3A_1050 : i32
    %dma_start3A_1052 = arith.constant 0 : i32
    %dma_start3A_1053 = tpu.memref_slice %arg4[%rem3A_1049, %mul3A_1051, %dma_start3A_1052] : memref<64x1024x1024xf32, #tpu.memory_space<hbm>> -> memref<1x32x1024xf32, #tpu.memory_space<hbm>>
    %dma_start3A_1054 = tpu.memref_squeeze %dma_start3A_1053 : memref<1x32x1024xf32, #tpu.memory_space<hbm>> -> memref<32x1024xf32, #tpu.memory_space<hbm>>
    %dma_start3A_1055 = arith.constant 0 : i32
    %dma_start3A_1056 = tpu.memref_slice %arg4[%rem3A_1049, %mul3A_1051, %dma_start3A_1055] : memref<64x1024x1024xf32, #tpu.memory_space<hbm>> -> memref<1x32x1024xf32, #tpu.memory_space<hbm>>
    %dma_start3A_1057 = tpu.memref_squeeze %dma_start3A_1056 : memref<1x32x1024xf32, #tpu.memory_space<hbm>> -> memref<32x1024xf32, #tpu.memory_space<hbm>>
    tpu.enqueue_dma source(%arg5 : memref<32x1024xf32, #tpu.memory_space<vmem>>) target(%dma_start3A_1057 : memref<32x1024xf32, #tpu.memory_space<hbm>>) target_semaphore(%arg6 : memref<!tpu.dma_semaphore, #tpu.memory_space<semaphore_mem>>)
    %mul3A_1058 = arith.constant 2 : i32
    %mul3A_1059 = arith.muli %mul3A_1058, %add3A : i32
    %add3A_1060 = arith.constant 12 : i32
    %add3A_1061 = arith.addi %add3A_1060, %mul3A_1059 : i32
    %rem3A_1062 = arith.constant 64 : i32
    %rem3A_1063 = arith.remsi %add3A_1061, %rem3A_1062 : i32
    %mul3A_1064 = arith.constant 32 : i32
    %mul3A_1065 = arith.muli %add3A, %mul3A_1064 : i32
    %dma_start3A_1066 = arith.constant 0 : i32
    %dma_start3A_1067 = tpu.memref_slice %arg4[%rem3A_1063, %mul3A_1065, %dma_start3A_1066] : memref<64x1024x1024xf32, #tpu.memory_space<hbm>> -> memref<1x32x1024xf32, #tpu.memory_space<hbm>>
    %dma_start3A_1068 = tpu.memref_squeeze %dma_start3A_1067 : memref<1x32x1024xf32, #tpu.memory_space<hbm>> -> memref<32x1024xf32, #tpu.memory_space<hbm>>
    %dma_start3A_1069 = arith.constant 0 : i32
    %dma_start3A_1070 = tpu.memref_slice %arg4[%rem3A_1063, %mul3A_1065, %dma_start3A_1069] : memref<64x1024x1024xf32, #tpu.memory_space<hbm>> -> memref<1x32x1024xf32, #tpu.memory_space<hbm>>
    %dma_start3A_1071 = tpu.memref_squeeze %dma_start3A_1070 : memref<1x32x1024xf32, #tpu.memory_space<hbm>> -> memref<32x1024xf32, #tpu.memory_space<hbm>>
    tpu.enqueue_dma source(%arg5 : memref<32x1024xf32, #tpu.memory_space<vmem>>) target(%dma_start3A_1071 : memref<32x1024xf32, #tpu.memory_space<hbm>>) target_semaphore(%arg6 : memref<!tpu.dma_semaphore, #tpu.memory_space<semaphore_mem>>)
    %mul3A_1072 = arith.constant 2 : i32
    %mul3A_1073 = arith.muli %mul3A_1072, %add3A : i32
    %add3A_1074 = arith.constant 13 : i32
    %add3A_1075 = arith.addi %add3A_1074, %mul3A_1073 : i32
    %rem3A_1076 = arith.constant 64 : i32
    %rem3A_1077 = arith.remsi %add3A_1075, %rem3A_1076 : i32
    %mul3A_1078 = arith.constant 32 : i32
    %mul3A_1079 = arith.muli %add3A, %mul3A_1078 : i32
    %dma_start3A_1080 = arith.constant 0 : i32
    %dma_start3A_1081 = tpu.memref_slice %arg4[%rem3A_1077, %mul3A_1079, %dma_start3A_1080] : memref<64x1024x1024xf32, #tpu.memory_space<hbm>> -> memref<1x32x1024xf32, #tpu.memory_space<hbm>>
    %dma_start3A_1082 = tpu.memref_squeeze %dma_start3A_1081 : memref<1x32x1024xf32, #tpu.memory_space<hbm>> -> memref<32x1024xf32, #tpu.memory_space<hbm>>
    %dma_start3A_1083 = arith.constant 0 : i32
    %dma_start3A_1084 = tpu.memref_slice %arg4[%rem3A_1077, %mul3A_1079, %dma_start3A_1083] : memref<64x1024x1024xf32, #tpu.memory_space<hbm>> -> memref<1x32x1024xf32, #tpu.memory_space<hbm>>
    %dma_start3A_1085 = tpu.memref_squeeze %dma_start3A_1084 : memref<1x32x1024xf32, #tpu.memory_space<hbm>> -> memref<32x1024xf32, #tpu.memory_space<hbm>>
    tpu.enqueue_dma source(%arg5 : memref<32x1024xf32, #tpu.memory_space<vmem>>) target(%dma_start3A_1085 : memref<32x1024xf32, #tpu.memory_space<hbm>>) target_semaphore(%arg6 : memref<!tpu.dma_semaphore, #tpu.memory_space<semaphore_mem>>)
    %mul3A_1086 = arith.constant 2 : i32
    %mul3A_1087 = arith.muli %mul3A_1086, %add3A : i32
    %add3A_1088 = arith.constant 14 : i32
    %add3A_1089 = arith.addi %add3A_1088, %mul3A_1087 : i32
    %rem3A_1090 = arith.constant 64 : i32
    %rem3A_1091 = arith.remsi %add3A_1089, %rem3A_1090 : i32
    %mul3A_1092 = arith.constant 32 : i32
    %mul3A_1093 = arith.muli %add3A, %mul3A_1092 : i32
    %dma_start3A_1094 = arith.constant 0 : i32
    %dma_start3A_1095 = tpu.memref_slice %arg4[%rem3A_1091, %mul3A_1093, %dma_start3A_1094] : memref<64x1024x1024xf32, #tpu.memory_space<hbm>> -> memref<1x32x1024xf32, #tpu.memory_space<hbm>>
    %dma_start3A_1096 = tpu.memref_squeeze %dma_start3A_1095 : memref<1x32x1024xf32, #tpu.memory_space<hbm>> -> memref<32x1024xf32, #tpu.memory_space<hbm>>
    %dma_start3A_1097 = arith.constant 0 : i32
    %dma_start3A_1098 = tpu.memref_slice %arg4[%rem3A_1091, %mul3A_1093, %dma_start3A_1097] : memref<64x1024x1024xf32, #tpu.memory_space<hbm>> -> memref<1x32x1024xf32, #tpu.memory_space<hbm>>
    %dma_start3A_1099 = tpu.memref_squeeze %dma_start3A_1098 : memref<1x32x1024xf32, #tpu.memory_space<hbm>> -> memref<32x1024xf32, #tpu.memory_space<hbm>>
    tpu.enqueue_dma source(%arg5 : memref<32x1024xf32, #tpu.memory_space<vmem>>) target(%dma_start3A_1099 : memref<32x1024xf32, #tpu.memory_space<hbm>>) target_semaphore(%arg6 : memref<!tpu.dma_semaphore, #tpu.memory_space<semaphore_mem>>)
    %mul3A_1100 = arith.constant 2 : i32
    %mul3A_1101 = arith.muli %mul3A_1100, %add3A : i32
    %add3A_1102 = arith.constant 15 : i32
    %add3A_1103 = arith.addi %add3A_1102, %mul3A_1101 : i32
    %rem3A_1104 = arith.constant 64 : i32
    %rem3A_1105 = arith.remsi %add3A_1103, %rem3A_1104 : i32
    %mul3A_1106 = arith.constant 32 : i32
    %mul3A_1107 = arith.muli %add3A, %mul3A_1106 : i32
    %dma_start3A_1108 = arith.constant 0 : i32
    %dma_start3A_1109 = tpu.memref_slice %arg4[%rem3A_1105, %mul3A_1107, %dma_start3A_1108] : memref<64x1024x1024xf32, #tpu.memory_space<hbm>> -> memref<1x32x1024xf32, #tpu.memory_space<hbm>>
    %dma_start3A_1110 = tpu.memref_squeeze %dma_start3A_1109 : memref<1x32x1024xf32, #tpu.memory_space<hbm>> -> memref<32x1024xf32, #tpu.memory_space<hbm>>
    %dma_start3A_1111 = arith.constant 0 : i32
    %dma_start3A_1112 = tpu.memref_slice %arg4[%rem3A_1105, %mul3A_1107, %dma_start3A_1111] : memref<64x1024x1024xf32, #tpu.memory_space<hbm>> -> memref<1x32x1024xf32, #tpu.memory_space<hbm>>
    %dma_start3A_1113 = tpu.memref_squeeze %dma_start3A_1112 : memref<1x32x1024xf32, #tpu.memory_space<hbm>> -> memref<32x1024xf32, #tpu.memory_space<hbm>>
    tpu.enqueue_dma source(%arg5 : memref<32x1024xf32, #tpu.memory_space<vmem>>) target(%dma_start3A_1113 : memref<32x1024xf32, #tpu.memory_space<hbm>>) target_semaphore(%arg6 : memref<!tpu.dma_semaphore, #tpu.memory_space<semaphore_mem>>)
    %dma_wait3A_1114 = arith.constant 0 : i32
    %dma_wait3A_1115 = tpu.memref_slice %arg4[%rem3A_1007, %mul3A_1009, %dma_wait3A_1114] : memref<64x1024x1024xf32, #tpu.memory_space<hbm>> -> memref<1x32x1024xf32, #tpu.memory_space<hbm>>
    %dma_wait3A_1116 = tpu.memref_squeeze %dma_wait3A_1115 : memref<1x32x1024xf32, #tpu.memory_space<hbm>> -> memref<32x1024xf32, #tpu.memory_space<hbm>>
    %dma_wait3A_1117 = arith.constant 0 : i32
    %dma_wait3A_1118 = tpu.memref_slice %arg4[%rem3A_1007, %mul3A_1009, %dma_wait3A_1117] : memref<64x1024x1024xf32, #tpu.memory_space<hbm>> -> memref<1x32x1024xf32, #tpu.memory_space<hbm>>
    %dma_wait3A_1119 = tpu.memref_squeeze %dma_wait3A_1118 : memref<1x32x1024xf32, #tpu.memory_space<hbm>> -> memref<32x1024xf32, #tpu.memory_space<hbm>>
    tpu.wait_dma2 semaphore(%arg6 : memref<!tpu.dma_semaphore, #tpu.memory_space<semaphore_mem>>) src(%arg5 : memref<32x1024xf32, #tpu.memory_space<vmem>>) dst(%dma_wait3A_1119 : memref<32x1024xf32, #tpu.memory_space<hbm>>)
    %dma_wait3A_1120 = arith.constant 0 : i32
    %dma_wait3A_1121 = tpu.memref_slice %arg4[%rem3A_1021, %mul3A_1023, %dma_wait3A_1120] : memref<64x1024x1024xf32, #tpu.memory_space<hbm>> -> memref<1x32x1024xf32, #tpu.memory_space<hbm>>
    %dma_wait3A_1122 = tpu.memref_squeeze %dma_wait3A_1121 : memref<1x32x1024xf32, #tpu.memory_space<hbm>> -> memref<32x1024xf32, #tpu.memory_space<hbm>>
    %dma_wait3A_1123 = arith.constant 0 : i32
    %dma_wait3A_1124 = tpu.memref_slice %arg4[%rem3A_1021, %mul3A_1023, %dma_wait3A_1123] : memref<64x1024x1024xf32, #tpu.memory_space<hbm>> -> memref<1x32x1024xf32, #tpu.memory_space<hbm>>
    %dma_wait3A_1125 = tpu.memref_squeeze %dma_wait3A_1124 : memref<1x32x1024xf32, #tpu.memory_space<hbm>> -> memref<32x1024xf32, #tpu.memory_space<hbm>>
    tpu.wait_dma2 semaphore(%arg6 : memref<!tpu.dma_semaphore, #tpu.memory_space<semaphore_mem>>) src(%arg5 : memref<32x1024xf32, #tpu.memory_space<vmem>>) dst(%dma_wait3A_1125 : memref<32x1024xf32, #tpu.memory_space<hbm>>)
    %dma_wait3A_1126 = arith.constant 0 : i32
    %dma_wait3A_1127 = tpu.memref_slice %arg4[%rem3A_1035, %mul3A_1037, %dma_wait3A_1126] : memref<64x1024x1024xf32, #tpu.memory_space<hbm>> -> memref<1x32x1024xf32, #tpu.memory_space<hbm>>
    %dma_wait3A_1128 = tpu.memref_squeeze %dma_wait3A_1127 : memref<1x32x1024xf32, #tpu.memory_space<hbm>> -> memref<32x1024xf32, #tpu.memory_space<hbm>>
    %dma_wait3A_1129 = arith.constant 0 : i32
    %dma_wait3A_1130 = tpu.memref_slice %arg4[%rem3A_1035, %mul3A_1037, %dma_wait3A_1129] : memref<64x1024x1024xf32, #tpu.memory_space<hbm>> -> memref<1x32x1024xf32, #tpu.memory_space<hbm>>
    %dma_wait3A_1131 = tpu.memref_squeeze %dma_wait3A_1130 : memref<1x32x1024xf32, #tpu.memory_space<hbm>> -> memref<32x1024xf32, #tpu.memory_space<hbm>>
    tpu.wait_dma2 semaphore(%arg6 : memref<!tpu.dma_semaphore, #tpu.memory_space<semaphore_mem>>) src(%arg5 : memref<32x1024xf32, #tpu.memory_space<vmem>>) dst(%dma_wait3A_1131 : memref<32x1024xf32, #tpu.memory_space<hbm>>)
    %dma_wait3A_1132 = arith.constant 0 : i32
    %dma_wait3A_1133 = tpu.memref_slice %arg4[%rem3A_1049, %mul3A_1051, %dma_wait3A_1132] : memref<64x1024x1024xf32, #tpu.memory_space<hbm>> -> memref<1x32x1024xf32, #tpu.memory_space<hbm>>
    %dma_wait3A_1134 = tpu.memref_squeeze %dma_wait3A_1133 : memref<1x32x1024xf32, #tpu.memory_space<hbm>> -> memref<32x1024xf32, #tpu.memory_space<hbm>>
    %dma_wait3A_1135 = arith.constant 0 : i32
    %dma_wait3A_1136 = tpu.memref_slice %arg4[%rem3A_1049, %mul3A_1051, %dma_wait3A_1135] : memref<64x1024x1024xf32, #tpu.memory_space<hbm>> -> memref<1x32x1024xf32, #tpu.memory_space<hbm>>
    %dma_wait3A_1137 = tpu.memref_squeeze %dma_wait3A_1136 : memref<1x32x1024xf32, #tpu.memory_space<hbm>> -> memref<32x1024xf32, #tpu.memory_space<hbm>>
    tpu.wait_dma2 semaphore(%arg6 : memref<!tpu.dma_semaphore, #tpu.memory_space<semaphore_mem>>) src(%arg5 : memref<32x1024xf32, #tpu.memory_space<vmem>>) dst(%dma_wait3A_1137 : memref<32x1024xf32, #tpu.memory_space<hbm>>)
    %dma_wait3A_1138 = arith.constant 0 : i32
    %dma_wait3A_1139 = tpu.memref_slice %arg4[%rem3A_1063, %mul3A_1065, %dma_wait3A_1138] : memref<64x1024x1024xf32, #tpu.memory_space<hbm>> -> memref<1x32x1024xf32, #tpu.memory_space<hbm>>
    %dma_wait3A_1140 = tpu.memref_squeeze %dma_wait3A_1139 : memref<1x32x1024xf32, #tpu.memory_space<hbm>> -> memref<32x1024xf32, #tpu.memory_space<hbm>>
    %dma_wait3A_1141 = arith.constant 0 : i32
    %dma_wait3A_1142 = tpu.memref_slice %arg4[%rem3A_1063, %mul3A_1065, %dma_wait3A_1141] : memref<64x1024x1024xf32, #tpu.memory_space<hbm>> -> memref<1x32x1024xf32, #tpu.memory_space<hbm>>
    %dma_wait3A_1143 = tpu.memref_squeeze %dma_wait3A_1142 : memref<1x32x1024xf32, #tpu.memory_space<hbm>> -> memref<32x1024xf32, #tpu.memory_space<hbm>>
    tpu.wait_dma2 semaphore(%arg6 : memref<!tpu.dma_semaphore, #tpu.memory_space<semaphore_mem>>) src(%arg5 : memref<32x1024xf32, #tpu.memory_space<vmem>>) dst(%dma_wait3A_1143 : memref<32x1024xf32, #tpu.memory_space<hbm>>)
    %dma_wait3A_1144 = arith.constant 0 : i32
    %dma_wait3A_1145 = tpu.memref_slice %arg4[%rem3A_1077, %mul3A_1079, %dma_wait3A_1144] : memref<64x1024x1024xf32, #tpu.memory_space<hbm>> -> memref<1x32x1024xf32, #tpu.memory_space<hbm>>
    %dma_wait3A_1146 = tpu.memref_squeeze %dma_wait3A_1145 : memref<1x32x1024xf32, #tpu.memory_space<hbm>> -> memref<32x1024xf32, #tpu.memory_space<hbm>>
    %dma_wait3A_1147 = arith.constant 0 : i32
    %dma_wait3A_1148 = tpu.memref_slice %arg4[%rem3A_1077, %mul3A_1079, %dma_wait3A_1147] : memref<64x1024x1024xf32, #tpu.memory_space<hbm>> -> memref<1x32x1024xf32, #tpu.memory_space<hbm>>
    %dma_wait3A_1149 = tpu.memref_squeeze %dma_wait3A_1148 : memref<1x32x1024xf32, #tpu.memory_space<hbm>> -> memref<32x1024xf32, #tpu.memory_space<hbm>>
    tpu.wait_dma2 semaphore(%arg6 : memref<!tpu.dma_semaphore, #tpu.memory_space<semaphore_mem>>) src(%arg5 : memref<32x1024xf32, #tpu.memory_space<vmem>>) dst(%dma_wait3A_1149 : memref<32x1024xf32, #tpu.memory_space<hbm>>)
    %dma_wait3A_1150 = arith.constant 0 : i32
    %dma_wait3A_1151 = tpu.memref_slice %arg4[%rem3A_1091, %mul3A_1093, %dma_wait3A_1150] : memref<64x1024x1024xf32, #tpu.memory_space<hbm>> -> memref<1x32x1024xf32, #tpu.memory_space<hbm>>
    %dma_wait3A_1152 = tpu.memref_squeeze %dma_wait3A_1151 : memref<1x32x1024xf32, #tpu.memory_space<hbm>> -> memref<32x1024xf32, #tpu.memory_space<hbm>>
    %dma_wait3A_1153 = arith.constant 0 : i32
    %dma_wait3A_1154 = tpu.memref_slice %arg4[%rem3A_1091, %mul3A_1093, %dma_wait3A_1153] : memref<64x1024x1024xf32, #tpu.memory_space<hbm>> -> memref<1x32x1024xf32, #tpu.memory_space<hbm>>
    %dma_wait3A_1155 = tpu.memref_squeeze %dma_wait3A_1154 : memref<1x32x1024xf32, #tpu.memory_space<hbm>> -> memref<32x1024xf32, #tpu.memory_space<hbm>>
    tpu.wait_dma2 semaphore(%arg6 : memref<!tpu.dma_semaphore, #tpu.memory_space<semaphore_mem>>) src(%arg5 : memref<32x1024xf32, #tpu.memory_space<vmem>>) dst(%dma_wait3A_1155 : memref<32x1024xf32, #tpu.memory_space<hbm>>)
    %dma_wait3A_1156 = arith.constant 0 : i32
    %dma_wait3A_1157 = tpu.memref_slice %arg4[%rem3A_1105, %mul3A_1107, %dma_wait3A_1156] : memref<64x1024x1024xf32, #tpu.memory_space<hbm>> -> memref<1x32x1024xf32, #tpu.memory_space<hbm>>
    %dma_wait3A_1158 = tpu.memref_squeeze %dma_wait3A_1157 : memref<1x32x1024xf32, #tpu.memory_space<hbm>> -> memref<32x1024xf32, #tpu.memory_space<hbm>>
    %dma_wait3A_1159 = arith.constant 0 : i32
    %dma_wait3A_1160 = tpu.memref_slice %arg4[%rem3A_1105, %mul3A_1107, %dma_wait3A_1159] : memref<64x1024x1024xf32, #tpu.memory_space<hbm>> -> memref<1x32x1024xf32, #tpu.memory_space<hbm>>
    %dma_wait3A_1161 = tpu.memref_squeeze %dma_wait3A_1160 : memref<1x32x1024xf32, #tpu.memory_space<hbm>> -> memref<32x1024xf32, #tpu.memory_space<hbm>>
    tpu.wait_dma2 semaphore(%arg6 : memref<!tpu.dma_semaphore, #tpu.memory_space<semaphore_mem>>) src(%arg5 : memref<32x1024xf32, #tpu.memory_space<vmem>>) dst(%dma_wait3A_1161 : memref<32x1024xf32, #tpu.memory_space<hbm>>)
    %mul3A_1162 = arith.constant 2 : i32
    %mul3A_1163 = arith.muli %mul3A_1162, %add3A : i32
    %add3A_1164 = arith.constant 16 : i32
    %add3A_1165 = arith.addi %add3A_1164, %mul3A_1163 : i32
    %rem3A_1166 = arith.constant 64 : i32
    %rem3A_1167 = arith.remsi %add3A_1165, %rem3A_1166 : i32
    %mul3A_1168 = arith.constant 32 : i32
    %mul3A_1169 = arith.muli %add3A, %mul3A_1168 : i32
    %dma_start3A_1170 = arith.constant 0 : i32
    %dma_start3A_1171 = tpu.memref_slice %arg4[%rem3A_1167, %mul3A_1169, %dma_start3A_1170] : memref<64x1024x1024xf32, #tpu.memory_space<hbm>> -> memref<1x32x1024xf32, #tpu.memory_space<hbm>>
    %dma_start3A_1172 = tpu.memref_squeeze %dma_start3A_1171 : memref<1x32x1024xf32, #tpu.memory_space<hbm>> -> memref<32x1024xf32, #tpu.memory_space<hbm>>
    %dma_start3A_1173 = arith.constant 0 : i32
    %dma_start3A_1174 = tpu.memref_slice %arg4[%rem3A_1167, %mul3A_1169, %dma_start3A_1173] : memref<64x1024x1024xf32, #tpu.memory_space<hbm>> -> memref<1x32x1024xf32, #tpu.memory_space<hbm>>
    %dma_start3A_1175 = tpu.memref_squeeze %dma_start3A_1174 : memref<1x32x1024xf32, #tpu.memory_space<hbm>> -> memref<32x1024xf32, #tpu.memory_space<hbm>>
    tpu.enqueue_dma source(%arg5 : memref<32x1024xf32, #tpu.memory_space<vmem>>) target(%dma_start3A_1175 : memref<32x1024xf32, #tpu.memory_space<hbm>>) target_semaphore(%arg6 : memref<!tpu.dma_semaphore, #tpu.memory_space<semaphore_mem>>)
    %mul3A_1176 = arith.constant 2 : i32
    %mul3A_1177 = arith.muli %mul3A_1176, %add3A : i32
    %add3A_1178 = arith.constant 17 : i32
    %add3A_1179 = arith.addi %add3A_1178, %mul3A_1177 : i32
    %rem3A_1180 = arith.constant 64 : i32
    %rem3A_1181 = arith.remsi %add3A_1179, %rem3A_1180 : i32
    %mul3A_1182 = arith.constant 32 : i32
    %mul3A_1183 = arith.muli %add3A, %mul3A_1182 : i32
    %dma_start3A_1184 = arith.constant 0 : i32
    %dma_start3A_1185 = tpu.memref_slice %arg4[%rem3A_1181, %mul3A_1183, %dma_start3A_1184] : memref<64x1024x1024xf32, #tpu.memory_space<hbm>> -> memref<1x32x1024xf32, #tpu.memory_space<hbm>>
    %dma_start3A_1186 = tpu.memref_squeeze %dma_start3A_1185 : memref<1x32x1024xf32, #tpu.memory_space<hbm>> -> memref<32x1024xf32, #tpu.memory_space<hbm>>
    %dma_start3A_1187 = arith.constant 0 : i32
    %dma_start3A_1188 = tpu.memref_slice %arg4[%rem3A_1181, %mul3A_1183, %dma_start3A_1187] : memref<64x1024x1024xf32, #tpu.memory_space<hbm>> -> memref<1x32x1024xf32, #tpu.memory_space<hbm>>
    %dma_start3A_1189 = tpu.memref_squeeze %dma_start3A_1188 : memref<1x32x1024xf32, #tpu.memory_space<hbm>> -> memref<32x1024xf32, #tpu.memory_space<hbm>>
    tpu.enqueue_dma source(%arg5 : memref<32x1024xf32, #tpu.memory_space<vmem>>) target(%dma_start3A_1189 : memref<32x1024xf32, #tpu.memory_space<hbm>>) target_semaphore(%arg6 : memref<!tpu.dma_semaphore, #tpu.memory_space<semaphore_mem>>)
    %mul3A_1190 = arith.constant 2 : i32
    %mul3A_1191 = arith.muli %mul3A_1190, %add3A : i32
    %add3A_1192 = arith.constant 18 : i32
    %add3A_1193 = arith.addi %add3A_1192, %mul3A_1191 : i32
    %rem3A_1194 = arith.constant 64 : i32
    %rem3A_1195 = arith.remsi %add3A_1193, %rem3A_1194 : i32
    %mul3A_1196 = arith.constant 32 : i32
    %mul3A_1197 = arith.muli %add3A, %mul3A_1196 : i32
    %dma_start3A_1198 = arith.constant 0 : i32
    %dma_start3A_1199 = tpu.memref_slice %arg4[%rem3A_1195, %mul3A_1197, %dma_start3A_1198] : memref<64x1024x1024xf32, #tpu.memory_space<hbm>> -> memref<1x32x1024xf32, #tpu.memory_space<hbm>>
    %dma_start3A_1200 = tpu.memref_squeeze %dma_start3A_1199 : memref<1x32x1024xf32, #tpu.memory_space<hbm>> -> memref<32x1024xf32, #tpu.memory_space<hbm>>
    %dma_start3A_1201 = arith.constant 0 : i32
    %dma_start3A_1202 = tpu.memref_slice %arg4[%rem3A_1195, %mul3A_1197, %dma_start3A_1201] : memref<64x1024x1024xf32, #tpu.memory_space<hbm>> -> memref<1x32x1024xf32, #tpu.memory_space<hbm>>
    %dma_start3A_1203 = tpu.memref_squeeze %dma_start3A_1202 : memref<1x32x1024xf32, #tpu.memory_space<hbm>> -> memref<32x1024xf32, #tpu.memory_space<hbm>>
    tpu.enqueue_dma source(%arg5 : memref<32x1024xf32, #tpu.memory_space<vmem>>) target(%dma_start3A_1203 : memref<32x1024xf32, #tpu.memory_space<hbm>>) target_semaphore(%arg6 : memref<!tpu.dma_semaphore, #tpu.memory_space<semaphore_mem>>)
    %mul3A_1204 = arith.constant 2 : i32
    %mul3A_1205 = arith.muli %mul3A_1204, %add3A : i32
    %add3A_1206 = arith.constant 19 : i32
    %add3A_1207 = arith.addi %add3A_1206, %mul3A_1205 : i32
    %rem3A_1208 = arith.constant 64 : i32
    %rem3A_1209 = arith.remsi %add3A_1207, %rem3A_1208 : i32
    %mul3A_1210 = arith.constant 32 : i32
    %mul3A_1211 = arith.muli %add3A, %mul3A_1210 : i32
    %dma_start3A_1212 = arith.constant 0 : i32
    %dma_start3A_1213 = tpu.memref_slice %arg4[%rem3A_1209, %mul3A_1211, %dma_start3A_1212] : memref<64x1024x1024xf32, #tpu.memory_space<hbm>> -> memref<1x32x1024xf32, #tpu.memory_space<hbm>>
    %dma_start3A_1214 = tpu.memref_squeeze %dma_start3A_1213 : memref<1x32x1024xf32, #tpu.memory_space<hbm>> -> memref<32x1024xf32, #tpu.memory_space<hbm>>
    %dma_start3A_1215 = arith.constant 0 : i32
    %dma_start3A_1216 = tpu.memref_slice %arg4[%rem3A_1209, %mul3A_1211, %dma_start3A_1215] : memref<64x1024x1024xf32, #tpu.memory_space<hbm>> -> memref<1x32x1024xf32, #tpu.memory_space<hbm>>
    %dma_start3A_1217 = tpu.memref_squeeze %dma_start3A_1216 : memref<1x32x1024xf32, #tpu.memory_space<hbm>> -> memref<32x1024xf32, #tpu.memory_space<hbm>>
    tpu.enqueue_dma source(%arg5 : memref<32x1024xf32, #tpu.memory_space<vmem>>) target(%dma_start3A_1217 : memref<32x1024xf32, #tpu.memory_space<hbm>>) target_semaphore(%arg6 : memref<!tpu.dma_semaphore, #tpu.memory_space<semaphore_mem>>)
    %mul3A_1218 = arith.constant 2 : i32
    %mul3A_1219 = arith.muli %mul3A_1218, %add3A : i32
    %add3A_1220 = arith.constant 20 : i32
    %add3A_1221 = arith.addi %add3A_1220, %mul3A_1219 : i32
    %rem3A_1222 = arith.constant 64 : i32
    %rem3A_1223 = arith.remsi %add3A_1221, %rem3A_1222 : i32
    %mul3A_1224 = arith.constant 32 : i32
    %mul3A_1225 = arith.muli %add3A, %mul3A_1224 : i32
    %dma_start3A_1226 = arith.constant 0 : i32
    %dma_start3A_1227 = tpu.memref_slice %arg4[%rem3A_1223, %mul3A_1225, %dma_start3A_1226] : memref<64x1024x1024xf32, #tpu.memory_space<hbm>> -> memref<1x32x1024xf32, #tpu.memory_space<hbm>>
    %dma_start3A_1228 = tpu.memref_squeeze %dma_start3A_1227 : memref<1x32x1024xf32, #tpu.memory_space<hbm>> -> memref<32x1024xf32, #tpu.memory_space<hbm>>
    %dma_start3A_1229 = arith.constant 0 : i32
    %dma_start3A_1230 = tpu.memref_slice %arg4[%rem3A_1223, %mul3A_1225, %dma_start3A_1229] : memref<64x1024x1024xf32, #tpu.memory_space<hbm>> -> memref<1x32x1024xf32, #tpu.memory_space<hbm>>
    %dma_start3A_1231 = tpu.memref_squeeze %dma_start3A_1230 : memref<1x32x1024xf32, #tpu.memory_space<hbm>> -> memref<32x1024xf32, #tpu.memory_space<hbm>>
    tpu.enqueue_dma source(%arg5 : memref<32x1024xf32, #tpu.memory_space<vmem>>) target(%dma_start3A_1231 : memref<32x1024xf32, #tpu.memory_space<hbm>>) target_semaphore(%arg6 : memref<!tpu.dma_semaphore, #tpu.memory_space<semaphore_mem>>)
    %mul3A_1232 = arith.constant 2 : i32
    %mul3A_1233 = arith.muli %mul3A_1232, %add3A : i32
    %add3A_1234 = arith.constant 21 : i32
    %add3A_1235 = arith.addi %add3A_1234, %mul3A_1233 : i32
    %rem3A_1236 = arith.constant 64 : i32
    %rem3A_1237 = arith.remsi %add3A_1235, %rem3A_1236 : i32
    %mul3A_1238 = arith.constant 32 : i32
    %mul3A_1239 = arith.muli %add3A, %mul3A_1238 : i32
    %dma_start3A_1240 = arith.constant 0 : i32
    %dma_start3A_1241 = tpu.memref_slice %arg4[%rem3A_1237, %mul3A_1239, %dma_start3A_1240] : memref<64x1024x1024xf32, #tpu.memory_space<hbm>> -> memref<1x32x1024xf32, #tpu.memory_space<hbm>>
    %dma_start3A_1242 = tpu.memref_squeeze %dma_start3A_1241 : memref<1x32x1024xf32, #tpu.memory_space<hbm>> -> memref<32x1024xf32, #tpu.memory_space<hbm>>
    %dma_start3A_1243 = arith.constant 0 : i32
    %dma_start3A_1244 = tpu.memref_slice %arg4[%rem3A_1237, %mul3A_1239, %dma_start3A_1243] : memref<64x1024x1024xf32, #tpu.memory_space<hbm>> -> memref<1x32x1024xf32, #tpu.memory_space<hbm>>
    %dma_start3A_1245 = tpu.memref_squeeze %dma_start3A_1244 : memref<1x32x1024xf32, #tpu.memory_space<hbm>> -> memref<32x1024xf32, #tpu.memory_space<hbm>>
    tpu.enqueue_dma source(%arg5 : memref<32x1024xf32, #tpu.memory_space<vmem>>) target(%dma_start3A_1245 : memref<32x1024xf32, #tpu.memory_space<hbm>>) target_semaphore(%arg6 : memref<!tpu.dma_semaphore, #tpu.memory_space<semaphore_mem>>)
    %mul3A_1246 = arith.constant 2 : i32
    %mul3A_1247 = arith.muli %mul3A_1246, %add3A : i32
    %add3A_1248 = arith.constant 22 : i32
    %add3A_1249 = arith.addi %add3A_1248, %mul3A_1247 : i32
    %rem3A_1250 = arith.constant 64 : i32
    %rem3A_1251 = arith.remsi %add3A_1249, %rem3A_1250 : i32
    %mul3A_1252 = arith.constant 32 : i32
    %mul3A_1253 = arith.muli %add3A, %mul3A_1252 : i32
    %dma_start3A_1254 = arith.constant 0 : i32
    %dma_start3A_1255 = tpu.memref_slice %arg4[%rem3A_1251, %mul3A_1253, %dma_start3A_1254] : memref<64x1024x1024xf32, #tpu.memory_space<hbm>> -> memref<1x32x1024xf32, #tpu.memory_space<hbm>>
    %dma_start3A_1256 = tpu.memref_squeeze %dma_start3A_1255 : memref<1x32x1024xf32, #tpu.memory_space<hbm>> -> memref<32x1024xf32, #tpu.memory_space<hbm>>
    %dma_start3A_1257 = arith.constant 0 : i32
    %dma_start3A_1258 = tpu.memref_slice %arg4[%rem3A_1251, %mul3A_1253, %dma_start3A_1257] : memref<64x1024x1024xf32, #tpu.memory_space<hbm>> -> memref<1x32x1024xf32, #tpu.memory_space<hbm>>
    %dma_start3A_1259 = tpu.memref_squeeze %dma_start3A_1258 : memref<1x32x1024xf32, #tpu.memory_space<hbm>> -> memref<32x1024xf32, #tpu.memory_space<hbm>>
    tpu.enqueue_dma source(%arg5 : memref<32x1024xf32, #tpu.memory_space<vmem>>) target(%dma_start3A_1259 : memref<32x1024xf32, #tpu.memory_space<hbm>>) target_semaphore(%arg6 : memref<!tpu.dma_semaphore, #tpu.memory_space<semaphore_mem>>)
    %mul3A_1260 = arith.constant 2 : i32
    %mul3A_1261 = arith.muli %mul3A_1260, %add3A : i32
    %add3A_1262 = arith.constant 23 : i32
    %add3A_1263 = arith.addi %add3A_1262, %mul3A_1261 : i32
    %rem3A_1264 = arith.constant 64 : i32
    %rem3A_1265 = arith.remsi %add3A_1263, %rem3A_1264 : i32
    %mul3A_1266 = arith.constant 32 : i32
    %mul3A_1267 = arith.muli %add3A, %mul3A_1266 : i32
    %dma_start3A_1268 = arith.constant 0 : i32
    %dma_start3A_1269 = tpu.memref_slice %arg4[%rem3A_1265, %mul3A_1267, %dma_start3A_1268] : memref<64x1024x1024xf32, #tpu.memory_space<hbm>> -> memref<1x32x1024xf32, #tpu.memory_space<hbm>>
    %dma_start3A_1270 = tpu.memref_squeeze %dma_start3A_1269 : memref<1x32x1024xf32, #tpu.memory_space<hbm>> -> memref<32x1024xf32, #tpu.memory_space<hbm>>
    %dma_start3A_1271 = arith.constant 0 : i32
    %dma_start3A_1272 = tpu.memref_slice %arg4[%rem3A_1265, %mul3A_1267, %dma_start3A_1271] : memref<64x1024x1024xf32, #tpu.memory_space<hbm>> -> memref<1x32x1024xf32, #tpu.memory_space<hbm>>
    %dma_start3A_1273 = tpu.memref_squeeze %dma_start3A_1272 : memref<1x32x1024xf32, #tpu.memory_space<hbm>> -> memref<32x1024xf32, #tpu.memory_space<hbm>>
    tpu.enqueue_dma source(%arg5 : memref<32x1024xf32, #tpu.memory_space<vmem>>) target(%dma_start3A_1273 : memref<32x1024xf32, #tpu.memory_space<hbm>>) target_semaphore(%arg6 : memref<!tpu.dma_semaphore, #tpu.memory_space<semaphore_mem>>)
    %dma_wait3A_1274 = arith.constant 0 : i32
    %dma_wait3A_1275 = tpu.memref_slice %arg4[%rem3A_1167, %mul3A_1169, %dma_wait3A_1274] : memref<64x1024x1024xf32, #tpu.memory_space<hbm>> -> memref<1x32x1024xf32, #tpu.memory_space<hbm>>
    %dma_wait3A_1276 = tpu.memref_squeeze %dma_wait3A_1275 : memref<1x32x1024xf32, #tpu.memory_space<hbm>> -> memref<32x1024xf32, #tpu.memory_space<hbm>>
    %dma_wait3A_1277 = arith.constant 0 : i32
    %dma_wait3A_1278 = tpu.memref_slice %arg4[%rem3A_1167, %mul3A_1169, %dma_wait3A_1277] : memref<64x1024x1024xf32, #tpu.memory_space<hbm>> -> memref<1x32x1024xf32, #tpu.memory_space<hbm>>
    %dma_wait3A_1279 = tpu.memref_squeeze %dma_wait3A_1278 : memref<1x32x1024xf32, #tpu.memory_space<hbm>> -> memref<32x1024xf32, #tpu.memory_space<hbm>>
    tpu.wait_dma2 semaphore(%arg6 : memref<!tpu.dma_semaphore, #tpu.memory_space<semaphore_mem>>) src(%arg5 : memref<32x1024xf32, #tpu.memory_space<vmem>>) dst(%dma_wait3A_1279 : memref<32x1024xf32, #tpu.memory_space<hbm>>)
    %dma_wait3A_1280 = arith.constant 0 : i32
    %dma_wait3A_1281 = tpu.memref_slice %arg4[%rem3A_1181, %mul3A_1183, %dma_wait3A_1280] : memref<64x1024x1024xf32, #tpu.memory_space<hbm>> -> memref<1x32x1024xf32, #tpu.memory_space<hbm>>
    %dma_wait3A_1282 = tpu.memref_squeeze %dma_wait3A_1281 : memref<1x32x1024xf32, #tpu.memory_space<hbm>> -> memref<32x1024xf32, #tpu.memory_space<hbm>>
    %dma_wait3A_1283 = arith.constant 0 : i32
    %dma_wait3A_1284 = tpu.memref_slice %arg4[%rem3A_1181, %mul3A_1183, %dma_wait3A_1283] : memref<64x1024x1024xf32, #tpu.memory_space<hbm>> -> memref<1x32x1024xf32, #tpu.memory_space<hbm>>
    %dma_wait3A_1285 = tpu.memref_squeeze %dma_wait3A_1284 : memref<1x32x1024xf32, #tpu.memory_space<hbm>> -> memref<32x1024xf32, #tpu.memory_space<hbm>>
    tpu.wait_dma2 semaphore(%arg6 : memref<!tpu.dma_semaphore, #tpu.memory_space<semaphore_mem>>) src(%arg5 : memref<32x1024xf32, #tpu.memory_space<vmem>>) dst(%dma_wait3A_1285 : memref<32x1024xf32, #tpu.memory_space<hbm>>)
    %dma_wait3A_1286 = arith.constant 0 : i32
    %dma_wait3A_1287 = tpu.memref_slice %arg4[%rem3A_1195, %mul3A_1197, %dma_wait3A_1286] : memref<64x1024x1024xf32, #tpu.memory_space<hbm>> -> memref<1x32x1024xf32, #tpu.memory_space<hbm>>
    %dma_wait3A_1288 = tpu.memref_squeeze %dma_wait3A_1287 : memref<1x32x1024xf32, #tpu.memory_space<hbm>> -> memref<32x1024xf32, #tpu.memory_space<hbm>>
    %dma_wait3A_1289 = arith.constant 0 : i32
    %dma_wait3A_1290 = tpu.memref_slice %arg4[%rem3A_1195, %mul3A_1197, %dma_wait3A_1289] : memref<64x1024x1024xf32, #tpu.memory_space<hbm>> -> memref<1x32x1024xf32, #tpu.memory_space<hbm>>
    %dma_wait3A_1291 = tpu.memref_squeeze %dma_wait3A_1290 : memref<1x32x1024xf32, #tpu.memory_space<hbm>> -> memref<32x1024xf32, #tpu.memory_space<hbm>>
    tpu.wait_dma2 semaphore(%arg6 : memref<!tpu.dma_semaphore, #tpu.memory_space<semaphore_mem>>) src(%arg5 : memref<32x1024xf32, #tpu.memory_space<vmem>>) dst(%dma_wait3A_1291 : memref<32x1024xf32, #tpu.memory_space<hbm>>)
    %dma_wait3A_1292 = arith.constant 0 : i32
    %dma_wait3A_1293 = tpu.memref_slice %arg4[%rem3A_1209, %mul3A_1211, %dma_wait3A_1292] : memref<64x1024x1024xf32, #tpu.memory_space<hbm>> -> memref<1x32x1024xf32, #tpu.memory_space<hbm>>
    %dma_wait3A_1294 = tpu.memref_squeeze %dma_wait3A_1293 : memref<1x32x1024xf32, #tpu.memory_space<hbm>> -> memref<32x1024xf32, #tpu.memory_space<hbm>>
    %dma_wait3A_1295 = arith.constant 0 : i32
    %dma_wait3A_1296 = tpu.memref_slice %arg4[%rem3A_1209, %mul3A_1211, %dma_wait3A_1295] : memref<64x1024x1024xf32, #tpu.memory_space<hbm>> -> memref<1x32x1024xf32, #tpu.memory_space<hbm>>
    %dma_wait3A_1297 = tpu.memref_squeeze %dma_wait3A_1296 : memref<1x32x1024xf32, #tpu.memory_space<hbm>> -> memref<32x1024xf32, #tpu.memory_space<hbm>>
    tpu.wait_dma2 semaphore(%arg6 : memref<!tpu.dma_semaphore, #tpu.memory_space<semaphore_mem>>) src(%arg5 : memref<32x1024xf32, #tpu.memory_space<vmem>>) dst(%dma_wait3A_1297 : memref<32x1024xf32, #tpu.memory_space<hbm>>)
    %dma_wait3A_1298 = arith.constant 0 : i32
    %dma_wait3A_1299 = tpu.memref_slice %arg4[%rem3A_1223, %mul3A_1225, %dma_wait3A_1298] : memref<64x1024x1024xf32, #tpu.memory_space<hbm>> -> memref<1x32x1024xf32, #tpu.memory_space<hbm>>
    %dma_wait3A_1300 = tpu.memref_squeeze %dma_wait3A_1299 : memref<1x32x1024xf32, #tpu.memory_space<hbm>> -> memref<32x1024xf32, #tpu.memory_space<hbm>>
    %dma_wait3A_1301 = arith.constant 0 : i32
    %dma_wait3A_1302 = tpu.memref_slice %arg4[%rem3A_1223, %mul3A_1225, %dma_wait3A_1301] : memref<64x1024x1024xf32, #tpu.memory_space<hbm>> -> memref<1x32x1024xf32, #tpu.memory_space<hbm>>
    %dma_wait3A_1303 = tpu.memref_squeeze %dma_wait3A_1302 : memref<1x32x1024xf32, #tpu.memory_space<hbm>> -> memref<32x1024xf32, #tpu.memory_space<hbm>>
    tpu.wait_dma2 semaphore(%arg6 : memref<!tpu.dma_semaphore, #tpu.memory_space<semaphore_mem>>) src(%arg5 : memref<32x1024xf32, #tpu.memory_space<vmem>>) dst(%dma_wait3A_1303 : memref<32x1024xf32, #tpu.memory_space<hbm>>)
    %dma_wait3A_1304 = arith.constant 0 : i32
    %dma_wait3A_1305 = tpu.memref_slice %arg4[%rem3A_1237, %mul3A_1239, %dma_wait3A_1304] : memref<64x1024x1024xf32, #tpu.memory_space<hbm>> -> memref<1x32x1024xf32, #tpu.memory_space<hbm>>
    %dma_wait3A_1306 = tpu.memref_squeeze %dma_wait3A_1305 : memref<1x32x1024xf32, #tpu.memory_space<hbm>> -> memref<32x1024xf32, #tpu.memory_space<hbm>>
    %dma_wait3A_1307 = arith.constant 0 : i32
    %dma_wait3A_1308 = tpu.memref_slice %arg4[%rem3A_1237, %mul3A_1239, %dma_wait3A_1307] : memref<64x1024x1024xf32, #tpu.memory_space<hbm>> -> memref<1x32x1024xf32, #tpu.memory_space<hbm>>
    %dma_wait3A_1309 = tpu.memref_squeeze %dma_wait3A_1308 : memref<1x32x1024xf32, #tpu.memory_space<hbm>> -> memref<32x1024xf32, #tpu.memory_space<hbm>>
    tpu.wait_dma2 semaphore(%arg6 : memref<!tpu.dma_semaphore, #tpu.memory_space<semaphore_mem>>) src(%arg5 : memref<32x1024xf32, #tpu.memory_space<vmem>>) dst(%dma_wait3A_1309 : memref<32x1024xf32, #tpu.memory_space<hbm>>)
    %dma_wait3A_1310 = arith.constant 0 : i32
    %dma_wait3A_1311 = tpu.memref_slice %arg4[%rem3A_1251, %mul3A_1253, %dma_wait3A_1310] : memref<64x1024x1024xf32, #tpu.memory_space<hbm>> -> memref<1x32x1024xf32, #tpu.memory_space<hbm>>
    %dma_wait3A_1312 = tpu.memref_squeeze %dma_wait3A_1311 : memref<1x32x1024xf32, #tpu.memory_space<hbm>> -> memref<32x1024xf32, #tpu.memory_space<hbm>>
    %dma_wait3A_1313 = arith.constant 0 : i32
    %dma_wait3A_1314 = tpu.memref_slice %arg4[%rem3A_1251, %mul3A_1253, %dma_wait3A_1313] : memref<64x1024x1024xf32, #tpu.memory_space<hbm>> -> memref<1x32x1024xf32, #tpu.memory_space<hbm>>
    %dma_wait3A_1315 = tpu.memref_squeeze %dma_wait3A_1314 : memref<1x32x1024xf32, #tpu.memory_space<hbm>> -> memref<32x1024xf32, #tpu.memory_space<hbm>>
    tpu.wait_dma2 semaphore(%arg6 : memref<!tpu.dma_semaphore, #tpu.memory_space<semaphore_mem>>) src(%arg5 : memref<32x1024xf32, #tpu.memory_space<vmem>>) dst(%dma_wait3A_1315 : memref<32x1024xf32, #tpu.memory_space<hbm>>)
    %dma_wait3A_1316 = arith.constant 0 : i32
    %dma_wait3A_1317 = tpu.memref_slice %arg4[%rem3A_1265, %mul3A_1267, %dma_wait3A_1316] : memref<64x1024x1024xf32, #tpu.memory_space<hbm>> -> memref<1x32x1024xf32, #tpu.memory_space<hbm>>
    %dma_wait3A_1318 = tpu.memref_squeeze %dma_wait3A_1317 : memref<1x32x1024xf32, #tpu.memory_space<hbm>> -> memref<32x1024xf32, #tpu.memory_space<hbm>>
    %dma_wait3A_1319 = arith.constant 0 : i32
    %dma_wait3A_1320 = tpu.memref_slice %arg4[%rem3A_1265, %mul3A_1267, %dma_wait3A_1319] : memref<64x1024x1024xf32, #tpu.memory_space<hbm>> -> memref<1x32x1024xf32, #tpu.memory_space<hbm>>
    %dma_wait3A_1321 = tpu.memref_squeeze %dma_wait3A_1320 : memref<1x32x1024xf32, #tpu.memory_space<hbm>> -> memref<32x1024xf32, #tpu.memory_space<hbm>>
    tpu.wait_dma2 semaphore(%arg6 : memref<!tpu.dma_semaphore, #tpu.memory_space<semaphore_mem>>) src(%arg5 : memref<32x1024xf32, #tpu.memory_space<vmem>>) dst(%dma_wait3A_1321 : memref<32x1024xf32, #tpu.memory_space<hbm>>)
    %mul3A_1322 = arith.constant 2 : i32
    %mul3A_1323 = arith.muli %mul3A_1322, %add3A : i32
    %add3A_1324 = arith.constant 24 : i32
    %add3A_1325 = arith.addi %add3A_1324, %mul3A_1323 : i32
    %rem3A_1326 = arith.constant 64 : i32
    %rem3A_1327 = arith.remsi %add3A_1325, %rem3A_1326 : i32
    %mul3A_1328 = arith.constant 32 : i32
    %mul3A_1329 = arith.muli %add3A, %mul3A_1328 : i32
    %dma_start3A_1330 = arith.constant 0 : i32
    %dma_start3A_1331 = tpu.memref_slice %arg4[%rem3A_1327, %mul3A_1329, %dma_start3A_1330] : memref<64x1024x1024xf32, #tpu.memory_space<hbm>> -> memref<1x32x1024xf32, #tpu.memory_space<hbm>>
    %dma_start3A_1332 = tpu.memref_squeeze %dma_start3A_1331 : memref<1x32x1024xf32, #tpu.memory_space<hbm>> -> memref<32x1024xf32, #tpu.memory_space<hbm>>
    %dma_start3A_1333 = arith.constant 0 : i32
    %dma_start3A_1334 = tpu.memref_slice %arg4[%rem3A_1327, %mul3A_1329, %dma_start3A_1333] : memref<64x1024x1024xf32, #tpu.memory_space<hbm>> -> memref<1x32x1024xf32, #tpu.memory_space<hbm>>
    %dma_start3A_1335 = tpu.memref_squeeze %dma_start3A_1334 : memref<1x32x1024xf32, #tpu.memory_space<hbm>> -> memref<32x1024xf32, #tpu.memory_space<hbm>>
    tpu.enqueue_dma source(%arg5 : memref<32x1024xf32, #tpu.memory_space<vmem>>) target(%dma_start3A_1335 : memref<32x1024xf32, #tpu.memory_space<hbm>>) target_semaphore(%arg6 : memref<!tpu.dma_semaphore, #tpu.memory_space<semaphore_mem>>)
    %mul3A_1336 = arith.constant 2 : i32
    %mul3A_1337 = arith.muli %mul3A_1336, %add3A : i32
    %add3A_1338 = arith.constant 25 : i32
    %add3A_1339 = arith.addi %add3A_1338, %mul3A_1337 : i32
    %rem3A_1340 = arith.constant 64 : i32
    %rem3A_1341 = arith.remsi %add3A_1339, %rem3A_1340 : i32
    %mul3A_1342 = arith.constant 32 : i32
    %mul3A_1343 = arith.muli %add3A, %mul3A_1342 : i32
    %dma_start3A_1344 = arith.constant 0 : i32
    %dma_start3A_1345 = tpu.memref_slice %arg4[%rem3A_1341, %mul3A_1343, %dma_start3A_1344] : memref<64x1024x1024xf32, #tpu.memory_space<hbm>> -> memref<1x32x1024xf32, #tpu.memory_space<hbm>>
    %dma_start3A_1346 = tpu.memref_squeeze %dma_start3A_1345 : memref<1x32x1024xf32, #tpu.memory_space<hbm>> -> memref<32x1024xf32, #tpu.memory_space<hbm>>
    %dma_start3A_1347 = arith.constant 0 : i32
    %dma_start3A_1348 = tpu.memref_slice %arg4[%rem3A_1341, %mul3A_1343, %dma_start3A_1347] : memref<64x1024x1024xf32, #tpu.memory_space<hbm>> -> memref<1x32x1024xf32, #tpu.memory_space<hbm>>
    %dma_start3A_1349 = tpu.memref_squeeze %dma_start3A_1348 : memref<1x32x1024xf32, #tpu.memory_space<hbm>> -> memref<32x1024xf32, #tpu.memory_space<hbm>>
    tpu.enqueue_dma source(%arg5 : memref<32x1024xf32, #tpu.memory_space<vmem>>) target(%dma_start3A_1349 : memref<32x1024xf32, #tpu.memory_space<hbm>>) target_semaphore(%arg6 : memref<!tpu.dma_semaphore, #tpu.memory_space<semaphore_mem>>)
    %mul3A_1350 = arith.constant 2 : i32
    %mul3A_1351 = arith.muli %mul3A_1350, %add3A : i32
    %add3A_1352 = arith.constant 26 : i32
    %add3A_1353 = arith.addi %add3A_1352, %mul3A_1351 : i32
    %rem3A_1354 = arith.constant 64 : i32
    %rem3A_1355 = arith.remsi %add3A_1353, %rem3A_1354 : i32
    %mul3A_1356 = arith.constant 32 : i32
    %mul3A_1357 = arith.muli %add3A, %mul3A_1356 : i32
    %dma_start3A_1358 = arith.constant 0 : i32
    %dma_start3A_1359 = tpu.memref_slice %arg4[%rem3A_1355, %mul3A_1357, %dma_start3A_1358] : memref<64x1024x1024xf32, #tpu.memory_space<hbm>> -> memref<1x32x1024xf32, #tpu.memory_space<hbm>>
    %dma_start3A_1360 = tpu.memref_squeeze %dma_start3A_1359 : memref<1x32x1024xf32, #tpu.memory_space<hbm>> -> memref<32x1024xf32, #tpu.memory_space<hbm>>
    %dma_start3A_1361 = arith.constant 0 : i32
    %dma_start3A_1362 = tpu.memref_slice %arg4[%rem3A_1355, %mul3A_1357, %dma_start3A_1361] : memref<64x1024x1024xf32, #tpu.memory_space<hbm>> -> memref<1x32x1024xf32, #tpu.memory_space<hbm>>
    %dma_start3A_1363 = tpu.memref_squeeze %dma_start3A_1362 : memref<1x32x1024xf32, #tpu.memory_space<hbm>> -> memref<32x1024xf32, #tpu.memory_space<hbm>>
    tpu.enqueue_dma source(%arg5 : memref<32x1024xf32, #tpu.memory_space<vmem>>) target(%dma_start3A_1363 : memref<32x1024xf32, #tpu.memory_space<hbm>>) target_semaphore(%arg6 : memref<!tpu.dma_semaphore, #tpu.memory_space<semaphore_mem>>)
    %mul3A_1364 = arith.constant 2 : i32
    %mul3A_1365 = arith.muli %mul3A_1364, %add3A : i32
    %add3A_1366 = arith.constant 27 : i32
    %add3A_1367 = arith.addi %add3A_1366, %mul3A_1365 : i32
    %rem3A_1368 = arith.constant 64 : i32
    %rem3A_1369 = arith.remsi %add3A_1367, %rem3A_1368 : i32
    %mul3A_1370 = arith.constant 32 : i32
    %mul3A_1371 = arith.muli %add3A, %mul3A_1370 : i32
    %dma_start3A_1372 = arith.constant 0 : i32
    %dma_start3A_1373 = tpu.memref_slice %arg4[%rem3A_1369, %mul3A_1371, %dma_start3A_1372] : memref<64x1024x1024xf32, #tpu.memory_space<hbm>> -> memref<1x32x1024xf32, #tpu.memory_space<hbm>>
    %dma_start3A_1374 = tpu.memref_squeeze %dma_start3A_1373 : memref<1x32x1024xf32, #tpu.memory_space<hbm>> -> memref<32x1024xf32, #tpu.memory_space<hbm>>
    %dma_start3A_1375 = arith.constant 0 : i32
    %dma_start3A_1376 = tpu.memref_slice %arg4[%rem3A_1369, %mul3A_1371, %dma_start3A_1375] : memref<64x1024x1024xf32, #tpu.memory_space<hbm>> -> memref<1x32x1024xf32, #tpu.memory_space<hbm>>
    %dma_start3A_1377 = tpu.memref_squeeze %dma_start3A_1376 : memref<1x32x1024xf32, #tpu.memory_space<hbm>> -> memref<32x1024xf32, #tpu.memory_space<hbm>>
    tpu.enqueue_dma source(%arg5 : memref<32x1024xf32, #tpu.memory_space<vmem>>) target(%dma_start3A_1377 : memref<32x1024xf32, #tpu.memory_space<hbm>>) target_semaphore(%arg6 : memref<!tpu.dma_semaphore, #tpu.memory_space<semaphore_mem>>)
    %mul3A_1378 = arith.constant 2 : i32
    %mul3A_1379 = arith.muli %mul3A_1378, %add3A : i32
    %add3A_1380 = arith.constant 28 : i32
    %add3A_1381 = arith.addi %add3A_1380, %mul3A_1379 : i32
    %rem3A_1382 = arith.constant 64 : i32
    %rem3A_1383 = arith.remsi %add3A_1381, %rem3A_1382 : i32
    %mul3A_1384 = arith.constant 32 : i32
    %mul3A_1385 = arith.muli %add3A, %mul3A_1384 : i32
    %dma_start3A_1386 = arith.constant 0 : i32
    %dma_start3A_1387 = tpu.memref_slice %arg4[%rem3A_1383, %mul3A_1385, %dma_start3A_1386] : memref<64x1024x1024xf32, #tpu.memory_space<hbm>> -> memref<1x32x1024xf32, #tpu.memory_space<hbm>>
    %dma_start3A_1388 = tpu.memref_squeeze %dma_start3A_1387 : memref<1x32x1024xf32, #tpu.memory_space<hbm>> -> memref<32x1024xf32, #tpu.memory_space<hbm>>
    %dma_start3A_1389 = arith.constant 0 : i32
    %dma_start3A_1390 = tpu.memref_slice %arg4[%rem3A_1383, %mul3A_1385, %dma_start3A_1389] : memref<64x1024x1024xf32, #tpu.memory_space<hbm>> -> memref<1x32x1024xf32, #tpu.memory_space<hbm>>
    %dma_start3A_1391 = tpu.memref_squeeze %dma_start3A_1390 : memref<1x32x1024xf32, #tpu.memory_space<hbm>> -> memref<32x1024xf32, #tpu.memory_space<hbm>>
    tpu.enqueue_dma source(%arg5 : memref<32x1024xf32, #tpu.memory_space<vmem>>) target(%dma_start3A_1391 : memref<32x1024xf32, #tpu.memory_space<hbm>>) target_semaphore(%arg6 : memref<!tpu.dma_semaphore, #tpu.memory_space<semaphore_mem>>)
    %mul3A_1392 = arith.constant 2 : i32
    %mul3A_1393 = arith.muli %mul3A_1392, %add3A : i32
    %add3A_1394 = arith.constant 29 : i32
    %add3A_1395 = arith.addi %add3A_1394, %mul3A_1393 : i32
    %rem3A_1396 = arith.constant 64 : i32
    %rem3A_1397 = arith.remsi %add3A_1395, %rem3A_1396 : i32
    %mul3A_1398 = arith.constant 32 : i32
    %mul3A_1399 = arith.muli %add3A, %mul3A_1398 : i32
    %dma_start3A_1400 = arith.constant 0 : i32
    %dma_start3A_1401 = tpu.memref_slice %arg4[%rem3A_1397, %mul3A_1399, %dma_start3A_1400] : memref<64x1024x1024xf32, #tpu.memory_space<hbm>> -> memref<1x32x1024xf32, #tpu.memory_space<hbm>>
    %dma_start3A_1402 = tpu.memref_squeeze %dma_start3A_1401 : memref<1x32x1024xf32, #tpu.memory_space<hbm>> -> memref<32x1024xf32, #tpu.memory_space<hbm>>
    %dma_start3A_1403 = arith.constant 0 : i32
    %dma_start3A_1404 = tpu.memref_slice %arg4[%rem3A_1397, %mul3A_1399, %dma_start3A_1403] : memref<64x1024x1024xf32, #tpu.memory_space<hbm>> -> memref<1x32x1024xf32, #tpu.memory_space<hbm>>
    %dma_start3A_1405 = tpu.memref_squeeze %dma_start3A_1404 : memref<1x32x1024xf32, #tpu.memory_space<hbm>> -> memref<32x1024xf32, #tpu.memory_space<hbm>>
    tpu.enqueue_dma source(%arg5 : memref<32x1024xf32, #tpu.memory_space<vmem>>) target(%dma_start3A_1405 : memref<32x1024xf32, #tpu.memory_space<hbm>>) target_semaphore(%arg6 : memref<!tpu.dma_semaphore, #tpu.memory_space<semaphore_mem>>)
    %mul3A_1406 = arith.constant 2 : i32
    %mul3A_1407 = arith.muli %mul3A_1406, %add3A : i32
    %add3A_1408 = arith.constant 30 : i32
    %add3A_1409 = arith.addi %add3A_1408, %mul3A_1407 : i32
    %rem3A_1410 = arith.constant 64 : i32
    %rem3A_1411 = arith.remsi %add3A_1409, %rem3A_1410 : i32
    %mul3A_1412 = arith.constant 32 : i32
    %mul3A_1413 = arith.muli %add3A, %mul3A_1412 : i32
    %dma_start3A_1414 = arith.constant 0 : i32
    %dma_start3A_1415 = tpu.memref_slice %arg4[%rem3A_1411, %mul3A_1413, %dma_start3A_1414] : memref<64x1024x1024xf32, #tpu.memory_space<hbm>> -> memref<1x32x1024xf32, #tpu.memory_space<hbm>>
    %dma_start3A_1416 = tpu.memref_squeeze %dma_start3A_1415 : memref<1x32x1024xf32, #tpu.memory_space<hbm>> -> memref<32x1024xf32, #tpu.memory_space<hbm>>
    %dma_start3A_1417 = arith.constant 0 : i32
    %dma_start3A_1418 = tpu.memref_slice %arg4[%rem3A_1411, %mul3A_1413, %dma_start3A_1417] : memref<64x1024x1024xf32, #tpu.memory_space<hbm>> -> memref<1x32x1024xf32, #tpu.memory_space<hbm>>
    %dma_start3A_1419 = tpu.memref_squeeze %dma_start3A_1418 : memref<1x32x1024xf32, #tpu.memory_space<hbm>> -> memref<32x1024xf32, #tpu.memory_space<hbm>>
    tpu.enqueue_dma source(%arg5 : memref<32x1024xf32, #tpu.memory_space<vmem>>) target(%dma_start3A_1419 : memref<32x1024xf32, #tpu.memory_space<hbm>>) target_semaphore(%arg6 : memref<!tpu.dma_semaphore, #tpu.memory_space<semaphore_mem>>)
    %mul3A_1420 = arith.constant 2 : i32
    %mul3A_1421 = arith.muli %mul3A_1420, %add3A : i32
    %add3A_1422 = arith.constant 31 : i32
    %add3A_1423 = arith.addi %add3A_1422, %mul3A_1421 : i32
    %rem3A_1424 = arith.constant 64 : i32
    %rem3A_1425 = arith.remsi %add3A_1423, %rem3A_1424 : i32
    %mul3A_1426 = arith.constant 32 : i32
    %mul3A_1427 = arith.muli %add3A, %mul3A_1426 : i32
    %dma_start3A_1428 = arith.constant 0 : i32
    %dma_start3A_1429 = tpu.memref_slice %arg4[%rem3A_1425, %mul3A_1427, %dma_start3A_1428] : memref<64x1024x1024xf32, #tpu.memory_space<hbm>> -> memref<1x32x1024xf32, #tpu.memory_space<hbm>>
    %dma_start3A_1430 = tpu.memref_squeeze %dma_start3A_1429 : memref<1x32x1024xf32, #tpu.memory_space<hbm>> -> memref<32x1024xf32, #tpu.memory_space<hbm>>
    %dma_start3A_1431 = arith.constant 0 : i32
    %dma_start3A_1432 = tpu.memref_slice %arg4[%rem3A_1425, %mul3A_1427, %dma_start3A_1431] : memref<64x1024x1024xf32, #tpu.memory_space<hbm>> -> memref<1x32x1024xf32, #tpu.memory_space<hbm>>
    %dma_start3A_1433 = tpu.memref_squeeze %dma_start3A_1432 : memref<1x32x1024xf32, #tpu.memory_space<hbm>> -> memref<32x1024xf32, #tpu.memory_space<hbm>>
    tpu.enqueue_dma source(%arg5 : memref<32x1024xf32, #tpu.memory_space<vmem>>) target(%dma_start3A_1433 : memref<32x1024xf32, #tpu.memory_space<hbm>>) target_semaphore(%arg6 : memref<!tpu.dma_semaphore, #tpu.memory_space<semaphore_mem>>)
    %dma_wait3A_1434 = arith.constant 0 : i32
    %dma_wait3A_1435 = tpu.memref_slice %arg4[%rem3A_1327, %mul3A_1329, %dma_wait3A_1434] : memref<64x1024x1024xf32, #tpu.memory_space<hbm>> -> memref<1x32x1024xf32, #tpu.memory_space<hbm>>
    %dma_wait3A_1436 = tpu.memref_squeeze %dma_wait3A_1435 : memref<1x32x1024xf32, #tpu.memory_space<hbm>> -> memref<32x1024xf32, #tpu.memory_space<hbm>>
    %dma_wait3A_1437 = arith.constant 0 : i32
    %dma_wait3A_1438 = tpu.memref_slice %arg4[%rem3A_1327, %mul3A_1329, %dma_wait3A_1437] : memref<64x1024x1024xf32, #tpu.memory_space<hbm>> -> memref<1x32x1024xf32, #tpu.memory_space<hbm>>
    %dma_wait3A_1439 = tpu.memref_squeeze %dma_wait3A_1438 : memref<1x32x1024xf32, #tpu.memory_space<hbm>> -> memref<32x1024xf32, #tpu.memory_space<hbm>>
    tpu.wait_dma2 semaphore(%arg6 : memref<!tpu.dma_semaphore, #tpu.memory_space<semaphore_mem>>) src(%arg5 : memref<32x1024xf32, #tpu.memory_space<vmem>>) dst(%dma_wait3A_1439 : memref<32x1024xf32, #tpu.memory_space<hbm>>)
    %dma_wait3A_1440 = arith.constant 0 : i32
    %dma_wait3A_1441 = tpu.memref_slice %arg4[%rem3A_1341, %mul3A_1343, %dma_wait3A_1440] : memref<64x1024x1024xf32, #tpu.memory_space<hbm>> -> memref<1x32x1024xf32, #tpu.memory_space<hbm>>
    %dma_wait3A_1442 = tpu.memref_squeeze %dma_wait3A_1441 : memref<1x32x1024xf32, #tpu.memory_space<hbm>> -> memref<32x1024xf32, #tpu.memory_space<hbm>>
    %dma_wait3A_1443 = arith.constant 0 : i32
    %dma_wait3A_1444 = tpu.memref_slice %arg4[%rem3A_1341, %mul3A_1343, %dma_wait3A_1443] : memref<64x1024x1024xf32, #tpu.memory_space<hbm>> -> memref<1x32x1024xf32, #tpu.memory_space<hbm>>
    %dma_wait3A_1445 = tpu.memref_squeeze %dma_wait3A_1444 : memref<1x32x1024xf32, #tpu.memory_space<hbm>> -> memref<32x1024xf32, #tpu.memory_space<hbm>>
    tpu.wait_dma2 semaphore(%arg6 : memref<!tpu.dma_semaphore, #tpu.memory_space<semaphore_mem>>) src(%arg5 : memref<32x1024xf32, #tpu.memory_space<vmem>>) dst(%dma_wait3A_1445 : memref<32x1024xf32, #tpu.memory_space<hbm>>)
    %dma_wait3A_1446 = arith.constant 0 : i32
    %dma_wait3A_1447 = tpu.memref_slice %arg4[%rem3A_1355, %mul3A_1357, %dma_wait3A_1446] : memref<64x1024x1024xf32, #tpu.memory_space<hbm>> -> memref<1x32x1024xf32, #tpu.memory_space<hbm>>
    %dma_wait3A_1448 = tpu.memref_squeeze %dma_wait3A_1447 : memref<1x32x1024xf32, #tpu.memory_space<hbm>> -> memref<32x1024xf32, #tpu.memory_space<hbm>>
    %dma_wait3A_1449 = arith.constant 0 : i32
    %dma_wait3A_1450 = tpu.memref_slice %arg4[%rem3A_1355, %mul3A_1357, %dma_wait3A_1449] : memref<64x1024x1024xf32, #tpu.memory_space<hbm>> -> memref<1x32x1024xf32, #tpu.memory_space<hbm>>
    %dma_wait3A_1451 = tpu.memref_squeeze %dma_wait3A_1450 : memref<1x32x1024xf32, #tpu.memory_space<hbm>> -> memref<32x1024xf32, #tpu.memory_space<hbm>>
    tpu.wait_dma2 semaphore(%arg6 : memref<!tpu.dma_semaphore, #tpu.memory_space<semaphore_mem>>) src(%arg5 : memref<32x1024xf32, #tpu.memory_space<vmem>>) dst(%dma_wait3A_1451 : memref<32x1024xf32, #tpu.memory_space<hbm>>)
    %dma_wait3A_1452 = arith.constant 0 : i32
    %dma_wait3A_1453 = tpu.memref_slice %arg4[%rem3A_1369, %mul3A_1371, %dma_wait3A_1452] : memref<64x1024x1024xf32, #tpu.memory_space<hbm>> -> memref<1x32x1024xf32, #tpu.memory_space<hbm>>
    %dma_wait3A_1454 = tpu.memref_squeeze %dma_wait3A_1453 : memref<1x32x1024xf32, #tpu.memory_space<hbm>> -> memref<32x1024xf32, #tpu.memory_space<hbm>>
    %dma_wait3A_1455 = arith.constant 0 : i32
    %dma_wait3A_1456 = tpu.memref_slice %arg4[%rem3A_1369, %mul3A_1371, %dma_wait3A_1455] : memref<64x1024x1024xf32, #tpu.memory_space<hbm>> -> memref<1x32x1024xf32, #tpu.memory_space<hbm>>
    %dma_wait3A_1457 = tpu.memref_squeeze %dma_wait3A_1456 : memref<1x32x1024xf32, #tpu.memory_space<hbm>> -> memref<32x1024xf32, #tpu.memory_space<hbm>>
    tpu.wait_dma2 semaphore(%arg6 : memref<!tpu.dma_semaphore, #tpu.memory_space<semaphore_mem>>) src(%arg5 : memref<32x1024xf32, #tpu.memory_space<vmem>>) dst(%dma_wait3A_1457 : memref<32x1024xf32, #tpu.memory_space<hbm>>)
    %dma_wait3A_1458 = arith.constant 0 : i32
    %dma_wait3A_1459 = tpu.memref_slice %arg4[%rem3A_1383, %mul3A_1385, %dma_wait3A_1458] : memref<64x1024x1024xf32, #tpu.memory_space<hbm>> -> memref<1x32x1024xf32, #tpu.memory_space<hbm>>
    %dma_wait3A_1460 = tpu.memref_squeeze %dma_wait3A_1459 : memref<1x32x1024xf32, #tpu.memory_space<hbm>> -> memref<32x1024xf32, #tpu.memory_space<hbm>>
    %dma_wait3A_1461 = arith.constant 0 : i32
    %dma_wait3A_1462 = tpu.memref_slice %arg4[%rem3A_1383, %mul3A_1385, %dma_wait3A_1461] : memref<64x1024x1024xf32, #tpu.memory_space<hbm>> -> memref<1x32x1024xf32, #tpu.memory_space<hbm>>
    %dma_wait3A_1463 = tpu.memref_squeeze %dma_wait3A_1462 : memref<1x32x1024xf32, #tpu.memory_space<hbm>> -> memref<32x1024xf32, #tpu.memory_space<hbm>>
    tpu.wait_dma2 semaphore(%arg6 : memref<!tpu.dma_semaphore, #tpu.memory_space<semaphore_mem>>) src(%arg5 : memref<32x1024xf32, #tpu.memory_space<vmem>>) dst(%dma_wait3A_1463 : memref<32x1024xf32, #tpu.memory_space<hbm>>)
    %dma_wait3A_1464 = arith.constant 0 : i32
    %dma_wait3A_1465 = tpu.memref_slice %arg4[%rem3A_1397, %mul3A_1399, %dma_wait3A_1464] : memref<64x1024x1024xf32, #tpu.memory_space<hbm>> -> memref<1x32x1024xf32, #tpu.memory_space<hbm>>
    %dma_wait3A_1466 = tpu.memref_squeeze %dma_wait3A_1465 : memref<1x32x1024xf32, #tpu.memory_space<hbm>> -> memref<32x1024xf32, #tpu.memory_space<hbm>>
    %dma_wait3A_1467 = arith.constant 0 : i32
    %dma_wait3A_1468 = tpu.memref_slice %arg4[%rem3A_1397, %mul3A_1399, %dma_wait3A_1467] : memref<64x1024x1024xf32, #tpu.memory_space<hbm>> -> memref<1x32x1024xf32, #tpu.memory_space<hbm>>
    %dma_wait3A_1469 = tpu.memref_squeeze %dma_wait3A_1468 : memref<1x32x1024xf32, #tpu.memory_space<hbm>> -> memref<32x1024xf32, #tpu.memory_space<hbm>>
    tpu.wait_dma2 semaphore(%arg6 : memref<!tpu.dma_semaphore, #tpu.memory_space<semaphore_mem>>) src(%arg5 : memref<32x1024xf32, #tpu.memory_space<vmem>>) dst(%dma_wait3A_1469 : memref<32x1024xf32, #tpu.memory_space<hbm>>)
    %dma_wait3A_1470 = arith.constant 0 : i32
    %dma_wait3A_1471 = tpu.memref_slice %arg4[%rem3A_1411, %mul3A_1413, %dma_wait3A_1470] : memref<64x1024x1024xf32, #tpu.memory_space<hbm>> -> memref<1x32x1024xf32, #tpu.memory_space<hbm>>
    %dma_wait3A_1472 = tpu.memref_squeeze %dma_wait3A_1471 : memref<1x32x1024xf32, #tpu.memory_space<hbm>> -> memref<32x1024xf32, #tpu.memory_space<hbm>>
    %dma_wait3A_1473 = arith.constant 0 : i32
    %dma_wait3A_1474 = tpu.memref_slice %arg4[%rem3A_1411, %mul3A_1413, %dma_wait3A_1473] : memref<64x1024x1024xf32, #tpu.memory_space<hbm>> -> memref<1x32x1024xf32, #tpu.memory_space<hbm>>
    %dma_wait3A_1475 = tpu.memref_squeeze %dma_wait3A_1474 : memref<1x32x1024xf32, #tpu.memory_space<hbm>> -> memref<32x1024xf32, #tpu.memory_space<hbm>>
    tpu.wait_dma2 semaphore(%arg6 : memref<!tpu.dma_semaphore, #tpu.memory_space<semaphore_mem>>) src(%arg5 : memref<32x1024xf32, #tpu.memory_space<vmem>>) dst(%dma_wait3A_1475 : memref<32x1024xf32, #tpu.memory_space<hbm>>)
    %dma_wait3A_1476 = arith.constant 0 : i32
    %dma_wait3A_1477 = tpu.memref_slice %arg4[%rem3A_1425, %mul3A_1427, %dma_wait3A_1476] : memref<64x1024x1024xf32, #tpu.memory_space<hbm>> -> memref<1x32x1024xf32, #tpu.memory_space<hbm>>
    %dma_wait3A_1478 = tpu.memref_squeeze %dma_wait3A_1477 : memref<1x32x1024xf32, #tpu.memory_space<hbm>> -> memref<32x1024xf32, #tpu.memory_space<hbm>>
    %dma_wait3A_1479 = arith.constant 0 : i32
    %dma_wait3A_1480 = tpu.memref_slice %arg4[%rem3A_1425, %mul3A_1427, %dma_wait3A_1479] : memref<64x1024x1024xf32, #tpu.memory_space<hbm>> -> memref<1x32x1024xf32, #tpu.memory_space<hbm>>
    %dma_wait3A_1481 = tpu.memref_squeeze %dma_wait3A_1480 : memref<1x32x1024xf32, #tpu.memory_space<hbm>> -> memref<32x1024xf32, #tpu.memory_space<hbm>>
    tpu.wait_dma2 semaphore(%arg6 : memref<!tpu.dma_semaphore, #tpu.memory_space<semaphore_mem>>) src(%arg5 : memref<32x1024xf32, #tpu.memory_space<vmem>>) dst(%dma_wait3A_1481 : memref<32x1024xf32, #tpu.memory_space<hbm>>)
    %mul3A_1482 = arith.constant 2 : i32
    %mul3A_1483 = arith.muli %mul3A_1482, %add3A : i32
    %add3A_1484 = arith.constant 32 : i32
    %add3A_1485 = arith.addi %add3A_1484, %mul3A_1483 : i32
    %rem3A_1486 = arith.constant 64 : i32
    %rem3A_1487 = arith.remsi %add3A_1485, %rem3A_1486 : i32
    %mul3A_1488 = arith.constant 32 : i32
    %mul3A_1489 = arith.muli %add3A, %mul3A_1488 : i32
    %dma_start3A_1490 = arith.constant 0 : i32
    %dma_start3A_1491 = tpu.memref_slice %arg4[%rem3A_1487, %mul3A_1489, %dma_start3A_1490] : memref<64x1024x1024xf32, #tpu.memory_space<hbm>> -> memref<1x32x1024xf32, #tpu.memory_space<hbm>>
    %dma_start3A_1492 = tpu.memref_squeeze %dma_start3A_1491 : memref<1x32x1024xf32, #tpu.memory_space<hbm>> -> memref<32x1024xf32, #tpu.memory_space<hbm>>
    %dma_start3A_1493 = arith.constant 0 : i32
    %dma_start3A_1494 = tpu.memref_slice %arg4[%rem3A_1487, %mul3A_1489, %dma_start3A_1493] : memref<64x1024x1024xf32, #tpu.memory_space<hbm>> -> memref<1x32x1024xf32, #tpu.memory_space<hbm>>
    %dma_start3A_1495 = tpu.memref_squeeze %dma_start3A_1494 : memref<1x32x1024xf32, #tpu.memory_space<hbm>> -> memref<32x1024xf32, #tpu.memory_space<hbm>>
    tpu.enqueue_dma source(%arg5 : memref<32x1024xf32, #tpu.memory_space<vmem>>) target(%dma_start3A_1495 : memref<32x1024xf32, #tpu.memory_space<hbm>>) target_semaphore(%arg6 : memref<!tpu.dma_semaphore, #tpu.memory_space<semaphore_mem>>)
    %mul3A_1496 = arith.constant 2 : i32
    %mul3A_1497 = arith.muli %mul3A_1496, %add3A : i32
    %add3A_1498 = arith.constant 33 : i32
    %add3A_1499 = arith.addi %add3A_1498, %mul3A_1497 : i32
    %rem3A_1500 = arith.constant 64 : i32
    %rem3A_1501 = arith.remsi %add3A_1499, %rem3A_1500 : i32
    %mul3A_1502 = arith.constant 32 : i32
    %mul3A_1503 = arith.muli %add3A, %mul3A_1502 : i32
    %dma_start3A_1504 = arith.constant 0 : i32
    %dma_start3A_1505 = tpu.memref_slice %arg4[%rem3A_1501, %mul3A_1503, %dma_start3A_1504] : memref<64x1024x1024xf32, #tpu.memory_space<hbm>> -> memref<1x32x1024xf32, #tpu.memory_space<hbm>>
    %dma_start3A_1506 = tpu.memref_squeeze %dma_start3A_1505 : memref<1x32x1024xf32, #tpu.memory_space<hbm>> -> memref<32x1024xf32, #tpu.memory_space<hbm>>
    %dma_start3A_1507 = arith.constant 0 : i32
    %dma_start3A_1508 = tpu.memref_slice %arg4[%rem3A_1501, %mul3A_1503, %dma_start3A_1507] : memref<64x1024x1024xf32, #tpu.memory_space<hbm>> -> memref<1x32x1024xf32, #tpu.memory_space<hbm>>
    %dma_start3A_1509 = tpu.memref_squeeze %dma_start3A_1508 : memref<1x32x1024xf32, #tpu.memory_space<hbm>> -> memref<32x1024xf32, #tpu.memory_space<hbm>>
    tpu.enqueue_dma source(%arg5 : memref<32x1024xf32, #tpu.memory_space<vmem>>) target(%dma_start3A_1509 : memref<32x1024xf32, #tpu.memory_space<hbm>>) target_semaphore(%arg6 : memref<!tpu.dma_semaphore, #tpu.memory_space<semaphore_mem>>)
    %mul3A_1510 = arith.constant 2 : i32
    %mul3A_1511 = arith.muli %mul3A_1510, %add3A : i32
    %add3A_1512 = arith.constant 34 : i32
    %add3A_1513 = arith.addi %add3A_1512, %mul3A_1511 : i32
    %rem3A_1514 = arith.constant 64 : i32
    %rem3A_1515 = arith.remsi %add3A_1513, %rem3A_1514 : i32
    %mul3A_1516 = arith.constant 32 : i32
    %mul3A_1517 = arith.muli %add3A, %mul3A_1516 : i32
    %dma_start3A_1518 = arith.constant 0 : i32
    %dma_start3A_1519 = tpu.memref_slice %arg4[%rem3A_1515, %mul3A_1517, %dma_start3A_1518] : memref<64x1024x1024xf32, #tpu.memory_space<hbm>> -> memref<1x32x1024xf32, #tpu.memory_space<hbm>>
    %dma_start3A_1520 = tpu.memref_squeeze %dma_start3A_1519 : memref<1x32x1024xf32, #tpu.memory_space<hbm>> -> memref<32x1024xf32, #tpu.memory_space<hbm>>
    %dma_start3A_1521 = arith.constant 0 : i32
    %dma_start3A_1522 = tpu.memref_slice %arg4[%rem3A_1515, %mul3A_1517, %dma_start3A_1521] : memref<64x1024x1024xf32, #tpu.memory_space<hbm>> -> memref<1x32x1024xf32, #tpu.memory_space<hbm>>
    %dma_start3A_1523 = tpu.memref_squeeze %dma_start3A_1522 : memref<1x32x1024xf32, #tpu.memory_space<hbm>> -> memref<32x1024xf32, #tpu.memory_space<hbm>>
    tpu.enqueue_dma source(%arg5 : memref<32x1024xf32, #tpu.memory_space<vmem>>) target(%dma_start3A_1523 : memref<32x1024xf32, #tpu.memory_space<hbm>>) target_semaphore(%arg6 : memref<!tpu.dma_semaphore, #tpu.memory_space<semaphore_mem>>)
    %mul3A_1524 = arith.constant 2 : i32
    %mul3A_1525 = arith.muli %mul3A_1524, %add3A : i32
    %add3A_1526 = arith.constant 35 : i32
    %add3A_1527 = arith.addi %add3A_1526, %mul3A_1525 : i32
    %rem3A_1528 = arith.constant 64 : i32
    %rem3A_1529 = arith.remsi %add3A_1527, %rem3A_1528 : i32
    %mul3A_1530 = arith.constant 32 : i32
    %mul3A_1531 = arith.muli %add3A, %mul3A_1530 : i32
    %dma_start3A_1532 = arith.constant 0 : i32
    %dma_start3A_1533 = tpu.memref_slice %arg4[%rem3A_1529, %mul3A_1531, %dma_start3A_1532] : memref<64x1024x1024xf32, #tpu.memory_space<hbm>> -> memref<1x32x1024xf32, #tpu.memory_space<hbm>>
    %dma_start3A_1534 = tpu.memref_squeeze %dma_start3A_1533 : memref<1x32x1024xf32, #tpu.memory_space<hbm>> -> memref<32x1024xf32, #tpu.memory_space<hbm>>
    %dma_start3A_1535 = arith.constant 0 : i32
    %dma_start3A_1536 = tpu.memref_slice %arg4[%rem3A_1529, %mul3A_1531, %dma_start3A_1535] : memref<64x1024x1024xf32, #tpu.memory_space<hbm>> -> memref<1x32x1024xf32, #tpu.memory_space<hbm>>
    %dma_start3A_1537 = tpu.memref_squeeze %dma_start3A_1536 : memref<1x32x1024xf32, #tpu.memory_space<hbm>> -> memref<32x1024xf32, #tpu.memory_space<hbm>>
    tpu.enqueue_dma source(%arg5 : memref<32x1024xf32, #tpu.memory_space<vmem>>) target(%dma_start3A_1537 : memref<32x1024xf32, #tpu.memory_space<hbm>>) target_semaphore(%arg6 : memref<!tpu.dma_semaphore, #tpu.memory_space<semaphore_mem>>)
    %mul3A_1538 = arith.constant 2 : i32
    %mul3A_1539 = arith.muli %mul3A_1538, %add3A : i32
    %add3A_1540 = arith.constant 36 : i32
    %add3A_1541 = arith.addi %add3A_1540, %mul3A_1539 : i32
    %rem3A_1542 = arith.constant 64 : i32
    %rem3A_1543 = arith.remsi %add3A_1541, %rem3A_1542 : i32
    %mul3A_1544 = arith.constant 32 : i32
    %mul3A_1545 = arith.muli %add3A, %mul3A_1544 : i32
    %dma_start3A_1546 = arith.constant 0 : i32
    %dma_start3A_1547 = tpu.memref_slice %arg4[%rem3A_1543, %mul3A_1545, %dma_start3A_1546] : memref<64x1024x1024xf32, #tpu.memory_space<hbm>> -> memref<1x32x1024xf32, #tpu.memory_space<hbm>>
    %dma_start3A_1548 = tpu.memref_squeeze %dma_start3A_1547 : memref<1x32x1024xf32, #tpu.memory_space<hbm>> -> memref<32x1024xf32, #tpu.memory_space<hbm>>
    %dma_start3A_1549 = arith.constant 0 : i32
    %dma_start3A_1550 = tpu.memref_slice %arg4[%rem3A_1543, %mul3A_1545, %dma_start3A_1549] : memref<64x1024x1024xf32, #tpu.memory_space<hbm>> -> memref<1x32x1024xf32, #tpu.memory_space<hbm>>
    %dma_start3A_1551 = tpu.memref_squeeze %dma_start3A_1550 : memref<1x32x1024xf32, #tpu.memory_space<hbm>> -> memref<32x1024xf32, #tpu.memory_space<hbm>>
    tpu.enqueue_dma source(%arg5 : memref<32x1024xf32, #tpu.memory_space<vmem>>) target(%dma_start3A_1551 : memref<32x1024xf32, #tpu.memory_space<hbm>>) target_semaphore(%arg6 : memref<!tpu.dma_semaphore, #tpu.memory_space<semaphore_mem>>)
    %mul3A_1552 = arith.constant 2 : i32
    %mul3A_1553 = arith.muli %mul3A_1552, %add3A : i32
    %add3A_1554 = arith.constant 37 : i32
    %add3A_1555 = arith.addi %add3A_1554, %mul3A_1553 : i32
    %rem3A_1556 = arith.constant 64 : i32
    %rem3A_1557 = arith.remsi %add3A_1555, %rem3A_1556 : i32
    %mul3A_1558 = arith.constant 32 : i32
    %mul3A_1559 = arith.muli %add3A, %mul3A_1558 : i32
    %dma_start3A_1560 = arith.constant 0 : i32
    %dma_start3A_1561 = tpu.memref_slice %arg4[%rem3A_1557, %mul3A_1559, %dma_start3A_1560] : memref<64x1024x1024xf32, #tpu.memory_space<hbm>> -> memref<1x32x1024xf32, #tpu.memory_space<hbm>>
    %dma_start3A_1562 = tpu.memref_squeeze %dma_start3A_1561 : memref<1x32x1024xf32, #tpu.memory_space<hbm>> -> memref<32x1024xf32, #tpu.memory_space<hbm>>
    %dma_start3A_1563 = arith.constant 0 : i32
    %dma_start3A_1564 = tpu.memref_slice %arg4[%rem3A_1557, %mul3A_1559, %dma_start3A_1563] : memref<64x1024x1024xf32, #tpu.memory_space<hbm>> -> memref<1x32x1024xf32, #tpu.memory_space<hbm>>
    %dma_start3A_1565 = tpu.memref_squeeze %dma_start3A_1564 : memref<1x32x1024xf32, #tpu.memory_space<hbm>> -> memref<32x1024xf32, #tpu.memory_space<hbm>>
    tpu.enqueue_dma source(%arg5 : memref<32x1024xf32, #tpu.memory_space<vmem>>) target(%dma_start3A_1565 : memref<32x1024xf32, #tpu.memory_space<hbm>>) target_semaphore(%arg6 : memref<!tpu.dma_semaphore, #tpu.memory_space<semaphore_mem>>)
    %mul3A_1566 = arith.constant 2 : i32
    %mul3A_1567 = arith.muli %mul3A_1566, %add3A : i32
    %add3A_1568 = arith.constant 38 : i32
    %add3A_1569 = arith.addi %add3A_1568, %mul3A_1567 : i32
    %rem3A_1570 = arith.constant 64 : i32
    %rem3A_1571 = arith.remsi %add3A_1569, %rem3A_1570 : i32
    %mul3A_1572 = arith.constant 32 : i32
    %mul3A_1573 = arith.muli %add3A, %mul3A_1572 : i32
    %dma_start3A_1574 = arith.constant 0 : i32
    %dma_start3A_1575 = tpu.memref_slice %arg4[%rem3A_1571, %mul3A_1573, %dma_start3A_1574] : memref<64x1024x1024xf32, #tpu.memory_space<hbm>> -> memref<1x32x1024xf32, #tpu.memory_space<hbm>>
    %dma_start3A_1576 = tpu.memref_squeeze %dma_start3A_1575 : memref<1x32x1024xf32, #tpu.memory_space<hbm>> -> memref<32x1024xf32, #tpu.memory_space<hbm>>
    %dma_start3A_1577 = arith.constant 0 : i32
    %dma_start3A_1578 = tpu.memref_slice %arg4[%rem3A_1571, %mul3A_1573, %dma_start3A_1577] : memref<64x1024x1024xf32, #tpu.memory_space<hbm>> -> memref<1x32x1024xf32, #tpu.memory_space<hbm>>
    %dma_start3A_1579 = tpu.memref_squeeze %dma_start3A_1578 : memref<1x32x1024xf32, #tpu.memory_space<hbm>> -> memref<32x1024xf32, #tpu.memory_space<hbm>>
    tpu.enqueue_dma source(%arg5 : memref<32x1024xf32, #tpu.memory_space<vmem>>) target(%dma_start3A_1579 : memref<32x1024xf32, #tpu.memory_space<hbm>>) target_semaphore(%arg6 : memref<!tpu.dma_semaphore, #tpu.memory_space<semaphore_mem>>)
    %mul3A_1580 = arith.constant 2 : i32
    %mul3A_1581 = arith.muli %mul3A_1580, %add3A : i32
    %add3A_1582 = arith.constant 39 : i32
    %add3A_1583 = arith.addi %add3A_1582, %mul3A_1581 : i32
    %rem3A_1584 = arith.constant 64 : i32
    %rem3A_1585 = arith.remsi %add3A_1583, %rem3A_1584 : i32
    %mul3A_1586 = arith.constant 32 : i32
    %mul3A_1587 = arith.muli %add3A, %mul3A_1586 : i32
    %dma_start3A_1588 = arith.constant 0 : i32
    %dma_start3A_1589 = tpu.memref_slice %arg4[%rem3A_1585, %mul3A_1587, %dma_start3A_1588] : memref<64x1024x1024xf32, #tpu.memory_space<hbm>> -> memref<1x32x1024xf32, #tpu.memory_space<hbm>>
    %dma_start3A_1590 = tpu.memref_squeeze %dma_start3A_1589 : memref<1x32x1024xf32, #tpu.memory_space<hbm>> -> memref<32x1024xf32, #tpu.memory_space<hbm>>
    %dma_start3A_1591 = arith.constant 0 : i32
    %dma_start3A_1592 = tpu.memref_slice %arg4[%rem3A_1585, %mul3A_1587, %dma_start3A_1591] : memref<64x1024x1024xf32, #tpu.memory_space<hbm>> -> memref<1x32x1024xf32, #tpu.memory_space<hbm>>
    %dma_start3A_1593 = tpu.memref_squeeze %dma_start3A_1592 : memref<1x32x1024xf32, #tpu.memory_space<hbm>> -> memref<32x1024xf32, #tpu.memory_space<hbm>>
    tpu.enqueue_dma source(%arg5 : memref<32x1024xf32, #tpu.memory_space<vmem>>) target(%dma_start3A_1593 : memref<32x1024xf32, #tpu.memory_space<hbm>>) target_semaphore(%arg6 : memref<!tpu.dma_semaphore, #tpu.memory_space<semaphore_mem>>)
    %dma_wait3A_1594 = arith.constant 0 : i32
    %dma_wait3A_1595 = tpu.memref_slice %arg4[%rem3A_1487, %mul3A_1489, %dma_wait3A_1594] : memref<64x1024x1024xf32, #tpu.memory_space<hbm>> -> memref<1x32x1024xf32, #tpu.memory_space<hbm>>
    %dma_wait3A_1596 = tpu.memref_squeeze %dma_wait3A_1595 : memref<1x32x1024xf32, #tpu.memory_space<hbm>> -> memref<32x1024xf32, #tpu.memory_space<hbm>>
    %dma_wait3A_1597 = arith.constant 0 : i32
    %dma_wait3A_1598 = tpu.memref_slice %arg4[%rem3A_1487, %mul3A_1489, %dma_wait3A_1597] : memref<64x1024x1024xf32, #tpu.memory_space<hbm>> -> memref<1x32x1024xf32, #tpu.memory_space<hbm>>
    %dma_wait3A_1599 = tpu.memref_squeeze %dma_wait3A_1598 : memref<1x32x1024xf32, #tpu.memory_space<hbm>> -> memref<32x1024xf32, #tpu.memory_space<hbm>>
    tpu.wait_dma2 semaphore(%arg6 : memref<!tpu.dma_semaphore, #tpu.memory_space<semaphore_mem>>) src(%arg5 : memref<32x1024xf32, #tpu.memory_space<vmem>>) dst(%dma_wait3A_1599 : memref<32x1024xf32, #tpu.memory_space<hbm>>)
    %dma_wait3A_1600 = arith.constant 0 : i32
    %dma_wait3A_1601 = tpu.memref_slice %arg4[%rem3A_1501, %mul3A_1503, %dma_wait3A_1600] : memref<64x1024x1024xf32, #tpu.memory_space<hbm>> -> memref<1x32x1024xf32, #tpu.memory_space<hbm>>
    %dma_wait3A_1602 = tpu.memref_squeeze %dma_wait3A_1601 : memref<1x32x1024xf32, #tpu.memory_space<hbm>> -> memref<32x1024xf32, #tpu.memory_space<hbm>>
    %dma_wait3A_1603 = arith.constant 0 : i32
    %dma_wait3A_1604 = tpu.memref_slice %arg4[%rem3A_1501, %mul3A_1503, %dma_wait3A_1603] : memref<64x1024x1024xf32, #tpu.memory_space<hbm>> -> memref<1x32x1024xf32, #tpu.memory_space<hbm>>
    %dma_wait3A_1605 = tpu.memref_squeeze %dma_wait3A_1604 : memref<1x32x1024xf32, #tpu.memory_space<hbm>> -> memref<32x1024xf32, #tpu.memory_space<hbm>>
    tpu.wait_dma2 semaphore(%arg6 : memref<!tpu.dma_semaphore, #tpu.memory_space<semaphore_mem>>) src(%arg5 : memref<32x1024xf32, #tpu.memory_space<vmem>>) dst(%dma_wait3A_1605 : memref<32x1024xf32, #tpu.memory_space<hbm>>)
    %dma_wait3A_1606 = arith.constant 0 : i32
    %dma_wait3A_1607 = tpu.memref_slice %arg4[%rem3A_1515, %mul3A_1517, %dma_wait3A_1606] : memref<64x1024x1024xf32, #tpu.memory_space<hbm>> -> memref<1x32x1024xf32, #tpu.memory_space<hbm>>
    %dma_wait3A_1608 = tpu.memref_squeeze %dma_wait3A_1607 : memref<1x32x1024xf32, #tpu.memory_space<hbm>> -> memref<32x1024xf32, #tpu.memory_space<hbm>>
    %dma_wait3A_1609 = arith.constant 0 : i32
    %dma_wait3A_1610 = tpu.memref_slice %arg4[%rem3A_1515, %mul3A_1517, %dma_wait3A_1609] : memref<64x1024x1024xf32, #tpu.memory_space<hbm>> -> memref<1x32x1024xf32, #tpu.memory_space<hbm>>
    %dma_wait3A_1611 = tpu.memref_squeeze %dma_wait3A_1610 : memref<1x32x1024xf32, #tpu.memory_space<hbm>> -> memref<32x1024xf32, #tpu.memory_space<hbm>>
    tpu.wait_dma2 semaphore(%arg6 : memref<!tpu.dma_semaphore, #tpu.memory_space<semaphore_mem>>) src(%arg5 : memref<32x1024xf32, #tpu.memory_space<vmem>>) dst(%dma_wait3A_1611 : memref<32x1024xf32, #tpu.memory_space<hbm>>)
    %dma_wait3A_1612 = arith.constant 0 : i32
    %dma_wait3A_1613 = tpu.memref_slice %arg4[%rem3A_1529, %mul3A_1531, %dma_wait3A_1612] : memref<64x1024x1024xf32, #tpu.memory_space<hbm>> -> memref<1x32x1024xf32, #tpu.memory_space<hbm>>
    %dma_wait3A_1614 = tpu.memref_squeeze %dma_wait3A_1613 : memref<1x32x1024xf32, #tpu.memory_space<hbm>> -> memref<32x1024xf32, #tpu.memory_space<hbm>>
    %dma_wait3A_1615 = arith.constant 0 : i32
    %dma_wait3A_1616 = tpu.memref_slice %arg4[%rem3A_1529, %mul3A_1531, %dma_wait3A_1615] : memref<64x1024x1024xf32, #tpu.memory_space<hbm>> -> memref<1x32x1024xf32, #tpu.memory_space<hbm>>
    %dma_wait3A_1617 = tpu.memref_squeeze %dma_wait3A_1616 : memref<1x32x1024xf32, #tpu.memory_space<hbm>> -> memref<32x1024xf32, #tpu.memory_space<hbm>>
    tpu.wait_dma2 semaphore(%arg6 : memref<!tpu.dma_semaphore, #tpu.memory_space<semaphore_mem>>) src(%arg5 : memref<32x1024xf32, #tpu.memory_space<vmem>>) dst(%dma_wait3A_1617 : memref<32x1024xf32, #tpu.memory_space<hbm>>)
    %dma_wait3A_1618 = arith.constant 0 : i32
    %dma_wait3A_1619 = tpu.memref_slice %arg4[%rem3A_1543, %mul3A_1545, %dma_wait3A_1618] : memref<64x1024x1024xf32, #tpu.memory_space<hbm>> -> memref<1x32x1024xf32, #tpu.memory_space<hbm>>
    %dma_wait3A_1620 = tpu.memref_squeeze %dma_wait3A_1619 : memref<1x32x1024xf32, #tpu.memory_space<hbm>> -> memref<32x1024xf32, #tpu.memory_space<hbm>>
    %dma_wait3A_1621 = arith.constant 0 : i32
    %dma_wait3A_1622 = tpu.memref_slice %arg4[%rem3A_1543, %mul3A_1545, %dma_wait3A_1621] : memref<64x1024x1024xf32, #tpu.memory_space<hbm>> -> memref<1x32x1024xf32, #tpu.memory_space<hbm>>
    %dma_wait3A_1623 = tpu.memref_squeeze %dma_wait3A_1622 : memref<1x32x1024xf32, #tpu.memory_space<hbm>> -> memref<32x1024xf32, #tpu.memory_space<hbm>>
    tpu.wait_dma2 semaphore(%arg6 : memref<!tpu.dma_semaphore, #tpu.memory_space<semaphore_mem>>) src(%arg5 : memref<32x1024xf32, #tpu.memory_space<vmem>>) dst(%dma_wait3A_1623 : memref<32x1024xf32, #tpu.memory_space<hbm>>)
    %dma_wait3A_1624 = arith.constant 0 : i32
    %dma_wait3A_1625 = tpu.memref_slice %arg4[%rem3A_1557, %mul3A_1559, %dma_wait3A_1624] : memref<64x1024x1024xf32, #tpu.memory_space<hbm>> -> memref<1x32x1024xf32, #tpu.memory_space<hbm>>
    %dma_wait3A_1626 = tpu.memref_squeeze %dma_wait3A_1625 : memref<1x32x1024xf32, #tpu.memory_space<hbm>> -> memref<32x1024xf32, #tpu.memory_space<hbm>>
    %dma_wait3A_1627 = arith.constant 0 : i32
    %dma_wait3A_1628 = tpu.memref_slice %arg4[%rem3A_1557, %mul3A_1559, %dma_wait3A_1627] : memref<64x1024x1024xf32, #tpu.memory_space<hbm>> -> memref<1x32x1024xf32, #tpu.memory_space<hbm>>
    %dma_wait3A_1629 = tpu.memref_squeeze %dma_wait3A_1628 : memref<1x32x1024xf32, #tpu.memory_space<hbm>> -> memref<32x1024xf32, #tpu.memory_space<hbm>>
    tpu.wait_dma2 semaphore(%arg6 : memref<!tpu.dma_semaphore, #tpu.memory_space<semaphore_mem>>) src(%arg5 : memref<32x1024xf32, #tpu.memory_space<vmem>>) dst(%dma_wait3A_1629 : memref<32x1024xf32, #tpu.memory_space<hbm>>)
    %dma_wait3A_1630 = arith.constant 0 : i32
    %dma_wait3A_1631 = tpu.memref_slice %arg4[%rem3A_1571, %mul3A_1573, %dma_wait3A_1630] : memref<64x1024x1024xf32, #tpu.memory_space<hbm>> -> memref<1x32x1024xf32, #tpu.memory_space<hbm>>
    %dma_wait3A_1632 = tpu.memref_squeeze %dma_wait3A_1631 : memref<1x32x1024xf32, #tpu.memory_space<hbm>> -> memref<32x1024xf32, #tpu.memory_space<hbm>>
    %dma_wait3A_1633 = arith.constant 0 : i32
    %dma_wait3A_1634 = tpu.memref_slice %arg4[%rem3A_1571, %mul3A_1573, %dma_wait3A_1633] : memref<64x1024x1024xf32, #tpu.memory_space<hbm>> -> memref<1x32x1024xf32, #tpu.memory_space<hbm>>
    %dma_wait3A_1635 = tpu.memref_squeeze %dma_wait3A_1634 : memref<1x32x1024xf32, #tpu.memory_space<hbm>> -> memref<32x1024xf32, #tpu.memory_space<hbm>>
    tpu.wait_dma2 semaphore(%arg6 : memref<!tpu.dma_semaphore, #tpu.memory_space<semaphore_mem>>) src(%arg5 : memref<32x1024xf32, #tpu.memory_space<vmem>>) dst(%dma_wait3A_1635 : memref<32x1024xf32, #tpu.memory_space<hbm>>)
    %dma_wait3A_1636 = arith.constant 0 : i32
    %dma_wait3A_1637 = tpu.memref_slice %arg4[%rem3A_1585, %mul3A_1587, %dma_wait3A_1636] : memref<64x1024x1024xf32, #tpu.memory_space<hbm>> -> memref<1x32x1024xf32, #tpu.memory_space<hbm>>
    %dma_wait3A_1638 = tpu.memref_squeeze %dma_wait3A_1637 : memref<1x32x1024xf32, #tpu.memory_space<hbm>> -> memref<32x1024xf32, #tpu.memory_space<hbm>>
    %dma_wait3A_1639 = arith.constant 0 : i32
    %dma_wait3A_1640 = tpu.memref_slice %arg4[%rem3A_1585, %mul3A_1587, %dma_wait3A_1639] : memref<64x1024x1024xf32, #tpu.memory_space<hbm>> -> memref<1x32x1024xf32, #tpu.memory_space<hbm>>
    %dma_wait3A_1641 = tpu.memref_squeeze %dma_wait3A_1640 : memref<1x32x1024xf32, #tpu.memory_space<hbm>> -> memref<32x1024xf32, #tpu.memory_space<hbm>>
    tpu.wait_dma2 semaphore(%arg6 : memref<!tpu.dma_semaphore, #tpu.memory_space<semaphore_mem>>) src(%arg5 : memref<32x1024xf32, #tpu.memory_space<vmem>>) dst(%dma_wait3A_1641 : memref<32x1024xf32, #tpu.memory_space<hbm>>)
    %mul3A_1642 = arith.constant 2 : i32
    %mul3A_1643 = arith.muli %mul3A_1642, %add3A : i32
    %add3A_1644 = arith.constant 40 : i32
    %add3A_1645 = arith.addi %add3A_1644, %mul3A_1643 : i32
    %rem3A_1646 = arith.constant 64 : i32
    %rem3A_1647 = arith.remsi %add3A_1645, %rem3A_1646 : i32
    %mul3A_1648 = arith.constant 32 : i32
    %mul3A_1649 = arith.muli %add3A, %mul3A_1648 : i32
    %dma_start3A_1650 = arith.constant 0 : i32
    %dma_start3A_1651 = tpu.memref_slice %arg4[%rem3A_1647, %mul3A_1649, %dma_start3A_1650] : memref<64x1024x1024xf32, #tpu.memory_space<hbm>> -> memref<1x32x1024xf32, #tpu.memory_space<hbm>>
    %dma_start3A_1652 = tpu.memref_squeeze %dma_start3A_1651 : memref<1x32x1024xf32, #tpu.memory_space<hbm>> -> memref<32x1024xf32, #tpu.memory_space<hbm>>
    %dma_start3A_1653 = arith.constant 0 : i32
    %dma_start3A_1654 = tpu.memref_slice %arg4[%rem3A_1647, %mul3A_1649, %dma_start3A_1653] : memref<64x1024x1024xf32, #tpu.memory_space<hbm>> -> memref<1x32x1024xf32, #tpu.memory_space<hbm>>
    %dma_start3A_1655 = tpu.memref_squeeze %dma_start3A_1654 : memref<1x32x1024xf32, #tpu.memory_space<hbm>> -> memref<32x1024xf32, #tpu.memory_space<hbm>>
    tpu.enqueue_dma source(%arg5 : memref<32x1024xf32, #tpu.memory_space<vmem>>) target(%dma_start3A_1655 : memref<32x1024xf32, #tpu.memory_space<hbm>>) target_semaphore(%arg6 : memref<!tpu.dma_semaphore, #tpu.memory_space<semaphore_mem>>)
    %mul3A_1656 = arith.constant 2 : i32
    %mul3A_1657 = arith.muli %mul3A_1656, %add3A : i32
    %add3A_1658 = arith.constant 41 : i32
    %add3A_1659 = arith.addi %add3A_1658, %mul3A_1657 : i32
    %rem3A_1660 = arith.constant 64 : i32
    %rem3A_1661 = arith.remsi %add3A_1659, %rem3A_1660 : i32
    %mul3A_1662 = arith.constant 32 : i32
    %mul3A_1663 = arith.muli %add3A, %mul3A_1662 : i32
    %dma_start3A_1664 = arith.constant 0 : i32
    %dma_start3A_1665 = tpu.memref_slice %arg4[%rem3A_1661, %mul3A_1663, %dma_start3A_1664] : memref<64x1024x1024xf32, #tpu.memory_space<hbm>> -> memref<1x32x1024xf32, #tpu.memory_space<hbm>>
    %dma_start3A_1666 = tpu.memref_squeeze %dma_start3A_1665 : memref<1x32x1024xf32, #tpu.memory_space<hbm>> -> memref<32x1024xf32, #tpu.memory_space<hbm>>
    %dma_start3A_1667 = arith.constant 0 : i32
    %dma_start3A_1668 = tpu.memref_slice %arg4[%rem3A_1661, %mul3A_1663, %dma_start3A_1667] : memref<64x1024x1024xf32, #tpu.memory_space<hbm>> -> memref<1x32x1024xf32, #tpu.memory_space<hbm>>
    %dma_start3A_1669 = tpu.memref_squeeze %dma_start3A_1668 : memref<1x32x1024xf32, #tpu.memory_space<hbm>> -> memref<32x1024xf32, #tpu.memory_space<hbm>>
    tpu.enqueue_dma source(%arg5 : memref<32x1024xf32, #tpu.memory_space<vmem>>) target(%dma_start3A_1669 : memref<32x1024xf32, #tpu.memory_space<hbm>>) target_semaphore(%arg6 : memref<!tpu.dma_semaphore, #tpu.memory_space<semaphore_mem>>)
    %mul3A_1670 = arith.constant 2 : i32
    %mul3A_1671 = arith.muli %mul3A_1670, %add3A : i32
    %add3A_1672 = arith.constant 42 : i32
    %add3A_1673 = arith.addi %add3A_1672, %mul3A_1671 : i32
    %rem3A_1674 = arith.constant 64 : i32
    %rem3A_1675 = arith.remsi %add3A_1673, %rem3A_1674 : i32
    %mul3A_1676 = arith.constant 32 : i32
    %mul3A_1677 = arith.muli %add3A, %mul3A_1676 : i32
    %dma_start3A_1678 = arith.constant 0 : i32
    %dma_start3A_1679 = tpu.memref_slice %arg4[%rem3A_1675, %mul3A_1677, %dma_start3A_1678] : memref<64x1024x1024xf32, #tpu.memory_space<hbm>> -> memref<1x32x1024xf32, #tpu.memory_space<hbm>>
    %dma_start3A_1680 = tpu.memref_squeeze %dma_start3A_1679 : memref<1x32x1024xf32, #tpu.memory_space<hbm>> -> memref<32x1024xf32, #tpu.memory_space<hbm>>
    %dma_start3A_1681 = arith.constant 0 : i32
    %dma_start3A_1682 = tpu.memref_slice %arg4[%rem3A_1675, %mul3A_1677, %dma_start3A_1681] : memref<64x1024x1024xf32, #tpu.memory_space<hbm>> -> memref<1x32x1024xf32, #tpu.memory_space<hbm>>
    %dma_start3A_1683 = tpu.memref_squeeze %dma_start3A_1682 : memref<1x32x1024xf32, #tpu.memory_space<hbm>> -> memref<32x1024xf32, #tpu.memory_space<hbm>>
    tpu.enqueue_dma source(%arg5 : memref<32x1024xf32, #tpu.memory_space<vmem>>) target(%dma_start3A_1683 : memref<32x1024xf32, #tpu.memory_space<hbm>>) target_semaphore(%arg6 : memref<!tpu.dma_semaphore, #tpu.memory_space<semaphore_mem>>)
    %mul3A_1684 = arith.constant 2 : i32
    %mul3A_1685 = arith.muli %mul3A_1684, %add3A : i32
    %add3A_1686 = arith.constant 43 : i32
    %add3A_1687 = arith.addi %add3A_1686, %mul3A_1685 : i32
    %rem3A_1688 = arith.constant 64 : i32
    %rem3A_1689 = arith.remsi %add3A_1687, %rem3A_1688 : i32
    %mul3A_1690 = arith.constant 32 : i32
    %mul3A_1691 = arith.muli %add3A, %mul3A_1690 : i32
    %dma_start3A_1692 = arith.constant 0 : i32
    %dma_start3A_1693 = tpu.memref_slice %arg4[%rem3A_1689, %mul3A_1691, %dma_start3A_1692] : memref<64x1024x1024xf32, #tpu.memory_space<hbm>> -> memref<1x32x1024xf32, #tpu.memory_space<hbm>>
    %dma_start3A_1694 = tpu.memref_squeeze %dma_start3A_1693 : memref<1x32x1024xf32, #tpu.memory_space<hbm>> -> memref<32x1024xf32, #tpu.memory_space<hbm>>
    %dma_start3A_1695 = arith.constant 0 : i32
    %dma_start3A_1696 = tpu.memref_slice %arg4[%rem3A_1689, %mul3A_1691, %dma_start3A_1695] : memref<64x1024x1024xf32, #tpu.memory_space<hbm>> -> memref<1x32x1024xf32, #tpu.memory_space<hbm>>
    %dma_start3A_1697 = tpu.memref_squeeze %dma_start3A_1696 : memref<1x32x1024xf32, #tpu.memory_space<hbm>> -> memref<32x1024xf32, #tpu.memory_space<hbm>>
    tpu.enqueue_dma source(%arg5 : memref<32x1024xf32, #tpu.memory_space<vmem>>) target(%dma_start3A_1697 : memref<32x1024xf32, #tpu.memory_space<hbm>>) target_semaphore(%arg6 : memref<!tpu.dma_semaphore, #tpu.memory_space<semaphore_mem>>)
    %mul3A_1698 = arith.constant 2 : i32
    %mul3A_1699 = arith.muli %mul3A_1698, %add3A : i32
    %add3A_1700 = arith.constant 44 : i32
    %add3A_1701 = arith.addi %add3A_1700, %mul3A_1699 : i32
    %rem3A_1702 = arith.constant 64 : i32
    %rem3A_1703 = arith.remsi %add3A_1701, %rem3A_1702 : i32
    %mul3A_1704 = arith.constant 32 : i32
    %mul3A_1705 = arith.muli %add3A, %mul3A_1704 : i32
    %dma_start3A_1706 = arith.constant 0 : i32
    %dma_start3A_1707 = tpu.memref_slice %arg4[%rem3A_1703, %mul3A_1705, %dma_start3A_1706] : memref<64x1024x1024xf32, #tpu.memory_space<hbm>> -> memref<1x32x1024xf32, #tpu.memory_space<hbm>>
    %dma_start3A_1708 = tpu.memref_squeeze %dma_start3A_1707 : memref<1x32x1024xf32, #tpu.memory_space<hbm>> -> memref<32x1024xf32, #tpu.memory_space<hbm>>
    %dma_start3A_1709 = arith.constant 0 : i32
    %dma_start3A_1710 = tpu.memref_slice %arg4[%rem3A_1703, %mul3A_1705, %dma_start3A_1709] : memref<64x1024x1024xf32, #tpu.memory_space<hbm>> -> memref<1x32x1024xf32, #tpu.memory_space<hbm>>
    %dma_start3A_1711 = tpu.memref_squeeze %dma_start3A_1710 : memref<1x32x1024xf32, #tpu.memory_space<hbm>> -> memref<32x1024xf32, #tpu.memory_space<hbm>>
    tpu.enqueue_dma source(%arg5 : memref<32x1024xf32, #tpu.memory_space<vmem>>) target(%dma_start3A_1711 : memref<32x1024xf32, #tpu.memory_space<hbm>>) target_semaphore(%arg6 : memref<!tpu.dma_semaphore, #tpu.memory_space<semaphore_mem>>)
    %mul3A_1712 = arith.constant 2 : i32
    %mul3A_1713 = arith.muli %mul3A_1712, %add3A : i32
    %add3A_1714 = arith.constant 45 : i32
    %add3A_1715 = arith.addi %add3A_1714, %mul3A_1713 : i32
    %rem3A_1716 = arith.constant 64 : i32
    %rem3A_1717 = arith.remsi %add3A_1715, %rem3A_1716 : i32
    %mul3A_1718 = arith.constant 32 : i32
    %mul3A_1719 = arith.muli %add3A, %mul3A_1718 : i32
    %dma_start3A_1720 = arith.constant 0 : i32
    %dma_start3A_1721 = tpu.memref_slice %arg4[%rem3A_1717, %mul3A_1719, %dma_start3A_1720] : memref<64x1024x1024xf32, #tpu.memory_space<hbm>> -> memref<1x32x1024xf32, #tpu.memory_space<hbm>>
    %dma_start3A_1722 = tpu.memref_squeeze %dma_start3A_1721 : memref<1x32x1024xf32, #tpu.memory_space<hbm>> -> memref<32x1024xf32, #tpu.memory_space<hbm>>
    %dma_start3A_1723 = arith.constant 0 : i32
    %dma_start3A_1724 = tpu.memref_slice %arg4[%rem3A_1717, %mul3A_1719, %dma_start3A_1723] : memref<64x1024x1024xf32, #tpu.memory_space<hbm>> -> memref<1x32x1024xf32, #tpu.memory_space<hbm>>
    %dma_start3A_1725 = tpu.memref_squeeze %dma_start3A_1724 : memref<1x32x1024xf32, #tpu.memory_space<hbm>> -> memref<32x1024xf32, #tpu.memory_space<hbm>>
    tpu.enqueue_dma source(%arg5 : memref<32x1024xf32, #tpu.memory_space<vmem>>) target(%dma_start3A_1725 : memref<32x1024xf32, #tpu.memory_space<hbm>>) target_semaphore(%arg6 : memref<!tpu.dma_semaphore, #tpu.memory_space<semaphore_mem>>)
    %mul3A_1726 = arith.constant 2 : i32
    %mul3A_1727 = arith.muli %mul3A_1726, %add3A : i32
    %add3A_1728 = arith.constant 46 : i32
    %add3A_1729 = arith.addi %add3A_1728, %mul3A_1727 : i32
    %rem3A_1730 = arith.constant 64 : i32
    %rem3A_1731 = arith.remsi %add3A_1729, %rem3A_1730 : i32
    %mul3A_1732 = arith.constant 32 : i32
    %mul3A_1733 = arith.muli %add3A, %mul3A_1732 : i32
    %dma_start3A_1734 = arith.constant 0 : i32
    %dma_start3A_1735 = tpu.memref_slice %arg4[%rem3A_1731, %mul3A_1733, %dma_start3A_1734] : memref<64x1024x1024xf32, #tpu.memory_space<hbm>> -> memref<1x32x1024xf32, #tpu.memory_space<hbm>>
    %dma_start3A_1736 = tpu.memref_squeeze %dma_start3A_1735 : memref<1x32x1024xf32, #tpu.memory_space<hbm>> -> memref<32x1024xf32, #tpu.memory_space<hbm>>
    %dma_start3A_1737 = arith.constant 0 : i32
    %dma_start3A_1738 = tpu.memref_slice %arg4[%rem3A_1731, %mul3A_1733, %dma_start3A_1737] : memref<64x1024x1024xf32, #tpu.memory_space<hbm>> -> memref<1x32x1024xf32, #tpu.memory_space<hbm>>
    %dma_start3A_1739 = tpu.memref_squeeze %dma_start3A_1738 : memref<1x32x1024xf32, #tpu.memory_space<hbm>> -> memref<32x1024xf32, #tpu.memory_space<hbm>>
    tpu.enqueue_dma source(%arg5 : memref<32x1024xf32, #tpu.memory_space<vmem>>) target(%dma_start3A_1739 : memref<32x1024xf32, #tpu.memory_space<hbm>>) target_semaphore(%arg6 : memref<!tpu.dma_semaphore, #tpu.memory_space<semaphore_mem>>)
    %mul3A_1740 = arith.constant 2 : i32
    %mul3A_1741 = arith.muli %mul3A_1740, %add3A : i32
    %add3A_1742 = arith.constant 47 : i32
    %add3A_1743 = arith.addi %add3A_1742, %mul3A_1741 : i32
    %rem3A_1744 = arith.constant 64 : i32
    %rem3A_1745 = arith.remsi %add3A_1743, %rem3A_1744 : i32
    %mul3A_1746 = arith.constant 32 : i32
    %mul3A_1747 = arith.muli %add3A, %mul3A_1746 : i32
    %dma_start3A_1748 = arith.constant 0 : i32
    %dma_start3A_1749 = tpu.memref_slice %arg4[%rem3A_1745, %mul3A_1747, %dma_start3A_1748] : memref<64x1024x1024xf32, #tpu.memory_space<hbm>> -> memref<1x32x1024xf32, #tpu.memory_space<hbm>>
    %dma_start3A_1750 = tpu.memref_squeeze %dma_start3A_1749 : memref<1x32x1024xf32, #tpu.memory_space<hbm>> -> memref<32x1024xf32, #tpu.memory_space<hbm>>
    %dma_start3A_1751 = arith.constant 0 : i32
    %dma_start3A_1752 = tpu.memref_slice %arg4[%rem3A_1745, %mul3A_1747, %dma_start3A_1751] : memref<64x1024x1024xf32, #tpu.memory_space<hbm>> -> memref<1x32x1024xf32, #tpu.memory_space<hbm>>
    %dma_start3A_1753 = tpu.memref_squeeze %dma_start3A_1752 : memref<1x32x1024xf32, #tpu.memory_space<hbm>> -> memref<32x1024xf32, #tpu.memory_space<hbm>>
    tpu.enqueue_dma source(%arg5 : memref<32x1024xf32, #tpu.memory_space<vmem>>) target(%dma_start3A_1753 : memref<32x1024xf32, #tpu.memory_space<hbm>>) target_semaphore(%arg6 : memref<!tpu.dma_semaphore, #tpu.memory_space<semaphore_mem>>)
    %dma_wait3A_1754 = arith.constant 0 : i32
    %dma_wait3A_1755 = tpu.memref_slice %arg4[%rem3A_1647, %mul3A_1649, %dma_wait3A_1754] : memref<64x1024x1024xf32, #tpu.memory_space<hbm>> -> memref<1x32x1024xf32, #tpu.memory_space<hbm>>
    %dma_wait3A_1756 = tpu.memref_squeeze %dma_wait3A_1755 : memref<1x32x1024xf32, #tpu.memory_space<hbm>> -> memref<32x1024xf32, #tpu.memory_space<hbm>>
    %dma_wait3A_1757 = arith.constant 0 : i32
    %dma_wait3A_1758 = tpu.memref_slice %arg4[%rem3A_1647, %mul3A_1649, %dma_wait3A_1757] : memref<64x1024x1024xf32, #tpu.memory_space<hbm>> -> memref<1x32x1024xf32, #tpu.memory_space<hbm>>
    %dma_wait3A_1759 = tpu.memref_squeeze %dma_wait3A_1758 : memref<1x32x1024xf32, #tpu.memory_space<hbm>> -> memref<32x1024xf32, #tpu.memory_space<hbm>>
    tpu.wait_dma2 semaphore(%arg6 : memref<!tpu.dma_semaphore, #tpu.memory_space<semaphore_mem>>) src(%arg5 : memref<32x1024xf32, #tpu.memory_space<vmem>>) dst(%dma_wait3A_1759 : memref<32x1024xf32, #tpu.memory_space<hbm>>)
    %dma_wait3A_1760 = arith.constant 0 : i32
    %dma_wait3A_1761 = tpu.memref_slice %arg4[%rem3A_1661, %mul3A_1663, %dma_wait3A_1760] : memref<64x1024x1024xf32, #tpu.memory_space<hbm>> -> memref<1x32x1024xf32, #tpu.memory_space<hbm>>
    %dma_wait3A_1762 = tpu.memref_squeeze %dma_wait3A_1761 : memref<1x32x1024xf32, #tpu.memory_space<hbm>> -> memref<32x1024xf32, #tpu.memory_space<hbm>>
    %dma_wait3A_1763 = arith.constant 0 : i32
    %dma_wait3A_1764 = tpu.memref_slice %arg4[%rem3A_1661, %mul3A_1663, %dma_wait3A_1763] : memref<64x1024x1024xf32, #tpu.memory_space<hbm>> -> memref<1x32x1024xf32, #tpu.memory_space<hbm>>
    %dma_wait3A_1765 = tpu.memref_squeeze %dma_wait3A_1764 : memref<1x32x1024xf32, #tpu.memory_space<hbm>> -> memref<32x1024xf32, #tpu.memory_space<hbm>>
    tpu.wait_dma2 semaphore(%arg6 : memref<!tpu.dma_semaphore, #tpu.memory_space<semaphore_mem>>) src(%arg5 : memref<32x1024xf32, #tpu.memory_space<vmem>>) dst(%dma_wait3A_1765 : memref<32x1024xf32, #tpu.memory_space<hbm>>)
    %dma_wait3A_1766 = arith.constant 0 : i32
    %dma_wait3A_1767 = tpu.memref_slice %arg4[%rem3A_1675, %mul3A_1677, %dma_wait3A_1766] : memref<64x1024x1024xf32, #tpu.memory_space<hbm>> -> memref<1x32x1024xf32, #tpu.memory_space<hbm>>
    %dma_wait3A_1768 = tpu.memref_squeeze %dma_wait3A_1767 : memref<1x32x1024xf32, #tpu.memory_space<hbm>> -> memref<32x1024xf32, #tpu.memory_space<hbm>>
    %dma_wait3A_1769 = arith.constant 0 : i32
    %dma_wait3A_1770 = tpu.memref_slice %arg4[%rem3A_1675, %mul3A_1677, %dma_wait3A_1769] : memref<64x1024x1024xf32, #tpu.memory_space<hbm>> -> memref<1x32x1024xf32, #tpu.memory_space<hbm>>
    %dma_wait3A_1771 = tpu.memref_squeeze %dma_wait3A_1770 : memref<1x32x1024xf32, #tpu.memory_space<hbm>> -> memref<32x1024xf32, #tpu.memory_space<hbm>>
    tpu.wait_dma2 semaphore(%arg6 : memref<!tpu.dma_semaphore, #tpu.memory_space<semaphore_mem>>) src(%arg5 : memref<32x1024xf32, #tpu.memory_space<vmem>>) dst(%dma_wait3A_1771 : memref<32x1024xf32, #tpu.memory_space<hbm>>)
    %dma_wait3A_1772 = arith.constant 0 : i32
    %dma_wait3A_1773 = tpu.memref_slice %arg4[%rem3A_1689, %mul3A_1691, %dma_wait3A_1772] : memref<64x1024x1024xf32, #tpu.memory_space<hbm>> -> memref<1x32x1024xf32, #tpu.memory_space<hbm>>
    %dma_wait3A_1774 = tpu.memref_squeeze %dma_wait3A_1773 : memref<1x32x1024xf32, #tpu.memory_space<hbm>> -> memref<32x1024xf32, #tpu.memory_space<hbm>>
    %dma_wait3A_1775 = arith.constant 0 : i32
    %dma_wait3A_1776 = tpu.memref_slice %arg4[%rem3A_1689, %mul3A_1691, %dma_wait3A_1775] : memref<64x1024x1024xf32, #tpu.memory_space<hbm>> -> memref<1x32x1024xf32, #tpu.memory_space<hbm>>
    %dma_wait3A_1777 = tpu.memref_squeeze %dma_wait3A_1776 : memref<1x32x1024xf32, #tpu.memory_space<hbm>> -> memref<32x1024xf32, #tpu.memory_space<hbm>>
    tpu.wait_dma2 semaphore(%arg6 : memref<!tpu.dma_semaphore, #tpu.memory_space<semaphore_mem>>) src(%arg5 : memref<32x1024xf32, #tpu.memory_space<vmem>>) dst(%dma_wait3A_1777 : memref<32x1024xf32, #tpu.memory_space<hbm>>)
    %dma_wait3A_1778 = arith.constant 0 : i32
    %dma_wait3A_1779 = tpu.memref_slice %arg4[%rem3A_1703, %mul3A_1705, %dma_wait3A_1778] : memref<64x1024x1024xf32, #tpu.memory_space<hbm>> -> memref<1x32x1024xf32, #tpu.memory_space<hbm>>
    %dma_wait3A_1780 = tpu.memref_squeeze %dma_wait3A_1779 : memref<1x32x1024xf32, #tpu.memory_space<hbm>> -> memref<32x1024xf32, #tpu.memory_space<hbm>>
    %dma_wait3A_1781 = arith.constant 0 : i32
    %dma_wait3A_1782 = tpu.memref_slice %arg4[%rem3A_1703, %mul3A_1705, %dma_wait3A_1781] : memref<64x1024x1024xf32, #tpu.memory_space<hbm>> -> memref<1x32x1024xf32, #tpu.memory_space<hbm>>
    %dma_wait3A_1783 = tpu.memref_squeeze %dma_wait3A_1782 : memref<1x32x1024xf32, #tpu.memory_space<hbm>> -> memref<32x1024xf32, #tpu.memory_space<hbm>>
    tpu.wait_dma2 semaphore(%arg6 : memref<!tpu.dma_semaphore, #tpu.memory_space<semaphore_mem>>) src(%arg5 : memref<32x1024xf32, #tpu.memory_space<vmem>>) dst(%dma_wait3A_1783 : memref<32x1024xf32, #tpu.memory_space<hbm>>)
    %dma_wait3A_1784 = arith.constant 0 : i32
    %dma_wait3A_1785 = tpu.memref_slice %arg4[%rem3A_1717, %mul3A_1719, %dma_wait3A_1784] : memref<64x1024x1024xf32, #tpu.memory_space<hbm>> -> memref<1x32x1024xf32, #tpu.memory_space<hbm>>
    %dma_wait3A_1786 = tpu.memref_squeeze %dma_wait3A_1785 : memref<1x32x1024xf32, #tpu.memory_space<hbm>> -> memref<32x1024xf32, #tpu.memory_space<hbm>>
    %dma_wait3A_1787 = arith.constant 0 : i32
    %dma_wait3A_1788 = tpu.memref_slice %arg4[%rem3A_1717, %mul3A_1719, %dma_wait3A_1787] : memref<64x1024x1024xf32, #tpu.memory_space<hbm>> -> memref<1x32x1024xf32, #tpu.memory_space<hbm>>
    %dma_wait3A_1789 = tpu.memref_squeeze %dma_wait3A_1788 : memref<1x32x1024xf32, #tpu.memory_space<hbm>> -> memref<32x1024xf32, #tpu.memory_space<hbm>>
    tpu.wait_dma2 semaphore(%arg6 : memref<!tpu.dma_semaphore, #tpu.memory_space<semaphore_mem>>) src(%arg5 : memref<32x1024xf32, #tpu.memory_space<vmem>>) dst(%dma_wait3A_1789 : memref<32x1024xf32, #tpu.memory_space<hbm>>)
    %dma_wait3A_1790 = arith.constant 0 : i32
    %dma_wait3A_1791 = tpu.memref_slice %arg4[%rem3A_1731, %mul3A_1733, %dma_wait3A_1790] : memref<64x1024x1024xf32, #tpu.memory_space<hbm>> -> memref<1x32x1024xf32, #tpu.memory_space<hbm>>
    %dma_wait3A_1792 = tpu.memref_squeeze %dma_wait3A_1791 : memref<1x32x1024xf32, #tpu.memory_space<hbm>> -> memref<32x1024xf32, #tpu.memory_space<hbm>>
    %dma_wait3A_1793 = arith.constant 0 : i32
    %dma_wait3A_1794 = tpu.memref_slice %arg4[%rem3A_1731, %mul3A_1733, %dma_wait3A_1793] : memref<64x1024x1024xf32, #tpu.memory_space<hbm>> -> memref<1x32x1024xf32, #tpu.memory_space<hbm>>
    %dma_wait3A_1795 = tpu.memref_squeeze %dma_wait3A_1794 : memref<1x32x1024xf32, #tpu.memory_space<hbm>> -> memref<32x1024xf32, #tpu.memory_space<hbm>>
    tpu.wait_dma2 semaphore(%arg6 : memref<!tpu.dma_semaphore, #tpu.memory_space<semaphore_mem>>) src(%arg5 : memref<32x1024xf32, #tpu.memory_space<vmem>>) dst(%dma_wait3A_1795 : memref<32x1024xf32, #tpu.memory_space<hbm>>)
    %dma_wait3A_1796 = arith.constant 0 : i32
    %dma_wait3A_1797 = tpu.memref_slice %arg4[%rem3A_1745, %mul3A_1747, %dma_wait3A_1796] : memref<64x1024x1024xf32, #tpu.memory_space<hbm>> -> memref<1x32x1024xf32, #tpu.memory_space<hbm>>
    %dma_wait3A_1798 = tpu.memref_squeeze %dma_wait3A_1797 : memref<1x32x1024xf32, #tpu.memory_space<hbm>> -> memref<32x1024xf32, #tpu.memory_space<hbm>>
    %dma_wait3A_1799 = arith.constant 0 : i32
    %dma_wait3A_1800 = tpu.memref_slice %arg4[%rem3A_1745, %mul3A_1747, %dma_wait3A_1799] : memref<64x1024x1024xf32, #tpu.memory_space<hbm>> -> memref<1x32x1024xf32, #tpu.memory_space<hbm>>
    %dma_wait3A_1801 = tpu.memref_squeeze %dma_wait3A_1800 : memref<1x32x1024xf32, #tpu.memory_space<hbm>> -> memref<32x1024xf32, #tpu.memory_space<hbm>>
    tpu.wait_dma2 semaphore(%arg6 : memref<!tpu.dma_semaphore, #tpu.memory_space<semaphore_mem>>) src(%arg5 : memref<32x1024xf32, #tpu.memory_space<vmem>>) dst(%dma_wait3A_1801 : memref<32x1024xf32, #tpu.memory_space<hbm>>)
    %mul3A_1802 = arith.constant 2 : i32
    %mul3A_1803 = arith.muli %mul3A_1802, %add3A : i32
    %add3A_1804 = arith.constant 48 : i32
    %add3A_1805 = arith.addi %add3A_1804, %mul3A_1803 : i32
    %rem3A_1806 = arith.constant 64 : i32
    %rem3A_1807 = arith.remsi %add3A_1805, %rem3A_1806 : i32
    %mul3A_1808 = arith.constant 32 : i32
    %mul3A_1809 = arith.muli %add3A, %mul3A_1808 : i32
    %dma_start3A_1810 = arith.constant 0 : i32
    %dma_start3A_1811 = tpu.memref_slice %arg4[%rem3A_1807, %mul3A_1809, %dma_start3A_1810] : memref<64x1024x1024xf32, #tpu.memory_space<hbm>> -> memref<1x32x1024xf32, #tpu.memory_space<hbm>>
    %dma_start3A_1812 = tpu.memref_squeeze %dma_start3A_1811 : memref<1x32x1024xf32, #tpu.memory_space<hbm>> -> memref<32x1024xf32, #tpu.memory_space<hbm>>
    %dma_start3A_1813 = arith.constant 0 : i32
    %dma_start3A_1814 = tpu.memref_slice %arg4[%rem3A_1807, %mul3A_1809, %dma_start3A_1813] : memref<64x1024x1024xf32, #tpu.memory_space<hbm>> -> memref<1x32x1024xf32, #tpu.memory_space<hbm>>
    %dma_start3A_1815 = tpu.memref_squeeze %dma_start3A_1814 : memref<1x32x1024xf32, #tpu.memory_space<hbm>> -> memref<32x1024xf32, #tpu.memory_space<hbm>>
    tpu.enqueue_dma source(%arg5 : memref<32x1024xf32, #tpu.memory_space<vmem>>) target(%dma_start3A_1815 : memref<32x1024xf32, #tpu.memory_space<hbm>>) target_semaphore(%arg6 : memref<!tpu.dma_semaphore, #tpu.memory_space<semaphore_mem>>)
    %mul3A_1816 = arith.constant 2 : i32
    %mul3A_1817 = arith.muli %mul3A_1816, %add3A : i32
    %add3A_1818 = arith.constant 49 : i32
    %add3A_1819 = arith.addi %add3A_1818, %mul3A_1817 : i32
    %rem3A_1820 = arith.constant 64 : i32
    %rem3A_1821 = arith.remsi %add3A_1819, %rem3A_1820 : i32
    %mul3A_1822 = arith.constant 32 : i32
    %mul3A_1823 = arith.muli %add3A, %mul3A_1822 : i32
    %dma_start3A_1824 = arith.constant 0 : i32
    %dma_start3A_1825 = tpu.memref_slice %arg4[%rem3A_1821, %mul3A_1823, %dma_start3A_1824] : memref<64x1024x1024xf32, #tpu.memory_space<hbm>> -> memref<1x32x1024xf32, #tpu.memory_space<hbm>>
    %dma_start3A_1826 = tpu.memref_squeeze %dma_start3A_1825 : memref<1x32x1024xf32, #tpu.memory_space<hbm>> -> memref<32x1024xf32, #tpu.memory_space<hbm>>
    %dma_start3A_1827 = arith.constant 0 : i32
    %dma_start3A_1828 = tpu.memref_slice %arg4[%rem3A_1821, %mul3A_1823, %dma_start3A_1827] : memref<64x1024x1024xf32, #tpu.memory_space<hbm>> -> memref<1x32x1024xf32, #tpu.memory_space<hbm>>
    %dma_start3A_1829 = tpu.memref_squeeze %dma_start3A_1828 : memref<1x32x1024xf32, #tpu.memory_space<hbm>> -> memref<32x1024xf32, #tpu.memory_space<hbm>>
    tpu.enqueue_dma source(%arg5 : memref<32x1024xf32, #tpu.memory_space<vmem>>) target(%dma_start3A_1829 : memref<32x1024xf32, #tpu.memory_space<hbm>>) target_semaphore(%arg6 : memref<!tpu.dma_semaphore, #tpu.memory_space<semaphore_mem>>)
    %mul3A_1830 = arith.constant 2 : i32
    %mul3A_1831 = arith.muli %mul3A_1830, %add3A : i32
    %add3A_1832 = arith.constant 50 : i32
    %add3A_1833 = arith.addi %add3A_1832, %mul3A_1831 : i32
    %rem3A_1834 = arith.constant 64 : i32
    %rem3A_1835 = arith.remsi %add3A_1833, %rem3A_1834 : i32
    %mul3A_1836 = arith.constant 32 : i32
    %mul3A_1837 = arith.muli %add3A, %mul3A_1836 : i32
    %dma_start3A_1838 = arith.constant 0 : i32
    %dma_start3A_1839 = tpu.memref_slice %arg4[%rem3A_1835, %mul3A_1837, %dma_start3A_1838] : memref<64x1024x1024xf32, #tpu.memory_space<hbm>> -> memref<1x32x1024xf32, #tpu.memory_space<hbm>>
    %dma_start3A_1840 = tpu.memref_squeeze %dma_start3A_1839 : memref<1x32x1024xf32, #tpu.memory_space<hbm>> -> memref<32x1024xf32, #tpu.memory_space<hbm>>
    %dma_start3A_1841 = arith.constant 0 : i32
    %dma_start3A_1842 = tpu.memref_slice %arg4[%rem3A_1835, %mul3A_1837, %dma_start3A_1841] : memref<64x1024x1024xf32, #tpu.memory_space<hbm>> -> memref<1x32x1024xf32, #tpu.memory_space<hbm>>
    %dma_start3A_1843 = tpu.memref_squeeze %dma_start3A_1842 : memref<1x32x1024xf32, #tpu.memory_space<hbm>> -> memref<32x1024xf32, #tpu.memory_space<hbm>>
    tpu.enqueue_dma source(%arg5 : memref<32x1024xf32, #tpu.memory_space<vmem>>) target(%dma_start3A_1843 : memref<32x1024xf32, #tpu.memory_space<hbm>>) target_semaphore(%arg6 : memref<!tpu.dma_semaphore, #tpu.memory_space<semaphore_mem>>)
    %mul3A_1844 = arith.constant 2 : i32
    %mul3A_1845 = arith.muli %mul3A_1844, %add3A : i32
    %add3A_1846 = arith.constant 51 : i32
    %add3A_1847 = arith.addi %add3A_1846, %mul3A_1845 : i32
    %rem3A_1848 = arith.constant 64 : i32
    %rem3A_1849 = arith.remsi %add3A_1847, %rem3A_1848 : i32
    %mul3A_1850 = arith.constant 32 : i32
    %mul3A_1851 = arith.muli %add3A, %mul3A_1850 : i32
    %dma_start3A_1852 = arith.constant 0 : i32
    %dma_start3A_1853 = tpu.memref_slice %arg4[%rem3A_1849, %mul3A_1851, %dma_start3A_1852] : memref<64x1024x1024xf32, #tpu.memory_space<hbm>> -> memref<1x32x1024xf32, #tpu.memory_space<hbm>>
    %dma_start3A_1854 = tpu.memref_squeeze %dma_start3A_1853 : memref<1x32x1024xf32, #tpu.memory_space<hbm>> -> memref<32x1024xf32, #tpu.memory_space<hbm>>
    %dma_start3A_1855 = arith.constant 0 : i32
    %dma_start3A_1856 = tpu.memref_slice %arg4[%rem3A_1849, %mul3A_1851, %dma_start3A_1855] : memref<64x1024x1024xf32, #tpu.memory_space<hbm>> -> memref<1x32x1024xf32, #tpu.memory_space<hbm>>
    %dma_start3A_1857 = tpu.memref_squeeze %dma_start3A_1856 : memref<1x32x1024xf32, #tpu.memory_space<hbm>> -> memref<32x1024xf32, #tpu.memory_space<hbm>>
    tpu.enqueue_dma source(%arg5 : memref<32x1024xf32, #tpu.memory_space<vmem>>) target(%dma_start3A_1857 : memref<32x1024xf32, #tpu.memory_space<hbm>>) target_semaphore(%arg6 : memref<!tpu.dma_semaphore, #tpu.memory_space<semaphore_mem>>)
    %mul3A_1858 = arith.constant 2 : i32
    %mul3A_1859 = arith.muli %mul3A_1858, %add3A : i32
    %add3A_1860 = arith.constant 52 : i32
    %add3A_1861 = arith.addi %add3A_1860, %mul3A_1859 : i32
    %rem3A_1862 = arith.constant 64 : i32
    %rem3A_1863 = arith.remsi %add3A_1861, %rem3A_1862 : i32
    %mul3A_1864 = arith.constant 32 : i32
    %mul3A_1865 = arith.muli %add3A, %mul3A_1864 : i32
    %dma_start3A_1866 = arith.constant 0 : i32
    %dma_start3A_1867 = tpu.memref_slice %arg4[%rem3A_1863, %mul3A_1865, %dma_start3A_1866] : memref<64x1024x1024xf32, #tpu.memory_space<hbm>> -> memref<1x32x1024xf32, #tpu.memory_space<hbm>>
    %dma_start3A_1868 = tpu.memref_squeeze %dma_start3A_1867 : memref<1x32x1024xf32, #tpu.memory_space<hbm>> -> memref<32x1024xf32, #tpu.memory_space<hbm>>
    %dma_start3A_1869 = arith.constant 0 : i32
    %dma_start3A_1870 = tpu.memref_slice %arg4[%rem3A_1863, %mul3A_1865, %dma_start3A_1869] : memref<64x1024x1024xf32, #tpu.memory_space<hbm>> -> memref<1x32x1024xf32, #tpu.memory_space<hbm>>
    %dma_start3A_1871 = tpu.memref_squeeze %dma_start3A_1870 : memref<1x32x1024xf32, #tpu.memory_space<hbm>> -> memref<32x1024xf32, #tpu.memory_space<hbm>>
    tpu.enqueue_dma source(%arg5 : memref<32x1024xf32, #tpu.memory_space<vmem>>) target(%dma_start3A_1871 : memref<32x1024xf32, #tpu.memory_space<hbm>>) target_semaphore(%arg6 : memref<!tpu.dma_semaphore, #tpu.memory_space<semaphore_mem>>)
    %mul3A_1872 = arith.constant 2 : i32
    %mul3A_1873 = arith.muli %mul3A_1872, %add3A : i32
    %add3A_1874 = arith.constant 53 : i32
    %add3A_1875 = arith.addi %add3A_1874, %mul3A_1873 : i32
    %rem3A_1876 = arith.constant 64 : i32
    %rem3A_1877 = arith.remsi %add3A_1875, %rem3A_1876 : i32
    %mul3A_1878 = arith.constant 32 : i32
    %mul3A_1879 = arith.muli %add3A, %mul3A_1878 : i32
    %dma_start3A_1880 = arith.constant 0 : i32
    %dma_start3A_1881 = tpu.memref_slice %arg4[%rem3A_1877, %mul3A_1879, %dma_start3A_1880] : memref<64x1024x1024xf32, #tpu.memory_space<hbm>> -> memref<1x32x1024xf32, #tpu.memory_space<hbm>>
    %dma_start3A_1882 = tpu.memref_squeeze %dma_start3A_1881 : memref<1x32x1024xf32, #tpu.memory_space<hbm>> -> memref<32x1024xf32, #tpu.memory_space<hbm>>
    %dma_start3A_1883 = arith.constant 0 : i32
    %dma_start3A_1884 = tpu.memref_slice %arg4[%rem3A_1877, %mul3A_1879, %dma_start3A_1883] : memref<64x1024x1024xf32, #tpu.memory_space<hbm>> -> memref<1x32x1024xf32, #tpu.memory_space<hbm>>
    %dma_start3A_1885 = tpu.memref_squeeze %dma_start3A_1884 : memref<1x32x1024xf32, #tpu.memory_space<hbm>> -> memref<32x1024xf32, #tpu.memory_space<hbm>>
    tpu.enqueue_dma source(%arg5 : memref<32x1024xf32, #tpu.memory_space<vmem>>) target(%dma_start3A_1885 : memref<32x1024xf32, #tpu.memory_space<hbm>>) target_semaphore(%arg6 : memref<!tpu.dma_semaphore, #tpu.memory_space<semaphore_mem>>)
    %mul3A_1886 = arith.constant 2 : i32
    %mul3A_1887 = arith.muli %mul3A_1886, %add3A : i32
    %add3A_1888 = arith.constant 54 : i32
    %add3A_1889 = arith.addi %add3A_1888, %mul3A_1887 : i32
    %rem3A_1890 = arith.constant 64 : i32
    %rem3A_1891 = arith.remsi %add3A_1889, %rem3A_1890 : i32
    %mul3A_1892 = arith.constant 32 : i32
    %mul3A_1893 = arith.muli %add3A, %mul3A_1892 : i32
    %dma_start3A_1894 = arith.constant 0 : i32
    %dma_start3A_1895 = tpu.memref_slice %arg4[%rem3A_1891, %mul3A_1893, %dma_start3A_1894] : memref<64x1024x1024xf32, #tpu.memory_space<hbm>> -> memref<1x32x1024xf32, #tpu.memory_space<hbm>>
    %dma_start3A_1896 = tpu.memref_squeeze %dma_start3A_1895 : memref<1x32x1024xf32, #tpu.memory_space<hbm>> -> memref<32x1024xf32, #tpu.memory_space<hbm>>
    %dma_start3A_1897 = arith.constant 0 : i32
    %dma_start3A_1898 = tpu.memref_slice %arg4[%rem3A_1891, %mul3A_1893, %dma_start3A_1897] : memref<64x1024x1024xf32, #tpu.memory_space<hbm>> -> memref<1x32x1024xf32, #tpu.memory_space<hbm>>
    %dma_start3A_1899 = tpu.memref_squeeze %dma_start3A_1898 : memref<1x32x1024xf32, #tpu.memory_space<hbm>> -> memref<32x1024xf32, #tpu.memory_space<hbm>>
    tpu.enqueue_dma source(%arg5 : memref<32x1024xf32, #tpu.memory_space<vmem>>) target(%dma_start3A_1899 : memref<32x1024xf32, #tpu.memory_space<hbm>>) target_semaphore(%arg6 : memref<!tpu.dma_semaphore, #tpu.memory_space<semaphore_mem>>)
    %mul3A_1900 = arith.constant 2 : i32
    %mul3A_1901 = arith.muli %mul3A_1900, %add3A : i32
    %add3A_1902 = arith.constant 55 : i32
    %add3A_1903 = arith.addi %add3A_1902, %mul3A_1901 : i32
    %rem3A_1904 = arith.constant 64 : i32
    %rem3A_1905 = arith.remsi %add3A_1903, %rem3A_1904 : i32
    %mul3A_1906 = arith.constant 32 : i32
    %mul3A_1907 = arith.muli %add3A, %mul3A_1906 : i32
    %dma_start3A_1908 = arith.constant 0 : i32
    %dma_start3A_1909 = tpu.memref_slice %arg4[%rem3A_1905, %mul3A_1907, %dma_start3A_1908] : memref<64x1024x1024xf32, #tpu.memory_space<hbm>> -> memref<1x32x1024xf32, #tpu.memory_space<hbm>>
    %dma_start3A_1910 = tpu.memref_squeeze %dma_start3A_1909 : memref<1x32x1024xf32, #tpu.memory_space<hbm>> -> memref<32x1024xf32, #tpu.memory_space<hbm>>
    %dma_start3A_1911 = arith.constant 0 : i32
    %dma_start3A_1912 = tpu.memref_slice %arg4[%rem3A_1905, %mul3A_1907, %dma_start3A_1911] : memref<64x1024x1024xf32, #tpu.memory_space<hbm>> -> memref<1x32x1024xf32, #tpu.memory_space<hbm>>
    %dma_start3A_1913 = tpu.memref_squeeze %dma_start3A_1912 : memref<1x32x1024xf32, #tpu.memory_space<hbm>> -> memref<32x1024xf32, #tpu.memory_space<hbm>>
    tpu.enqueue_dma source(%arg5 : memref<32x1024xf32, #tpu.memory_space<vmem>>) target(%dma_start3A_1913 : memref<32x1024xf32, #tpu.memory_space<hbm>>) target_semaphore(%arg6 : memref<!tpu.dma_semaphore, #tpu.memory_space<semaphore_mem>>)
    %dma_wait3A_1914 = arith.constant 0 : i32
    %dma_wait3A_1915 = tpu.memref_slice %arg4[%rem3A_1807, %mul3A_1809, %dma_wait3A_1914] : memref<64x1024x1024xf32, #tpu.memory_space<hbm>> -> memref<1x32x1024xf32, #tpu.memory_space<hbm>>
    %dma_wait3A_1916 = tpu.memref_squeeze %dma_wait3A_1915 : memref<1x32x1024xf32, #tpu.memory_space<hbm>> -> memref<32x1024xf32, #tpu.memory_space<hbm>>
    %dma_wait3A_1917 = arith.constant 0 : i32
    %dma_wait3A_1918 = tpu.memref_slice %arg4[%rem3A_1807, %mul3A_1809, %dma_wait3A_1917] : memref<64x1024x1024xf32, #tpu.memory_space<hbm>> -> memref<1x32x1024xf32, #tpu.memory_space<hbm>>
    %dma_wait3A_1919 = tpu.memref_squeeze %dma_wait3A_1918 : memref<1x32x1024xf32, #tpu.memory_space<hbm>> -> memref<32x1024xf32, #tpu.memory_space<hbm>>
    tpu.wait_dma2 semaphore(%arg6 : memref<!tpu.dma_semaphore, #tpu.memory_space<semaphore_mem>>) src(%arg5 : memref<32x1024xf32, #tpu.memory_space<vmem>>) dst(%dma_wait3A_1919 : memref<32x1024xf32, #tpu.memory_space<hbm>>)
    %dma_wait3A_1920 = arith.constant 0 : i32
    %dma_wait3A_1921 = tpu.memref_slice %arg4[%rem3A_1821, %mul3A_1823, %dma_wait3A_1920] : memref<64x1024x1024xf32, #tpu.memory_space<hbm>> -> memref<1x32x1024xf32, #tpu.memory_space<hbm>>
    %dma_wait3A_1922 = tpu.memref_squeeze %dma_wait3A_1921 : memref<1x32x1024xf32, #tpu.memory_space<hbm>> -> memref<32x1024xf32, #tpu.memory_space<hbm>>
    %dma_wait3A_1923 = arith.constant 0 : i32
    %dma_wait3A_1924 = tpu.memref_slice %arg4[%rem3A_1821, %mul3A_1823, %dma_wait3A_1923] : memref<64x1024x1024xf32, #tpu.memory_space<hbm>> -> memref<1x32x1024xf32, #tpu.memory_space<hbm>>
    %dma_wait3A_1925 = tpu.memref_squeeze %dma_wait3A_1924 : memref<1x32x1024xf32, #tpu.memory_space<hbm>> -> memref<32x1024xf32, #tpu.memory_space<hbm>>
    tpu.wait_dma2 semaphore(%arg6 : memref<!tpu.dma_semaphore, #tpu.memory_space<semaphore_mem>>) src(%arg5 : memref<32x1024xf32, #tpu.memory_space<vmem>>) dst(%dma_wait3A_1925 : memref<32x1024xf32, #tpu.memory_space<hbm>>)
    %dma_wait3A_1926 = arith.constant 0 : i32
    %dma_wait3A_1927 = tpu.memref_slice %arg4[%rem3A_1835, %mul3A_1837, %dma_wait3A_1926] : memref<64x1024x1024xf32, #tpu.memory_space<hbm>> -> memref<1x32x1024xf32, #tpu.memory_space<hbm>>
    %dma_wait3A_1928 = tpu.memref_squeeze %dma_wait3A_1927 : memref<1x32x1024xf32, #tpu.memory_space<hbm>> -> memref<32x1024xf32, #tpu.memory_space<hbm>>
    %dma_wait3A_1929 = arith.constant 0 : i32
    %dma_wait3A_1930 = tpu.memref_slice %arg4[%rem3A_1835, %mul3A_1837, %dma_wait3A_1929] : memref<64x1024x1024xf32, #tpu.memory_space<hbm>> -> memref<1x32x1024xf32, #tpu.memory_space<hbm>>
    %dma_wait3A_1931 = tpu.memref_squeeze %dma_wait3A_1930 : memref<1x32x1024xf32, #tpu.memory_space<hbm>> -> memref<32x1024xf32, #tpu.memory_space<hbm>>
    tpu.wait_dma2 semaphore(%arg6 : memref<!tpu.dma_semaphore, #tpu.memory_space<semaphore_mem>>) src(%arg5 : memref<32x1024xf32, #tpu.memory_space<vmem>>) dst(%dma_wait3A_1931 : memref<32x1024xf32, #tpu.memory_space<hbm>>)
    %dma_wait3A_1932 = arith.constant 0 : i32
    %dma_wait3A_1933 = tpu.memref_slice %arg4[%rem3A_1849, %mul3A_1851, %dma_wait3A_1932] : memref<64x1024x1024xf32, #tpu.memory_space<hbm>> -> memref<1x32x1024xf32, #tpu.memory_space<hbm>>
    %dma_wait3A_1934 = tpu.memref_squeeze %dma_wait3A_1933 : memref<1x32x1024xf32, #tpu.memory_space<hbm>> -> memref<32x1024xf32, #tpu.memory_space<hbm>>
    %dma_wait3A_1935 = arith.constant 0 : i32
    %dma_wait3A_1936 = tpu.memref_slice %arg4[%rem3A_1849, %mul3A_1851, %dma_wait3A_1935] : memref<64x1024x1024xf32, #tpu.memory_space<hbm>> -> memref<1x32x1024xf32, #tpu.memory_space<hbm>>
    %dma_wait3A_1937 = tpu.memref_squeeze %dma_wait3A_1936 : memref<1x32x1024xf32, #tpu.memory_space<hbm>> -> memref<32x1024xf32, #tpu.memory_space<hbm>>
    tpu.wait_dma2 semaphore(%arg6 : memref<!tpu.dma_semaphore, #tpu.memory_space<semaphore_mem>>) src(%arg5 : memref<32x1024xf32, #tpu.memory_space<vmem>>) dst(%dma_wait3A_1937 : memref<32x1024xf32, #tpu.memory_space<hbm>>)
    %dma_wait3A_1938 = arith.constant 0 : i32
    %dma_wait3A_1939 = tpu.memref_slice %arg4[%rem3A_1863, %mul3A_1865, %dma_wait3A_1938] : memref<64x1024x1024xf32, #tpu.memory_space<hbm>> -> memref<1x32x1024xf32, #tpu.memory_space<hbm>>
    %dma_wait3A_1940 = tpu.memref_squeeze %dma_wait3A_1939 : memref<1x32x1024xf32, #tpu.memory_space<hbm>> -> memref<32x1024xf32, #tpu.memory_space<hbm>>
    %dma_wait3A_1941 = arith.constant 0 : i32
    %dma_wait3A_1942 = tpu.memref_slice %arg4[%rem3A_1863, %mul3A_1865, %dma_wait3A_1941] : memref<64x1024x1024xf32, #tpu.memory_space<hbm>> -> memref<1x32x1024xf32, #tpu.memory_space<hbm>>
    %dma_wait3A_1943 = tpu.memref_squeeze %dma_wait3A_1942 : memref<1x32x1024xf32, #tpu.memory_space<hbm>> -> memref<32x1024xf32, #tpu.memory_space<hbm>>
    tpu.wait_dma2 semaphore(%arg6 : memref<!tpu.dma_semaphore, #tpu.memory_space<semaphore_mem>>) src(%arg5 : memref<32x1024xf32, #tpu.memory_space<vmem>>) dst(%dma_wait3A_1943 : memref<32x1024xf32, #tpu.memory_space<hbm>>)
    %dma_wait3A_1944 = arith.constant 0 : i32
    %dma_wait3A_1945 = tpu.memref_slice %arg4[%rem3A_1877, %mul3A_1879, %dma_wait3A_1944] : memref<64x1024x1024xf32, #tpu.memory_space<hbm>> -> memref<1x32x1024xf32, #tpu.memory_space<hbm>>
    %dma_wait3A_1946 = tpu.memref_squeeze %dma_wait3A_1945 : memref<1x32x1024xf32, #tpu.memory_space<hbm>> -> memref<32x1024xf32, #tpu.memory_space<hbm>>
    %dma_wait3A_1947 = arith.constant 0 : i32
    %dma_wait3A_1948 = tpu.memref_slice %arg4[%rem3A_1877, %mul3A_1879, %dma_wait3A_1947] : memref<64x1024x1024xf32, #tpu.memory_space<hbm>> -> memref<1x32x1024xf32, #tpu.memory_space<hbm>>
    %dma_wait3A_1949 = tpu.memref_squeeze %dma_wait3A_1948 : memref<1x32x1024xf32, #tpu.memory_space<hbm>> -> memref<32x1024xf32, #tpu.memory_space<hbm>>
    tpu.wait_dma2 semaphore(%arg6 : memref<!tpu.dma_semaphore, #tpu.memory_space<semaphore_mem>>) src(%arg5 : memref<32x1024xf32, #tpu.memory_space<vmem>>) dst(%dma_wait3A_1949 : memref<32x1024xf32, #tpu.memory_space<hbm>>)
    %dma_wait3A_1950 = arith.constant 0 : i32
    %dma_wait3A_1951 = tpu.memref_slice %arg4[%rem3A_1891, %mul3A_1893, %dma_wait3A_1950] : memref<64x1024x1024xf32, #tpu.memory_space<hbm>> -> memref<1x32x1024xf32, #tpu.memory_space<hbm>>
    %dma_wait3A_1952 = tpu.memref_squeeze %dma_wait3A_1951 : memref<1x32x1024xf32, #tpu.memory_space<hbm>> -> memref<32x1024xf32, #tpu.memory_space<hbm>>
    %dma_wait3A_1953 = arith.constant 0 : i32
    %dma_wait3A_1954 = tpu.memref_slice %arg4[%rem3A_1891, %mul3A_1893, %dma_wait3A_1953] : memref<64x1024x1024xf32, #tpu.memory_space<hbm>> -> memref<1x32x1024xf32, #tpu.memory_space<hbm>>
    %dma_wait3A_1955 = tpu.memref_squeeze %dma_wait3A_1954 : memref<1x32x1024xf32, #tpu.memory_space<hbm>> -> memref<32x1024xf32, #tpu.memory_space<hbm>>
    tpu.wait_dma2 semaphore(%arg6 : memref<!tpu.dma_semaphore, #tpu.memory_space<semaphore_mem>>) src(%arg5 : memref<32x1024xf32, #tpu.memory_space<vmem>>) dst(%dma_wait3A_1955 : memref<32x1024xf32, #tpu.memory_space<hbm>>)
    %dma_wait3A_1956 = arith.constant 0 : i32
    %dma_wait3A_1957 = tpu.memref_slice %arg4[%rem3A_1905, %mul3A_1907, %dma_wait3A_1956] : memref<64x1024x1024xf32, #tpu.memory_space<hbm>> -> memref<1x32x1024xf32, #tpu.memory_space<hbm>>
    %dma_wait3A_1958 = tpu.memref_squeeze %dma_wait3A_1957 : memref<1x32x1024xf32, #tpu.memory_space<hbm>> -> memref<32x1024xf32, #tpu.memory_space<hbm>>
    %dma_wait3A_1959 = arith.constant 0 : i32
    %dma_wait3A_1960 = tpu.memref_slice %arg4[%rem3A_1905, %mul3A_1907, %dma_wait3A_1959] : memref<64x1024x1024xf32, #tpu.memory_space<hbm>> -> memref<1x32x1024xf32, #tpu.memory_space<hbm>>
    %dma_wait3A_1961 = tpu.memref_squeeze %dma_wait3A_1960 : memref<1x32x1024xf32, #tpu.memory_space<hbm>> -> memref<32x1024xf32, #tpu.memory_space<hbm>>
    tpu.wait_dma2 semaphore(%arg6 : memref<!tpu.dma_semaphore, #tpu.memory_space<semaphore_mem>>) src(%arg5 : memref<32x1024xf32, #tpu.memory_space<vmem>>) dst(%dma_wait3A_1961 : memref<32x1024xf32, #tpu.memory_space<hbm>>)
    %mul3A_1962 = arith.constant 2 : i32
    %mul3A_1963 = arith.muli %mul3A_1962, %add3A : i32
    %add3A_1964 = arith.constant 56 : i32
    %add3A_1965 = arith.addi %add3A_1964, %mul3A_1963 : i32
    %rem3A_1966 = arith.constant 64 : i32
    %rem3A_1967 = arith.remsi %add3A_1965, %rem3A_1966 : i32
    %mul3A_1968 = arith.constant 32 : i32
    %mul3A_1969 = arith.muli %add3A, %mul3A_1968 : i32
    %dma_start3A_1970 = arith.constant 0 : i32
    %dma_start3A_1971 = tpu.memref_slice %arg4[%rem3A_1967, %mul3A_1969, %dma_start3A_1970] : memref<64x1024x1024xf32, #tpu.memory_space<hbm>> -> memref<1x32x1024xf32, #tpu.memory_space<hbm>>
    %dma_start3A_1972 = tpu.memref_squeeze %dma_start3A_1971 : memref<1x32x1024xf32, #tpu.memory_space<hbm>> -> memref<32x1024xf32, #tpu.memory_space<hbm>>
    %dma_start3A_1973 = arith.constant 0 : i32
    %dma_start3A_1974 = tpu.memref_slice %arg4[%rem3A_1967, %mul3A_1969, %dma_start3A_1973] : memref<64x1024x1024xf32, #tpu.memory_space<hbm>> -> memref<1x32x1024xf32, #tpu.memory_space<hbm>>
    %dma_start3A_1975 = tpu.memref_squeeze %dma_start3A_1974 : memref<1x32x1024xf32, #tpu.memory_space<hbm>> -> memref<32x1024xf32, #tpu.memory_space<hbm>>
    tpu.enqueue_dma source(%arg5 : memref<32x1024xf32, #tpu.memory_space<vmem>>) target(%dma_start3A_1975 : memref<32x1024xf32, #tpu.memory_space<hbm>>) target_semaphore(%arg6 : memref<!tpu.dma_semaphore, #tpu.memory_space<semaphore_mem>>)
    %mul3A_1976 = arith.constant 2 : i32
    %mul3A_1977 = arith.muli %mul3A_1976, %add3A : i32
    %add3A_1978 = arith.constant 57 : i32
    %add3A_1979 = arith.addi %add3A_1978, %mul3A_1977 : i32
    %rem3A_1980 = arith.constant 64 : i32
    %rem3A_1981 = arith.remsi %add3A_1979, %rem3A_1980 : i32
    %mul3A_1982 = arith.constant 32 : i32
    %mul3A_1983 = arith.muli %add3A, %mul3A_1982 : i32
    %dma_start3A_1984 = arith.constant 0 : i32
    %dma_start3A_1985 = tpu.memref_slice %arg4[%rem3A_1981, %mul3A_1983, %dma_start3A_1984] : memref<64x1024x1024xf32, #tpu.memory_space<hbm>> -> memref<1x32x1024xf32, #tpu.memory_space<hbm>>
    %dma_start3A_1986 = tpu.memref_squeeze %dma_start3A_1985 : memref<1x32x1024xf32, #tpu.memory_space<hbm>> -> memref<32x1024xf32, #tpu.memory_space<hbm>>
    %dma_start3A_1987 = arith.constant 0 : i32
    %dma_start3A_1988 = tpu.memref_slice %arg4[%rem3A_1981, %mul3A_1983, %dma_start3A_1987] : memref<64x1024x1024xf32, #tpu.memory_space<hbm>> -> memref<1x32x1024xf32, #tpu.memory_space<hbm>>
    %dma_start3A_1989 = tpu.memref_squeeze %dma_start3A_1988 : memref<1x32x1024xf32, #tpu.memory_space<hbm>> -> memref<32x1024xf32, #tpu.memory_space<hbm>>
    tpu.enqueue_dma source(%arg5 : memref<32x1024xf32, #tpu.memory_space<vmem>>) target(%dma_start3A_1989 : memref<32x1024xf32, #tpu.memory_space<hbm>>) target_semaphore(%arg6 : memref<!tpu.dma_semaphore, #tpu.memory_space<semaphore_mem>>)
    %mul3A_1990 = arith.constant 2 : i32
    %mul3A_1991 = arith.muli %mul3A_1990, %add3A : i32
    %add3A_1992 = arith.constant 58 : i32
    %add3A_1993 = arith.addi %add3A_1992, %mul3A_1991 : i32
    %rem3A_1994 = arith.constant 64 : i32
    %rem3A_1995 = arith.remsi %add3A_1993, %rem3A_1994 : i32
    %mul3A_1996 = arith.constant 32 : i32
    %mul3A_1997 = arith.muli %add3A, %mul3A_1996 : i32
    %dma_start3A_1998 = arith.constant 0 : i32
    %dma_start3A_1999 = tpu.memref_slice %arg4[%rem3A_1995, %mul3A_1997, %dma_start3A_1998] : memref<64x1024x1024xf32, #tpu.memory_space<hbm>> -> memref<1x32x1024xf32, #tpu.memory_space<hbm>>
    %dma_start3A_2000 = tpu.memref_squeeze %dma_start3A_1999 : memref<1x32x1024xf32, #tpu.memory_space<hbm>> -> memref<32x1024xf32, #tpu.memory_space<hbm>>
    %dma_start3A_2001 = arith.constant 0 : i32
    %dma_start3A_2002 = tpu.memref_slice %arg4[%rem3A_1995, %mul3A_1997, %dma_start3A_2001] : memref<64x1024x1024xf32, #tpu.memory_space<hbm>> -> memref<1x32x1024xf32, #tpu.memory_space<hbm>>
    %dma_start3A_2003 = tpu.memref_squeeze %dma_start3A_2002 : memref<1x32x1024xf32, #tpu.memory_space<hbm>> -> memref<32x1024xf32, #tpu.memory_space<hbm>>
    tpu.enqueue_dma source(%arg5 : memref<32x1024xf32, #tpu.memory_space<vmem>>) target(%dma_start3A_2003 : memref<32x1024xf32, #tpu.memory_space<hbm>>) target_semaphore(%arg6 : memref<!tpu.dma_semaphore, #tpu.memory_space<semaphore_mem>>)
    %mul3A_2004 = arith.constant 2 : i32
    %mul3A_2005 = arith.muli %mul3A_2004, %add3A : i32
    %add3A_2006 = arith.constant 59 : i32
    %add3A_2007 = arith.addi %add3A_2006, %mul3A_2005 : i32
    %rem3A_2008 = arith.constant 64 : i32
    %rem3A_2009 = arith.remsi %add3A_2007, %rem3A_2008 : i32
    %mul3A_2010 = arith.constant 32 : i32
    %mul3A_2011 = arith.muli %add3A, %mul3A_2010 : i32
    %dma_start3A_2012 = arith.constant 0 : i32
    %dma_start3A_2013 = tpu.memref_slice %arg4[%rem3A_2009, %mul3A_2011, %dma_start3A_2012] : memref<64x1024x1024xf32, #tpu.memory_space<hbm>> -> memref<1x32x1024xf32, #tpu.memory_space<hbm>>
    %dma_start3A_2014 = tpu.memref_squeeze %dma_start3A_2013 : memref<1x32x1024xf32, #tpu.memory_space<hbm>> -> memref<32x1024xf32, #tpu.memory_space<hbm>>
    %dma_start3A_2015 = arith.constant 0 : i32
    %dma_start3A_2016 = tpu.memref_slice %arg4[%rem3A_2009, %mul3A_2011, %dma_start3A_2015] : memref<64x1024x1024xf32, #tpu.memory_space<hbm>> -> memref<1x32x1024xf32, #tpu.memory_space<hbm>>
    %dma_start3A_2017 = tpu.memref_squeeze %dma_start3A_2016 : memref<1x32x1024xf32, #tpu.memory_space<hbm>> -> memref<32x1024xf32, #tpu.memory_space<hbm>>
    tpu.enqueue_dma source(%arg5 : memref<32x1024xf32, #tpu.memory_space<vmem>>) target(%dma_start3A_2017 : memref<32x1024xf32, #tpu.memory_space<hbm>>) target_semaphore(%arg6 : memref<!tpu.dma_semaphore, #tpu.memory_space<semaphore_mem>>)
    %mul3A_2018 = arith.constant 2 : i32
    %mul3A_2019 = arith.muli %mul3A_2018, %add3A : i32
    %add3A_2020 = arith.constant 60 : i32
    %add3A_2021 = arith.addi %add3A_2020, %mul3A_2019 : i32
    %rem3A_2022 = arith.constant 64 : i32
    %rem3A_2023 = arith.remsi %add3A_2021, %rem3A_2022 : i32
    %mul3A_2024 = arith.constant 32 : i32
    %mul3A_2025 = arith.muli %add3A, %mul3A_2024 : i32
    %dma_start3A_2026 = arith.constant 0 : i32
    %dma_start3A_2027 = tpu.memref_slice %arg4[%rem3A_2023, %mul3A_2025, %dma_start3A_2026] : memref<64x1024x1024xf32, #tpu.memory_space<hbm>> -> memref<1x32x1024xf32, #tpu.memory_space<hbm>>
    %dma_start3A_2028 = tpu.memref_squeeze %dma_start3A_2027 : memref<1x32x1024xf32, #tpu.memory_space<hbm>> -> memref<32x1024xf32, #tpu.memory_space<hbm>>
    %dma_start3A_2029 = arith.constant 0 : i32
    %dma_start3A_2030 = tpu.memref_slice %arg4[%rem3A_2023, %mul3A_2025, %dma_start3A_2029] : memref<64x1024x1024xf32, #tpu.memory_space<hbm>> -> memref<1x32x1024xf32, #tpu.memory_space<hbm>>
    %dma_start3A_2031 = tpu.memref_squeeze %dma_start3A_2030 : memref<1x32x1024xf32, #tpu.memory_space<hbm>> -> memref<32x1024xf32, #tpu.memory_space<hbm>>
    tpu.enqueue_dma source(%arg5 : memref<32x1024xf32, #tpu.memory_space<vmem>>) target(%dma_start3A_2031 : memref<32x1024xf32, #tpu.memory_space<hbm>>) target_semaphore(%arg6 : memref<!tpu.dma_semaphore, #tpu.memory_space<semaphore_mem>>)
    %mul3A_2032 = arith.constant 2 : i32
    %mul3A_2033 = arith.muli %mul3A_2032, %add3A : i32
    %add3A_2034 = arith.constant 61 : i32
    %add3A_2035 = arith.addi %add3A_2034, %mul3A_2033 : i32
    %rem3A_2036 = arith.constant 64 : i32
    %rem3A_2037 = arith.remsi %add3A_2035, %rem3A_2036 : i32
    %mul3A_2038 = arith.constant 32 : i32
    %mul3A_2039 = arith.muli %add3A, %mul3A_2038 : i32
    %dma_start3A_2040 = arith.constant 0 : i32
    %dma_start3A_2041 = tpu.memref_slice %arg4[%rem3A_2037, %mul3A_2039, %dma_start3A_2040] : memref<64x1024x1024xf32, #tpu.memory_space<hbm>> -> memref<1x32x1024xf32, #tpu.memory_space<hbm>>
    %dma_start3A_2042 = tpu.memref_squeeze %dma_start3A_2041 : memref<1x32x1024xf32, #tpu.memory_space<hbm>> -> memref<32x1024xf32, #tpu.memory_space<hbm>>
    %dma_start3A_2043 = arith.constant 0 : i32
    %dma_start3A_2044 = tpu.memref_slice %arg4[%rem3A_2037, %mul3A_2039, %dma_start3A_2043] : memref<64x1024x1024xf32, #tpu.memory_space<hbm>> -> memref<1x32x1024xf32, #tpu.memory_space<hbm>>
    %dma_start3A_2045 = tpu.memref_squeeze %dma_start3A_2044 : memref<1x32x1024xf32, #tpu.memory_space<hbm>> -> memref<32x1024xf32, #tpu.memory_space<hbm>>
    tpu.enqueue_dma source(%arg5 : memref<32x1024xf32, #tpu.memory_space<vmem>>) target(%dma_start3A_2045 : memref<32x1024xf32, #tpu.memory_space<hbm>>) target_semaphore(%arg6 : memref<!tpu.dma_semaphore, #tpu.memory_space<semaphore_mem>>)
    %mul3A_2046 = arith.constant 2 : i32
    %mul3A_2047 = arith.muli %mul3A_2046, %add3A : i32
    %add3A_2048 = arith.constant 62 : i32
    %add3A_2049 = arith.addi %add3A_2048, %mul3A_2047 : i32
    %rem3A_2050 = arith.constant 64 : i32
    %rem3A_2051 = arith.remsi %add3A_2049, %rem3A_2050 : i32
    %mul3A_2052 = arith.constant 32 : i32
    %mul3A_2053 = arith.muli %add3A, %mul3A_2052 : i32
    %dma_start3A_2054 = arith.constant 0 : i32
    %dma_start3A_2055 = tpu.memref_slice %arg4[%rem3A_2051, %mul3A_2053, %dma_start3A_2054] : memref<64x1024x1024xf32, #tpu.memory_space<hbm>> -> memref<1x32x1024xf32, #tpu.memory_space<hbm>>
    %dma_start3A_2056 = tpu.memref_squeeze %dma_start3A_2055 : memref<1x32x1024xf32, #tpu.memory_space<hbm>> -> memref<32x1024xf32, #tpu.memory_space<hbm>>
    %dma_start3A_2057 = arith.constant 0 : i32
    %dma_start3A_2058 = tpu.memref_slice %arg4[%rem3A_2051, %mul3A_2053, %dma_start3A_2057] : memref<64x1024x1024xf32, #tpu.memory_space<hbm>> -> memref<1x32x1024xf32, #tpu.memory_space<hbm>>
    %dma_start3A_2059 = tpu.memref_squeeze %dma_start3A_2058 : memref<1x32x1024xf32, #tpu.memory_space<hbm>> -> memref<32x1024xf32, #tpu.memory_space<hbm>>
    tpu.enqueue_dma source(%arg5 : memref<32x1024xf32, #tpu.memory_space<vmem>>) target(%dma_start3A_2059 : memref<32x1024xf32, #tpu.memory_space<hbm>>) target_semaphore(%arg6 : memref<!tpu.dma_semaphore, #tpu.memory_space<semaphore_mem>>)
    %mul3A_2060 = arith.constant 2 : i32
    %mul3A_2061 = arith.muli %mul3A_2060, %add3A : i32
    %add3A_2062 = arith.constant 63 : i32
    %add3A_2063 = arith.addi %add3A_2062, %mul3A_2061 : i32
    %rem3A_2064 = arith.constant 64 : i32
    %rem3A_2065 = arith.remsi %add3A_2063, %rem3A_2064 : i32
    %mul3A_2066 = arith.constant 32 : i32
    %mul3A_2067 = arith.muli %add3A, %mul3A_2066 : i32
    %dma_start3A_2068 = arith.constant 0 : i32
    %dma_start3A_2069 = tpu.memref_slice %arg4[%rem3A_2065, %mul3A_2067, %dma_start3A_2068] : memref<64x1024x1024xf32, #tpu.memory_space<hbm>> -> memref<1x32x1024xf32, #tpu.memory_space<hbm>>
    %dma_start3A_2070 = tpu.memref_squeeze %dma_start3A_2069 : memref<1x32x1024xf32, #tpu.memory_space<hbm>> -> memref<32x1024xf32, #tpu.memory_space<hbm>>
    %dma_start3A_2071 = arith.constant 0 : i32
    %dma_start3A_2072 = tpu.memref_slice %arg4[%rem3A_2065, %mul3A_2067, %dma_start3A_2071] : memref<64x1024x1024xf32, #tpu.memory_space<hbm>> -> memref<1x32x1024xf32, #tpu.memory_space<hbm>>
    %dma_start3A_2073 = tpu.memref_squeeze %dma_start3A_2072 : memref<1x32x1024xf32, #tpu.memory_space<hbm>> -> memref<32x1024xf32, #tpu.memory_space<hbm>>
    tpu.enqueue_dma source(%arg5 : memref<32x1024xf32, #tpu.memory_space<vmem>>) target(%dma_start3A_2073 : memref<32x1024xf32, #tpu.memory_space<hbm>>) target_semaphore(%arg6 : memref<!tpu.dma_semaphore, #tpu.memory_space<semaphore_mem>>)
    %dma_wait3A_2074 = arith.constant 0 : i32
    %dma_wait3A_2075 = tpu.memref_slice %arg4[%rem3A_1967, %mul3A_1969, %dma_wait3A_2074] : memref<64x1024x1024xf32, #tpu.memory_space<hbm>> -> memref<1x32x1024xf32, #tpu.memory_space<hbm>>
    %dma_wait3A_2076 = tpu.memref_squeeze %dma_wait3A_2075 : memref<1x32x1024xf32, #tpu.memory_space<hbm>> -> memref<32x1024xf32, #tpu.memory_space<hbm>>
    %dma_wait3A_2077 = arith.constant 0 : i32
    %dma_wait3A_2078 = tpu.memref_slice %arg4[%rem3A_1967, %mul3A_1969, %dma_wait3A_2077] : memref<64x1024x1024xf32, #tpu.memory_space<hbm>> -> memref<1x32x1024xf32, #tpu.memory_space<hbm>>
    %dma_wait3A_2079 = tpu.memref_squeeze %dma_wait3A_2078 : memref<1x32x1024xf32, #tpu.memory_space<hbm>> -> memref<32x1024xf32, #tpu.memory_space<hbm>>
    tpu.wait_dma2 semaphore(%arg6 : memref<!tpu.dma_semaphore, #tpu.memory_space<semaphore_mem>>) src(%arg5 : memref<32x1024xf32, #tpu.memory_space<vmem>>) dst(%dma_wait3A_2079 : memref<32x1024xf32, #tpu.memory_space<hbm>>)
    %dma_wait3A_2080 = arith.constant 0 : i32
    %dma_wait3A_2081 = tpu.memref_slice %arg4[%rem3A_1981, %mul3A_1983, %dma_wait3A_2080] : memref<64x1024x1024xf32, #tpu.memory_space<hbm>> -> memref<1x32x1024xf32, #tpu.memory_space<hbm>>
    %dma_wait3A_2082 = tpu.memref_squeeze %dma_wait3A_2081 : memref<1x32x1024xf32, #tpu.memory_space<hbm>> -> memref<32x1024xf32, #tpu.memory_space<hbm>>
    %dma_wait3A_2083 = arith.constant 0 : i32
    %dma_wait3A_2084 = tpu.memref_slice %arg4[%rem3A_1981, %mul3A_1983, %dma_wait3A_2083] : memref<64x1024x1024xf32, #tpu.memory_space<hbm>> -> memref<1x32x1024xf32, #tpu.memory_space<hbm>>
    %dma_wait3A_2085 = tpu.memref_squeeze %dma_wait3A_2084 : memref<1x32x1024xf32, #tpu.memory_space<hbm>> -> memref<32x1024xf32, #tpu.memory_space<hbm>>
    tpu.wait_dma2 semaphore(%arg6 : memref<!tpu.dma_semaphore, #tpu.memory_space<semaphore_mem>>) src(%arg5 : memref<32x1024xf32, #tpu.memory_space<vmem>>) dst(%dma_wait3A_2085 : memref<32x1024xf32, #tpu.memory_space<hbm>>)
    %dma_wait3A_2086 = arith.constant 0 : i32
    %dma_wait3A_2087 = tpu.memref_slice %arg4[%rem3A_1995, %mul3A_1997, %dma_wait3A_2086] : memref<64x1024x1024xf32, #tpu.memory_space<hbm>> -> memref<1x32x1024xf32, #tpu.memory_space<hbm>>
    %dma_wait3A_2088 = tpu.memref_squeeze %dma_wait3A_2087 : memref<1x32x1024xf32, #tpu.memory_space<hbm>> -> memref<32x1024xf32, #tpu.memory_space<hbm>>
    %dma_wait3A_2089 = arith.constant 0 : i32
    %dma_wait3A_2090 = tpu.memref_slice %arg4[%rem3A_1995, %mul3A_1997, %dma_wait3A_2089] : memref<64x1024x1024xf32, #tpu.memory_space<hbm>> -> memref<1x32x1024xf32, #tpu.memory_space<hbm>>
    %dma_wait3A_2091 = tpu.memref_squeeze %dma_wait3A_2090 : memref<1x32x1024xf32, #tpu.memory_space<hbm>> -> memref<32x1024xf32, #tpu.memory_space<hbm>>
    tpu.wait_dma2 semaphore(%arg6 : memref<!tpu.dma_semaphore, #tpu.memory_space<semaphore_mem>>) src(%arg5 : memref<32x1024xf32, #tpu.memory_space<vmem>>) dst(%dma_wait3A_2091 : memref<32x1024xf32, #tpu.memory_space<hbm>>)
    %dma_wait3A_2092 = arith.constant 0 : i32
    %dma_wait3A_2093 = tpu.memref_slice %arg4[%rem3A_2009, %mul3A_2011, %dma_wait3A_2092] : memref<64x1024x1024xf32, #tpu.memory_space<hbm>> -> memref<1x32x1024xf32, #tpu.memory_space<hbm>>
    %dma_wait3A_2094 = tpu.memref_squeeze %dma_wait3A_2093 : memref<1x32x1024xf32, #tpu.memory_space<hbm>> -> memref<32x1024xf32, #tpu.memory_space<hbm>>
    %dma_wait3A_2095 = arith.constant 0 : i32
    %dma_wait3A_2096 = tpu.memref_slice %arg4[%rem3A_2009, %mul3A_2011, %dma_wait3A_2095] : memref<64x1024x1024xf32, #tpu.memory_space<hbm>> -> memref<1x32x1024xf32, #tpu.memory_space<hbm>>
    %dma_wait3A_2097 = tpu.memref_squeeze %dma_wait3A_2096 : memref<1x32x1024xf32, #tpu.memory_space<hbm>> -> memref<32x1024xf32, #tpu.memory_space<hbm>>
    tpu.wait_dma2 semaphore(%arg6 : memref<!tpu.dma_semaphore, #tpu.memory_space<semaphore_mem>>) src(%arg5 : memref<32x1024xf32, #tpu.memory_space<vmem>>) dst(%dma_wait3A_2097 : memref<32x1024xf32, #tpu.memory_space<hbm>>)
    %dma_wait3A_2098 = arith.constant 0 : i32
    %dma_wait3A_2099 = tpu.memref_slice %arg4[%rem3A_2023, %mul3A_2025, %dma_wait3A_2098] : memref<64x1024x1024xf32, #tpu.memory_space<hbm>> -> memref<1x32x1024xf32, #tpu.memory_space<hbm>>
    %dma_wait3A_2100 = tpu.memref_squeeze %dma_wait3A_2099 : memref<1x32x1024xf32, #tpu.memory_space<hbm>> -> memref<32x1024xf32, #tpu.memory_space<hbm>>
    %dma_wait3A_2101 = arith.constant 0 : i32
    %dma_wait3A_2102 = tpu.memref_slice %arg4[%rem3A_2023, %mul3A_2025, %dma_wait3A_2101] : memref<64x1024x1024xf32, #tpu.memory_space<hbm>> -> memref<1x32x1024xf32, #tpu.memory_space<hbm>>
    %dma_wait3A_2103 = tpu.memref_squeeze %dma_wait3A_2102 : memref<1x32x1024xf32, #tpu.memory_space<hbm>> -> memref<32x1024xf32, #tpu.memory_space<hbm>>
    tpu.wait_dma2 semaphore(%arg6 : memref<!tpu.dma_semaphore, #tpu.memory_space<semaphore_mem>>) src(%arg5 : memref<32x1024xf32, #tpu.memory_space<vmem>>) dst(%dma_wait3A_2103 : memref<32x1024xf32, #tpu.memory_space<hbm>>)
    %dma_wait3A_2104 = arith.constant 0 : i32
    %dma_wait3A_2105 = tpu.memref_slice %arg4[%rem3A_2037, %mul3A_2039, %dma_wait3A_2104] : memref<64x1024x1024xf32, #tpu.memory_space<hbm>> -> memref<1x32x1024xf32, #tpu.memory_space<hbm>>
    %dma_wait3A_2106 = tpu.memref_squeeze %dma_wait3A_2105 : memref<1x32x1024xf32, #tpu.memory_space<hbm>> -> memref<32x1024xf32, #tpu.memory_space<hbm>>
    %dma_wait3A_2107 = arith.constant 0 : i32
    %dma_wait3A_2108 = tpu.memref_slice %arg4[%rem3A_2037, %mul3A_2039, %dma_wait3A_2107] : memref<64x1024x1024xf32, #tpu.memory_space<hbm>> -> memref<1x32x1024xf32, #tpu.memory_space<hbm>>
    %dma_wait3A_2109 = tpu.memref_squeeze %dma_wait3A_2108 : memref<1x32x1024xf32, #tpu.memory_space<hbm>> -> memref<32x1024xf32, #tpu.memory_space<hbm>>
    tpu.wait_dma2 semaphore(%arg6 : memref<!tpu.dma_semaphore, #tpu.memory_space<semaphore_mem>>) src(%arg5 : memref<32x1024xf32, #tpu.memory_space<vmem>>) dst(%dma_wait3A_2109 : memref<32x1024xf32, #tpu.memory_space<hbm>>)
    %dma_wait3A_2110 = arith.constant 0 : i32
    %dma_wait3A_2111 = tpu.memref_slice %arg4[%rem3A_2051, %mul3A_2053, %dma_wait3A_2110] : memref<64x1024x1024xf32, #tpu.memory_space<hbm>> -> memref<1x32x1024xf32, #tpu.memory_space<hbm>>
    %dma_wait3A_2112 = tpu.memref_squeeze %dma_wait3A_2111 : memref<1x32x1024xf32, #tpu.memory_space<hbm>> -> memref<32x1024xf32, #tpu.memory_space<hbm>>
    %dma_wait3A_2113 = arith.constant 0 : i32
    %dma_wait3A_2114 = tpu.memref_slice %arg4[%rem3A_2051, %mul3A_2053, %dma_wait3A_2113] : memref<64x1024x1024xf32, #tpu.memory_space<hbm>> -> memref<1x32x1024xf32, #tpu.memory_space<hbm>>
    %dma_wait3A_2115 = tpu.memref_squeeze %dma_wait3A_2114 : memref<1x32x1024xf32, #tpu.memory_space<hbm>> -> memref<32x1024xf32, #tpu.memory_space<hbm>>
    tpu.wait_dma2 semaphore(%arg6 : memref<!tpu.dma_semaphore, #tpu.memory_space<semaphore_mem>>) src(%arg5 : memref<32x1024xf32, #tpu.memory_space<vmem>>) dst(%dma_wait3A_2115 : memref<32x1024xf32, #tpu.memory_space<hbm>>)
    %dma_wait3A_2116 = arith.constant 0 : i32
    %dma_wait3A_2117 = tpu.memref_slice %arg4[%rem3A_2065, %mul3A_2067, %dma_wait3A_2116] : memref<64x1024x1024xf32, #tpu.memory_space<hbm>> -> memref<1x32x1024xf32, #tpu.memory_space<hbm>>
    %dma_wait3A_2118 = tpu.memref_squeeze %dma_wait3A_2117 : memref<1x32x1024xf32, #tpu.memory_space<hbm>> -> memref<32x1024xf32, #tpu.memory_space<hbm>>
    %dma_wait3A_2119 = arith.constant 0 : i32
    %dma_wait3A_2120 = tpu.memref_slice %arg4[%rem3A_2065, %mul3A_2067, %dma_wait3A_2119] : memref<64x1024x1024xf32, #tpu.memory_space<hbm>> -> memref<1x32x1024xf32, #tpu.memory_space<hbm>>
    %dma_wait3A_2121 = tpu.memref_squeeze %dma_wait3A_2120 : memref<1x32x1024xf32, #tpu.memory_space<hbm>> -> memref<32x1024xf32, #tpu.memory_space<hbm>>
    tpu.wait_dma2 semaphore(%arg6 : memref<!tpu.dma_semaphore, #tpu.memory_space<semaphore_mem>>) src(%arg5 : memref<32x1024xf32, #tpu.memory_space<vmem>>) dst(%dma_wait3A_2121 : memref<32x1024xf32, #tpu.memory_space<hbm>>)
    return
  }
}

</mosaic_0001>

<sc_bundles>
// kernel: kernel.3.cloned.1.call-start
scs
__scs_entry_jumppad:
0x0: {  	(pc) =	sbr.rel $0x88, $3  }
0x1: {  	(tag) =	ssettag $0x0;
	lr =	simm.s32 $0x1  }
0x2: {  	[smem:$0x3F9F] =	sst lr;
	_ =	strace $0xD0000000  }
0x3: {  	_ = 	snop  }
0x4: {  	_ = 	snop  }
0x5: {  	_ = 	snop  }
0x6: {  	_ = 	snop  }
0x7: {  	_ = 	snop  }
__scs_overlays_trampoline_lowered:
0x8: {  	[smem:$0x3FAE] =	sst s0  }
0x9: {  	[smem:$0x3FAF] =	sst s1  }
0xa: {  	[smem:$0x3FB0] =	sst s2  }
0xb: {  	[smem:$0x3FB1] =	sst s3  }
0xc: {  	[smem:$0x3FB2] =	sst s4  }
0xd: {  	[smem:$0x3FB3] =	sst s5  }
0xe: {  	[smem:$0x3FB4] =	sst s6  }
0xf: {  	[smem:$0x3FB5] =	sst s7  }
0x10: {  	[smem:$0x3FB6] =	sst s8  }
0x11: {  	[smem:$0x3FB7] =	sst s9;
	s0 =	simm.s32 @!p0 $0x0  }
0x12: {  	s1 =	sld [smem:$0x3F9D];
	s0 =	simm.s32 @p0 $0x1  }
0x13: {  	[smem:$0x3FB8] =	sst s0;
	s0 =	simm.s32 @!p1 $0x0  }
0x14: {  	s2 =	sld [smem:$0x3F9C];
	s0 =	simm.s32 @p1 $0x1  }
0x15: {  	[smem:$0x3FB9] =	sst s0;
	s0 =	simm.s32 @!p2 $0x0  }
0x16: {  	s3 =	sld [smem:$0x3FDB];
	s0 =	simm.s32 @p2 $0x1  }
0x17: {  	s4 =	simm.s32 $0x1BF5;
	[smem:$0x3FBB] =	sst s0  }
0x18: {  	s0 =	sld [smem:$0x3F9E];
	_ =	swait.ge [sflag:s4], $0x0  }
0x19: {  	s7 =	sld [smem:$0x3F9F]  }
0x1a: {  	s8 =	sadd.s32 $0xFFFFE003, lr  }
0x1b: {  	s9 =	sadd.s32 $0xFFFFFEF7, lr;
	s5 =	simm.s32 $0xFFFFFFFF;
	p2 =	slt.u32 s8, $0xFFFFF086  }
0x1c: {  	p1 =	slt.u32 s9, $0xF7A;
	s5 =	simm.s32 @!p2 $0x0  }
0x1d: {  	s5 =	simm.s32 @p1 $0x1;
	p0 =	seq.s32 s7, s2  }
0x1e: {  	s7 =	smul.u32 @!p0 $0xF7A, s2;
	p2 =	seq.s32 @!p0 s5, $0x0  }
0x1f: {  	s9 =	smul.u32 $0xF7A, s1;
	s8 =	simm.s32 @!p0 $0x1BF5;
	p2 =	por !p2, p0  }
0x20: {  	[sflag:s8] =	ssyncset.s32 @!p0 $0xFFFFF086;
	s6 =	sadd.s32 @!p0 s3, s7;
	s7 =	simm.s32 @!p0 $0x108  }
0x21: {  	s3 =	sadd.s32 s3, s9;
	s6 =	sadd.s32 @!p0 $0x88, s6;
	s7 =	simm.s32 @p2 $0x1082  }
0x22: {  	[simem:s7], [sflag:s8] =	dma.local @!p0 [hbm:s6], $0xF7A  }
0x23: {  	s9 =	sor.u32 $0xD0000000, s2;
	s6 =	simm.s32 $0x108;
	_ =	swait.ge @!p0 [sflag:s8], $0x0  }
0x24: {  	s3 =	sadd.s32 $0x88, s3;
	s6 =	simm.s32 @!p1 $0x1082;
	[sflag:s4] =	ssyncset.s32 $0xFFFFF086  }
0x25: {  	[simem:s6], [sflag:s4] =	dma.local [hbm:s3], $0xF7A  }
0x26: {  	[smem:$0x3F9F] =	sst s1;
	(tag) =	ssettag s2;
	_ =	strace s9  }
0x27: {  	s1 =	sld [smem:$0x3FAF]  }
0x28: {  	s2 =	sld [smem:$0x3FB0]  }
0x29: {  	s4 =	sld [smem:$0x3FB2]  }
0x2a: {  	p0 =	seq.s32 s5, $0x0;
	s5 =	sld [smem:$0x3FB3]  }
0x2b: {  	s6 =	sld [smem:$0x3FB4]  }
0x2c: {  	s7 =	sld [smem:$0x3FB5]  }
0x2d: {  	s3 =	simm.s32 $0x108;
	s8 =	sld [smem:$0x3FB6]  }
0x2e: {  	s3 =	simm.s32 @!p0 $0x1082;
	s9 =	sld [smem:$0x3FB7]  }
0x2f: {  	lr =	sadd.s32 s0, s3;
	s0 =	sld [smem:$0x3FAE]  }
0x30: {  	s3 =	sld [smem:$0x3FB1]  }
0x31: {  	[smem:$0x3FBA] =	sst s10  }
0x32: {  	s10 =	sld [smem:$0x3FB8];
	_ =	sdelay $0x3  }
0x33: {  	p0 =	seq.s32 s10, $0x1;
	s10 =	sld [smem:$0x3FBA];
	_ =	sdelay $0x3  }
0x34: {  	[smem:$0x3FBA] =	sst s10  }
0x35: {  	s10 =	sld [smem:$0x3FB9];
	_ =	sdelay $0x3  }
0x36: {  	p1 =	seq.s32 s10, $0x1;
	s10 =	sld [smem:$0x3FBA];
	_ =	sdelay $0x3  }
0x37: {  	[smem:$0x3FBA] =	sst s10  }
0x38: {  	s10 =	sld [smem:$0x3FBB]  }
0x39: {  	_ = 	snop;
	(pc) =	sbr.ind lr, $3  }
0x3a: {  	_ = 	snop  }
0x3b: {  	_ = 	snop  }
0x3c: {  	p2 =	seq.s32 s10, $0x1;
	s10 =	sld [smem:$0x3FBA]  }
0x3d: {  	_ =	shalt  }
0x3e: {  	_ =	shalt  }
0x3f: {  	_ =	shalt  }
0x40: {  	_ =	shalt  }
0x41: {  	_ =	shalt  }
0x42: {  	_ =	shalt  }
0x43: {  	_ =	shalt  }
0x44: {  	_ =	shalt  }
0x45: {  	_ =	shalt  }
0x46: {  	_ =	shalt  }
0x47: {  	_ =	shalt  }
0x48: {  	_ =	shalt  }
0x49: {  	_ =	shalt  }
0x4a: {  	_ =	shalt  }
0x4b: {  	_ =	shalt  }
0x4c: {  	_ =	shalt  }
0x4d: {  	_ =	shalt  }
0x4e: {  	_ =	shalt  }
0x4f: {  	_ =	shalt  }
0x50: {  	_ =	shalt  }
0x51: {  	_ =	shalt  }
0x52: {  	_ =	shalt  }
0x53: {  	_ =	shalt  }
0x54: {  	_ =	shalt  }
0x55: {  	_ =	shalt  }
0x56: {  	_ =	shalt  }
0x57: {  	_ =	shalt  }
0x58: {  	_ =	shalt  }
0x59: {  	_ =	shalt  }
0x5a: {  	_ =	shalt  }
0x5b: {  	_ =	shalt  }
0x5c: {  	_ =	shalt  }
0x5d: {  	_ =	shalt  }
0x5e: {  	_ =	shalt  }
0x5f: {  	_ =	shalt  }
0x60: {  	_ =	shalt  }
0x61: {  	_ =	shalt  }
0x62: {  	_ =	shalt  }
0x63: {  	_ =	shalt  }
0x64: {  	_ =	shalt  }
0x65: {  	_ =	shalt  }
0x66: {  	_ =	shalt  }
0x67: {  	_ =	shalt  }
0x68: {  	_ =	shalt  }
0x69: {  	_ =	shalt  }
0x6a: {  	_ =	shalt  }
0x6b: {  	_ =	shalt  }
0x6c: {  	_ =	shalt  }
0x6d: {  	_ =	shalt  }
0x6e: {  	_ =	shalt  }
0x6f: {  	_ =	shalt  }
0x70: {  	_ =	shalt  }
0x71: {  	_ =	shalt  }
0x72: {  	_ =	shalt  }
0x73: {  	_ =	shalt  }
0x74: {  	_ =	shalt  }
0x75: {  	_ =	shalt  }
0x76: {  	_ =	shalt  }
0x77: {  	_ =	shalt  }
0x78: {  	_ =	shalt  }
0x79: {  	_ =	shalt  }
0x7a: {  	_ =	shalt  }
0x7b: {  	_ =	shalt  }
0x7c: {  	_ =	shalt  }
0x7d: {  	_ =	shalt  }
0x7e: {  	_ =	shalt  }
0x7f: {  	_ =	shalt  }
0x80: {  	_ =	shalt  }
0x81: {  	_ =	shalt  }
0x82: {  	_ =	shalt  }
0x83: {  	_ =	shalt  }
0x84: {  	_ =	shalt  }
0x85: {  	_ =	shalt  }
0x86: {  	_ =	shalt  }
0x87: {  	_ =	shalt  }
.Lfunc_end0:
.L_simem_size_0:
called_computation_lowered:
.L_overlay_start_0:
0x88: {  	s2 =	sld [smem:$0x3FD9]  }
0x89: {  	s3 =	sld [smem:$0x3FFE];
	_ =	sdelay $0x1  }
0x8a: {  	s1 =	srdreg.scid  }
0x8b: {  	s0 =	sand.u32 $0x1, s1  }
0x8c: {  	s18 =	sshll.u32 s0, $0xA;
	s2 =	sadd.s32 s3, s2  }
0x8d: {  	s2 =	sadd.s32 s2, s18  }
0x8e: {  	[smem:$0x3FC6] =	sst s2  }
0x8f: {  	_ = 	snop  }
0x90: {  	s2 =	sld [smem:$0x3FC9]  }
0x91: {  	s19 =	sld [smem:$0x3FC8]  }
0x92: {  	s4 =	sld [smem:$0x3FD0];
	(tm) =	ssettm $0x1  }
0x93: {  	s5 =	sld [smem:$0x3FFB];
	_ =	sdelay $0x3  }
0x94: {  	_ =	strace s5  }
0x95: {  	s5 =	sld [smem:$0x3FFC];
	_ =	sdelay $0x3  }
0x96: {  	_ =	strace s5  }
0x97: {  	s5 =	sld [smem:$0x3FFD];
	_ =	sdelay $0x3  }
0x98: {  	_ =	strace s5  }
0x99: {  	_ =	strace $0x8FFFFFFF  }
0x9a: {  	s20 =	sld [smem:$0x3FDB];
	_ =	sdelay $0x1  }
0x9b: {  	s6 =	simm.s32 $_scs_section_size  }
0x9c: {  	s7 =	simm.s32 $_size__tile_overlayer_lowered;
	s8 =	simm.s32 $_tile_overlayer_lowered  }
0x9d: {  	s23 =	simm.s32 $0x1BFF;
	s22 =	sshll.u32 s8, $0x1;
	s5 =	sadd.s32 s6, s20  }
0x9e: {  	s9 =	simm.s32 $0x0;
	s21 =	sshll.u32 s7, $0x1;
	s7 =	sadd.s32 s22, s5  }
0x9f: {  	[timem:s9], [sflag:s23] =	dma.local [hbm:s7], s21  }
0xa0: {  	_ =	swait.ge [sflag:s23], s21  }
0xa1: {  	s6 =	ssub.s32 $0x0, s21;
	[sflag:s23] =	ssyncset.done $0x0  }
0xa2: {  	[sflag:s23] =	ssyncadd.s32 s6;
	_ =	sdelay $0x1  }
0xa3: {  	s24 =	simm.s32 $0x1B8B  }
0xa4: {  	_ =	swait.ge [sflag:s24], $0x1  }
0xa5: {  	[sflag:s24] =	ssyncset.done $0x0  }
0xa6: {  	s25 =	simm.s32 $0x1B8E;
	[sflag:s24] =	ssyncadd.s32 $0xFFFFFFFF  }
0xa7: {  	s26 =	simm.s32 $execute0_lowered;
	[smem:$0x3FD2] =	sst s25  }
0xa8: {  	s6 =	sshll.u32 s26, $0x1;
	_ =	strace $0x80000046;
	[dreg:$0x1] =	wrdreg $0xFFFFFFFF  }
0xa9: {  	s28 =	simm.s32 $_size_execute0_lowered;
	s5 =	sadd.s32 s5, s6;
	[dreg:$0x0] =	wrdreg $0x0  }
0xaa: {  	s6 =	sshll.u32 s28, $0x1;
	[dreg:$0x2] =	wrdreg s5  }
0xab: {  	[dreg:$0x3] =	wrdreg s6  }
0xac: {  	[dreg:$0x4] =	wrdreg $0xC0  }
0xad: {  	_ =	task [dreg:s9], $0x5FFFF  }
0xae: {  	[dreg:$0x1] =	wrdreg $0xFFFFFFFF  }
0xaf: {  	[dreg:$0x0] =	wrdreg $0x60  }
0xb0: {  	[dreg:$0x2] =	wrdreg s2  }
0xb1: {  	[dreg:$0x3] =	wrdreg s19  }
0xb2: {  	[dreg:$0x4] =	wrdreg s4  }
0xb3: {  	[dreg:$0x5] =	wrdreg $0x9  }
0xb4: {  	_ =	task.clear_ibuf [dreg:s9], $0x6FFFF;
	_ =	strace $0x90000046  }
0xb5: {  	s29 =	simm.s32 $0x9;
	_ =	strace $0x80000048  }
0xb6: {  	_ =	swait.ge [sflag:s29], $0x1  }
0xb7: {  	[sflag:s29] =	ssyncadd.s32 $0xFFFFFFFF  }
0xb8: {  	_ =	strace $0x90000048  }
0xb9: {  	_ =	sfence  }
0xba: {  	s30 =	sld [smem:$0x0];
	_ =	sdelay $0x2  }
0xbb: {  	s31 =	sshll.u32 s1, $0xD;
	s1 =	sshrl.u32 s1, $0x2  }
0xbc: {  	s3 =	sand.u32 $0x4000, s31;
	s1 =	sadd.s32 s1, s30  }
0xbd: {  	s0 =	sor.u32 s3, s0;
	s1 =	sshll.u32 s1, $0x11  }
0xbe: {  	s0 =	sor.u32 s1, s0  }
0xbf: {  	s0 =	sadd.s32 $0x8F2B, s0  }
0xc0: {  	[sflag:s0] =	ssyncadd.remote.s32 $0x1  }
0xc1: {  	_ =	sfence.sel $0xFFFF  }
0xc2: {  	[dreg:$0x0] =	wrdreg $0xFFFFFFFF;
	(pc) =	sbr.abs _section_cstart, $3  }
0xc3: {  	[dreg:$0x1] =	wrdreg $0xFFFFFFFF  }
0xc4: {  	_ =	task.clear_ibuf [dreg:s9], $0x2FFFF;
	_ =	strace $0x9FFFFFFF  }
0xc5: {  	(tm) =	ssettm $0x7FFFFFFF  }
tec
execute0_lowered:
.L_overlay_start_1:
0x0: {  	(tag) =	ssettag $0x1  }
0x1: {  	s4 =	rddreg [dreg:$0x0]  }
0x2: {  	s2 =	rddreg [dreg:$0x1]  }
0x3: {  	s6 =	rddreg [dreg:$0x2]  }
0x4: {  	s0 =	srdreg.scid;
	s1 =	stileid.u32;
	s3 =	simm.s32 $0x0  }
0x5: {  	s0 =	sand.u32 $0x1, s0;
	s5 =	sshll.u32 s1, $0x1;
	[smem:$0x7FF] =	sst s3  }
0x6: {  	[smem:$0x7FD] =	sst s0;
	s5 =	sor.u32 s0, s5  }
0x7: {  	s8 =	sshll.u32 s5, $0x15;
	s7 =	sshll.u32 s5, $0xF;
	s9 =	smul.u32 $0x41000, s5  }
0x8: {  	_ =	strace $0x80000047;
	s10 =	sor.u32 s7, s8;
	s15 =	sadd.s32 $0x200000, s8  }
0x9: {  	s12 =	sadd.s32 $0x300000, s8;
	s18 =	sadd.s32 $0x400000, s8;
	s21 =	sadd.s32 $0x500000, s8  }
0xa: {  	[tilespmem:s3], [sflag:$0x1] =	stream.linear.gather [hbm4b:s2+s3], $0x1000, $0x38;
	[tilespmem:$0x8000] =	vst v63  }
0xb: {  	s24 =	sadd.s32 $0x600000, s8;
	s0 =	sadd.s32 $0x700000, s8;
	s11 =	sadd.s32 s6, s9  }
0xc: {  	s9 =	sshrl.u32 s10, $0x3;
	s10 =	sand.u32 $0x3E00000, s15;
	s17 =	sand.u32 $0x3F00000, s12  }
0xd: {  	s20 =	sand.u32 $0x3E00000, s18;
	s23 =	sand.u32 $0x3F00000, s21;
	s26 =	sand.u32 $0x3E00000, s24  }
0xe: {  	s14 =	sand.u32 $0x3F00000, s0;
	s15 =	sadd.s32 $0x800000, s8;
	s18 =	sadd.s32 $0x900000, s8  }
0xf: {  	s21 =	sadd.s32 $0xA00000, s8;
	s24 =	sadd.s32 $0xB00000, s8;
	s0 =	sadd.s32 $0xC00000, s8  }
0x10: {  	[dreg:$0x4] =	wrdreg s11;
	s16 =	sadd.s32 s9, s6;
	s10 =	sor.u32 s7, s10  }
0x11: {  	s9 =	sxor.u32 $0x400000, s9;
	s11 =	sadd.s32 $0x20000, s16;
	s10 =	sshrl.u32 s10, $0x3  }
0x12: {  	s9 =	sadd.s32 s6, s9;
	[dreg:$0x5] =	wrdreg s11;
	s10 =	sadd.s32 s6, s10  }
0x13: {  	s11 =	sor.u32 s7, s17;
	s17 =	sand.u32 $0x3E00000, s15;
	[smem:$0x7DD] =	sst s9  }
0x14: {  	s15 =	sadd.s32 $0xD00000, s8;
	[dreg:$0x6] =	wrdreg s10;
	s19 =	sshrl.u32 s11, $0x3  }
0x15: {  	s11 =	sor.u32 s7, s20;
	s20 =	sand.u32 $0x3F00000, s18;
	s18 =	sadd.s32 $0xE00000, s8  }
0x16: {  	s10 =	sadd.s32 s6, s19;
	s22 =	sshrl.u32 s11, $0x3;
	s11 =	sor.u32 s7, s23  }
0x17: {  	s23 =	sand.u32 $0x3E00000, s21;
	s21 =	sadd.s32 $0xF00000, s8;
	[dreg:$0x7] =	wrdreg s10  }
0x18: {  	s10 =	sadd.s32 s6, s22;
	s25 =	sshrl.u32 s11, $0x3;
	s11 =	sor.u32 s7, s26  }
0x19: {  	s26 =	sand.u32 $0x3F00000, s24;
	s24 =	sadd.s32 $0x1000000, s8;
	[dreg:$0x8] =	wrdreg s10  }
0x1a: {  	s10 =	sadd.s32 s6, s25;
	s13 =	sshrl.u32 s11, $0x3;
	s11 =	sor.u32 s7, s14  }
0x1b: {  	s14 =	sand.u32 $0x3E00000, s0;
	s0 =	sadd.s32 $0x1100000, s8;
	[dreg:$0x9] =	wrdreg s10  }
0x1c: {  	s10 =	sadd.s32 s6, s13;
	s16 =	sshrl.u32 s11, $0x3;
	s11 =	sor.u32 s7, s17  }
0x1d: {  	s17 =	sand.u32 $0x3F00000, s15;
	s15 =	sadd.s32 $0x1200000, s8;
	[dreg:$0xa] =	wrdreg s10  }
0x1e: {  	s10 =	sadd.s32 s6, s16;
	s19 =	sshrl.u32 s11, $0x3;
	s11 =	sor.u32 s7, s20  }
0x1f: {  	s20 =	sand.u32 $0x3E00000, s18;
	s18 =	sadd.s32 $0x1300000, s8;
	[dreg:$0xb] =	wrdreg s10  }
0x20: {  	s10 =	sadd.s32 s6, s19;
	s22 =	sshrl.u32 s11, $0x3;
	s11 =	sor.u32 s7, s23  }
0x21: {  	s23 =	sand.u32 $0x3F00000, s21;
	s21 =	sadd.s32 $0x1400000, s8;
	[dreg:$0xc] =	wrdreg s10  }
0x22: {  	s10 =	sadd.s32 s6, s22;
	s25 =	sshrl.u32 s11, $0x3;
	s11 =	sor.u32 s7, s26  }
0x23: {  	s26 =	sand.u32 $0x3E00000, s24;
	s24 =	sadd.s32 $0x1500000, s8;
	[dreg:$0xd] =	wrdreg s10  }
0x24: {  	s10 =	sadd.s32 s6, s25;
	s13 =	sshrl.u32 s11, $0x3;
	s11 =	sor.u32 s7, s14  }
0x25: {  	s14 =	sand.u32 $0x3F00000, s0;
	s0 =	sadd.s32 $0x1600000, s8;
	[dreg:$0xe] =	wrdreg s10  }
0x26: {  	s10 =	sadd.s32 s6, s13;
	s16 =	sshrl.u32 s11, $0x3;
	s11 =	sor.u32 s7, s17  }
0x27: {  	s17 =	sand.u32 $0x3E00000, s15;
	s15 =	sadd.s32 $0x1700000, s8;
	[dreg:$0xf] =	wrdreg s10  }
0x28: {  	s10 =	sadd.s32 s6, s16;
	s19 =	sshrl.u32 s11, $0x3;
	s11 =	sor.u32 s7, s20  }
0x29: {  	s20 =	sand.u32 $0x3F00000, s18;
	s18 =	sadd.s32 $0x1800000, s8;
	[dreg:$0x10] =	wrdreg s10  }
0x2a: {  	s10 =	sadd.s32 s6, s19;
	s22 =	sshrl.u32 s11, $0x3;
	s11 =	sor.u32 s7, s23  }
0x2b: {  	s23 =	sand.u32 $0x3E00000, s21;
	s21 =	sadd.s32 $0x1900000, s8;
	[dreg:$0x11] =	wrdreg s10  }
0x2c: {  	s10 =	sadd.s32 s6, s22;
	s25 =	sshrl.u32 s11, $0x3;
	s11 =	sor.u32 s7, s26  }
0x2d: {  	s26 =	sand.u32 $0x3F00000, s24;
	s24 =	sadd.s32 $0x1A00000, s8;
	[dreg:$0x12] =	wrdreg s10  }
0x2e: {  	s10 =	sadd.s32 s6, s25;
	s13 =	sshrl.u32 s11, $0x3;
	s11 =	sor.u32 s7, s14  }
0x2f: {  	s14 =	sand.u32 $0x3E00000, s0;
	s0 =	sadd.s32 $0x1B00000, s8;
	[dreg:$0x13] =	wrdreg s10  }
0x30: {  	s10 =	sadd.s32 s6, s13;
	s16 =	sshrl.u32 s11, $0x3;
	s11 =	sor.u32 s7, s17  }
0x31: {  	s17 =	sand.u32 $0x3F00000, s15;
	s12 =	sand.u32 $0x3F00000, s0;
	[dreg:$0x14] =	wrdreg s10  }
0x32: {  	s10 =	sadd.s32 s6, s16;
	s19 =	sshrl.u32 s11, $0x3;
	s11 =	sor.u32 s7, s20  }
0x33: {  	s20 =	sand.u32 $0x3E00000, s18;
	[dreg:$0x15] =	wrdreg s10;
	s10 =	sadd.s32 s6, s19  }
0x34: {  	s22 =	sshrl.u32 s11, $0x3;
	s11 =	sor.u32 s7, s23;
	s23 =	sand.u32 $0x3F00000, s21  }
0x35: {  	[dreg:$0x16] =	wrdreg s10;
	s10 =	sadd.s32 s6, s22;
	s25 =	sshrl.u32 s11, $0x3  }
0x36: {  	s11 =	sor.u32 s7, s26;
	s26 =	sand.u32 $0x3E00000, s24;
	[dreg:$0x17] =	wrdreg s10  }
0x37: {  	s10 =	sadd.s32 s6, s25;
	s13 =	sshrl.u32 s11, $0x3;
	s11 =	sor.u32 s7, s14  }
0x38: {  	[dreg:$0x18] =	wrdreg s10;
	s10 =	sadd.s32 s6, s13;
	s16 =	sshrl.u32 s11, $0x3  }
0x39: {  	s11 =	sor.u32 s7, s17;
	s13 =	sadd.s32 $0x1C00000, s8;
	[dreg:$0x19] =	wrdreg s10  }
0x3a: {  	s10 =	sadd.s32 s6, s16;
	s19 =	sshrl.u32 s11, $0x3;
	s11 =	sor.u32 s7, s20  }
0x3b: {  	s15 =	sand.u32 $0x3E00000, s13;
	s16 =	sadd.s32 $0x1D00000, s8;
	s13 =	sadd.s32 $0x2200000, s8  }
0x3c: {  	[dreg:$0x1a] =	wrdreg s10;
	s10 =	sadd.s32 s6, s19;
	s22 =	sshrl.u32 s11, $0x3  }
0x3d: {  	s11 =	sor.u32 s7, s23;
	s18 =	sand.u32 $0x3F00000, s16;
	s19 =	sadd.s32 $0x1E00000, s8  }
0x3e: {  	s16 =	sadd.s32 $0x2400000, s8;
	[dreg:$0x1b] =	wrdreg s10;
	s10 =	sadd.s32 s6, s22  }
0x3f: {  	s25 =	sshrl.u32 s11, $0x3;
	s11 =	sor.u32 s7, s26;
	s21 =	sand.u32 $0x3E00000, s19  }
0x40: {  	s22 =	sadd.s32 $0x1F00000, s8;
	[dreg:$0x1c] =	wrdreg s10;
	s10 =	sadd.s32 s6, s25  }
0x41: {  	s11 =	sshrl.u32 s11, $0x3;
	s24 =	sand.u32 $0x3F00000, s22;
	s25 =	sadd.s32 $0x2100000, s8  }
0x42: {  	s22 =	sadd.s32 $0x2600000, s8;
	[dreg:$0x1d] =	wrdreg s10;
	s10 =	sadd.s32 s6, s11  }
0x43: {  	s11 =	sor.u32 s7, s12;
	s0 =	sand.u32 $0x3F00000, s25;
	[dreg:$0x1e] =	wrdreg s10  }
0x44: {  	s14 =	sshrl.u32 s11, $0x3;
	s11 =	sor.u32 s7, s15;
	s15 =	sadd.s32 $0x2300000, s8  }
0x45: {  	s10 =	sadd.s32 s6, s14;
	s17 =	sshrl.u32 s11, $0x3;
	s11 =	sor.u32 s7, s18  }
0x46: {  	s14 =	sand.u32 $0x3E00000, s13;
	s13 =	sadd.s32 $0x2A00000, s8;
	[dreg:$0x1f] =	wrdreg s10  }
0x47: {  	s10 =	sadd.s32 s6, s17;
	s20 =	sshrl.u32 s11, $0x3;
	s11 =	sor.u32 s7, s21  }
0x48: {  	s9 =	sor.u32 s7, s14;
	[smem:$0x7D9] =	sst s10;
	s10 =	sadd.s32 s6, s20  }
0x49: {  	s23 =	sshrl.u32 s11, $0x3;
	s11 =	sor.u32 s7, s24;
	s9 =	sshrl.u32 s9, $0x3  }
0x4a: {  	s20 =	sadd.s32 $0x2500000, s8;
	[smem:$0x7DA] =	sst s10;
	s10 =	sadd.s32 s6, s23  }
0x4b: {  	s26 =	sshrl.u32 s11, $0x3;
	s11 =	sor.u32 s7, s0;
	s9 =	sadd.s32 s6, s9  }
0x4c: {  	s21 =	sand.u32 $0x3F00000, s20;
	s23 =	sadd.s32 $0x2700000, s8;
	s0 =	sadd.s32 $0x2800000, s8  }
0x4d: {  	s20 =	sadd.s32 $0x2D00000, s8;
	[smem:$0x7DB] =	sst s10;
	s10 =	sadd.s32 s6, s26  }
0x4e: {  	s11 =	sshrl.u32 s11, $0x3;
	[smem:$0x7DF] =	sst s9;
	s9 =	sor.u32 s7, s21  }
0x4f: {  	[smem:$0x7DC] =	sst s10;
	s12 =	sadd.s32 s6, s11;
	s10 =	sand.u32 $0x3F00000, s15  }
0x50: {  	s11 =	sand.u32 $0x3E00000, s16;
	s9 =	sshrl.u32 s9, $0x3;
	[smem:$0x7DE] =	sst s12  }
0x51: {  	s10 =	sor.u32 s7, s10;
	s11 =	sor.u32 s7, s11;
	s9 =	sadd.s32 s6, s9  }
0x52: {  	s12 =	sadd.s32 $0x2900000, s8;
	s10 =	sshrl.u32 s10, $0x3;
	s18 =	sshrl.u32 s11, $0x3  }
0x53: {  	s11 =	sand.u32 $0x3F00000, s23;
	[smem:$0x7E2] =	sst s9;
	s17 =	sadd.s32 s6, s10  }
0x54: {  	s19 =	sadd.s32 s6, s18;
	s10 =	sand.u32 $0x3E00000, s22;
	[smem:$0x7E0] =	sst s17  }
0x55: {  	s11 =	sor.u32 s7, s11;
	[smem:$0x7E1] =	sst s19;
	s10 =	sor.u32 s7, s10  }
0x56: {  	s25 =	sshrl.u32 s11, $0x3;
	s11 =	sand.u32 $0x3E00000, s0;
	s17 =	sadd.s32 $0x2B00000, s8  }
0x57: {  	s19 =	sadd.s32 $0x2C00000, s8;
	s0 =	sadd.s32 $0x3000000, s8;
	s10 =	sshrl.u32 s10, $0x3  }
0x58: {  	s26 =	sadd.s32 s6, s25;
	s9 =	sor.u32 s7, s11;
	s11 =	sand.u32 $0x3E00000, s13  }
0x59: {  	s18 =	sand.u32 $0x3F00000, s17;
	s13 =	sadd.s32 $0x3100000, s8;
	s24 =	sadd.s32 s6, s10  }
0x5a: {  	[smem:$0x7E4] =	sst s26;
	s10 =	sand.u32 $0x3F00000, s12;
	s9 =	sshrl.u32 s9, $0x3  }
0x5b: {  	s11 =	sor.u32 s7, s11;
	s26 =	sadd.s32 $0x2F00000, s8;
	[smem:$0x7E3] =	sst s24  }
0x5c: {  	s10 =	sor.u32 s7, s10;
	s9 =	sadd.s32 s6, s9;
	s15 =	sshrl.u32 s11, $0x3  }
0x5d: {  	s11 =	sand.u32 $0x3F00000, s20;
	s24 =	sadd.s32 $0x2E00000, s8;
	s20 =	sadd.s32 $0x3400000, s8  }
0x5e: {  	s10 =	sshrl.u32 s10, $0x3;
	[smem:$0x7E5] =	sst s9;
	s16 =	sadd.s32 s6, s15  }
0x5f: {  	s9 =	sor.u32 s7, s18;
	s11 =	sor.u32 s7, s11;
	s25 =	sand.u32 $0x3E00000, s24  }
0x60: {  	s15 =	sadd.s32 $0x3200000, s8;
	s14 =	sadd.s32 s6, s10;
	[smem:$0x7E7] =	sst s16  }
0x61: {  	s10 =	sand.u32 $0x3E00000, s19;
	s9 =	sshrl.u32 s9, $0x3;
	s22 =	sshrl.u32 s11, $0x3  }
0x62: {  	s11 =	sand.u32 $0x3E00000, s0;
	s16 =	sadd.s32 $0x3300000, s8;
	s0 =	sadd.s32 $0x3700000, s8  }
0x63: {  	[smem:$0x7E6] =	sst s14;
	s10 =	sor.u32 s7, s10;
	s9 =	sadd.s32 s6, s9  }
0x64: {  	s23 =	sadd.s32 s6, s22;
	s11 =	sor.u32 s7, s11;
	s14 =	sand.u32 $0x3F00000, s13  }
0x65: {  	s22 =	sadd.s32 $0x3500000, s8;
	s13 =	sadd.s32 $0x3900000, s8;
	[smem:$0x7E8] =	sst s9  }
0x66: {  	s10 =	sshrl.u32 s10, $0x3;
	[smem:$0x7EA] =	sst s23;
	s9 =	sor.u32 s7, s25  }
0x67: {  	s11 =	sshrl.u32 s11, $0x3;
	s23 =	sadd.s32 $0x3600000, s8;
	s21 =	sadd.s32 s6, s10  }
0x68: {  	s10 =	sand.u32 $0x3F00000, s26;
	s9 =	sshrl.u32 s9, $0x3;
	s12 =	sadd.s32 s6, s11  }
0x69: {  	s11 =	sand.u32 $0x3F00000, s16;
	[smem:$0x7E9] =	sst s21;
	s10 =	sor.u32 s7, s10  }
0x6a: {  	s9 =	sadd.s32 s6, s9;
	[smem:$0x7ED] =	sst s12;
	s11 =	sor.u32 s7, s11  }
0x6b: {  	s21 =	sand.u32 $0x3E00000, s20;
	s12 =	sadd.s32 $0x3800000, s8;
	s20 =	sadd.s32 $0x3C00000, s8  }
0x6c: {  	s10 =	sshrl.u32 s10, $0x3;
	[smem:$0x7EB] =	sst s9;
	s9 =	sor.u32 s7, s14  }
0x6d: {  	s18 =	sshrl.u32 s11, $0x3;
	s11 =	sand.u32 $0x3E00000, s23;
	s10 =	sadd.s32 s6, s10  }
0x6e: {  	s9 =	sshrl.u32 s9, $0x3;
	s19 =	sadd.s32 s6, s18;
	s11 =	sor.u32 s7, s11  }
0x6f: {  	[smem:$0x7EC] =	sst s10;
	s10 =	sand.u32 $0x3E00000, s15;
	s9 =	sadd.s32 s6, s9  }
0x70: {  	[smem:$0x7F0] =	sst s19;
	s25 =	sshrl.u32 s11, $0x3;
	s11 =	sand.u32 $0x3F00000, s0  }
0x71: {  	s10 =	sor.u32 s7, s10;
	[smem:$0x7EE] =	sst s9;
	s9 =	sor.u32 s7, s21  }
0x72: {  	s26 =	sadd.s32 s6, s25;
	s10 =	sshrl.u32 s10, $0x3;
	s9 =	sshrl.u32 s9, $0x3  }
0x73: {  	[smem:$0x7F3] =	sst s26;
	s17 =	sadd.s32 s6, s10;
	s10 =	sand.u32 $0x3F00000, s22  }
0x74: {  	s9 =	sadd.s32 s6, s9;
	[smem:$0x7EF] =	sst s17;
	s10 =	sor.u32 s7, s10  }
0x75: {  	[smem:$0x7F1] =	sst s9;
	s9 =	sor.u32 s7, s11;
	s11 =	sand.u32 $0x3F00000, s13  }
0x76: {  	s17 =	sadd.s32 $0x3A00000, s8;
	s13 =	simm.s32 $0x1000;
	s10 =	sshrl.u32 s10, $0x3  }
0x77: {  	s18 =	sand.u32 $0x3E00000, s17;
	[smem:$0x76F] =	sst s13;
	s17 =	simm.s32 $0x1080  }
0x78: {  	s9 =	sshrl.u32 s9, $0x3;
	s13 =	simm.s32 $0x1680;
	[smem:$0x773] =	sst s17  }
0x79: {  	s11 =	sor.u32 s7, s11;
	s24 =	sadd.s32 s6, s10;
	[smem:$0x784] =	sst s13  }
0x7a: {  	s10 =	sand.u32 $0x3E00000, s12;
	s9 =	sadd.s32 s6, s9;
	[smem:$0x7F2] =	sst s24  }
0x7b: {  	s15 =	sshrl.u32 s11, $0x3;
	s12 =	simm.s32 $0x6000;
	[smem:$0x7F4] =	sst s9  }
0x7c: {  	s11 =	sand.u32 $0x3E00000, s20;
	s20 =	simm.s32 $0x1C80;
	[smem:$0x769] =	sst s12  }
0x7d: {  	s17 =	simm.s32 $0x1700;
	[smem:$0x776] =	sst s20  }
0x7e: {  	s13 =	simm.s32 $0x3900;
	[smem:$0x788] =	sst s17  }
0x7f: {  	s16 =	sadd.s32 s6, s15;
	[smem:$0x799] =	sst s13  }
0x80: {  	s15 =	simm.s32 $0x1800;
	[smem:$0x7F6] =	sst s16  }
0x81: {  	s9 =	sor.u32 s7, s18;
	s18 =	simm.s32 $0x1480;
	[smem:$0x771] =	sst s15  }
0x82: {  	s12 =	simm.s32 $0x1280;
	[smem:$0x774] =	sst s18  }
0x83: {  	s20 =	simm.s32 $0x1380;
	[smem:$0x783] =	sst s12  }
0x84: {  	s17 =	simm.s32 $0x3980;
	[smem:$0x78B] =	sst s20  }
0x85: {  	s11 =	sor.u32 s7, s11;
	s13 =	simm.s32 $0x3F80;
	[smem:$0x79D] =	sst s17  }
0x86: {  	s22 =	sshrl.u32 s11, $0x3;
	s11 =	simm.s32 $0x4000;
	[smem:$0x7AE] =	sst s13  }
0x87: {  	s24 =	sadd.s32 $0x3D00000, s8;
	s16 =	simm.s32 $0x1C00;
	[smem:$0x76A] =	sst s11  }
0x88: {  	s25 =	sand.u32 $0x3F00000, s24;
	s24 =	simm.s32 $0x1D00;
	[smem:$0x772] =	sst s16  }
0x89: {  	s15 =	simm.s32 $0x1E80;
	[smem:$0x77A] =	sst s24  }
0x8a: {  	s18 =	simm.s32 $0x1B00;
	[smem:$0x786] =	sst s15  }
0x8b: {  	s12 =	simm.s32 $0x3500;
	[smem:$0x789] =	sst s18  }
0x8c: {  	s20 =	simm.s32 $0x3600;
	[smem:$0x798] =	sst s12  }
0x8d: {  	s17 =	simm.s32 $0x5C00;
	[smem:$0x7A0] =	sst s20  }
0x8e: {  	s10 =	sor.u32 s7, s10;
	s13 =	simm.s32 $0x5280;
	[smem:$0x7B2] =	sst s17  }
0x8f: {  	s10 =	sshrl.u32 s10, $0x3;
	[smem:$0x7C3] =	sst s13  }
0x90: {  	s9 =	sshrl.u32 s9, $0x3;
	s14 =	sadd.s32 s6, s10;
	s13 =	sld [smem:$0x769]  }
0x91: {  	s9 =	sadd.s32 s6, s9;
	[smem:$0x7F5] =	sst s14  }
0x92: {  	s19 =	sadd.s32 $0x3B00000, s8;
	s23 =	sadd.s32 s6, s22;
	[smem:$0x7F7] =	sst s9  }
0x93: {  	s10 =	sand.u32 $0x3F00000, s19;
	s19 =	simm.s32 $0x1880;
	[smem:$0x7F9] =	sst s23  }
0x94: {  	s22 =	simm.s32 $0x1500;
	[smem:$0x775] =	sst s19  }
0x95: {  	s11 =	simm.s32 $0x1E00;
	[smem:$0x778] =	sst s22  }
0x96: {  	s16 =	simm.s32 $0x1300;
	[smem:$0x782] =	sst s11  }
0x97: {  	s24 =	simm.s32 $0x3000;
	[smem:$0x787] =	sst s16  }
0x98: {  	s15 =	simm.s32 $0x3180;
	[smem:$0x78F] =	sst s24  }
0x99: {  	s18 =	simm.s32 $0x3D80;
	[smem:$0x79B] =	sst s15  }
0x9a: {  	s12 =	simm.s32 $0x3B80;
	[smem:$0x79E] =	sst s18  }
0x9b: {  	s20 =	simm.s32 $0x5880;
	[smem:$0x7AD] =	sst s12  }
0x9c: {  	s17 =	simm.s32 $0x5300;
	[smem:$0x7B5] =	sst s20  }
0x9d: {  	[smem:$0x7C7] =	sst s17  }
0x9e: {  	s14 =	simm.s32 $0x1400;
	s17 =	sshll.u32 s1, $0x7;
	s1 =	sld [smem:$0x776]  }
0x9f: {  	s23 =	simm.s32 $0x1900;
	[smem:$0x770] =	sst s14  }
0xa0: {  	s9 =	sor.u32 s7, s25;
	s25 =	simm.s32 $0x1180;
	[smem:$0x779] =	sst s23  }
0xa1: {  	s19 =	simm.s32 $0x1F00;
	[smem:$0x77B] =	sst s25  }
0xa2: {  	s22 =	simm.s32 $0x1B80;
	[smem:$0x78A] =	sst s19  }
0xa3: {  	s11 =	simm.s32 $0x3100;
	[smem:$0x78D] =	sst s22  }
0xa4: {  	s16 =	simm.s32 $0x3580;
	[smem:$0x797] =	sst s11  }
0xa5: {  	s24 =	simm.s32 $0x3680;
	[smem:$0x79C] =	sst s16  }
0xa6: {  	s15 =	simm.s32 $0x5400;
	[smem:$0x7A4] =	sst s24  }
0xa7: {  	s18 =	simm.s32 $0x5080;
	[smem:$0x7B0] =	sst s15  }
0xa8: {  	s12 =	simm.s32 $0x5E00;
	[smem:$0x7B3] =	sst s18  }
0xa9: {  	s20 =	simm.s32 $0x5F00;
	[smem:$0x7C2] =	sst s12  }
0xaa: {  	s14 =	simm.s32 $0x1A80;
	[smem:$0x7CA] =	sst s20  }
0xab: {  	s23 =	simm.s32 $0x1F80;
	[smem:$0x785] =	sst s14  }
0xac: {  	s25 =	simm.s32 $0x3400;
	[smem:$0x78E] =	sst s23  }
0xad: {  	s19 =	simm.s32 $0x3200;
	[smem:$0x790] =	sst s25  }
0xae: {  	s22 =	simm.s32 $0x3E00;
	[smem:$0x79F] =	sst s19  }
0xaf: {  	s11 =	simm.s32 $0x3780;
	[smem:$0x7A2] =	sst s22  }
0xb0: {  	s16 =	simm.s32 $0x5800;
	[smem:$0x7AC] =	sst s11  }
0xb1: {  	s24 =	simm.s32 $0x5900;
	[smem:$0x7B1] =	sst s16  }
0xb2: {  	s15 =	simm.s32 $0x5A80;
	[smem:$0x7B9] =	sst s24  }
0xb3: {  	s18 =	simm.s32 $0x5700;
	[smem:$0x7C5] =	sst s15  }
0xb4: {  	s10 =	sor.u32 s7, s10;
	s12 =	simm.s32 $0x7100;
	[smem:$0x7C8] =	sst s18  }
0xb5: {  	s10 =	sshrl.u32 s10, $0x3;
	[smem:$0x7D7] =	sst s12  }
0xb6: {  	s9 =	sshrl.u32 s9, $0x3;
	s21 =	sadd.s32 s6, s10;
	s12 =	sld [smem:$0x77A]  }
0xb7: {  	s26 =	sadd.s32 $0x3E00000, s8;
	s9 =	sadd.s32 s6, s9;
	[smem:$0x7F8] =	sst s21  }
0xb8: {  	s10 =	sand.u32 $0x3E00000, s26;
	s26 =	simm.s32 $0x1580;
	[smem:$0x7FA] =	sst s9  }
0xb9: {  	s14 =	simm.s32 $0x3D00;
	[smem:$0x77C] =	sst s26  }
0xba: {  	s23 =	simm.s32 $0x3280;
	[smem:$0x79A] =	sst s14  }
0xbb: {  	s25 =	simm.s32 $0x3A80;
	[smem:$0x7A3] =	sst s23  }
0xbc: {  	s19 =	simm.s32 $0x5480;
	[smem:$0x7A5] =	sst s25  }
0xbd: {  	s22 =	simm.s32 $0x5100;
	[smem:$0x7B4] =	sst s19  }
0xbe: {  	s11 =	simm.s32 $0x5A00;
	[smem:$0x7B7] =	sst s22  }
0xbf: {  	s16 =	simm.s32 $0x5E80;
	[smem:$0x7C1] =	sst s11  }
0xc0: {  	s8 =	sadd.s32 $0x3F00000, s8;
	s24 =	simm.s32 $0x5F80;
	[smem:$0x7C6] =	sst s16  }
0xc1: {  	s8 =	sand.u32 $0x3F00000, s8;
	s10 =	sor.u32 s7, s10;
	[smem:$0x7CE] =	sst s24  }
0xc2: {  	s7 =	sor.u32 s7, s8;
	s8 =	sadd.s32 $0x400, s2;
	s24 =	sld [smem:$0x772]  }
0xc3: {  	s9 =	sadd.s32 $0x600, s2;
	[smem:$0x76D] =	sst s8  }
0xc4: {  	s21 =	simm.s32 $0x1100;
	[smem:$0x76E] =	sst s9  }
0xc5: {  	s26 =	simm.s32 $0x3800;
	[smem:$0x777] =	sst s21  }
0xc6: {  	s14 =	simm.s32 $0x5000;
	[smem:$0x791] =	sst s26  }
0xc7: {  	s23 =	simm.s32 $0x5500;
	[smem:$0x7AF] =	sst s14  }
0xc8: {  	s25 =	simm.s32 $0x5D00;
	[smem:$0x7B8] =	sst s23  }
0xc9: {  	s19 =	simm.s32 $0x5B00;
	[smem:$0x7BA] =	sst s25  }
0xca: {  	s22 =	simm.s32 $0x5780;
	[smem:$0x7C9] =	sst s19  }
0xcb: {  	s11 =	simm.s32 $0x7C80;
	[smem:$0x7CC] =	sst s22  }
0xcc: {  	[smem:$0x7D6] =	sst s11  }
0xcd: {  	s22 =	sld [smem:$0x770]  }
0xce: {  	s8 =	simm.s32 $0x1200;
	s11 =	sld [smem:$0x779]  }
0xcf: {  	s9 =	simm.s32 $0x1600;
	[smem:$0x77F] =	sst s8  }
0xd0: {  	s21 =	simm.s32 $0x1780;
	[smem:$0x780] =	sst s9  }
0xd1: {  	s26 =	simm.s32 $0x3E80;
	[smem:$0x78C] =	sst s21  }
0xd2: {  	s14 =	simm.s32 $0x5680;
	[smem:$0x7A6] =	sst s26  }
0xd3: {  	s23 =	simm.s32 $0x5B80;
	[smem:$0x7C4] =	sst s14  }
0xd4: {  	s25 =	simm.s32 $0x7000;
	[smem:$0x7CD] =	sst s23  }
0xd5: {  	[smem:$0x7CF] =	sst s25  }
0xd6: {  	s14 =	sld [smem:$0x76A]  }
0xd7: {  	s18 =	sld [smem:$0x76D]  }
0xd8: {  	s20 =	sld [smem:$0x76E]  }
0xd9: {  	s10 =	sshrl.u32 s10, $0x3;
	s23 =	sld [smem:$0x771]  }
0xda: {  	s7 =	sshrl.u32 s7, $0x3;
	s0 =	sadd.s32 s6, s10;
	s25 =	sld [smem:$0x773]  }
0xdb: {  	s6 =	sadd.s32 s6, s7;
	s7 =	sadd.s32 $0x200, s2;
	s2 =	sld [smem:$0x777]  }
0xdc: {  	[smem:$0x7FB] =	sst s0  }
0xdd: {  	[smem:$0x7FC] =	sst s6  }
0xde: {  	s10 =	simm.s32 $0x2000;
	[smem:$0x76C] =	sst s7  }
0xdf: {  	s8 =	simm.s32 $0x3480;
	[smem:$0x76B] =	sst s10  }
0xe0: {  	s9 =	simm.s32 $0x3880;
	[smem:$0x794] =	sst s8  }
0xe1: {  	s21 =	simm.s32 $0x3A00;
	[smem:$0x795] =	sst s9  }
0xe2: {  	s26 =	simm.s32 $0x5180;
	[smem:$0x7A1] =	sst s21  }
0xe3: {  	[smem:$0x7BB] =	sst s26  }
0xe4: {  	s19 =	sand.u32 $0x600, s17;
	s0 =	simm.s32 $0x1980;
	s17 =	sld [smem:$0x77F]  }
0xe5: {  	s7 =	simm.s32 $0x1D80;
	[smem:$0x77D] =	sst s0  }
0xe6: {  	s10 =	simm.s32 $0x1A00;
	[smem:$0x77E] =	sst s7  }
0xe7: {  	s8 =	simm.s32 $0x3B00;
	[smem:$0x781] =	sst s10  }
0xe8: {  	s9 =	simm.s32 $0x3F00;
	[smem:$0x7A9] =	sst s8  }
0xe9: {  	s21 =	simm.s32 $0x5C80;
	[smem:$0x7AA] =	sst s9  }
0xea: {  	s26 =	simm.s32 $0x7400;
	[smem:$0x7B6] =	sst s21  }
0xeb: {  	[smem:$0x7D0] =	sst s26  }
0xec: {  	s15 =	sld [smem:$0x76B]  }
0xed: {  	s16 =	sld [smem:$0x76C]  }
0xee: {  	s0 =	simm.s32 $0x3C00;
	s26 =	sld [smem:$0x774]  }
0xef: {  	s7 =	simm.s32 $0x3080;
	[smem:$0x792] =	sst s0  }
0xf0: {  	s10 =	simm.s32 $0x3C80;
	[smem:$0x793] =	sst s7  }
0xf1: {  	s8 =	simm.s32 $0x5D80;
	[smem:$0x796] =	sst s10  }
0xf2: {  	s21 =	simm.s32 $0x5380;
	[smem:$0x7BE] =	sst s8  }
0xf3: {  	[smem:$0x7CB] =	sst s21  }
0xf4: {  	s5 =	sshll.u32 s5, $0x4;
	s0 =	simm.s32 $0x3300;
	s21 =	sld [smem:$0x76F]  }
0xf5: {  	[tilespmem:s15], [sflag:$0x1] =	stream.linear.gather [hbm4b:s16+s3], $0x1000, $0x38;
	[tilespmem:$0x8000] =	vst v63  }
0xf6: {  	s5 =	sand.u32 $0x70, s5;
	s7 =	simm.s32 $0x3700;
	[smem:$0x7A7] =	sst s0  }
0xf7: {  	[tilespmem:s14], [sflag:$0x1] =	stream.linear.gather [hbm4b:s18+s3], $0x1000, $0x38;
	[tilespmem:$0x8000] =	vst v63  }
0xf8: {  	s4 =	sadd.s32 s4, s19;
	s10 =	simm.s32 $0x3380;
	[smem:$0x7A8] =	sst s7  }
0xf9: {  	[tilespmem:s13], [sflag:$0x1] =	stream.linear.gather [hbm4b:s20+s3], $0x1000, $0x38;
	[tilespmem:$0x8000] =	vst v63  }
0xfa: {  	s4 =	sadd.s32 s5, s4;
	[smem:$0x7AB] =	sst s10;
	s0 =	simm.s32 $0x5580  }
0xfb: {  	[tilespmem:s21], [sflag:$0x1] =	stream.linear.gather [hbm4b:s4+s3], $0x80, $0x38;
	[tilespmem:$0x8000] =	vst v63  }
0xfc: {  	s5 =	sadd.s32 $0x80, s4;
	s7 =	simm.s32 $0x5980;
	[smem:$0x7BC] =	sst s0  }
0xfd: {  	[tilespmem:s22], [sflag:$0x1] =	stream.linear.gather [hbm4b:s5+s3], $0x80, $0x38;
	[tilespmem:$0x8000] =	vst v63  }
0xfe: {  	s6 =	sadd.s32 $0x100, s4;
	[smem:$0x7BD] =	sst s7;
	s7 =	simm.s32 $0x7C00  }
0xff: {  	[tilespmem:s23], [sflag:$0x1] =	stream.linear.gather [hbm4b:s6+s3], $0x80, $0x38;
	[tilespmem:$0x8000] =	vst v63  }
0x100: {  	s0 =	simm.s32 $0x7800;
	[smem:$0x7D2] =	sst s7;
	s7 =	sadd.s32 $0x180, s4  }
0x101: {  	[tilespmem:s24], [sflag:$0x1] =	stream.linear.gather [hbm4b:s7+s3], $0x80, $0x38;
	[tilespmem:$0x8000] =	vst v63  }
0x102: {  	[smem:$0x7D1] =	sst s0  }
0x103: {  	[tilespmem:s25], [sflag:$0x1] =	stream.linear.gather [hbm4b:s4+s3], $0x80, $0x38;
	[tilespmem:$0x8000] =	vst v63  }
0x104: {  	s10 =	simm.s32 $0x5600;
	s0 =	sld [smem:$0x775]  }
0x105: {  	[tilespmem:s26], [sflag:$0x1] =	stream.linear.gather [hbm4b:s5+s3], $0x80, $0x38;
	[tilespmem:$0x8000] =	vst v63  }
0x106: {  	[smem:$0x7C0] =	sst s10;
	s10 =	simm.s32 $0x7880  }
0x107: {  	[tilespmem:s0], [sflag:$0x1] =	stream.linear.gather [hbm4b:s6+s3], $0x80, $0x38;
	[tilespmem:$0x8000] =	vst v63  }
0x108: {  	[smem:$0x7D5] =	sst s10  }
0x109: {  	[tilespmem:s1], [sflag:$0x1] =	stream.linear.gather [hbm4b:s7+s3], $0x80, $0x38;
	[tilespmem:$0x8000] =	vst v63  }
0x10a: {  	s9 =	simm.s32 $0x5200;
	s10 =	sld [smem:$0x778]  }
0x10b: {  	[tilespmem:s2], [sflag:$0x1] =	stream.linear.gather [hbm4b:s4+s3], $0x80, $0x38;
	[tilespmem:$0x8000] =	vst v63  }
0x10c: {  	[smem:$0x7BF] =	sst s9  }
0x10d: {  	[tilespmem:s10], [sflag:$0x1] =	stream.linear.gather [hbm4b:s5+s3], $0x80, $0x38;
	[tilespmem:$0x8000] =	vst v63  }
0x10e: {  	s19 =	sld [smem:$0x781]  }
0x10f: {  	[tilespmem:s11], [sflag:$0x1] =	stream.linear.gather [hbm4b:s6+s3], $0x80, $0x38;
	[tilespmem:$0x8000] =	vst v63  }
0x110: {  	s13 =	sld [smem:$0x77B]  }
0x111: {  	[tilespmem:s12], [sflag:$0x1] =	stream.linear.gather [hbm4b:s7+s3], $0x80, $0x38;
	[tilespmem:$0x8000] =	vst v63  }
0x112: {  	s14 =	sld [smem:$0x77C]  }
0x113: {  	[tilespmem:s13], [sflag:$0x1] =	stream.linear.gather [hbm4b:s4+s3], $0x80, $0x38;
	[tilespmem:$0x8000] =	vst v63  }
0x114: {  	s15 =	sld [smem:$0x77D]  }
0x115: {  	[tilespmem:s14], [sflag:$0x1] =	stream.linear.gather [hbm4b:s5+s3], $0x80, $0x38;
	[tilespmem:$0x8000] =	vst v63  }
0x116: {  	s8 =	simm.s32 $0x7080;
	s16 =	sld [smem:$0x77E]  }
0x117: {  	[tilespmem:s15], [sflag:$0x1] =	stream.linear.gather [hbm4b:s6+s3], $0x80, $0x38;
	[tilespmem:$0x8000] =	vst v63  }
0x118: {  	[smem:$0x7D3] =	sst s8  }
0x119: {  	[tilespmem:s16], [sflag:$0x1] =	stream.linear.gather [hbm4b:s7+s3], $0x80, $0x38;
	[tilespmem:$0x8000] =	vst v63  }
0x11a: {  	s9 =	simm.s32 $0x7480;
	s18 =	sld [smem:$0x780]  }
0x11b: {  	[tilespmem:s17], [sflag:$0x1] =	stream.linear.gather [hbm4b:s4+s3], $0x80, $0x38;
	[tilespmem:$0x8000] =	vst v63  }
0x11c: {  	[smem:$0x7D4] =	sst s9  }
0x11d: {  	[tilespmem:s18], [sflag:$0x1] =	stream.linear.gather [hbm4b:s5+s3], $0x80, $0x38;
	[tilespmem:$0x8000] =	vst v63  }
0x11e: {  	s20 =	sld [smem:$0x782]  }
0x11f: {  	[tilespmem:s19], [sflag:$0x1] =	stream.linear.gather [hbm4b:s6+s3], $0x80, $0x38;
	[tilespmem:$0x8000] =	vst v63  }
0x120: {  	s21 =	sld [smem:$0x783]  }
0x121: {  	[tilespmem:s20], [sflag:$0x1] =	stream.linear.gather [hbm4b:s7+s3], $0x80, $0x38;
	[tilespmem:$0x8000] =	vst v63  }
0x122: {  	s22 =	sld [smem:$0x784]  }
0x123: {  	[tilespmem:s21], [sflag:$0x1] =	stream.linear.gather [hbm4b:s4+s3], $0x80, $0x38;
	[tilespmem:$0x8000] =	vst v63  }
0x124: {  	s23 =	sld [smem:$0x785]  }
0x125: {  	[tilespmem:s22], [sflag:$0x1] =	stream.linear.gather [hbm4b:s5+s3], $0x80, $0x38;
	[tilespmem:$0x8000] =	vst v63  }
0x126: {  	s24 =	sld [smem:$0x786]  }
0x127: {  	[tilespmem:s23], [sflag:$0x1] =	stream.linear.gather [hbm4b:s6+s3], $0x80, $0x38;
	[tilespmem:$0x8000] =	vst v63  }
0x128: {  	s25 =	sld [smem:$0x787]  }
0x129: {  	[tilespmem:s24], [sflag:$0x1] =	stream.linear.gather [hbm4b:s7+s3], $0x80, $0x38;
	[tilespmem:$0x8000] =	vst v63  }
0x12a: {  	s26 =	sld [smem:$0x788]  }
0x12b: {  	[tilespmem:s25], [sflag:$0x1] =	stream.linear.gather [hbm4b:s4+s3], $0x80, $0x38;
	[tilespmem:$0x8000] =	vst v63  }
0x12c: {  	s0 =	sld [smem:$0x789]  }
0x12d: {  	[tilespmem:s26], [sflag:$0x1] =	stream.linear.gather [hbm4b:s5+s3], $0x80, $0x38;
	[tilespmem:$0x8000] =	vst v63  }
0x12e: {  	s1 =	simm.s32 $0x7500;
	s2 =	sld [smem:$0x78A]  }
0x12f: {  	[tilespmem:s0], [sflag:$0x1] =	stream.linear.gather [hbm4b:s6+s3], $0x80, $0x38;
	[tilespmem:$0x8000] =	vst v63  }
0x130: {  	[smem:$0x7D8] =	sst s1  }
0x131: {  	[tilespmem:s2], [sflag:$0x1] =	stream.linear.gather [hbm4b:s7+s3], $0x80, $0x38;
	[tilespmem:$0x8000] =	vst v63  }
0x132: {  	s8 =	sld [smem:$0x78B];
	_ =	sdelay $0x1  }
0x133: {  	s11 =	sld [smem:$0x78C]  }
0x134: {  	[tilespmem:s8], [sflag:$0x1] =	stream.linear.gather [hbm4b:s4+s3], $0x80, $0x38;
	[tilespmem:$0x8000] =	vst v63  }
0x135: {  	s12 =	sld [smem:$0x78D]  }
0x136: {  	[tilespmem:s11], [sflag:$0x1] =	stream.linear.gather [hbm4b:s5+s3], $0x80, $0x38;
	[tilespmem:$0x8000] =	vst v63  }
0x137: {  	s13 =	sld [smem:$0x78E]  }
0x138: {  	[tilespmem:s12], [sflag:$0x1] =	stream.linear.gather [hbm4b:s6+s3], $0x80, $0x38;
	[tilespmem:$0x8000] =	vst v63  }
0x139: {  	s14 =	sld [smem:$0x78F]  }
0x13a: {  	[tilespmem:s13], [sflag:$0x1] =	stream.linear.gather [hbm4b:s7+s3], $0x80, $0x38;
	[tilespmem:$0x8000] =	vst v63  }
0x13b: {  	s15 =	sld [smem:$0x790]  }
0x13c: {  	[tilespmem:s14], [sflag:$0x1] =	stream.linear.gather [hbm4b:s4+s3], $0x80, $0x38;
	[tilespmem:$0x8000] =	vst v63  }
0x13d: {  	s16 =	sld [smem:$0x791]  }
0x13e: {  	[tilespmem:s15], [sflag:$0x1] =	stream.linear.gather [hbm4b:s5+s3], $0x80, $0x38;
	[tilespmem:$0x8000] =	vst v63  }
0x13f: {  	s17 =	sld [smem:$0x792]  }
0x140: {  	[tilespmem:s16], [sflag:$0x1] =	stream.linear.gather [hbm4b:s6+s3], $0x80, $0x38;
	[tilespmem:$0x8000] =	vst v63  }
0x141: {  	s18 =	sld [smem:$0x793]  }
0x142: {  	[tilespmem:s17], [sflag:$0x1] =	stream.linear.gather [hbm4b:s7+s3], $0x80, $0x38;
	[tilespmem:$0x8000] =	vst v63  }
0x143: {  	s19 =	sld [smem:$0x794]  }
0x144: {  	[tilespmem:s18], [sflag:$0x1] =	stream.linear.gather [hbm4b:s4+s3], $0x80, $0x38;
	[tilespmem:$0x8000] =	vst v63  }
0x145: {  	s20 =	sld [smem:$0x795]  }
0x146: {  	[tilespmem:s19], [sflag:$0x1] =	stream.linear.gather [hbm4b:s5+s3], $0x80, $0x38;
	[tilespmem:$0x8000] =	vst v63  }
0x147: {  	s21 =	sld [smem:$0x796]  }
0x148: {  	[tilespmem:s20], [sflag:$0x1] =	stream.linear.gather [hbm4b:s6+s3], $0x80, $0x38;
	[tilespmem:$0x8000] =	vst v63  }
0x149: {  	s22 =	sld [smem:$0x797]  }
0x14a: {  	[tilespmem:s21], [sflag:$0x1] =	stream.linear.gather [hbm4b:s7+s3], $0x80, $0x38;
	[tilespmem:$0x8000] =	vst v63  }
0x14b: {  	s23 =	sld [smem:$0x798]  }
0x14c: {  	[tilespmem:s22], [sflag:$0x1] =	stream.linear.gather [hbm4b:s4+s3], $0x80, $0x38;
	[tilespmem:$0x8000] =	vst v63  }
0x14d: {  	s24 =	sld [smem:$0x799]  }
0x14e: {  	[tilespmem:s23], [sflag:$0x1] =	stream.linear.gather [hbm4b:s5+s3], $0x80, $0x38;
	[tilespmem:$0x8000] =	vst v63  }
0x14f: {  	s25 =	sld [smem:$0x79A]  }
0x150: {  	[tilespmem:s24], [sflag:$0x1] =	stream.linear.gather [hbm4b:s6+s3], $0x80, $0x38;
	[tilespmem:$0x8000] =	vst v63  }
0x151: {  	s26 =	sld [smem:$0x79B]  }
0x152: {  	[tilespmem:s25], [sflag:$0x1] =	stream.linear.gather [hbm4b:s7+s3], $0x80, $0x38;
	[tilespmem:$0x8000] =	vst v63  }
0x153: {  	s0 =	sld [smem:$0x79C]  }
0x154: {  	[tilespmem:s26], [sflag:$0x1] =	stream.linear.gather [hbm4b:s4+s3], $0x80, $0x38;
	[tilespmem:$0x8000] =	vst v63  }
0x155: {  	s1 =	sld [smem:$0x79D]  }
0x156: {  	[tilespmem:s0], [sflag:$0x1] =	stream.linear.gather [hbm4b:s5+s3], $0x80, $0x38;
	[tilespmem:$0x8000] =	vst v63  }
0x157: {  	s2 =	sld [smem:$0x79E]  }
0x158: {  	[tilespmem:s1], [sflag:$0x1] =	stream.linear.gather [hbm4b:s6+s3], $0x80, $0x38;
	[tilespmem:$0x8000] =	vst v63  }
0x159: {  	s10 =	sld [smem:$0x79F]  }
0x15a: {  	[tilespmem:s2], [sflag:$0x1] =	stream.linear.gather [hbm4b:s7+s3], $0x80, $0x38;
	[tilespmem:$0x8000] =	vst v63  }
0x15b: {  	s11 =	sld [smem:$0x7A0]  }
0x15c: {  	[tilespmem:s10], [sflag:$0x1] =	stream.linear.gather [hbm4b:s4+s3], $0x80, $0x38;
	[tilespmem:$0x8000] =	vst v63  }
0x15d: {  	s12 =	sld [smem:$0x7A1]  }
0x15e: {  	[tilespmem:s11], [sflag:$0x1] =	stream.linear.gather [hbm4b:s5+s3], $0x80, $0x38;
	[tilespmem:$0x8000] =	vst v63  }
0x15f: {  	s13 =	sld [smem:$0x7A2]  }
0x160: {  	[tilespmem:s12], [sflag:$0x1] =	stream.linear.gather [hbm4b:s6+s3], $0x80, $0x38;
	[tilespmem:$0x8000] =	vst v63  }
0x161: {  	s14 =	sld [smem:$0x7A3]  }
0x162: {  	[tilespmem:s13], [sflag:$0x1] =	stream.linear.gather [hbm4b:s7+s3], $0x80, $0x38;
	[tilespmem:$0x8000] =	vst v63  }
0x163: {  	s15 =	sld [smem:$0x7A4]  }
0x164: {  	[tilespmem:s14], [sflag:$0x1] =	stream.linear.gather [hbm4b:s4+s3], $0x80, $0x38;
	[tilespmem:$0x8000] =	vst v63  }
0x165: {  	s16 =	sld [smem:$0x7A5]  }
0x166: {  	[tilespmem:s15], [sflag:$0x1] =	stream.linear.gather [hbm4b:s5+s3], $0x80, $0x38;
	[tilespmem:$0x8000] =	vst v63  }
0x167: {  	s17 =	sld [smem:$0x7A6]  }
0x168: {  	[tilespmem:s16], [sflag:$0x1] =	stream.linear.gather [hbm4b:s6+s3], $0x80, $0x38;
	[tilespmem:$0x8000] =	vst v63  }
0x169: {  	s18 =	sld [smem:$0x7A7]  }
0x16a: {  	[tilespmem:s17], [sflag:$0x1] =	stream.linear.gather [hbm4b:s7+s3], $0x80, $0x38;
	[tilespmem:$0x8000] =	vst v63  }
0x16b: {  	s19 =	sld [smem:$0x7A8]  }
0x16c: {  	[tilespmem:s18], [sflag:$0x1] =	stream.linear.gather [hbm4b:s4+s3], $0x80, $0x38;
	[tilespmem:$0x8000] =	vst v63  }
0x16d: {  	s20 =	sld [smem:$0x7A9]  }
0x16e: {  	[tilespmem:s19], [sflag:$0x1] =	stream.linear.gather [hbm4b:s5+s3], $0x80, $0x38;
	[tilespmem:$0x8000] =	vst v63  }
0x16f: {  	s21 =	sld [smem:$0x7AA]  }
0x170: {  	[tilespmem:s20], [sflag:$0x1] =	stream.linear.gather [hbm4b:s6+s3], $0x80, $0x38;
	[tilespmem:$0x8000] =	vst v63  }
0x171: {  	s22 =	sld [smem:$0x7AB]  }
0x172: {  	[tilespmem:s21], [sflag:$0x1] =	stream.linear.gather [hbm4b:s7+s3], $0x80, $0x38;
	[tilespmem:$0x8000] =	vst v63  }
0x173: {  	s23 =	sld [smem:$0x7AC]  }
0x174: {  	[tilespmem:s22], [sflag:$0x1] =	stream.linear.gather [hbm4b:s4+s3], $0x80, $0x38;
	[tilespmem:$0x8000] =	vst v63  }
0x175: {  	s24 =	sld [smem:$0x7AD]  }
0x176: {  	[tilespmem:s23], [sflag:$0x1] =	stream.linear.gather [hbm4b:s5+s3], $0x80, $0x38;
	[tilespmem:$0x8000] =	vst v63  }
0x177: {  	s25 =	sld [smem:$0x7AE]  }
0x178: {  	[tilespmem:s24], [sflag:$0x1] =	stream.linear.gather [hbm4b:s6+s3], $0x80, $0x38;
	[tilespmem:$0x8000] =	vst v63  }
0x179: {  	s26 =	sld [smem:$0x7AF]  }
0x17a: {  	[tilespmem:s25], [sflag:$0x1] =	stream.linear.gather [hbm4b:s7+s3], $0x80, $0x38;
	[tilespmem:$0x8000] =	vst v63  }
0x17b: {  	s0 =	sld [smem:$0x7B0]  }
0x17c: {  	[tilespmem:s26], [sflag:$0x1] =	stream.linear.gather [hbm4b:s4+s3], $0x80, $0x38;
	[tilespmem:$0x8000] =	vst v63  }
0x17d: {  	s1 =	sld [smem:$0x7B1]  }
0x17e: {  	[tilespmem:s0], [sflag:$0x1] =	stream.linear.gather [hbm4b:s5+s3], $0x80, $0x38;
	[tilespmem:$0x8000] =	vst v63  }
0x17f: {  	s2 =	sld [smem:$0x7B2]  }
0x180: {  	[tilespmem:s1], [sflag:$0x1] =	stream.linear.gather [hbm4b:s6+s3], $0x80, $0x38;
	[tilespmem:$0x8000] =	vst v63  }
0x181: {  	s10 =	sld [smem:$0x7B3]  }
0x182: {  	[tilespmem:s2], [sflag:$0x1] =	stream.linear.gather [hbm4b:s7+s3], $0x80, $0x38;
	[tilespmem:$0x8000] =	vst v63  }
0x183: {  	s11 =	sld [smem:$0x7B4]  }
0x184: {  	[tilespmem:s10], [sflag:$0x1] =	stream.linear.gather [hbm4b:s4+s3], $0x80, $0x38;
	[tilespmem:$0x8000] =	vst v63  }
0x185: {  	s12 =	sld [smem:$0x7B5]  }
0x186: {  	[tilespmem:s11], [sflag:$0x1] =	stream.linear.gather [hbm4b:s5+s3], $0x80, $0x38;
	[tilespmem:$0x8000] =	vst v63  }
0x187: {  	s13 =	sld [smem:$0x7B6]  }
0x188: {  	[tilespmem:s12], [sflag:$0x1] =	stream.linear.gather [hbm4b:s6+s3], $0x80, $0x38;
	[tilespmem:$0x8000] =	vst v63  }
0x189: {  	s14 =	sld [smem:$0x7B7]  }
0x18a: {  	[tilespmem:s13], [sflag:$0x1] =	stream.linear.gather [hbm4b:s7+s3], $0x80, $0x38;
	[tilespmem:$0x8000] =	vst v63  }
0x18b: {  	s15 =	sld [smem:$0x7B8]  }
0x18c: {  	[tilespmem:s14], [sflag:$0x1] =	stream.linear.gather [hbm4b:s4+s3], $0x80, $0x38;
	[tilespmem:$0x8000] =	vst v63  }
0x18d: {  	s16 =	sld [smem:$0x7B9]  }
0x18e: {  	[tilespmem:s15], [sflag:$0x1] =	stream.linear.gather [hbm4b:s5+s3], $0x80, $0x38;
	[tilespmem:$0x8000] =	vst v63  }
0x18f: {  	s17 =	sld [smem:$0x7BA]  }
0x190: {  	[tilespmem:s16], [sflag:$0x1] =	stream.linear.gather [hbm4b:s6+s3], $0x80, $0x38;
	[tilespmem:$0x8000] =	vst v63  }
0x191: {  	s18 =	sld [smem:$0x7BB]  }
0x192: {  	[tilespmem:s17], [sflag:$0x1] =	stream.linear.gather [hbm4b:s7+s3], $0x80, $0x38;
	[tilespmem:$0x8000] =	vst v63  }
0x193: {  	s19 =	sld [smem:$0x7BC]  }
0x194: {  	[tilespmem:s18], [sflag:$0x1] =	stream.linear.gather [hbm4b:s4+s3], $0x80, $0x38;
	[tilespmem:$0x8000] =	vst v63  }
0x195: {  	s20 =	sld [smem:$0x7BD]  }
0x196: {  	[tilespmem:s19], [sflag:$0x1] =	stream.linear.gather [hbm4b:s5+s3], $0x80, $0x38;
	[tilespmem:$0x8000] =	vst v63  }
0x197: {  	s21 =	sld [smem:$0x7BE]  }
0x198: {  	[tilespmem:s20], [sflag:$0x1] =	stream.linear.gather [hbm4b:s6+s3], $0x80, $0x38;
	[tilespmem:$0x8000] =	vst v63  }
0x199: {  	s22 =	sld [smem:$0x7BF]  }
0x19a: {  	[tilespmem:s21], [sflag:$0x1] =	stream.linear.gather [hbm4b:s7+s3], $0x80, $0x38;
	[tilespmem:$0x8000] =	vst v63  }
0x19b: {  	s23 =	sld [smem:$0x7C0]  }
0x19c: {  	[tilespmem:s22], [sflag:$0x1] =	stream.linear.gather [hbm4b:s4+s3], $0x80, $0x38;
	[tilespmem:$0x8000] =	vst v63  }
0x19d: {  	s24 =	sld [smem:$0x7C1]  }
0x19e: {  	[tilespmem:s23], [sflag:$0x1] =	stream.linear.gather [hbm4b:s5+s3], $0x80, $0x38;
	[tilespmem:$0x8000] =	vst v63  }
0x19f: {  	s25 =	sld [smem:$0x7C2]  }
0x1a0: {  	[tilespmem:s24], [sflag:$0x1] =	stream.linear.gather [hbm4b:s6+s3], $0x80, $0x38;
	[tilespmem:$0x8000] =	vst v63  }
0x1a1: {  	s26 =	sld [smem:$0x7C3]  }
0x1a2: {  	[tilespmem:s25], [sflag:$0x1] =	stream.linear.gather [hbm4b:s7+s3], $0x80, $0x38;
	[tilespmem:$0x8000] =	vst v63  }
0x1a3: {  	s0 =	sld [smem:$0x7C4]  }
0x1a4: {  	[tilespmem:s26], [sflag:$0x1] =	stream.linear.gather [hbm4b:s4+s3], $0x80, $0x38;
	[tilespmem:$0x8000] =	vst v63  }
0x1a5: {  	s1 =	sld [smem:$0x7C5]  }
0x1a6: {  	[tilespmem:s0], [sflag:$0x1] =	stream.linear.gather [hbm4b:s5+s3], $0x80, $0x38;
	[tilespmem:$0x8000] =	vst v63  }
0x1a7: {  	s2 =	sld [smem:$0x7C6]  }
0x1a8: {  	[tilespmem:s1], [sflag:$0x1] =	stream.linear.gather [hbm4b:s6+s3], $0x80, $0x38;
	[tilespmem:$0x8000] =	vst v63  }
0x1a9: {  	s10 =	sld [smem:$0x7C7]  }
0x1aa: {  	[tilespmem:s2], [sflag:$0x1] =	stream.linear.gather [hbm4b:s7+s3], $0x80, $0x38;
	[tilespmem:$0x8000] =	vst v63  }
0x1ab: {  	s11 =	sld [smem:$0x7C8]  }
0x1ac: {  	[tilespmem:s10], [sflag:$0x1] =	stream.linear.gather [hbm4b:s4+s3], $0x80, $0x38;
	[tilespmem:$0x8000] =	vst v63  }
0x1ad: {  	s12 =	sld [smem:$0x7C9]  }
0x1ae: {  	[tilespmem:s11], [sflag:$0x1] =	stream.linear.gather [hbm4b:s5+s3], $0x80, $0x38;
	[tilespmem:$0x8000] =	vst v63  }
0x1af: {  	s13 =	sld [smem:$0x7CA]  }
0x1b0: {  	[tilespmem:s12], [sflag:$0x1] =	stream.linear.gather [hbm4b:s6+s3], $0x80, $0x38;
	[tilespmem:$0x8000] =	vst v63  }
0x1b1: {  	s14 =	sld [smem:$0x7CB]  }
0x1b2: {  	[tilespmem:s13], [sflag:$0x1] =	stream.linear.gather [hbm4b:s7+s3], $0x80, $0x38;
	[tilespmem:$0x8000] =	vst v63  }
0x1b3: {  	s15 =	sld [smem:$0x7CC]  }
0x1b4: {  	[tilespmem:s14], [sflag:$0x1] =	stream.linear.gather [hbm4b:s4+s3], $0x80, $0x38;
	[tilespmem:$0x8000] =	vst v63  }
0x1b5: {  	s16 =	sld [smem:$0x7CD]  }
0x1b6: {  	[tilespmem:s15], [sflag:$0x1] =	stream.linear.gather [hbm4b:s5+s3], $0x80, $0x38;
	[tilespmem:$0x8000] =	vst v63  }
0x1b7: {  	s17 =	sld [smem:$0x7CE]  }
0x1b8: {  	[tilespmem:s16], [sflag:$0x1] =	stream.linear.gather [hbm4b:s6+s3], $0x80, $0x38;
	[tilespmem:$0x8000] =	vst v63  }
0x1b9: {  	s18 =	sld [smem:$0x7CF]  }
0x1ba: {  	[tilespmem:s17], [sflag:$0x1] =	stream.linear.gather [hbm4b:s7+s3], $0x80, $0x38;
	[tilespmem:$0x8000] =	vst v63  }
0x1bb: {  	s19 =	sld [smem:$0x7D0]  }
0x1bc: {  	[tilespmem:s18], [sflag:$0x1] =	stream.linear.gather [hbm4b:s4+s3], $0x80, $0x38;
	[tilespmem:$0x8000] =	vst v63  }
0x1bd: {  	s20 =	sld [smem:$0x7D1]  }
0x1be: {  	[tilespmem:s19], [sflag:$0x1] =	stream.linear.gather [hbm4b:s5+s3], $0x80, $0x38;
	[tilespmem:$0x8000] =	vst v63  }
0x1bf: {  	s21 =	sld [smem:$0x7D2]  }
0x1c0: {  	[tilespmem:s20], [sflag:$0x1] =	stream.linear.gather [hbm4b:s6+s3], $0x80, $0x38;
	[tilespmem:$0x8000] =	vst v63  }
0x1c1: {  	s22 =	sld [smem:$0x7D3]  }
0x1c2: {  	[tilespmem:s21], [sflag:$0x1] =	stream.linear.gather [hbm4b:s7+s3], $0x80, $0x38;
	[tilespmem:$0x8000] =	vst v63  }
0x1c3: {  	s23 =	sld [smem:$0x7D4]  }
0x1c4: {  	[tilespmem:s22], [sflag:$0x1] =	stream.linear.gather [hbm4b:s4+s3], $0x80, $0x38;
	[tilespmem:$0x8000] =	vst v63  }
0x1c5: {  	s24 =	sld [smem:$0x7D5]  }
0x1c6: {  	[tilespmem:s23], [sflag:$0x1] =	stream.linear.gather [hbm4b:s5+s3], $0x80, $0x38;
	[tilespmem:$0x8000] =	vst v63  }
0x1c7: {  	s25 =	sld [smem:$0x7D6]  }
0x1c8: {  	[tilespmem:s24], [sflag:$0x1] =	stream.linear.gather [hbm4b:s6+s3], $0x80, $0x38;
	[tilespmem:$0x8000] =	vst v63  }
0x1c9: {  	s26 =	sld [smem:$0x7D7]  }
0x1ca: {  	[tilespmem:s25], [sflag:$0x1] =	stream.linear.gather [hbm4b:s7+s3], $0x80, $0x38;
	[tilespmem:$0x8000] =	vst v63  }
0x1cb: {  	s0 =	sld [smem:$0x7D8]  }
0x1cc: {  	[tilespmem:s26], [sflag:$0x1] =	stream.linear.gather [hbm4b:s4+s3], $0x80, $0x38;
	[tilespmem:$0x8000] =	vst v63  }
0x1cd: {  	_ = 	snop  }
0x1ce: {  	[tilespmem:s0], [sflag:$0x1] =	stream.linear.gather [hbm4b:s5+s3], $0x80, $0x38;
	[tilespmem:$0x8000] =	vst v63  }
0x1cf: {  	s1 =	simm.s32 $0x7900  }
0x1d0: {  	[tilespmem:s1], [sflag:$0x1] =	stream.linear.gather [hbm4b:s6+s3], $0x80, $0x38;
	[tilespmem:$0x8000] =	vst v63  }
0x1d1: {  	s2 =	simm.s32 $0x7D00  }
0x1d2: {  	[tilespmem:s2], [sflag:$0x1] =	stream.linear.gather [hbm4b:s7+s3], $0x80, $0x38;
	[tilespmem:$0x8000] =	vst v63  }
0x1d3: {  	s8 =	simm.s32 $0x7180  }
0x1d4: {  	[tilespmem:s8], [sflag:$0x1] =	stream.linear.gather [hbm4b:s4+s3], $0x80, $0x38;
	[tilespmem:$0x8000] =	vst v63  }
0x1d5: {  	s11 =	simm.s32 $0x7580  }
0x1d6: {  	[tilespmem:s11], [sflag:$0x1] =	stream.linear.gather [hbm4b:s5+s3], $0x80, $0x38;
	[tilespmem:$0x8000] =	vst v63  }
0x1d7: {  	s12 =	simm.s32 $0x7980  }
0x1d8: {  	[tilespmem:s12], [sflag:$0x1] =	stream.linear.gather [hbm4b:s6+s3], $0x80, $0x38;
	[tilespmem:$0x8000] =	vst v63  }
0x1d9: {  	s13 =	simm.s32 $0x7D80  }
0x1da: {  	[tilespmem:s13], [sflag:$0x1] =	stream.linear.gather [hbm4b:s7+s3], $0x80, $0x38;
	[tilespmem:$0x8000] =	vst v63  }
0x1db: {  	s14 =	simm.s32 $0x7200  }
0x1dc: {  	[tilespmem:s14], [sflag:$0x1] =	stream.linear.gather [hbm4b:s4+s3], $0x80, $0x38;
	[tilespmem:$0x8000] =	vst v63  }
0x1dd: {  	s15 =	simm.s32 $0x7600  }
0x1de: {  	[tilespmem:s15], [sflag:$0x1] =	stream.linear.gather [hbm4b:s5+s3], $0x80, $0x38;
	[tilespmem:$0x8000] =	vst v63  }
0x1df: {  	s16 =	simm.s32 $0x7A00  }
0x1e0: {  	[tilespmem:s16], [sflag:$0x1] =	stream.linear.gather [hbm4b:s6+s3], $0x80, $0x38;
	[tilespmem:$0x8000] =	vst v63  }
0x1e1: {  	s17 =	simm.s32 $0x7E00  }
0x1e2: {  	[tilespmem:s17], [sflag:$0x1] =	stream.linear.gather [hbm4b:s7+s3], $0x80, $0x38;
	[tilespmem:$0x8000] =	vst v63  }
0x1e3: {  	s18 =	simm.s32 $0x7280  }
0x1e4: {  	[tilespmem:s18], [sflag:$0x1] =	stream.linear.gather [hbm4b:s4+s3], $0x80, $0x38;
	[tilespmem:$0x8000] =	vst v63  }
0x1e5: {  	s19 =	simm.s32 $0x7680  }
0x1e6: {  	[tilespmem:s19], [sflag:$0x1] =	stream.linear.gather [hbm4b:s5+s3], $0x80, $0x38;
	[tilespmem:$0x8000] =	vst v63  }
0x1e7: {  	s20 =	simm.s32 $0x7A80  }
0x1e8: {  	[tilespmem:s20], [sflag:$0x1] =	stream.linear.gather [hbm4b:s6+s3], $0x80, $0x38;
	[tilespmem:$0x8000] =	vst v63  }
0x1e9: {  	s21 =	simm.s32 $0x7E80  }
0x1ea: {  	[tilespmem:s21], [sflag:$0x1] =	stream.linear.gather [hbm4b:s7+s3], $0x80, $0x38;
	[tilespmem:$0x8000] =	vst v63  }
0x1eb: {  	s22 =	simm.s32 $0x7300  }
0x1ec: {  	[tilespmem:s22], [sflag:$0x1] =	stream.linear.gather [hbm4b:s4+s3], $0x80, $0x38;
	[tilespmem:$0x8000] =	vst v63  }
0x1ed: {  	s23 =	simm.s32 $0x7700  }
0x1ee: {  	[tilespmem:s23], [sflag:$0x1] =	stream.linear.gather [hbm4b:s5+s3], $0x80, $0x38;
	[tilespmem:$0x8000] =	vst v63  }
0x1ef: {  	s24 =	simm.s32 $0x7B00  }
0x1f0: {  	[tilespmem:s24], [sflag:$0x1] =	stream.linear.gather [hbm4b:s6+s3], $0x80, $0x38;
	[tilespmem:$0x8000] =	vst v63  }
0x1f1: {  	s25 =	simm.s32 $0x7F00  }
0x1f2: {  	[tilespmem:s25], [sflag:$0x1] =	stream.linear.gather [hbm4b:s7+s3], $0x80, $0x38;
	[tilespmem:$0x8000] =	vst v63  }
0x1f3: {  	s26 =	simm.s32 $0x7380  }
0x1f4: {  	[tilespmem:s26], [sflag:$0x1] =	stream.linear.gather [hbm4b:s4+s3], $0x80, $0x38;
	[tilespmem:$0x8000] =	vst v63  }
0x1f5: {  	s28 =	simm.s32 $0x7780  }
0x1f6: {  	[tilespmem:s28], [sflag:$0x1] =	stream.linear.gather [hbm4b:s5+s3], $0x80, $0x38;
	[tilespmem:$0x8000] =	vst v63  }
0x1f7: {  	s29 =	simm.s32 $0x7B80  }
0x1f8: {  	[tilespmem:s29], [sflag:$0x1] =	stream.linear.gather [hbm4b:s6+s3], $0x80, $0x38;
	[tilespmem:$0x8000] =	vst v63  }
0x1f9: {  	s30 =	simm.s32 $0x7F80;
	s31 =	simm.s32 $0x1  }
0x1fa: {  	[tilespmem:s30], [sflag:$0x1] =	stream.linear.gather [hbm4b:s7+s3], $0x80, $0x38;
	[tilespmem:$0x8000] =	vst v63  }
0x1fb: {  	_ =	swait.ge [sflag:s31], $0x4000  }
0x1fc: {  	[sflag:s31] =	ssyncset.done $0x0  }
0x1fd: {  	[sflag:s31] =	ssyncadd.s32 $0xFFFFC000  }
0x1fe: {  	_ =	swait.ge [sflag:s31], $0x200  }
0x1ff: {  	[sflag:s31] =	ssyncset.done $0x0  }
0x200: {  	[sflag:s31] =	ssyncadd.s32 $0xFFFFFE00  }
0x201: {  	_ =	swait.ge [sflag:s31], $0x200  }
0x202: {  	[sflag:s31] =	ssyncset.done $0x0  }
0x203: {  	[sflag:s31] =	ssyncadd.s32 $0xFFFFFE00  }
0x204: {  	_ =	swait.ge [sflag:s31], $0x200  }
0x205: {  	[sflag:s31] =	ssyncset.done $0x0  }
0x206: {  	[sflag:s31] =	ssyncadd.s32 $0xFFFFFE00  }
0x207: {  	_ =	swait.ge [sflag:s31], $0x200  }
0x208: {  	[sflag:s31] =	ssyncset.done $0x0  }
0x209: {  	[sflag:s31] =	ssyncadd.s32 $0xFFFFFE00  }
0x20a: {  	_ =	swait.ge [sflag:s31], $0x200  }
0x20b: {  	[sflag:s31] =	ssyncset.done $0x0  }
0x20c: {  	[sflag:s31] =	ssyncadd.s32 $0xFFFFFE00  }
0x20d: {  	_ =	swait.ge [sflag:s31], $0x200  }
0x20e: {  	[sflag:s31] =	ssyncset.done $0x0  }
0x20f: {  	[sflag:s31] =	ssyncadd.s32 $0xFFFFFE00  }
0x210: {  	_ =	swait.ge [sflag:s31], $0x200  }
0x211: {  	[sflag:s31] =	ssyncset.done $0x0  }
0x212: {  	[sflag:s31] =	ssyncadd.s32 $0xFFFFFE00  }
0x213: {  	_ =	swait.ge [sflag:s31], $0x200  }
0x214: {  	[sflag:s31] =	ssyncset.done $0x0  }
0x215: {  	[sflag:s31] =	ssyncadd.s32 $0xFFFFFE00  }
0x216: {  	_ =	swait.ge [sflag:s31], $0x200  }
0x217: {  	[sflag:s31] =	ssyncset.done $0x0  }
0x218: {  	[sflag:s31] =	ssyncadd.s32 $0xFFFFFE00  }
0x219: {  	_ =	swait.ge [sflag:s31], $0x200  }
0x21a: {  	[sflag:s31] =	ssyncset.done $0x0  }
0x21b: {  	[sflag:s31] =	ssyncadd.s32 $0xFFFFFE00  }
0x21c: {  	_ =	swait.ge [sflag:s31], $0x200  }
0x21d: {  	[sflag:s31] =	ssyncset.done $0x0  }
0x21e: {  	[sflag:s31] =	ssyncadd.s32 $0xFFFFFE00  }
0x21f: {  	_ =	swait.ge [sflag:s31], $0x200  }
0x220: {  	[sflag:s31] =	ssyncset.done $0x0  }
0x221: {  	[sflag:s31] =	ssyncadd.s32 $0xFFFFFE00  }
0x222: {  	_ =	swait.ge [sflag:s31], $0x200  }
0x223: {  	[sflag:s31] =	ssyncset.done $0x0  }
0x224: {  	[sflag:s31] =	ssyncadd.s32 $0xFFFFFE00  }
0x225: {  	_ =	swait.ge [sflag:s31], $0x200  }
0x226: {  	[sflag:s31] =	ssyncset.done $0x0  }
0x227: {  	[sflag:s31] =	ssyncadd.s32 $0xFFFFFE00  }
0x228: {  	_ =	swait.ge [sflag:s31], $0x200  }
0x229: {  	[sflag:s31] =	ssyncset.done $0x0  }
0x22a: {  	[sflag:s31] =	ssyncadd.s32 $0xFFFFFE00  }
0x22b: {  	_ =	swait.ge [sflag:s31], $0x200  }
0x22c: {  	[sflag:s31] =	ssyncset.done $0x0  }
0x22d: {  	[sflag:s31] =	ssyncadd.s32 $0xFFFFFE00  }
0x22e: {  	_ =	swait.ge [sflag:s31], $0x200  }
0x22f: {  	[sflag:s31] =	ssyncset.done $0x0  }
0x230: {  	[sflag:s31] =	ssyncadd.s32 $0xFFFFFE00  }
0x231: {  	_ =	swait.ge [sflag:s31], $0x200  }
0x232: {  	[sflag:s31] =	ssyncset.done $0x0  }
0x233: {  	[sflag:s31] =	ssyncadd.s32 $0xFFFFFE00  }
0x234: {  	_ =	swait.ge [sflag:s31], $0x200  }
0x235: {  	[sflag:s31] =	ssyncset.done $0x0  }
0x236: {  	[sflag:s31] =	ssyncadd.s32 $0xFFFFFE00  }
0x237: {  	_ =	swait.ge [sflag:s31], $0x200  }
0x238: {  	[sflag:s31] =	ssyncset.done $0x0  }
0x239: {  	[sflag:s31] =	ssyncadd.s32 $0xFFFFFE00  }
0x23a: {  	_ =	swait.ge [sflag:s31], $0x200  }
0x23b: {  	[sflag:s31] =	ssyncset.done $0x0  }
0x23c: {  	[sflag:s31] =	ssyncadd.s32 $0xFFFFFE00  }
0x23d: {  	_ =	swait.ge [sflag:s31], $0x200  }
0x23e: {  	[sflag:s31] =	ssyncset.done $0x0  }
0x23f: {  	[sflag:s31] =	ssyncadd.s32 $0xFFFFFE00  }
0x240: {  	_ =	swait.ge [sflag:s31], $0x200  }
0x241: {  	[sflag:s31] =	ssyncset.done $0x0  }
0x242: {  	[sflag:s31] =	ssyncadd.s32 $0xFFFFFE00  }
0x243: {  	_ =	swait.ge [sflag:s31], $0x200  }
0x244: {  	[sflag:s31] =	ssyncset.done $0x0  }
0x245: {  	[sflag:s31] =	ssyncadd.s32 $0xFFFFFE00  }
0x246: {  	_ =	swait.ge [sflag:s31], $0x200  }
0x247: {  	[sflag:s31] =	ssyncset.done $0x0  }
0x248: {  	[sflag:s31] =	ssyncadd.s32 $0xFFFFFE00  }
0x249: {  	_ =	swait.ge [sflag:s31], $0x200  }
0x24a: {  	[sflag:s31] =	ssyncset.done $0x0  }
0x24b: {  	[sflag:s31] =	ssyncadd.s32 $0xFFFFFE00  }
0x24c: {  	_ =	swait.ge [sflag:s31], $0x200  }
0x24d: {  	[sflag:s31] =	ssyncset.done $0x0  }
0x24e: {  	[sflag:s31] =	ssyncadd.s32 $0xFFFFFE00  }
0x24f: {  	_ =	swait.ge [sflag:s31], $0x200  }
0x250: {  	[sflag:s31] =	ssyncset.done $0x0  }
0x251: {  	[sflag:s31] =	ssyncadd.s32 $0xFFFFFE00  }
0x252: {  	_ =	swait.ge [sflag:s31], $0x200  }
0x253: {  	[sflag:s31] =	ssyncset.done $0x0  }
0x254: {  	[sflag:s31] =	ssyncadd.s32 $0xFFFFFE00  }
0x255: {  	_ =	swait.ge [sflag:s31], $0x200  }
0x256: {  	[sflag:s31] =	ssyncset.done $0x0  }
0x257: {  	[sflag:s31] =	ssyncadd.s32 $0xFFFFFE00  }
0x258: {  	_ =	swait.ge [sflag:s31], $0x200  }
0x259: {  	[sflag:s31] =	ssyncset.done $0x0  }
0x25a: {  	[sflag:s31] =	ssyncadd.s32 $0xFFFFFE00  }
0x25b: {  	_ =	swait.ge [sflag:s31], $0x200  }
0x25c: {  	[sflag:s31] =	ssyncset.done $0x0  }
0x25d: {  	s9 =	rddreg [dreg:$0x4];
	[sflag:s31] =	ssyncadd.s32 $0xFFFFFE00  }
0x25e: {  	[hbm4b:s9+s3] =	stream.linear.scatter [tilespmem:s3], [sflag:$0x1], $0x8000, $0x38;
	[tilespmem:$0x8000] =	vst v63  }
0x25f: {  	s10 =	rddreg [dreg:$0x5]  }
0x260: {  	[hbm4b:s10+s3] =	stream.linear.scatter [tilespmem:s3], [sflag:$0x1], $0x8000, $0x38;
	[tilespmem:$0x8000] =	vst v63  }
0x261: {  	s2 =	rddreg [dreg:$0x6]  }
0x262: {  	[hbm4b:s2+s3] =	stream.linear.scatter [tilespmem:s3], [sflag:$0x1], $0x8000, $0x38;
	[tilespmem:$0x8000] =	vst v63  }
0x263: {  	s8 =	rddreg [dreg:$0x7]  }
0x264: {  	[hbm4b:s8+s3] =	stream.linear.scatter [tilespmem:s3], [sflag:$0x1], $0x8000, $0x38;
	[tilespmem:$0x8000] =	vst v63  }
0x265: {  	s9 =	rddreg [dreg:$0x8]  }
0x266: {  	[hbm4b:s9+s3] =	stream.linear.scatter [tilespmem:s3], [sflag:$0x1], $0x8000, $0x38;
	[tilespmem:$0x8000] =	vst v63  }
0x267: {  	s10 =	rddreg [dreg:$0x9]  }
0x268: {  	[hbm4b:s10+s3] =	stream.linear.scatter [tilespmem:s3], [sflag:$0x1], $0x8000, $0x38;
	[tilespmem:$0x8000] =	vst v63  }
0x269: {  	s2 =	rddreg [dreg:$0xa]  }
0x26a: {  	[hbm4b:s2+s3] =	stream.linear.scatter [tilespmem:s3], [sflag:$0x1], $0x8000, $0x38;
	[tilespmem:$0x8000] =	vst v63  }
0x26b: {  	s8 =	rddreg [dreg:$0xb]  }
0x26c: {  	[hbm4b:s8+s3] =	stream.linear.scatter [tilespmem:s3], [sflag:$0x1], $0x8000, $0x38;
	[tilespmem:$0x8000] =	vst v63  }
0x26d: {  	_ =	swait.ge [sflag:s31], $0x8000  }
0x26e: {  	[sflag:s31] =	ssyncset.done $0x0  }
0x26f: {  	[sflag:s31] =	ssyncadd.s32 $0xFFFF8000  }
0x270: {  	_ =	swait.ge [sflag:s31], $0x8000  }
0x271: {  	[sflag:s31] =	ssyncset.done $0x0  }
0x272: {  	[sflag:s31] =	ssyncadd.s32 $0xFFFF8000  }
0x273: {  	_ =	swait.ge [sflag:s31], $0x8000  }
0x274: {  	[sflag:s31] =	ssyncset.done $0x0  }
0x275: {  	[sflag:s31] =	ssyncadd.s32 $0xFFFF8000  }
0x276: {  	_ =	swait.ge [sflag:s31], $0x8000  }
0x277: {  	[sflag:s31] =	ssyncset.done $0x0  }
0x278: {  	[sflag:s31] =	ssyncadd.s32 $0xFFFF8000  }
0x279: {  	_ =	swait.ge [sflag:s31], $0x8000  }
0x27a: {  	[sflag:s31] =	ssyncset.done $0x0  }
0x27b: {  	[sflag:s31] =	ssyncadd.s32 $0xFFFF8000  }
0x27c: {  	_ =	swait.ge [sflag:s31], $0x8000  }
0x27d: {  	[sflag:s31] =	ssyncset.done $0x0  }
0x27e: {  	[sflag:s31] =	ssyncadd.s32 $0xFFFF8000  }
0x27f: {  	_ =	swait.ge [sflag:s31], $0x8000  }
0x280: {  	[sflag:s31] =	ssyncset.done $0x0  }
0x281: {  	[sflag:s31] =	ssyncadd.s32 $0xFFFF8000  }
0x282: {  	_ =	swait.ge [sflag:s31], $0x8000  }
0x283: {  	[sflag:s31] =	ssyncset.done $0x0  }
0x284: {  	s9 =	rddreg [dreg:$0xc];
	[sflag:s31] =	ssyncadd.s32 $0xFFFF8000  }
0x285: {  	[hbm4b:s9+s3] =	stream.linear.scatter [tilespmem:s3], [sflag:$0x1], $0x8000, $0x38;
	[tilespmem:$0x8000] =	vst v63  }
0x286: {  	s10 =	rddreg [dreg:$0xd]  }
0x287: {  	[hbm4b:s10+s3] =	stream.linear.scatter [tilespmem:s3], [sflag:$0x1], $0x8000, $0x38;
	[tilespmem:$0x8000] =	vst v63  }
0x288: {  	s2 =	rddreg [dreg:$0xe]  }
0x289: {  	[hbm4b:s2+s3] =	stream.linear.scatter [tilespmem:s3], [sflag:$0x1], $0x8000, $0x38;
	[tilespmem:$0x8000] =	vst v63  }
0x28a: {  	s8 =	rddreg [dreg:$0xf]  }
0x28b: {  	[hbm4b:s8+s3] =	stream.linear.scatter [tilespmem:s3], [sflag:$0x1], $0x8000, $0x38;
	[tilespmem:$0x8000] =	vst v63  }
0x28c: {  	s9 =	rddreg [dreg:$0x10]  }
0x28d: {  	[hbm4b:s9+s3] =	stream.linear.scatter [tilespmem:s3], [sflag:$0x1], $0x8000, $0x38;
	[tilespmem:$0x8000] =	vst v63  }
0x28e: {  	s10 =	rddreg [dreg:$0x11]  }
0x28f: {  	[hbm4b:s10+s3] =	stream.linear.scatter [tilespmem:s3], [sflag:$0x1], $0x8000, $0x38;
	[tilespmem:$0x8000] =	vst v63  }
0x290: {  	s2 =	rddreg [dreg:$0x12]  }
0x291: {  	[hbm4b:s2+s3] =	stream.linear.scatter [tilespmem:s3], [sflag:$0x1], $0x8000, $0x38;
	[tilespmem:$0x8000] =	vst v63  }
0x292: {  	s8 =	rddreg [dreg:$0x13]  }
0x293: {  	[hbm4b:s8+s3] =	stream.linear.scatter [tilespmem:s3], [sflag:$0x1], $0x8000, $0x38;
	[tilespmem:$0x8000] =	vst v63  }
0x294: {  	_ =	swait.ge [sflag:s31], $0x8000  }
0x295: {  	[sflag:s31] =	ssyncset.done $0x0  }
0x296: {  	[sflag:s31] =	ssyncadd.s32 $0xFFFF8000  }
0x297: {  	_ =	swait.ge [sflag:s31], $0x8000  }
0x298: {  	[sflag:s31] =	ssyncset.done $0x0  }
0x299: {  	[sflag:s31] =	ssyncadd.s32 $0xFFFF8000  }
0x29a: {  	_ =	swait.ge [sflag:s31], $0x8000  }
0x29b: {  	[sflag:s31] =	ssyncset.done $0x0  }
0x29c: {  	[sflag:s31] =	ssyncadd.s32 $0xFFFF8000  }
0x29d: {  	_ =	swait.ge [sflag:s31], $0x8000  }
0x29e: {  	[sflag:s31] =	ssyncset.done $0x0  }
0x29f: {  	[sflag:s31] =	ssyncadd.s32 $0xFFFF8000  }
0x2a0: {  	_ =	swait.ge [sflag:s31], $0x8000  }
0x2a1: {  	[sflag:s31] =	ssyncset.done $0x0  }
0x2a2: {  	[sflag:s31] =	ssyncadd.s32 $0xFFFF8000  }
0x2a3: {  	_ =	swait.ge [sflag:s31], $0x8000  }
0x2a4: {  	[sflag:s31] =	ssyncset.done $0x0  }
0x2a5: {  	[sflag:s31] =	ssyncadd.s32 $0xFFFF8000  }
0x2a6: {  	_ =	swait.ge [sflag:s31], $0x8000  }
0x2a7: {  	[sflag:s31] =	ssyncset.done $0x0  }
0x2a8: {  	[sflag:s31] =	ssyncadd.s32 $0xFFFF8000  }
0x2a9: {  	_ =	swait.ge [sflag:s31], $0x8000  }
0x2aa: {  	[sflag:s31] =	ssyncset.done $0x0  }
0x2ab: {  	s9 =	rddreg [dreg:$0x14];
	[sflag:s31] =	ssyncadd.s32 $0xFFFF8000  }
0x2ac: {  	[hbm4b:s9+s3] =	stream.linear.scatter [tilespmem:s3], [sflag:$0x1], $0x8000, $0x38;
	[tilespmem:$0x8000] =	vst v63  }
0x2ad: {  	s10 =	rddreg [dreg:$0x15]  }
0x2ae: {  	[hbm4b:s10+s3] =	stream.linear.scatter [tilespmem:s3], [sflag:$0x1], $0x8000, $0x38;
	[tilespmem:$0x8000] =	vst v63  }
0x2af: {  	s2 =	rddreg [dreg:$0x16]  }
0x2b0: {  	[hbm4b:s2+s3] =	stream.linear.scatter [tilespmem:s3], [sflag:$0x1], $0x8000, $0x38;
	[tilespmem:$0x8000] =	vst v63  }
0x2b1: {  	s8 =	rddreg [dreg:$0x17]  }
0x2b2: {  	[hbm4b:s8+s3] =	stream.linear.scatter [tilespmem:s3], [sflag:$0x1], $0x8000, $0x38;
	[tilespmem:$0x8000] =	vst v63  }
0x2b3: {  	s9 =	rddreg [dreg:$0x18]  }
0x2b4: {  	[hbm4b:s9+s3] =	stream.linear.scatter [tilespmem:s3], [sflag:$0x1], $0x8000, $0x38;
	[tilespmem:$0x8000] =	vst v63  }
0x2b5: {  	s10 =	rddreg [dreg:$0x19]  }
0x2b6: {  	[hbm4b:s10+s3] =	stream.linear.scatter [tilespmem:s3], [sflag:$0x1], $0x8000, $0x38;
	[tilespmem:$0x8000] =	vst v63  }
0x2b7: {  	s2 =	rddreg [dreg:$0x1a]  }
0x2b8: {  	[hbm4b:s2+s3] =	stream.linear.scatter [tilespmem:s3], [sflag:$0x1], $0x8000, $0x38;
	[tilespmem:$0x8000] =	vst v63  }
0x2b9: {  	s8 =	rddreg [dreg:$0x1b]  }
0x2ba: {  	[hbm4b:s8+s3] =	stream.linear.scatter [tilespmem:s3], [sflag:$0x1], $0x8000, $0x38;
	[tilespmem:$0x8000] =	vst v63  }
0x2bb: {  	_ =	swait.ge [sflag:s31], $0x8000  }
0x2bc: {  	[sflag:s31] =	ssyncset.done $0x0  }
0x2bd: {  	[sflag:s31] =	ssyncadd.s32 $0xFFFF8000  }
0x2be: {  	_ =	swait.ge [sflag:s31], $0x8000  }
0x2bf: {  	[sflag:s31] =	ssyncset.done $0x0  }
0x2c0: {  	[sflag:s31] =	ssyncadd.s32 $0xFFFF8000  }
0x2c1: {  	_ =	swait.ge [sflag:s31], $0x8000  }
0x2c2: {  	[sflag:s31] =	ssyncset.done $0x0  }
0x2c3: {  	[sflag:s31] =	ssyncadd.s32 $0xFFFF8000  }
0x2c4: {  	_ =	swait.ge [sflag:s31], $0x8000  }
0x2c5: {  	[sflag:s31] =	ssyncset.done $0x0  }
0x2c6: {  	[sflag:s31] =	ssyncadd.s32 $0xFFFF8000  }
0x2c7: {  	_ =	swait.ge [sflag:s31], $0x8000  }
0x2c8: {  	[sflag:s31] =	ssyncset.done $0x0  }
0x2c9: {  	[sflag:s31] =	ssyncadd.s32 $0xFFFF8000  }
0x2ca: {  	_ =	swait.ge [sflag:s31], $0x8000  }
0x2cb: {  	[sflag:s31] =	ssyncset.done $0x0  }
0x2cc: {  	[sflag:s31] =	ssyncadd.s32 $0xFFFF8000  }
0x2cd: {  	_ =	swait.ge [sflag:s31], $0x8000  }
0x2ce: {  	[sflag:s31] =	ssyncset.done $0x0  }
0x2cf: {  	[sflag:s31] =	ssyncadd.s32 $0xFFFF8000  }
0x2d0: {  	_ =	swait.ge [sflag:s31], $0x8000  }
0x2d1: {  	s9 =	rddreg [dreg:$0x1c];
	[sflag:s31] =	ssyncset.done $0x0  }
0x2d2: {  	s10 =	rddreg [dreg:$0x1d];
	[sflag:s31] =	ssyncadd.s32 $0xFFFF8000  }
0x2d3: {  	[hbm4b:s9+s3] =	stream.linear.scatter [tilespmem:s3], [sflag:$0x1], $0x8000, $0x38;
	[tilespmem:$0x8000] =	vst v63  }
0x2d4: {  	s2 =	rddreg [dreg:$0x1e]  }
0x2d5: {  	[hbm4b:s10+s3] =	stream.linear.scatter [tilespmem:s3], [sflag:$0x1], $0x8000, $0x38;
	[tilespmem:$0x8000] =	vst v63  }
0x2d6: {  	s8 =	rddreg [dreg:$0x1f]  }
0x2d7: {  	[hbm4b:s2+s3] =	stream.linear.scatter [tilespmem:s3], [sflag:$0x1], $0x8000, $0x38;
	[tilespmem:$0x8000] =	vst v63  }
0x2d8: {  	s9 =	sld [smem:$0x7D9]  }
0x2d9: {  	[hbm4b:s8+s3] =	stream.linear.scatter [tilespmem:s3], [sflag:$0x1], $0x8000, $0x38;
	[tilespmem:$0x8000] =	vst v63  }
0x2da: {  	s10 =	sld [smem:$0x7DA]  }
0x2db: {  	[hbm4b:s9+s3] =	stream.linear.scatter [tilespmem:s3], [sflag:$0x1], $0x8000, $0x38;
	[tilespmem:$0x8000] =	vst v63  }
0x2dc: {  	s2 =	sld [smem:$0x7DB]  }
0x2dd: {  	[hbm4b:s10+s3] =	stream.linear.scatter [tilespmem:s3], [sflag:$0x1], $0x8000, $0x38;
	[tilespmem:$0x8000] =	vst v63  }
0x2de: {  	s8 =	sld [smem:$0x7DC]  }
0x2df: {  	[hbm4b:s2+s3] =	stream.linear.scatter [tilespmem:s3], [sflag:$0x1], $0x8000, $0x38;
	[tilespmem:$0x8000] =	vst v63  }
0x2e0: {  	_ = 	snop  }
0x2e1: {  	[hbm4b:s8+s3] =	stream.linear.scatter [tilespmem:s3], [sflag:$0x1], $0x8000, $0x38;
	[tilespmem:$0x8000] =	vst v63  }
0x2e2: {  	_ =	swait.ge [sflag:s31], $0x8000  }
0x2e3: {  	[sflag:s31] =	ssyncset.done $0x0  }
0x2e4: {  	[sflag:s31] =	ssyncadd.s32 $0xFFFF8000  }
0x2e5: {  	_ =	swait.ge [sflag:s31], $0x8000  }
0x2e6: {  	[sflag:s31] =	ssyncset.done $0x0  }
0x2e7: {  	[sflag:s31] =	ssyncadd.s32 $0xFFFF8000  }
0x2e8: {  	_ =	swait.ge [sflag:s31], $0x8000  }
0x2e9: {  	[sflag:s31] =	ssyncset.done $0x0  }
0x2ea: {  	[sflag:s31] =	ssyncadd.s32 $0xFFFF8000  }
0x2eb: {  	_ =	swait.ge [sflag:s31], $0x8000  }
0x2ec: {  	[sflag:s31] =	ssyncset.done $0x0  }
0x2ed: {  	[sflag:s31] =	ssyncadd.s32 $0xFFFF8000  }
0x2ee: {  	_ =	swait.ge [sflag:s31], $0x8000  }
0x2ef: {  	[sflag:s31] =	ssyncset.done $0x0  }
0x2f0: {  	[sflag:s31] =	ssyncadd.s32 $0xFFFF8000  }
0x2f1: {  	_ =	swait.ge [sflag:s31], $0x8000  }
0x2f2: {  	[sflag:s31] =	ssyncset.done $0x0  }
0x2f3: {  	[sflag:s31] =	ssyncadd.s32 $0xFFFF8000  }
0x2f4: {  	_ =	swait.ge [sflag:s31], $0x8000  }
0x2f5: {  	[sflag:s31] =	ssyncset.done $0x0  }
0x2f6: {  	[sflag:s31] =	ssyncadd.s32 $0xFFFF8000  }
0x2f7: {  	_ =	swait.ge [sflag:s31], $0x8000  }
0x2f8: {  	s9 =	sld [smem:$0x7DD]  }
0x2f9: {  	[sflag:s31] =	ssyncset.done $0x0  }
0x2fa: {  	s10 =	sld [smem:$0x7DE];
	[sflag:s31] =	ssyncadd.s32 $0xFFFF8000  }
0x2fb: {  	[hbm4b:s9+s3] =	stream.linear.scatter [tilespmem:s3], [sflag:$0x1], $0x8000, $0x38;
	[tilespmem:$0x8000] =	vst v63  }
0x2fc: {  	s2 =	sld [smem:$0x7DF]  }
0x2fd: {  	[hbm4b:s10+s3] =	stream.linear.scatter [tilespmem:s3], [sflag:$0x1], $0x8000, $0x38;
	[tilespmem:$0x8000] =	vst v63  }
0x2fe: {  	s8 =	sld [smem:$0x7E0]  }
0x2ff: {  	[hbm4b:s2+s3] =	stream.linear.scatter [tilespmem:s3], [sflag:$0x1], $0x8000, $0x38;
	[tilespmem:$0x8000] =	vst v63  }
0x300: {  	s9 =	sld [smem:$0x7E1]  }
0x301: {  	[hbm4b:s8+s3] =	stream.linear.scatter [tilespmem:s3], [sflag:$0x1], $0x8000, $0x38;
	[tilespmem:$0x8000] =	vst v63  }
0x302: {  	s10 =	sld [smem:$0x7E2]  }
0x303: {  	[hbm4b:s9+s3] =	stream.linear.scatter [tilespmem:s3], [sflag:$0x1], $0x8000, $0x38;
	[tilespmem:$0x8000] =	vst v63  }
0x304: {  	s2 =	sld [smem:$0x7E3]  }
0x305: {  	[hbm4b:s10+s3] =	stream.linear.scatter [tilespmem:s3], [sflag:$0x1], $0x8000, $0x38;
	[tilespmem:$0x8000] =	vst v63  }
0x306: {  	s8 =	sld [smem:$0x7E4]  }
0x307: {  	[hbm4b:s2+s3] =	stream.linear.scatter [tilespmem:s3], [sflag:$0x1], $0x8000, $0x38;
	[tilespmem:$0x8000] =	vst v63  }
0x308: {  	_ = 	snop  }
0x309: {  	[hbm4b:s8+s3] =	stream.linear.scatter [tilespmem:s3], [sflag:$0x1], $0x8000, $0x38;
	[tilespmem:$0x8000] =	vst v63  }
0x30a: {  	_ =	swait.ge [sflag:s31], $0x8000  }
0x30b: {  	[sflag:s31] =	ssyncset.done $0x0  }
0x30c: {  	[sflag:s31] =	ssyncadd.s32 $0xFFFF8000  }
0x30d: {  	_ =	swait.ge [sflag:s31], $0x8000  }
0x30e: {  	[sflag:s31] =	ssyncset.done $0x0  }
0x30f: {  	[sflag:s31] =	ssyncadd.s32 $0xFFFF8000  }
0x310: {  	_ =	swait.ge [sflag:s31], $0x8000  }
0x311: {  	[sflag:s31] =	ssyncset.done $0x0  }
0x312: {  	[sflag:s31] =	ssyncadd.s32 $0xFFFF8000  }
0x313: {  	_ =	swait.ge [sflag:s31], $0x8000  }
0x314: {  	[sflag:s31] =	ssyncset.done $0x0  }
0x315: {  	[sflag:s31] =	ssyncadd.s32 $0xFFFF8000  }
0x316: {  	_ =	swait.ge [sflag:s31], $0x8000  }
0x317: {  	[sflag:s31] =	ssyncset.done $0x0  }
0x318: {  	[sflag:s31] =	ssyncadd.s32 $0xFFFF8000  }
0x319: {  	_ =	swait.ge [sflag:s31], $0x8000  }
0x31a: {  	[sflag:s31] =	ssyncset.done $0x0  }
0x31b: {  	[sflag:s31] =	ssyncadd.s32 $0xFFFF8000  }
0x31c: {  	_ =	swait.ge [sflag:s31], $0x8000  }
0x31d: {  	[sflag:s31] =	ssyncset.done $0x0  }
0x31e: {  	[sflag:s31] =	ssyncadd.s32 $0xFFFF8000  }
0x31f: {  	_ =	swait.ge [sflag:s31], $0x8000  }
0x320: {  	s9 =	sld [smem:$0x7E5]  }
0x321: {  	[sflag:s31] =	ssyncset.done $0x0  }
0x322: {  	s10 =	sld [smem:$0x7E6];
	[sflag:s31] =	ssyncadd.s32 $0xFFFF8000  }
0x323: {  	[hbm4b:s9+s3] =	stream.linear.scatter [tilespmem:s3], [sflag:$0x1], $0x8000, $0x38;
	[tilespmem:$0x8000] =	vst v63  }
0x324: {  	s2 =	sld [smem:$0x7E7]  }
0x325: {  	[hbm4b:s10+s3] =	stream.linear.scatter [tilespmem:s3], [sflag:$0x1], $0x8000, $0x38;
	[tilespmem:$0x8000] =	vst v63  }
0x326: {  	s8 =	sld [smem:$0x7E8]  }
0x327: {  	[hbm4b:s2+s3] =	stream.linear.scatter [tilespmem:s3], [sflag:$0x1], $0x8000, $0x38;
	[tilespmem:$0x8000] =	vst v63  }
0x328: {  	s9 =	sld [smem:$0x7E9]  }
0x329: {  	[hbm4b:s8+s3] =	stream.linear.scatter [tilespmem:s3], [sflag:$0x1], $0x8000, $0x38;
	[tilespmem:$0x8000] =	vst v63  }
0x32a: {  	s10 =	sld [smem:$0x7EA]  }
0x32b: {  	[hbm4b:s9+s3] =	stream.linear.scatter [tilespmem:s3], [sflag:$0x1], $0x8000, $0x38;
	[tilespmem:$0x8000] =	vst v63  }
0x32c: {  	s2 =	sld [smem:$0x7EB]  }
0x32d: {  	[hbm4b:s10+s3] =	stream.linear.scatter [tilespmem:s3], [sflag:$0x1], $0x8000, $0x38;
	[tilespmem:$0x8000] =	vst v63  }
0x32e: {  	s8 =	sld [smem:$0x7EC]  }
0x32f: {  	[hbm4b:s2+s3] =	stream.linear.scatter [tilespmem:s3], [sflag:$0x1], $0x8000, $0x38;
	[tilespmem:$0x8000] =	vst v63  }
0x330: {  	_ = 	snop  }
0x331: {  	[hbm4b:s8+s3] =	stream.linear.scatter [tilespmem:s3], [sflag:$0x1], $0x8000, $0x38;
	[tilespmem:$0x8000] =	vst v63  }
0x332: {  	_ =	swait.ge [sflag:s31], $0x8000  }
0x333: {  	[sflag:s31] =	ssyncset.done $0x0  }
0x334: {  	[sflag:s31] =	ssyncadd.s32 $0xFFFF8000  }
0x335: {  	_ =	swait.ge [sflag:s31], $0x8000  }
0x336: {  	[sflag:s31] =	ssyncset.done $0x0  }
0x337: {  	[sflag:s31] =	ssyncadd.s32 $0xFFFF8000  }
0x338: {  	_ =	swait.ge [sflag:s31], $0x8000  }
0x339: {  	[sflag:s31] =	ssyncset.done $0x0  }
0x33a: {  	[sflag:s31] =	ssyncadd.s32 $0xFFFF8000  }
0x33b: {  	_ =	swait.ge [sflag:s31], $0x8000  }
0x33c: {  	[sflag:s31] =	ssyncset.done $0x0  }
0x33d: {  	[sflag:s31] =	ssyncadd.s32 $0xFFFF8000  }
0x33e: {  	_ =	swait.ge [sflag:s31], $0x8000  }
0x33f: {  	[sflag:s31] =	ssyncset.done $0x0  }
0x340: {  	[sflag:s31] =	ssyncadd.s32 $0xFFFF8000  }
0x341: {  	_ =	swait.ge [sflag:s31], $0x8000  }
0x342: {  	[sflag:s31] =	ssyncset.done $0x0  }
0x343: {  	[sflag:s31] =	ssyncadd.s32 $0xFFFF8000  }
0x344: {  	_ =	swait.ge [sflag:s31], $0x8000  }
0x345: {  	[sflag:s31] =	ssyncset.done $0x0  }
0x346: {  	[sflag:s31] =	ssyncadd.s32 $0xFFFF8000  }
0x347: {  	_ =	swait.ge [sflag:s31], $0x8000  }
0x348: {  	s9 =	sld [smem:$0x7ED]  }
0x349: {  	[sflag:s31] =	ssyncset.done $0x0  }
0x34a: {  	s10 =	sld [smem:$0x7EE];
	[sflag:s31] =	ssyncadd.s32 $0xFFFF8000  }
0x34b: {  	[hbm4b:s9+s3] =	stream.linear.scatter [tilespmem:s3], [sflag:$0x1], $0x8000, $0x38;
	[tilespmem:$0x8000] =	vst v63  }
0x34c: {  	s2 =	sld [smem:$0x7EF]  }
0x34d: {  	[hbm4b:s10+s3] =	stream.linear.scatter [tilespmem:s3], [sflag:$0x1], $0x8000, $0x38;
	[tilespmem:$0x8000] =	vst v63  }
0x34e: {  	s8 =	sld [smem:$0x7F0]  }
0x34f: {  	[hbm4b:s2+s3] =	stream.linear.scatter [tilespmem:s3], [sflag:$0x1], $0x8000, $0x38;
	[tilespmem:$0x8000] =	vst v63  }
0x350: {  	s9 =	sld [smem:$0x7F1]  }
0x351: {  	[hbm4b:s8+s3] =	stream.linear.scatter [tilespmem:s3], [sflag:$0x1], $0x8000, $0x38;
	[tilespmem:$0x8000] =	vst v63  }
0x352: {  	s10 =	sld [smem:$0x7F2]  }
0x353: {  	[hbm4b:s9+s3] =	stream.linear.scatter [tilespmem:s3], [sflag:$0x1], $0x8000, $0x38;
	[tilespmem:$0x8000] =	vst v63  }
0x354: {  	s2 =	sld [smem:$0x7F3]  }
0x355: {  	[hbm4b:s10+s3] =	stream.linear.scatter [tilespmem:s3], [sflag:$0x1], $0x8000, $0x38;
	[tilespmem:$0x8000] =	vst v63  }
0x356: {  	s8 =	sld [smem:$0x7F4]  }
0x357: {  	[hbm4b:s2+s3] =	stream.linear.scatter [tilespmem:s3], [sflag:$0x1], $0x8000, $0x38;
	[tilespmem:$0x8000] =	vst v63  }
0x358: {  	_ = 	snop  }
0x359: {  	[hbm4b:s8+s3] =	stream.linear.scatter [tilespmem:s3], [sflag:$0x1], $0x8000, $0x38;
	[tilespmem:$0x8000] =	vst v63  }
0x35a: {  	_ =	swait.ge [sflag:s31], $0x8000  }
0x35b: {  	[sflag:s31] =	ssyncset.done $0x0  }
0x35c: {  	[sflag:s31] =	ssyncadd.s32 $0xFFFF8000  }
0x35d: {  	_ =	swait.ge [sflag:s31], $0x8000  }
0x35e: {  	[sflag:s31] =	ssyncset.done $0x0  }
0x35f: {  	[sflag:s31] =	ssyncadd.s32 $0xFFFF8000  }
0x360: {  	_ =	swait.ge [sflag:s31], $0x8000  }
0x361: {  	[sflag:s31] =	ssyncset.done $0x0  }
0x362: {  	[sflag:s31] =	ssyncadd.s32 $0xFFFF8000  }
0x363: {  	_ =	swait.ge [sflag:s31], $0x8000  }
0x364: {  	[sflag:s31] =	ssyncset.done $0x0  }
0x365: {  	[sflag:s31] =	ssyncadd.s32 $0xFFFF8000  }
0x366: {  	_ =	swait.ge [sflag:s31], $0x8000  }
0x367: {  	[sflag:s31] =	ssyncset.done $0x0  }
0x368: {  	[sflag:s31] =	ssyncadd.s32 $0xFFFF8000  }
0x369: {  	_ =	swait.ge [sflag:s31], $0x8000  }
0x36a: {  	[sflag:s31] =	ssyncset.done $0x0  }
0x36b: {  	[sflag:s31] =	ssyncadd.s32 $0xFFFF8000  }
0x36c: {  	_ =	swait.ge [sflag:s31], $0x8000  }
0x36d: {  	[sflag:s31] =	ssyncset.done $0x0  }
0x36e: {  	[sflag:s31] =	ssyncadd.s32 $0xFFFF8000  }
0x36f: {  	_ =	swait.ge [sflag:s31], $0x8000  }
0x370: {  	s9 =	sld [smem:$0x7F5]  }
0x371: {  	[sflag:s31] =	ssyncset.done $0x0  }
0x372: {  	s10 =	sld [smem:$0x7F6];
	[sflag:s31] =	ssyncadd.s32 $0xFFFF8000  }
0x373: {  	[hbm4b:s9+s3] =	stream.linear.scatter [tilespmem:s3], [sflag:$0x1], $0x8000, $0x38;
	[tilespmem:$0x8000] =	vst v63  }
0x374: {  	s2 =	sld [smem:$0x7F7]  }
0x375: {  	[hbm4b:s10+s3] =	stream.linear.scatter [tilespmem:s3], [sflag:$0x1], $0x8000, $0x38;
	[tilespmem:$0x8000] =	vst v63  }
0x376: {  	s8 =	sld [smem:$0x7F8]  }
0x377: {  	[hbm4b:s2+s3] =	stream.linear.scatter [tilespmem:s3], [sflag:$0x1], $0x8000, $0x38;
	[tilespmem:$0x8000] =	vst v63  }
0x378: {  	s9 =	sld [smem:$0x7F9]  }
0x379: {  	[hbm4b:s8+s3] =	stream.linear.scatter [tilespmem:s3], [sflag:$0x1], $0x8000, $0x38;
	[tilespmem:$0x8000] =	vst v63  }
0x37a: {  	s10 =	sld [smem:$0x7FA]  }
0x37b: {  	[hbm4b:s9+s3] =	stream.linear.scatter [tilespmem:s3], [sflag:$0x1], $0x8000, $0x38;
	[tilespmem:$0x8000] =	vst v63  }
0x37c: {  	s2 =	sld [smem:$0x7FB]  }
0x37d: {  	[hbm4b:s10+s3] =	stream.linear.scatter [tilespmem:s3], [sflag:$0x1], $0x8000, $0x38;
	[tilespmem:$0x8000] =	vst v63  }
0x37e: {  	s8 =	sld [smem:$0x7FC]  }
0x37f: {  	[hbm4b:s2+s3] =	stream.linear.scatter [tilespmem:s3], [sflag:$0x1], $0x8000, $0x38;
	[tilespmem:$0x8000] =	vst v63  }
0x380: {  	_ = 	snop  }
0x381: {  	[hbm4b:s8+s3] =	stream.linear.scatter [tilespmem:s3], [sflag:$0x1], $0x8000, $0x38;
	[tilespmem:$0x8000] =	vst v63  }
0x382: {  	_ =	swait.ge [sflag:s31], $0x8000  }
0x383: {  	[sflag:s31] =	ssyncset.done $0x0  }
0x384: {  	[sflag:s31] =	ssyncadd.s32 $0xFFFF8000  }
0x385: {  	_ =	swait.ge [sflag:s31], $0x8000  }
0x386: {  	[sflag:s31] =	ssyncset.done $0x0  }
0x387: {  	[sflag:s31] =	ssyncadd.s32 $0xFFFF8000  }
0x388: {  	_ =	swait.ge [sflag:s31], $0x8000  }
0x389: {  	[sflag:s31] =	ssyncset.done $0x0  }
0x38a: {  	[sflag:s31] =	ssyncadd.s32 $0xFFFF8000  }
0x38b: {  	_ =	swait.ge [sflag:s31], $0x8000  }
0x38c: {  	[sflag:s31] =	ssyncset.done $0x0  }
0x38d: {  	[sflag:s31] =	ssyncadd.s32 $0xFFFF8000  }
0x38e: {  	_ =	swait.ge [sflag:s31], $0x8000  }
0x38f: {  	[sflag:s31] =	ssyncset.done $0x0  }
0x390: {  	[sflag:s31] =	ssyncadd.s32 $0xFFFF8000  }
0x391: {  	_ =	swait.ge [sflag:s31], $0x8000  }
0x392: {  	s9 =	sld [smem:$0x7FD];
	_ =	sdelay $0x2  }
0x393: {  	s0 =	ssub.s32 $0x2, s9  }
0x394: {  	s10 =	sshrl.u32 s0, $0x1  }
0x395: {  	s0 =	ssub.s32 s0, s10  }
0x396: {  	[sflag:s31] =	ssyncset.done $0x0;
	s0 =	smax.u32 s0, $0x1  }
0x397: {  	[sflag:s31] =	ssyncadd.s32 $0xFFFF8000;
	p0 =	sne.s32 s0, $0x1  }
.Ltmp0:
0x398: {  	_ =	swait.ge [sflag:s31], $0x8000;
	(pc) =	sbr.rel @!p0 .LBB2_2-.Ltmp0, $4  }
0x399: {  	[sflag:s31] =	ssyncset.done $0x0  }
0x39a: {  	[sflag:s31] =	ssyncadd.s32 $0xFFFF8000  }
0x39b: {  	_ =	swait.ge [sflag:s31], $0x8000  }
0x39c: {  	[sflag:s31] =	ssyncset.done $0x0;
	s0 =	sadd.s32 $0xFFFFFFFF, s0  }
.LBB2_1:
0x39d: {  	s1 =	sld [smem:$0x769]  }
0x39e: {  	s2 =	sld [smem:$0x76A]  }
0x39f: {  	s8 =	sld [smem:$0x76B]  }
0x3a0: {  	[sflag:s31] =	ssyncadd.s32 $0xFFFF8000;
	s9 =	sld [smem:$0x76C]  }
0x3a1: {  	s10 =	rddreg [dreg:$0x1]  }
0x3a2: {  	[tilespmem:s3], [sflag:$0x1] =	stream.linear.gather [hbm4b:s10+s3], $0x1000, $0x38;
	[tilespmem:$0x8000] =	vst v63  }
0x3a3: {  	s10 =	sld [smem:$0x76D]  }
0x3a4: {  	[tilespmem:s8], [sflag:$0x1] =	stream.linear.gather [hbm4b:s9+s3], $0x1000, $0x38;
	[tilespmem:$0x8000] =	vst v63  }
0x3a5: {  	s9 =	sld [smem:$0x76E]  }
0x3a6: {  	[tilespmem:s2], [sflag:$0x1] =	stream.linear.gather [hbm4b:s10+s3], $0x1000, $0x38;
	[tilespmem:$0x8000] =	vst v63  }
0x3a7: {  	s10 =	sld [smem:$0x76F]  }
0x3a8: {  	[tilespmem:s1], [sflag:$0x1] =	stream.linear.gather [hbm4b:s9+s3], $0x1000, $0x38;
	[tilespmem:$0x8000] =	vst v63  }
0x3a9: {  	s9 =	sld [smem:$0x770]  }
0x3aa: {  	[tilespmem:s10], [sflag:$0x1] =	stream.linear.gather [hbm4b:s4+s3], $0x80, $0x38;
	[tilespmem:$0x8000] =	vst v63  }
0x3ab: {  	s10 =	sld [smem:$0x771]  }
0x3ac: {  	[tilespmem:s9], [sflag:$0x1] =	stream.linear.gather [hbm4b:s5+s3], $0x80, $0x38;
	[tilespmem:$0x8000] =	vst v63  }
0x3ad: {  	s8 =	sld [smem:$0x772]  }
0x3ae: {  	[tilespmem:s10], [sflag:$0x1] =	stream.linear.gather [hbm4b:s6+s3], $0x80, $0x38;
	[tilespmem:$0x8000] =	vst v63  }
0x3af: {  	s9 =	sld [smem:$0x773]  }
0x3b0: {  	[tilespmem:s8], [sflag:$0x1] =	stream.linear.gather [hbm4b:s7+s3], $0x80, $0x38;
	[tilespmem:$0x8000] =	vst v63  }
0x3b1: {  	s10 =	sld [smem:$0x774]  }
0x3b2: {  	[tilespmem:s9], [sflag:$0x1] =	stream.linear.gather [hbm4b:s4+s3], $0x80, $0x38;
	[tilespmem:$0x8000] =	vst v63  }
0x3b3: {  	s8 =	sld [smem:$0x775]  }
0x3b4: {  	[tilespmem:s10], [sflag:$0x1] =	stream.linear.gather [hbm4b:s5+s3], $0x80, $0x38;
	[tilespmem:$0x8000] =	vst v63  }
0x3b5: {  	s9 =	sld [smem:$0x776]  }
0x3b6: {  	[tilespmem:s8], [sflag:$0x1] =	stream.linear.gather [hbm4b:s6+s3], $0x80, $0x38;
	[tilespmem:$0x8000] =	vst v63  }
0x3b7: {  	s10 =	sld [smem:$0x777]  }
0x3b8: {  	[tilespmem:s9], [sflag:$0x1] =	stream.linear.gather [hbm4b:s7+s3], $0x80, $0x38;
	[tilespmem:$0x8000] =	vst v63  }
0x3b9: {  	s8 =	sld [smem:$0x778]  }
0x3ba: {  	[tilespmem:s10], [sflag:$0x1] =	stream.linear.gather [hbm4b:s4+s3], $0x80, $0x38;
	[tilespmem:$0x8000] =	vst v63  }
0x3bb: {  	s9 =	sld [smem:$0x779]  }
0x3bc: {  	[tilespmem:s8], [sflag:$0x1] =	stream.linear.gather [hbm4b:s5+s3], $0x80, $0x38;
	[tilespmem:$0x8000] =	vst v63  }
0x3bd: {  	s10 =	sld [smem:$0x77A]  }
0x3be: {  	[tilespmem:s9], [sflag:$0x1] =	stream.linear.gather [hbm4b:s6+s3], $0x80, $0x38;
	[tilespmem:$0x8000] =	vst v63  }
0x3bf: {  	s8 =	sld [smem:$0x77B]  }
0x3c0: {  	[tilespmem:s10], [sflag:$0x1] =	stream.linear.gather [hbm4b:s7+s3], $0x80, $0x38;
	[tilespmem:$0x8000] =	vst v63  }
0x3c1: {  	s9 =	sld [smem:$0x77C]  }
0x3c2: {  	[tilespmem:s8], [sflag:$0x1] =	stream.linear.gather [hbm4b:s4+s3], $0x80, $0x38;
	[tilespmem:$0x8000] =	vst v63  }
0x3c3: {  	s10 =	sld [smem:$0x77D]  }
0x3c4: {  	[tilespmem:s9], [sflag:$0x1] =	stream.linear.gather [hbm4b:s5+s3], $0x80, $0x38;
	[tilespmem:$0x8000] =	vst v63  }
0x3c5: {  	s8 =	sld [smem:$0x77E]  }
0x3c6: {  	[tilespmem:s10], [sflag:$0x1] =	stream.linear.gather [hbm4b:s6+s3], $0x80, $0x38;
	[tilespmem:$0x8000] =	vst v63  }
0x3c7: {  	s9 =	sld [smem:$0x77F]  }
0x3c8: {  	[tilespmem:s8], [sflag:$0x1] =	stream.linear.gather [hbm4b:s7+s3], $0x80, $0x38;
	[tilespmem:$0x8000] =	vst v63  }
0x3c9: {  	s10 =	sld [smem:$0x780]  }
0x3ca: {  	[tilespmem:s9], [sflag:$0x1] =	stream.linear.gather [hbm4b:s4+s3], $0x80, $0x38;
	[tilespmem:$0x8000] =	vst v63  }
0x3cb: {  	s8 =	sld [smem:$0x781]  }
0x3cc: {  	[tilespmem:s10], [sflag:$0x1] =	stream.linear.gather [hbm4b:s5+s3], $0x80, $0x38;
	[tilespmem:$0x8000] =	vst v63  }
0x3cd: {  	s9 =	sld [smem:$0x782]  }
0x3ce: {  	[tilespmem:s8], [sflag:$0x1] =	stream.linear.gather [hbm4b:s6+s3], $0x80, $0x38;
	[tilespmem:$0x8000] =	vst v63  }
0x3cf: {  	s10 =	sld [smem:$0x783]  }
0x3d0: {  	[tilespmem:s9], [sflag:$0x1] =	stream.linear.gather [hbm4b:s7+s3], $0x80, $0x38;
	[tilespmem:$0x8000] =	vst v63  }
0x3d1: {  	s8 =	sld [smem:$0x784]  }
0x3d2: {  	[tilespmem:s10], [sflag:$0x1] =	stream.linear.gather [hbm4b:s4+s3], $0x80, $0x38;
	[tilespmem:$0x8000] =	vst v63  }
0x3d3: {  	s9 =	sld [smem:$0x785]  }
0x3d4: {  	[tilespmem:s8], [sflag:$0x1] =	stream.linear.gather [hbm4b:s5+s3], $0x80, $0x38;
	[tilespmem:$0x8000] =	vst v63  }
0x3d5: {  	s10 =	sld [smem:$0x786]  }
0x3d6: {  	[tilespmem:s9], [sflag:$0x1] =	stream.linear.gather [hbm4b:s6+s3], $0x80, $0x38;
	[tilespmem:$0x8000] =	vst v63  }
0x3d7: {  	s8 =	sld [smem:$0x787]  }
0x3d8: {  	[tilespmem:s10], [sflag:$0x1] =	stream.linear.gather [hbm4b:s7+s3], $0x80, $0x38;
	[tilespmem:$0x8000] =	vst v63  }
0x3d9: {  	s9 =	sld [smem:$0x788]  }
0x3da: {  	[tilespmem:s8], [sflag:$0x1] =	stream.linear.gather [hbm4b:s4+s3], $0x80, $0x38;
	[tilespmem:$0x8000] =	vst v63  }
0x3db: {  	s10 =	sld [smem:$0x789]  }
0x3dc: {  	[tilespmem:s9], [sflag:$0x1] =	stream.linear.gather [hbm4b:s5+s3], $0x80, $0x38;
	[tilespmem:$0x8000] =	vst v63  }
0x3dd: {  	s8 =	sld [smem:$0x78A]  }
0x3de: {  	[tilespmem:s10], [sflag:$0x1] =	stream.linear.gather [hbm4b:s6+s3], $0x80, $0x38;
	[tilespmem:$0x8000] =	vst v63  }
0x3df: {  	_ = 	snop  }
0x3e0: {  	[tilespmem:s8], [sflag:$0x1] =	stream.linear.gather [hbm4b:s7+s3], $0x80, $0x38;
	[tilespmem:$0x8000] =	vst v63  }
0x3e1: {  	s1 =	sld [smem:$0x78B];
	_ =	sdelay $0x1  }
0x3e2: {  	s9 =	sld [smem:$0x78C]  }
0x3e3: {  	[tilespmem:s1], [sflag:$0x1] =	stream.linear.gather [hbm4b:s4+s3], $0x80, $0x38;
	[tilespmem:$0x8000] =	vst v63  }
0x3e4: {  	s10 =	sld [smem:$0x78D]  }
0x3e5: {  	[tilespmem:s9], [sflag:$0x1] =	stream.linear.gather [hbm4b:s5+s3], $0x80, $0x38;
	[tilespmem:$0x8000] =	vst v63  }
0x3e6: {  	s8 =	sld [smem:$0x78E]  }
0x3e7: {  	[tilespmem:s10], [sflag:$0x1] =	stream.linear.gather [hbm4b:s6+s3], $0x80, $0x38;
	[tilespmem:$0x8000] =	vst v63  }
0x3e8: {  	s9 =	sld [smem:$0x78F]  }
0x3e9: {  	[tilespmem:s8], [sflag:$0x1] =	stream.linear.gather [hbm4b:s7+s3], $0x80, $0x38;
	[tilespmem:$0x8000] =	vst v63  }
0x3ea: {  	s10 =	sld [smem:$0x790]  }
0x3eb: {  	[tilespmem:s9], [sflag:$0x1] =	stream.linear.gather [hbm4b:s4+s3], $0x80, $0x38;
	[tilespmem:$0x8000] =	vst v63  }
0x3ec: {  	s8 =	sld [smem:$0x791]  }
0x3ed: {  	[tilespmem:s10], [sflag:$0x1] =	stream.linear.gather [hbm4b:s5+s3], $0x80, $0x38;
	[tilespmem:$0x8000] =	vst v63  }
0x3ee: {  	s9 =	sld [smem:$0x792]  }
0x3ef: {  	[tilespmem:s8], [sflag:$0x1] =	stream.linear.gather [hbm4b:s6+s3], $0x80, $0x38;
	[tilespmem:$0x8000] =	vst v63  }
0x3f0: {  	s10 =	sld [smem:$0x793]  }
0x3f1: {  	[tilespmem:s9], [sflag:$0x1] =	stream.linear.gather [hbm4b:s7+s3], $0x80, $0x38;
	[tilespmem:$0x8000] =	vst v63  }
0x3f2: {  	s8 =	sld [smem:$0x794]  }
0x3f3: {  	[tilespmem:s10], [sflag:$0x1] =	stream.linear.gather [hbm4b:s4+s3], $0x80, $0x38;
	[tilespmem:$0x8000] =	vst v63  }
0x3f4: {  	s9 =	sld [smem:$0x795]  }
0x3f5: {  	[tilespmem:s8], [sflag:$0x1] =	stream.linear.gather [hbm4b:s5+s3], $0x80, $0x38;
	[tilespmem:$0x8000] =	vst v63  }
0x3f6: {  	s10 =	sld [smem:$0x796]  }
0x3f7: {  	[tilespmem:s9], [sflag:$0x1] =	stream.linear.gather [hbm4b:s6+s3], $0x80, $0x38;
	[tilespmem:$0x8000] =	vst v63  }
0x3f8: {  	s8 =	sld [smem:$0x797]  }
0x3f9: {  	[tilespmem:s10], [sflag:$0x1] =	stream.linear.gather [hbm4b:s7+s3], $0x80, $0x38;
	[tilespmem:$0x8000] =	vst v63  }
0x3fa: {  	s9 =	sld [smem:$0x798]  }
0x3fb: {  	[tilespmem:s8], [sflag:$0x1] =	stream.linear.gather [hbm4b:s4+s3], $0x80, $0x38;
	[tilespmem:$0x8000] =	vst v63  }
0x3fc: {  	s10 =	sld [smem:$0x799]  }
0x3fd: {  	[tilespmem:s9], [sflag:$0x1] =	stream.linear.gather [hbm4b:s5+s3], $0x80, $0x38;
	[tilespmem:$0x8000] =	vst v63  }
0x3fe: {  	s8 =	sld [smem:$0x79A]  }
0x3ff: {  	[tilespmem:s10], [sflag:$0x1] =	stream.linear.gather [hbm4b:s6+s3], $0x80, $0x38;
	[tilespmem:$0x8000] =	vst v63  }
0x400: {  	s9 =	sld [smem:$0x79B]  }
0x401: {  	[tilespmem:s8], [sflag:$0x1] =	stream.linear.gather [hbm4b:s7+s3], $0x80, $0x38;
	[tilespmem:$0x8000] =	vst v63  }
0x402: {  	s10 =	sld [smem:$0x79C]  }
0x403: {  	[tilespmem:s9], [sflag:$0x1] =	stream.linear.gather [hbm4b:s4+s3], $0x80, $0x38;
	[tilespmem:$0x8000] =	vst v63  }
0x404: {  	s8 =	sld [smem:$0x79D]  }
0x405: {  	[tilespmem:s10], [sflag:$0x1] =	stream.linear.gather [hbm4b:s5+s3], $0x80, $0x38;
	[tilespmem:$0x8000] =	vst v63  }
0x406: {  	s9 =	sld [smem:$0x79E]  }
0x407: {  	[tilespmem:s8], [sflag:$0x1] =	stream.linear.gather [hbm4b:s6+s3], $0x80, $0x38;
	[tilespmem:$0x8000] =	vst v63  }
0x408: {  	s10 =	sld [smem:$0x79F]  }
0x409: {  	[tilespmem:s9], [sflag:$0x1] =	stream.linear.gather [hbm4b:s7+s3], $0x80, $0x38;
	[tilespmem:$0x8000] =	vst v63  }
0x40a: {  	s8 =	sld [smem:$0x7A0]  }
0x40b: {  	[tilespmem:s10], [sflag:$0x1] =	stream.linear.gather [hbm4b:s4+s3], $0x80, $0x38;
	[tilespmem:$0x8000] =	vst v63  }
0x40c: {  	s9 =	sld [smem:$0x7A1]  }
0x40d: {  	[tilespmem:s8], [sflag:$0x1] =	stream.linear.gather [hbm4b:s5+s3], $0x80, $0x38;
	[tilespmem:$0x8000] =	vst v63  }
0x40e: {  	s10 =	sld [smem:$0x7A2]  }
0x40f: {  	[tilespmem:s9], [sflag:$0x1] =	stream.linear.gather [hbm4b:s6+s3], $0x80, $0x38;
	[tilespmem:$0x8000] =	vst v63  }
0x410: {  	s8 =	sld [smem:$0x7A3]  }
0x411: {  	[tilespmem:s10], [sflag:$0x1] =	stream.linear.gather [hbm4b:s7+s3], $0x80, $0x38;
	[tilespmem:$0x8000] =	vst v63  }
0x412: {  	s9 =	sld [smem:$0x7A4]  }
0x413: {  	[tilespmem:s8], [sflag:$0x1] =	stream.linear.gather [hbm4b:s4+s3], $0x80, $0x38;
	[tilespmem:$0x8000] =	vst v63  }
0x414: {  	s10 =	sld [smem:$0x7A5]  }
0x415: {  	[tilespmem:s9], [sflag:$0x1] =	stream.linear.gather [hbm4b:s5+s3], $0x80, $0x38;
	[tilespmem:$0x8000] =	vst v63  }
0x416: {  	s8 =	sld [smem:$0x7A6]  }
0x417: {  	[tilespmem:s10], [sflag:$0x1] =	stream.linear.gather [hbm4b:s6+s3], $0x80, $0x38;
	[tilespmem:$0x8000] =	vst v63  }
0x418: {  	s9 =	sld [smem:$0x7A7]  }
0x419: {  	[tilespmem:s8], [sflag:$0x1] =	stream.linear.gather [hbm4b:s7+s3], $0x80, $0x38;
	[tilespmem:$0x8000] =	vst v63  }
0x41a: {  	s10 =	sld [smem:$0x7A8]  }
0x41b: {  	[tilespmem:s9], [sflag:$0x1] =	stream.linear.gather [hbm4b:s4+s3], $0x80, $0x38;
	[tilespmem:$0x8000] =	vst v63  }
0x41c: {  	s8 =	sld [smem:$0x7A9]  }
0x41d: {  	[tilespmem:s10], [sflag:$0x1] =	stream.linear.gather [hbm4b:s5+s3], $0x80, $0x38;
	[tilespmem:$0x8000] =	vst v63  }
0x41e: {  	s9 =	sld [smem:$0x7AA]  }
0x41f: {  	[tilespmem:s8], [sflag:$0x1] =	stream.linear.gather [hbm4b:s6+s3], $0x80, $0x38;
	[tilespmem:$0x8000] =	vst v63  }
0x420: {  	s10 =	sld [smem:$0x7AB]  }
0x421: {  	[tilespmem:s9], [sflag:$0x1] =	stream.linear.gather [hbm4b:s7+s3], $0x80, $0x38;
	[tilespmem:$0x8000] =	vst v63  }
0x422: {  	s8 =	sld [smem:$0x7AC]  }
0x423: {  	[tilespmem:s10], [sflag:$0x1] =	stream.linear.gather [hbm4b:s4+s3], $0x80, $0x38;
	[tilespmem:$0x8000] =	vst v63  }
0x424: {  	s9 =	sld [smem:$0x7AD]  }
0x425: {  	[tilespmem:s8], [sflag:$0x1] =	stream.linear.gather [hbm4b:s5+s3], $0x80, $0x38;
	[tilespmem:$0x8000] =	vst v63  }
0x426: {  	s10 =	sld [smem:$0x7AE]  }
0x427: {  	[tilespmem:s9], [sflag:$0x1] =	stream.linear.gather [hbm4b:s6+s3], $0x80, $0x38;
	[tilespmem:$0x8000] =	vst v63  }
0x428: {  	s8 =	sld [smem:$0x7AF]  }
0x429: {  	[tilespmem:s10], [sflag:$0x1] =	stream.linear.gather [hbm4b:s7+s3], $0x80, $0x38;
	[tilespmem:$0x8000] =	vst v63  }
0x42a: {  	s9 =	sld [smem:$0x7B0]  }
0x42b: {  	[tilespmem:s8], [sflag:$0x1] =	stream.linear.gather [hbm4b:s4+s3], $0x80, $0x38;
	[tilespmem:$0x8000] =	vst v63  }
0x42c: {  	s10 =	sld [smem:$0x7B1]  }
0x42d: {  	[tilespmem:s9], [sflag:$0x1] =	stream.linear.gather [hbm4b:s5+s3], $0x80, $0x38;
	[tilespmem:$0x8000] =	vst v63  }
0x42e: {  	s8 =	sld [smem:$0x7B2]  }
0x42f: {  	[tilespmem:s10], [sflag:$0x1] =	stream.linear.gather [hbm4b:s6+s3], $0x80, $0x38;
	[tilespmem:$0x8000] =	vst v63  }
0x430: {  	s9 =	sld [smem:$0x7B3]  }
0x431: {  	[tilespmem:s8], [sflag:$0x1] =	stream.linear.gather [hbm4b:s7+s3], $0x80, $0x38;
	[tilespmem:$0x8000] =	vst v63  }
0x432: {  	s10 =	sld [smem:$0x7B4]  }
0x433: {  	[tilespmem:s9], [sflag:$0x1] =	stream.linear.gather [hbm4b:s4+s3], $0x80, $0x38;
	[tilespmem:$0x8000] =	vst v63  }
0x434: {  	s8 =	sld [smem:$0x7B5]  }
0x435: {  	[tilespmem:s10], [sflag:$0x1] =	stream.linear.gather [hbm4b:s5+s3], $0x80, $0x38;
	[tilespmem:$0x8000] =	vst v63  }
0x436: {  	s9 =	sld [smem:$0x7B6]  }
0x437: {  	[tilespmem:s8], [sflag:$0x1] =	stream.linear.gather [hbm4b:s6+s3], $0x80, $0x38;
	[tilespmem:$0x8000] =	vst v63  }
0x438: {  	s10 =	sld [smem:$0x7B7]  }
0x439: {  	[tilespmem:s9], [sflag:$0x1] =	stream.linear.gather [hbm4b:s7+s3], $0x80, $0x38;
	[tilespmem:$0x8000] =	vst v63  }
0x43a: {  	s8 =	sld [smem:$0x7B8]  }
0x43b: {  	[tilespmem:s10], [sflag:$0x1] =	stream.linear.gather [hbm4b:s4+s3], $0x80, $0x38;
	[tilespmem:$0x8000] =	vst v63  }
0x43c: {  	s9 =	sld [smem:$0x7B9]  }
0x43d: {  	[tilespmem:s8], [sflag:$0x1] =	stream.linear.gather [hbm4b:s5+s3], $0x80, $0x38;
	[tilespmem:$0x8000] =	vst v63  }
0x43e: {  	s10 =	sld [smem:$0x7BA]  }
0x43f: {  	[tilespmem:s9], [sflag:$0x1] =	stream.linear.gather [hbm4b:s6+s3], $0x80, $0x38;
	[tilespmem:$0x8000] =	vst v63  }
0x440: {  	s8 =	sld [smem:$0x7BB]  }
0x441: {  	[tilespmem:s10], [sflag:$0x1] =	stream.linear.gather [hbm4b:s7+s3], $0x80, $0x38;
	[tilespmem:$0x8000] =	vst v63  }
0x442: {  	s9 =	sld [smem:$0x7BC]  }
0x443: {  	[tilespmem:s8], [sflag:$0x1] =	stream.linear.gather [hbm4b:s4+s3], $0x80, $0x38;
	[tilespmem:$0x8000] =	vst v63  }
0x444: {  	s10 =	sld [smem:$0x7BD]  }
0x445: {  	[tilespmem:s9], [sflag:$0x1] =	stream.linear.gather [hbm4b:s5+s3], $0x80, $0x38;
	[tilespmem:$0x8000] =	vst v63  }
0x446: {  	s8 =	sld [smem:$0x7BE]  }
0x447: {  	[tilespmem:s10], [sflag:$0x1] =	stream.linear.gather [hbm4b:s6+s3], $0x80, $0x38;
	[tilespmem:$0x8000] =	vst v63  }
0x448: {  	s9 =	sld [smem:$0x7BF]  }
0x449: {  	[tilespmem:s8], [sflag:$0x1] =	stream.linear.gather [hbm4b:s7+s3], $0x80, $0x38;
	[tilespmem:$0x8000] =	vst v63  }
0x44a: {  	s10 =	sld [smem:$0x7C0]  }
0x44b: {  	[tilespmem:s9], [sflag:$0x1] =	stream.linear.gather [hbm4b:s4+s3], $0x80, $0x38;
	[tilespmem:$0x8000] =	vst v63  }
0x44c: {  	s8 =	sld [smem:$0x7C1]  }
0x44d: {  	[tilespmem:s10], [sflag:$0x1] =	stream.linear.gather [hbm4b:s5+s3], $0x80, $0x38;
	[tilespmem:$0x8000] =	vst v63  }
0x44e: {  	s9 =	sld [smem:$0x7C2]  }
0x44f: {  	[tilespmem:s8], [sflag:$0x1] =	stream.linear.gather [hbm4b:s6+s3], $0x80, $0x38;
	[tilespmem:$0x8000] =	vst v63  }
0x450: {  	s10 =	sld [smem:$0x7C3]  }
0x451: {  	[tilespmem:s9], [sflag:$0x1] =	stream.linear.gather [hbm4b:s7+s3], $0x80, $0x38;
	[tilespmem:$0x8000] =	vst v63  }
0x452: {  	s8 =	sld [smem:$0x7C4]  }
0x453: {  	[tilespmem:s10], [sflag:$0x1] =	stream.linear.gather [hbm4b:s4+s3], $0x80, $0x38;
	[tilespmem:$0x8000] =	vst v63  }
0x454: {  	s9 =	sld [smem:$0x7C5]  }
0x455: {  	[tilespmem:s8], [sflag:$0x1] =	stream.linear.gather [hbm4b:s5+s3], $0x80, $0x38;
	[tilespmem:$0x8000] =	vst v63  }
0x456: {  	s10 =	sld [smem:$0x7C6]  }
0x457: {  	[tilespmem:s9], [sflag:$0x1] =	stream.linear.gather [hbm4b:s6+s3], $0x80, $0x38;
	[tilespmem:$0x8000] =	vst v63  }
0x458: {  	s8 =	sld [smem:$0x7C7]  }
0x459: {  	[tilespmem:s10], [sflag:$0x1] =	stream.linear.gather [hbm4b:s7+s3], $0x80, $0x38;
	[tilespmem:$0x8000] =	vst v63  }
0x45a: {  	s9 =	sld [smem:$0x7C8]  }
0x45b: {  	[tilespmem:s8], [sflag:$0x1] =	stream.linear.gather [hbm4b:s4+s3], $0x80, $0x38;
	[tilespmem:$0x8000] =	vst v63  }
0x45c: {  	s10 =	sld [smem:$0x7C9]  }
0x45d: {  	[tilespmem:s9], [sflag:$0x1] =	stream.linear.gather [hbm4b:s5+s3], $0x80, $0x38;
	[tilespmem:$0x8000] =	vst v63  }
0x45e: {  	s8 =	sld [smem:$0x7CA]  }
0x45f: {  	[tilespmem:s10], [sflag:$0x1] =	stream.linear.gather [hbm4b:s6+s3], $0x80, $0x38;
	[tilespmem:$0x8000] =	vst v63  }
0x460: {  	s9 =	sld [smem:$0x7CB]  }
0x461: {  	[tilespmem:s8], [sflag:$0x1] =	stream.linear.gather [hbm4b:s7+s3], $0x80, $0x38;
	[tilespmem:$0x8000] =	vst v63  }
0x462: {  	s10 =	sld [smem:$0x7CC]  }
0x463: {  	[tilespmem:s9], [sflag:$0x1] =	stream.linear.gather [hbm4b:s4+s3], $0x80, $0x38;
	[tilespmem:$0x8000] =	vst v63  }
0x464: {  	s8 =	sld [smem:$0x7CD]  }
0x465: {  	[tilespmem:s10], [sflag:$0x1] =	stream.linear.gather [hbm4b:s5+s3], $0x80, $0x38;
	[tilespmem:$0x8000] =	vst v63  }
0x466: {  	s9 =	sld [smem:$0x7CE]  }
0x467: {  	[tilespmem:s8], [sflag:$0x1] =	stream.linear.gather [hbm4b:s6+s3], $0x80, $0x38;
	[tilespmem:$0x8000] =	vst v63  }
0x468: {  	s10 =	sld [smem:$0x7CF]  }
0x469: {  	[tilespmem:s9], [sflag:$0x1] =	stream.linear.gather [hbm4b:s7+s3], $0x80, $0x38;
	[tilespmem:$0x8000] =	vst v63  }
0x46a: {  	s8 =	sld [smem:$0x7D0]  }
0x46b: {  	[tilespmem:s10], [sflag:$0x1] =	stream.linear.gather [hbm4b:s4+s3], $0x80, $0x38;
	[tilespmem:$0x8000] =	vst v63  }
0x46c: {  	s9 =	sld [smem:$0x7D1]  }
0x46d: {  	[tilespmem:s8], [sflag:$0x1] =	stream.linear.gather [hbm4b:s5+s3], $0x80, $0x38;
	[tilespmem:$0x8000] =	vst v63  }
0x46e: {  	s10 =	sld [smem:$0x7D2]  }
0x46f: {  	[tilespmem:s9], [sflag:$0x1] =	stream.linear.gather [hbm4b:s6+s3], $0x80, $0x38;
	[tilespmem:$0x8000] =	vst v63  }
0x470: {  	s8 =	sld [smem:$0x7D3]  }
0x471: {  	[tilespmem:s10], [sflag:$0x1] =	stream.linear.gather [hbm4b:s7+s3], $0x80, $0x38;
	[tilespmem:$0x8000] =	vst v63  }
0x472: {  	s9 =	sld [smem:$0x7D4]  }
0x473: {  	[tilespmem:s8], [sflag:$0x1] =	stream.linear.gather [hbm4b:s4+s3], $0x80, $0x38;
	[tilespmem:$0x8000] =	vst v63  }
0x474: {  	s10 =	sld [smem:$0x7D5]  }
0x475: {  	[tilespmem:s9], [sflag:$0x1] =	stream.linear.gather [hbm4b:s5+s3], $0x80, $0x38;
	[tilespmem:$0x8000] =	vst v63  }
0x476: {  	s8 =	sld [smem:$0x7D6]  }
0x477: {  	[tilespmem:s10], [sflag:$0x1] =	stream.linear.gather [hbm4b:s6+s3], $0x80, $0x38;
	[tilespmem:$0x8000] =	vst v63  }
0x478: {  	s9 =	sld [smem:$0x7D7]  }
0x479: {  	[tilespmem:s8], [sflag:$0x1] =	stream.linear.gather [hbm4b:s7+s3], $0x80, $0x38;
	[tilespmem:$0x8000] =	vst v63  }
0x47a: {  	s10 =	sld [smem:$0x7D8]  }
0x47b: {  	[tilespmem:s9], [sflag:$0x1] =	stream.linear.gather [hbm4b:s4+s3], $0x80, $0x38;
	[tilespmem:$0x8000] =	vst v63  }
0x47c: {  	_ = 	snop  }
0x47d: {  	[tilespmem:s10], [sflag:$0x1] =	stream.linear.gather [hbm4b:s5+s3], $0x80, $0x38;
	[tilespmem:$0x8000] =	vst v63  }
0x47e: {  	s8 =	simm.s32 $0x7900  }
0x47f: {  	[tilespmem:s8], [sflag:$0x1] =	stream.linear.gather [hbm4b:s6+s3], $0x80, $0x38;
	[tilespmem:$0x8000] =	vst v63  }
0x480: {  	s9 =	simm.s32 $0x7D00  }
0x481: {  	[tilespmem:s9], [sflag:$0x1] =	stream.linear.gather [hbm4b:s7+s3], $0x80, $0x38;
	[tilespmem:$0x8000] =	vst v63  }
0x482: {  	s10 =	simm.s32 $0x7180  }
0x483: {  	[tilespmem:s10], [sflag:$0x1] =	stream.linear.gather [hbm4b:s4+s3], $0x80, $0x38;
	[tilespmem:$0x8000] =	vst v63  }
0x484: {  	_ = 	snop  }
0x485: {  	[tilespmem:s11], [sflag:$0x1] =	stream.linear.gather [hbm4b:s5+s3], $0x80, $0x38;
	[tilespmem:$0x8000] =	vst v63  }
0x486: {  	_ = 	snop  }
0x487: {  	[tilespmem:s12], [sflag:$0x1] =	stream.linear.gather [hbm4b:s6+s3], $0x80, $0x38;
	[tilespmem:$0x8000] =	vst v63  }
0x488: {  	_ = 	snop  }
0x489: {  	[tilespmem:s13], [sflag:$0x1] =	stream.linear.gather [hbm4b:s7+s3], $0x80, $0x38;
	[tilespmem:$0x8000] =	vst v63  }
0x48a: {  	_ = 	snop  }
0x48b: {  	[tilespmem:s14], [sflag:$0x1] =	stream.linear.gather [hbm4b:s4+s3], $0x80, $0x38;
	[tilespmem:$0x8000] =	vst v63  }
0x48c: {  	_ = 	snop  }
0x48d: {  	[tilespmem:s15], [sflag:$0x1] =	stream.linear.gather [hbm4b:s5+s3], $0x80, $0x38;
	[tilespmem:$0x8000] =	vst v63  }
0x48e: {  	_ = 	snop  }
0x48f: {  	[tilespmem:s16], [sflag:$0x1] =	stream.linear.gather [hbm4b:s6+s3], $0x80, $0x38;
	[tilespmem:$0x8000] =	vst v63  }
0x490: {  	_ = 	snop  }
0x491: {  	[tilespmem:s17], [sflag:$0x1] =	stream.linear.gather [hbm4b:s7+s3], $0x80, $0x38;
	[tilespmem:$0x8000] =	vst v63  }
0x492: {  	_ = 	snop  }
0x493: {  	[tilespmem:s18], [sflag:$0x1] =	stream.linear.gather [hbm4b:s4+s3], $0x80, $0x38;
	[tilespmem:$0x8000] =	vst v63  }
0x494: {  	_ = 	snop  }
0x495: {  	[tilespmem:s19], [sflag:$0x1] =	stream.linear.gather [hbm4b:s5+s3], $0x80, $0x38;
	[tilespmem:$0x8000] =	vst v63  }
0x496: {  	_ = 	snop  }
0x497: {  	[tilespmem:s20], [sflag:$0x1] =	stream.linear.gather [hbm4b:s6+s3], $0x80, $0x38;
	[tilespmem:$0x8000] =	vst v63  }
0x498: {  	_ = 	snop  }
0x499: {  	[tilespmem:s21], [sflag:$0x1] =	stream.linear.gather [hbm4b:s7+s3], $0x80, $0x38;
	[tilespmem:$0x8000] =	vst v63  }
0x49a: {  	_ = 	snop  }
0x49b: {  	[tilespmem:s22], [sflag:$0x1] =	stream.linear.gather [hbm4b:s4+s3], $0x80, $0x38;
	[tilespmem:$0x8000] =	vst v63  }
0x49c: {  	_ = 	snop  }
0x49d: {  	[tilespmem:s23], [sflag:$0x1] =	stream.linear.gather [hbm4b:s5+s3], $0x80, $0x38;
	[tilespmem:$0x8000] =	vst v63  }
0x49e: {  	_ = 	snop  }
0x49f: {  	[tilespmem:s24], [sflag:$0x1] =	stream.linear.gather [hbm4b:s6+s3], $0x80, $0x38;
	[tilespmem:$0x8000] =	vst v63  }
0x4a0: {  	_ = 	snop  }
0x4a1: {  	[tilespmem:s25], [sflag:$0x1] =	stream.linear.gather [hbm4b:s7+s3], $0x80, $0x38;
	[tilespmem:$0x8000] =	vst v63  }
0x4a2: {  	_ = 	snop  }
0x4a3: {  	[tilespmem:s26], [sflag:$0x1] =	stream.linear.gather [hbm4b:s4+s3], $0x80, $0x38;
	[tilespmem:$0x8000] =	vst v63  }
0x4a4: {  	_ = 	snop  }
0x4a5: {  	[tilespmem:s28], [sflag:$0x1] =	stream.linear.gather [hbm4b:s5+s3], $0x80, $0x38;
	[tilespmem:$0x8000] =	vst v63  }
0x4a6: {  	_ = 	snop  }
0x4a7: {  	[tilespmem:s29], [sflag:$0x1] =	stream.linear.gather [hbm4b:s6+s3], $0x80, $0x38;
	[tilespmem:$0x8000] =	vst v63  }
0x4a8: {  	_ = 	snop  }
0x4a9: {  	[tilespmem:s30], [sflag:$0x1] =	stream.linear.gather [hbm4b:s7+s3], $0x80, $0x38;
	[tilespmem:$0x8000] =	vst v63  }
0x4aa: {  	_ =	swait.ge [sflag:s31], $0x4000  }
0x4ab: {  	[sflag:s31] =	ssyncset.done $0x0  }
0x4ac: {  	[sflag:s31] =	ssyncadd.s32 $0xFFFFC000  }
0x4ad: {  	_ =	swait.ge [sflag:s31], $0x200  }
0x4ae: {  	[sflag:s31] =	ssyncset.done $0x0  }
0x4af: {  	[sflag:s31] =	ssyncadd.s32 $0xFFFFFE00  }
0x4b0: {  	_ =	swait.ge [sflag:s31], $0x200  }
0x4b1: {  	[sflag:s31] =	ssyncset.done $0x0  }
0x4b2: {  	[sflag:s31] =	ssyncadd.s32 $0xFFFFFE00  }
0x4b3: {  	_ =	swait.ge [sflag:s31], $0x200  }
0x4b4: {  	[sflag:s31] =	ssyncset.done $0x0  }
0x4b5: {  	[sflag:s31] =	ssyncadd.s32 $0xFFFFFE00  }
0x4b6: {  	_ =	swait.ge [sflag:s31], $0x200  }
0x4b7: {  	[sflag:s31] =	ssyncset.done $0x0  }
0x4b8: {  	[sflag:s31] =	ssyncadd.s32 $0xFFFFFE00  }
0x4b9: {  	_ =	swait.ge [sflag:s31], $0x200  }
0x4ba: {  	[sflag:s31] =	ssyncset.done $0x0  }
0x4bb: {  	[sflag:s31] =	ssyncadd.s32 $0xFFFFFE00  }
0x4bc: {  	_ =	swait.ge [sflag:s31], $0x200  }
0x4bd: {  	[sflag:s31] =	ssyncset.done $0x0  }
0x4be: {  	[sflag:s31] =	ssyncadd.s32 $0xFFFFFE00  }
0x4bf: {  	_ =	swait.ge [sflag:s31], $0x200  }
0x4c0: {  	[sflag:s31] =	ssyncset.done $0x0  }
0x4c1: {  	[sflag:s31] =	ssyncadd.s32 $0xFFFFFE00  }
0x4c2: {  	_ =	swait.ge [sflag:s31], $0x200  }
0x4c3: {  	[sflag:s31] =	ssyncset.done $0x0  }
0x4c4: {  	[sflag:s31] =	ssyncadd.s32 $0xFFFFFE00  }
0x4c5: {  	_ =	swait.ge [sflag:s31], $0x200  }
0x4c6: {  	[sflag:s31] =	ssyncset.done $0x0  }
0x4c7: {  	[sflag:s31] =	ssyncadd.s32 $0xFFFFFE00  }
0x4c8: {  	_ =	swait.ge [sflag:s31], $0x200  }
0x4c9: {  	[sflag:s31] =	ssyncset.done $0x0  }
0x4ca: {  	[sflag:s31] =	ssyncadd.s32 $0xFFFFFE00  }
0x4cb: {  	_ =	swait.ge [sflag:s31], $0x200  }
0x4cc: {  	[sflag:s31] =	ssyncset.done $0x0  }
0x4cd: {  	[sflag:s31] =	ssyncadd.s32 $0xFFFFFE00  }
0x4ce: {  	_ =	swait.ge [sflag:s31], $0x200  }
0x4cf: {  	[sflag:s31] =	ssyncset.done $0x0  }
0x4d0: {  	[sflag:s31] =	ssyncadd.s32 $0xFFFFFE00  }
0x4d1: {  	_ =	swait.ge [sflag:s31], $0x200  }
0x4d2: {  	[sflag:s31] =	ssyncset.done $0x0  }
0x4d3: {  	[sflag:s31] =	ssyncadd.s32 $0xFFFFFE00  }
0x4d4: {  	_ =	swait.ge [sflag:s31], $0x200  }
0x4d5: {  	[sflag:s31] =	ssyncset.done $0x0  }
0x4d6: {  	[sflag:s31] =	ssyncadd.s32 $0xFFFFFE00  }
0x4d7: {  	_ =	swait.ge [sflag:s31], $0x200  }
0x4d8: {  	[sflag:s31] =	ssyncset.done $0x0  }
0x4d9: {  	[sflag:s31] =	ssyncadd.s32 $0xFFFFFE00  }
0x4da: {  	_ =	swait.ge [sflag:s31], $0x200  }
0x4db: {  	[sflag:s31] =	ssyncset.done $0x0  }
0x4dc: {  	[sflag:s31] =	ssyncadd.s32 $0xFFFFFE00  }
0x4dd: {  	_ =	swait.ge [sflag:s31], $0x200  }
0x4de: {  	[sflag:s31] =	ssyncset.done $0x0  }
0x4df: {  	[sflag:s31] =	ssyncadd.s32 $0xFFFFFE00  }
0x4e0: {  	_ =	swait.ge [sflag:s31], $0x200  }
0x4e1: {  	[sflag:s31] =	ssyncset.done $0x0  }
0x4e2: {  	[sflag:s31] =	ssyncadd.s32 $0xFFFFFE00  }
0x4e3: {  	_ =	swait.ge [sflag:s31], $0x200  }
0x4e4: {  	[sflag:s31] =	ssyncset.done $0x0  }
0x4e5: {  	[sflag:s31] =	ssyncadd.s32 $0xFFFFFE00  }
0x4e6: {  	_ =	swait.ge [sflag:s31], $0x200  }
0x4e7: {  	[sflag:s31] =	ssyncset.done $0x0  }
0x4e8: {  	[sflag:s31] =	ssyncadd.s32 $0xFFFFFE00  }
0x4e9: {  	_ =	swait.ge [sflag:s31], $0x200  }
0x4ea: {  	[sflag:s31] =	ssyncset.done $0x0  }
0x4eb: {  	[sflag:s31] =	ssyncadd.s32 $0xFFFFFE00  }
0x4ec: {  	_ =	swait.ge [sflag:s31], $0x200  }
0x4ed: {  	[sflag:s31] =	ssyncset.done $0x0  }
0x4ee: {  	[sflag:s31] =	ssyncadd.s32 $0xFFFFFE00  }
0x4ef: {  	_ =	swait.ge [sflag:s31], $0x200  }
0x4f0: {  	[sflag:s31] =	ssyncset.done $0x0  }
0x4f1: {  	[sflag:s31] =	ssyncadd.s32 $0xFFFFFE00  }
0x4f2: {  	_ =	swait.ge [sflag:s31], $0x200  }
0x4f3: {  	[sflag:s31] =	ssyncset.done $0x0  }
0x4f4: {  	[sflag:s31] =	ssyncadd.s32 $0xFFFFFE00  }
0x4f5: {  	_ =	swait.ge [sflag:s31], $0x200  }
0x4f6: {  	[sflag:s31] =	ssyncset.done $0x0  }
0x4f7: {  	[sflag:s31] =	ssyncadd.s32 $0xFFFFFE00  }
0x4f8: {  	_ =	swait.ge [sflag:s31], $0x200  }
0x4f9: {  	[sflag:s31] =	ssyncset.done $0x0  }
0x4fa: {  	[sflag:s31] =	ssyncadd.s32 $0xFFFFFE00  }
0x4fb: {  	_ =	swait.ge [sflag:s31], $0x200  }
0x4fc: {  	[sflag:s31] =	ssyncset.done $0x0  }
0x4fd: {  	[sflag:s31] =	ssyncadd.s32 $0xFFFFFE00  }
0x4fe: {  	_ =	swait.ge [sflag:s31], $0x200  }
0x4ff: {  	[sflag:s31] =	ssyncset.done $0x0  }
0x500: {  	[sflag:s31] =	ssyncadd.s32 $0xFFFFFE00  }
0x501: {  	_ =	swait.ge [sflag:s31], $0x200  }
0x502: {  	[sflag:s31] =	ssyncset.done $0x0  }
0x503: {  	[sflag:s31] =	ssyncadd.s32 $0xFFFFFE00  }
0x504: {  	_ =	swait.ge [sflag:s31], $0x200  }
0x505: {  	[sflag:s31] =	ssyncset.done $0x0  }
0x506: {  	[sflag:s31] =	ssyncadd.s32 $0xFFFFFE00  }
0x507: {  	_ =	swait.ge [sflag:s31], $0x200  }
0x508: {  	[sflag:s31] =	ssyncset.done $0x0  }
0x509: {  	[sflag:s31] =	ssyncadd.s32 $0xFFFFFE00  }
0x50a: {  	_ =	swait.ge [sflag:s31], $0x200  }
0x50b: {  	[sflag:s31] =	ssyncset.done $0x0  }
0x50c: {  	s2 =	rddreg [dreg:$0x4];
	[sflag:s31] =	ssyncadd.s32 $0xFFFFFE00  }
0x50d: {  	[hbm4b:s2+s3] =	stream.linear.scatter [tilespmem:s3], [sflag:$0x1], $0x8000, $0x38;
	[tilespmem:$0x8000] =	vst v63  }
0x50e: {  	s8 =	rddreg [dreg:$0x5]  }
0x50f: {  	[hbm4b:s8+s3] =	stream.linear.scatter [tilespmem:s3], [sflag:$0x1], $0x8000, $0x38;
	[tilespmem:$0x8000] =	vst v63  }
0x510: {  	s9 =	rddreg [dreg:$0x6]  }
0x511: {  	[hbm4b:s9+s3] =	stream.linear.scatter [tilespmem:s3], [sflag:$0x1], $0x8000, $0x38;
	[tilespmem:$0x8000] =	vst v63  }
0x512: {  	s10 =	rddreg [dreg:$0x7]  }
0x513: {  	[hbm4b:s10+s3] =	stream.linear.scatter [tilespmem:s3], [sflag:$0x1], $0x8000, $0x38;
	[tilespmem:$0x8000] =	vst v63  }
0x514: {  	s8 =	rddreg [dreg:$0x8]  }
0x515: {  	[hbm4b:s8+s3] =	stream.linear.scatter [tilespmem:s3], [sflag:$0x1], $0x8000, $0x38;
	[tilespmem:$0x8000] =	vst v63  }
0x516: {  	s9 =	rddreg [dreg:$0x9]  }
0x517: {  	[hbm4b:s9+s3] =	stream.linear.scatter [tilespmem:s3], [sflag:$0x1], $0x8000, $0x38;
	[tilespmem:$0x8000] =	vst v63  }
0x518: {  	s10 =	rddreg [dreg:$0xa]  }
0x519: {  	[hbm4b:s10+s3] =	stream.linear.scatter [tilespmem:s3], [sflag:$0x1], $0x8000, $0x38;
	[tilespmem:$0x8000] =	vst v63  }
0x51a: {  	s8 =	rddreg [dreg:$0xb]  }
0x51b: {  	[hbm4b:s8+s3] =	stream.linear.scatter [tilespmem:s3], [sflag:$0x1], $0x8000, $0x38;
	[tilespmem:$0x8000] =	vst v63  }
0x51c: {  	_ =	swait.ge [sflag:s31], $0x8000  }
0x51d: {  	[sflag:s31] =	ssyncset.done $0x0  }
0x51e: {  	[sflag:s31] =	ssyncadd.s32 $0xFFFF8000  }
0x51f: {  	_ =	swait.ge [sflag:s31], $0x8000  }
0x520: {  	[sflag:s31] =	ssyncset.done $0x0  }
0x521: {  	[sflag:s31] =	ssyncadd.s32 $0xFFFF8000  }
0x522: {  	_ =	swait.ge [sflag:s31], $0x8000  }
0x523: {  	[sflag:s31] =	ssyncset.done $0x0  }
0x524: {  	[sflag:s31] =	ssyncadd.s32 $0xFFFF8000  }
0x525: {  	_ =	swait.ge [sflag:s31], $0x8000  }
0x526: {  	[sflag:s31] =	ssyncset.done $0x0  }
0x527: {  	[sflag:s31] =	ssyncadd.s32 $0xFFFF8000  }
0x528: {  	_ =	swait.ge [sflag:s31], $0x8000  }
0x529: {  	[sflag:s31] =	ssyncset.done $0x0  }
0x52a: {  	[sflag:s31] =	ssyncadd.s32 $0xFFFF8000  }
0x52b: {  	_ =	swait.ge [sflag:s31], $0x8000  }
0x52c: {  	[sflag:s31] =	ssyncset.done $0x0  }
0x52d: {  	[sflag:s31] =	ssyncadd.s32 $0xFFFF8000  }
0x52e: {  	_ =	swait.ge [sflag:s31], $0x8000  }
0x52f: {  	[sflag:s31] =	ssyncset.done $0x0  }
0x530: {  	[sflag:s31] =	ssyncadd.s32 $0xFFFF8000  }
0x531: {  	_ =	swait.ge [sflag:s31], $0x8000  }
0x532: {  	[sflag:s31] =	ssyncset.done $0x0  }
0x533: {  	s9 =	rddreg [dreg:$0xc];
	[sflag:s31] =	ssyncadd.s32 $0xFFFF8000  }
0x534: {  	[hbm4b:s9+s3] =	stream.linear.scatter [tilespmem:s3], [sflag:$0x1], $0x8000, $0x38;
	[tilespmem:$0x8000] =	vst v63  }
0x535: {  	s10 =	rddreg [dreg:$0xd]  }
0x536: {  	[hbm4b:s10+s3] =	stream.linear.scatter [tilespmem:s3], [sflag:$0x1], $0x8000, $0x38;
	[tilespmem:$0x8000] =	vst v63  }
0x537: {  	s8 =	rddreg [dreg:$0xe]  }
0x538: {  	[hbm4b:s8+s3] =	stream.linear.scatter [tilespmem:s3], [sflag:$0x1], $0x8000, $0x38;
	[tilespmem:$0x8000] =	vst v63  }
0x539: {  	s9 =	rddreg [dreg:$0xf]  }
0x53a: {  	[hbm4b:s9+s3] =	stream.linear.scatter [tilespmem:s3], [sflag:$0x1], $0x8000, $0x38;
	[tilespmem:$0x8000] =	vst v63  }
0x53b: {  	s10 =	rddreg [dreg:$0x10]  }
0x53c: {  	[hbm4b:s10+s3] =	stream.linear.scatter [tilespmem:s3], [sflag:$0x1], $0x8000, $0x38;
	[tilespmem:$0x8000] =	vst v63  }
0x53d: {  	s8 =	rddreg [dreg:$0x11]  }
0x53e: {  	[hbm4b:s8+s3] =	stream.linear.scatter [tilespmem:s3], [sflag:$0x1], $0x8000, $0x38;
	[tilespmem:$0x8000] =	vst v63  }
0x53f: {  	s9 =	rddreg [dreg:$0x12]  }
0x540: {  	[hbm4b:s9+s3] =	stream.linear.scatter [tilespmem:s3], [sflag:$0x1], $0x8000, $0x38;
	[tilespmem:$0x8000] =	vst v63  }
0x541: {  	s10 =	rddreg [dreg:$0x13]  }
0x542: {  	[hbm4b:s10+s3] =	stream.linear.scatter [tilespmem:s3], [sflag:$0x1], $0x8000, $0x38;
	[tilespmem:$0x8000] =	vst v63  }
0x543: {  	_ =	swait.ge [sflag:s31], $0x8000  }
0x544: {  	[sflag:s31] =	ssyncset.done $0x0  }
0x545: {  	[sflag:s31] =	ssyncadd.s32 $0xFFFF8000  }
0x546: {  	_ =	swait.ge [sflag:s31], $0x8000  }
0x547: {  	[sflag:s31] =	ssyncset.done $0x0  }
0x548: {  	[sflag:s31] =	ssyncadd.s32 $0xFFFF8000  }
0x549: {  	_ =	swait.ge [sflag:s31], $0x8000  }
0x54a: {  	[sflag:s31] =	ssyncset.done $0x0  }
0x54b: {  	[sflag:s31] =	ssyncadd.s32 $0xFFFF8000  }
0x54c: {  	_ =	swait.ge [sflag:s31], $0x8000  }
0x54d: {  	[sflag:s31] =	ssyncset.done $0x0  }
0x54e: {  	[sflag:s31] =	ssyncadd.s32 $0xFFFF8000  }
0x54f: {  	_ =	swait.ge [sflag:s31], $0x8000  }
0x550: {  	[sflag:s31] =	ssyncset.done $0x0  }
0x551: {  	[sflag:s31] =	ssyncadd.s32 $0xFFFF8000  }
0x552: {  	_ =	swait.ge [sflag:s31], $0x8000  }
0x553: {  	[sflag:s31] =	ssyncset.done $0x0  }
0x554: {  	[sflag:s31] =	ssyncadd.s32 $0xFFFF8000  }
0x555: {  	_ =	swait.ge [sflag:s31], $0x8000  }
0x556: {  	[sflag:s31] =	ssyncset.done $0x0  }
0x557: {  	[sflag:s31] =	ssyncadd.s32 $0xFFFF8000  }
0x558: {  	_ =	swait.ge [sflag:s31], $0x8000  }
0x559: {  	[sflag:s31] =	ssyncset.done $0x0  }
0x55a: {  	s2 =	rddreg [dreg:$0x14];
	[sflag:s31] =	ssyncadd.s32 $0xFFFF8000  }
0x55b: {  	[hbm4b:s2+s3] =	stream.linear.scatter [tilespmem:s3], [sflag:$0x1], $0x8000, $0x38;
	[tilespmem:$0x8000] =	vst v63  }
0x55c: {  	s8 =	rddreg [dreg:$0x15]  }
0x55d: {  	[hbm4b:s8+s3] =	stream.linear.scatter [tilespmem:s3], [sflag:$0x1], $0x8000, $0x38;
	[tilespmem:$0x8000] =	vst v63  }
0x55e: {  	s9 =	rddreg [dreg:$0x16]  }
0x55f: {  	[hbm4b:s9+s3] =	stream.linear.scatter [tilespmem:s3], [sflag:$0x1], $0x8000, $0x38;
	[tilespmem:$0x8000] =	vst v63  }
0x560: {  	s10 =	rddreg [dreg:$0x17]  }
0x561: {  	[hbm4b:s10+s3] =	stream.linear.scatter [tilespmem:s3], [sflag:$0x1], $0x8000, $0x38;
	[tilespmem:$0x8000] =	vst v63  }
0x562: {  	s8 =	rddreg [dreg:$0x18]  }
0x563: {  	[hbm4b:s8+s3] =	stream.linear.scatter [tilespmem:s3], [sflag:$0x1], $0x8000, $0x38;
	[tilespmem:$0x8000] =	vst v63  }
0x564: {  	s9 =	rddreg [dreg:$0x19]  }
0x565: {  	[hbm4b:s9+s3] =	stream.linear.scatter [tilespmem:s3], [sflag:$0x1], $0x8000, $0x38;
	[tilespmem:$0x8000] =	vst v63  }
0x566: {  	s10 =	rddreg [dreg:$0x1a]  }
0x567: {  	[hbm4b:s10+s3] =	stream.linear.scatter [tilespmem:s3], [sflag:$0x1], $0x8000, $0x38;
	[tilespmem:$0x8000] =	vst v63  }
0x568: {  	s8 =	rddreg [dreg:$0x1b]  }
0x569: {  	[hbm4b:s8+s3] =	stream.linear.scatter [tilespmem:s3], [sflag:$0x1], $0x8000, $0x38;
	[tilespmem:$0x8000] =	vst v63  }
0x56a: {  	_ =	swait.ge [sflag:s31], $0x8000  }
0x56b: {  	[sflag:s31] =	ssyncset.done $0x0  }
0x56c: {  	[sflag:s31] =	ssyncadd.s32 $0xFFFF8000  }
0x56d: {  	_ =	swait.ge [sflag:s31], $0x8000  }
0x56e: {  	[sflag:s31] =	ssyncset.done $0x0  }
0x56f: {  	[sflag:s31] =	ssyncadd.s32 $0xFFFF8000  }
0x570: {  	_ =	swait.ge [sflag:s31], $0x8000  }
0x571: {  	[sflag:s31] =	ssyncset.done $0x0  }
0x572: {  	[sflag:s31] =	ssyncadd.s32 $0xFFFF8000  }
0x573: {  	_ =	swait.ge [sflag:s31], $0x8000  }
0x574: {  	[sflag:s31] =	ssyncset.done $0x0  }
0x575: {  	[sflag:s31] =	ssyncadd.s32 $0xFFFF8000  }
0x576: {  	_ =	swait.ge [sflag:s31], $0x8000  }
0x577: {  	[sflag:s31] =	ssyncset.done $0x0  }
0x578: {  	[sflag:s31] =	ssyncadd.s32 $0xFFFF8000  }
0x579: {  	_ =	swait.ge [sflag:s31], $0x8000  }
0x57a: {  	[sflag:s31] =	ssyncset.done $0x0  }
0x57b: {  	[sflag:s31] =	ssyncadd.s32 $0xFFFF8000  }
0x57c: {  	_ =	swait.ge [sflag:s31], $0x8000  }
0x57d: {  	[sflag:s31] =	ssyncset.done $0x0  }
0x57e: {  	[sflag:s31] =	ssyncadd.s32 $0xFFFF8000  }
0x57f: {  	_ =	swait.ge [sflag:s31], $0x8000  }
0x580: {  	s9 =	rddreg [dreg:$0x1c];
	[sflag:s31] =	ssyncset.done $0x0  }
0x581: {  	s10 =	rddreg [dreg:$0x1d];
	[sflag:s31] =	ssyncadd.s32 $0xFFFF8000  }
0x582: {  	[hbm4b:s9+s3] =	stream.linear.scatter [tilespmem:s3], [sflag:$0x1], $0x8000, $0x38;
	[tilespmem:$0x8000] =	vst v63  }
0x583: {  	s8 =	rddreg [dreg:$0x1e]  }
0x584: {  	[hbm4b:s10+s3] =	stream.linear.scatter [tilespmem:s3], [sflag:$0x1], $0x8000, $0x38;
	[tilespmem:$0x8000] =	vst v63  }
0x585: {  	s9 =	rddreg [dreg:$0x1f]  }
0x586: {  	[hbm4b:s8+s3] =	stream.linear.scatter [tilespmem:s3], [sflag:$0x1], $0x8000, $0x38;
	[tilespmem:$0x8000] =	vst v63  }
0x587: {  	s10 =	sld [smem:$0x7D9]  }
0x588: {  	[hbm4b:s9+s3] =	stream.linear.scatter [tilespmem:s3], [sflag:$0x1], $0x8000, $0x38;
	[tilespmem:$0x8000] =	vst v63  }
0x589: {  	s8 =	sld [smem:$0x7DA]  }
0x58a: {  	[hbm4b:s10+s3] =	stream.linear.scatter [tilespmem:s3], [sflag:$0x1], $0x8000, $0x38;
	[tilespmem:$0x8000] =	vst v63  }
0x58b: {  	s9 =	sld [smem:$0x7DB]  }
0x58c: {  	[hbm4b:s8+s3] =	stream.linear.scatter [tilespmem:s3], [sflag:$0x1], $0x8000, $0x38;
	[tilespmem:$0x8000] =	vst v63  }
0x58d: {  	s10 =	sld [smem:$0x7DC]  }
0x58e: {  	[hbm4b:s9+s3] =	stream.linear.scatter [tilespmem:s3], [sflag:$0x1], $0x8000, $0x38;
	[tilespmem:$0x8000] =	vst v63  }
0x58f: {  	_ = 	snop  }
0x590: {  	[hbm4b:s10+s3] =	stream.linear.scatter [tilespmem:s3], [sflag:$0x1], $0x8000, $0x38;
	[tilespmem:$0x8000] =	vst v63  }
0x591: {  	_ =	swait.ge [sflag:s31], $0x8000  }
0x592: {  	[sflag:s31] =	ssyncset.done $0x0  }
0x593: {  	[sflag:s31] =	ssyncadd.s32 $0xFFFF8000  }
0x594: {  	_ =	swait.ge [sflag:s31], $0x8000  }
0x595: {  	[sflag:s31] =	ssyncset.done $0x0  }
0x596: {  	[sflag:s31] =	ssyncadd.s32 $0xFFFF8000  }
0x597: {  	_ =	swait.ge [sflag:s31], $0x8000  }
0x598: {  	[sflag:s31] =	ssyncset.done $0x0  }
0x599: {  	[sflag:s31] =	ssyncadd.s32 $0xFFFF8000  }
0x59a: {  	_ =	swait.ge [sflag:s31], $0x8000  }
0x59b: {  	[sflag:s31] =	ssyncset.done $0x0  }
0x59c: {  	[sflag:s31] =	ssyncadd.s32 $0xFFFF8000  }
0x59d: {  	_ =	swait.ge [sflag:s31], $0x8000  }
0x59e: {  	[sflag:s31] =	ssyncset.done $0x0  }
0x59f: {  	[sflag:s31] =	ssyncadd.s32 $0xFFFF8000  }
0x5a0: {  	_ =	swait.ge [sflag:s31], $0x8000  }
0x5a1: {  	[sflag:s31] =	ssyncset.done $0x0  }
0x5a2: {  	[sflag:s31] =	ssyncadd.s32 $0xFFFF8000  }
0x5a3: {  	_ =	swait.ge [sflag:s31], $0x8000  }
0x5a4: {  	[sflag:s31] =	ssyncset.done $0x0  }
0x5a5: {  	[sflag:s31] =	ssyncadd.s32 $0xFFFF8000  }
0x5a6: {  	_ =	swait.ge [sflag:s31], $0x8000  }
0x5a7: {  	s2 =	sld [smem:$0x7DD]  }
0x5a8: {  	[sflag:s31] =	ssyncset.done $0x0  }
0x5a9: {  	s8 =	sld [smem:$0x7DE];
	[sflag:s31] =	ssyncadd.s32 $0xFFFF8000  }
0x5aa: {  	[hbm4b:s2+s3] =	stream.linear.scatter [tilespmem:s3], [sflag:$0x1], $0x8000, $0x38;
	[tilespmem:$0x8000] =	vst v63  }
0x5ab: {  	s9 =	sld [smem:$0x7DF]  }
0x5ac: {  	[hbm4b:s8+s3] =	stream.linear.scatter [tilespmem:s3], [sflag:$0x1], $0x8000, $0x38;
	[tilespmem:$0x8000] =	vst v63  }
0x5ad: {  	s10 =	sld [smem:$0x7E0]  }
0x5ae: {  	[hbm4b:s9+s3] =	stream.linear.scatter [tilespmem:s3], [sflag:$0x1], $0x8000, $0x38;
	[tilespmem:$0x8000] =	vst v63  }
0x5af: {  	s8 =	sld [smem:$0x7E1]  }
0x5b0: {  	[hbm4b:s10+s3] =	stream.linear.scatter [tilespmem:s3], [sflag:$0x1], $0x8000, $0x38;
	[tilespmem:$0x8000] =	vst v63  }
0x5b1: {  	s9 =	sld [smem:$0x7E2]  }
0x5b2: {  	[hbm4b:s8+s3] =	stream.linear.scatter [tilespmem:s3], [sflag:$0x1], $0x8000, $0x38;
	[tilespmem:$0x8000] =	vst v63  }
0x5b3: {  	s10 =	sld [smem:$0x7E3]  }
0x5b4: {  	[hbm4b:s9+s3] =	stream.linear.scatter [tilespmem:s3], [sflag:$0x1], $0x8000, $0x38;
	[tilespmem:$0x8000] =	vst v63  }
0x5b5: {  	s8 =	sld [smem:$0x7E4]  }
0x5b6: {  	[hbm4b:s10+s3] =	stream.linear.scatter [tilespmem:s3], [sflag:$0x1], $0x8000, $0x38;
	[tilespmem:$0x8000] =	vst v63  }
0x5b7: {  	_ = 	snop  }
0x5b8: {  	[hbm4b:s8+s3] =	stream.linear.scatter [tilespmem:s3], [sflag:$0x1], $0x8000, $0x38;
	[tilespmem:$0x8000] =	vst v63  }
0x5b9: {  	_ =	swait.ge [sflag:s31], $0x8000  }
0x5ba: {  	[sflag:s31] =	ssyncset.done $0x0  }
0x5bb: {  	[sflag:s31] =	ssyncadd.s32 $0xFFFF8000  }
0x5bc: {  	_ =	swait.ge [sflag:s31], $0x8000  }
0x5bd: {  	[sflag:s31] =	ssyncset.done $0x0  }
0x5be: {  	[sflag:s31] =	ssyncadd.s32 $0xFFFF8000  }
0x5bf: {  	_ =	swait.ge [sflag:s31], $0x8000  }
0x5c0: {  	[sflag:s31] =	ssyncset.done $0x0  }
0x5c1: {  	[sflag:s31] =	ssyncadd.s32 $0xFFFF8000  }
0x5c2: {  	_ =	swait.ge [sflag:s31], $0x8000  }
0x5c3: {  	[sflag:s31] =	ssyncset.done $0x0  }
0x5c4: {  	[sflag:s31] =	ssyncadd.s32 $0xFFFF8000  }
0x5c5: {  	_ =	swait.ge [sflag:s31], $0x8000  }
0x5c6: {  	[sflag:s31] =	ssyncset.done $0x0  }
0x5c7: {  	[sflag:s31] =	ssyncadd.s32 $0xFFFF8000  }
0x5c8: {  	_ =	swait.ge [sflag:s31], $0x8000  }
0x5c9: {  	[sflag:s31] =	ssyncset.done $0x0  }
0x5ca: {  	[sflag:s31] =	ssyncadd.s32 $0xFFFF8000  }
0x5cb: {  	_ =	swait.ge [sflag:s31], $0x8000  }
0x5cc: {  	[sflag:s31] =	ssyncset.done $0x0  }
0x5cd: {  	[sflag:s31] =	ssyncadd.s32 $0xFFFF8000  }
0x5ce: {  	_ =	swait.ge [sflag:s31], $0x8000  }
0x5cf: {  	s9 =	sld [smem:$0x7E5]  }
0x5d0: {  	[sflag:s31] =	ssyncset.done $0x0  }
0x5d1: {  	s10 =	sld [smem:$0x7E6];
	[sflag:s31] =	ssyncadd.s32 $0xFFFF8000  }
0x5d2: {  	[hbm4b:s9+s3] =	stream.linear.scatter [tilespmem:s3], [sflag:$0x1], $0x8000, $0x38;
	[tilespmem:$0x8000] =	vst v63  }
0x5d3: {  	s8 =	sld [smem:$0x7E7]  }
0x5d4: {  	[hbm4b:s10+s3] =	stream.linear.scatter [tilespmem:s3], [sflag:$0x1], $0x8000, $0x38;
	[tilespmem:$0x8000] =	vst v63  }
0x5d5: {  	s9 =	sld [smem:$0x7E8]  }
0x5d6: {  	[hbm4b:s8+s3] =	stream.linear.scatter [tilespmem:s3], [sflag:$0x1], $0x8000, $0x38;
	[tilespmem:$0x8000] =	vst v63  }
0x5d7: {  	s10 =	sld [smem:$0x7E9]  }
0x5d8: {  	[hbm4b:s9+s3] =	stream.linear.scatter [tilespmem:s3], [sflag:$0x1], $0x8000, $0x38;
	[tilespmem:$0x8000] =	vst v63  }
0x5d9: {  	s8 =	sld [smem:$0x7EA]  }
0x5da: {  	[hbm4b:s10+s3] =	stream.linear.scatter [tilespmem:s3], [sflag:$0x1], $0x8000, $0x38;
	[tilespmem:$0x8000] =	vst v63  }
0x5db: {  	s9 =	sld [smem:$0x7EB]  }
0x5dc: {  	[hbm4b:s8+s3] =	stream.linear.scatter [tilespmem:s3], [sflag:$0x1], $0x8000, $0x38;
	[tilespmem:$0x8000] =	vst v63  }
0x5dd: {  	s10 =	sld [smem:$0x7EC]  }
0x5de: {  	[hbm4b:s9+s3] =	stream.linear.scatter [tilespmem:s3], [sflag:$0x1], $0x8000, $0x38;
	[tilespmem:$0x8000] =	vst v63  }
0x5df: {  	_ = 	snop  }
0x5e0: {  	[hbm4b:s10+s3] =	stream.linear.scatter [tilespmem:s3], [sflag:$0x1], $0x8000, $0x38;
	[tilespmem:$0x8000] =	vst v63  }
0x5e1: {  	_ =	swait.ge [sflag:s31], $0x8000  }
0x5e2: {  	[sflag:s31] =	ssyncset.done $0x0  }
0x5e3: {  	[sflag:s31] =	ssyncadd.s32 $0xFFFF8000  }
0x5e4: {  	_ =	swait.ge [sflag:s31], $0x8000  }
0x5e5: {  	[sflag:s31] =	ssyncset.done $0x0  }
0x5e6: {  	[sflag:s31] =	ssyncadd.s32 $0xFFFF8000  }
0x5e7: {  	_ =	swait.ge [sflag:s31], $0x8000  }
0x5e8: {  	[sflag:s31] =	ssyncset.done $0x0  }
0x5e9: {  	[sflag:s31] =	ssyncadd.s32 $0xFFFF8000  }
0x5ea: {  	_ =	swait.ge [sflag:s31], $0x8000  }
0x5eb: {  	[sflag:s31] =	ssyncset.done $0x0  }
0x5ec: {  	[sflag:s31] =	ssyncadd.s32 $0xFFFF8000  }
0x5ed: {  	_ =	swait.ge [sflag:s31], $0x8000  }
0x5ee: {  	[sflag:s31] =	ssyncset.done $0x0  }
0x5ef: {  	[sflag:s31] =	ssyncadd.s32 $0xFFFF8000  }
0x5f0: {  	_ =	swait.ge [sflag:s31], $0x8000  }
0x5f1: {  	[sflag:s31] =	ssyncset.done $0x0  }
0x5f2: {  	[sflag:s31] =	ssyncadd.s32 $0xFFFF8000  }
0x5f3: {  	_ =	swait.ge [sflag:s31], $0x8000  }
0x5f4: {  	[sflag:s31] =	ssyncset.done $0x0  }
0x5f5: {  	[sflag:s31] =	ssyncadd.s32 $0xFFFF8000  }
0x5f6: {  	_ =	swait.ge [sflag:s31], $0x8000  }
0x5f7: {  	s2 =	sld [smem:$0x7ED]  }
0x5f8: {  	[sflag:s31] =	ssyncset.done $0x0  }
0x5f9: {  	s8 =	sld [smem:$0x7EE];
	[sflag:s31] =	ssyncadd.s32 $0xFFFF8000  }
0x5fa: {  	[hbm4b:s2+s3] =	stream.linear.scatter [tilespmem:s3], [sflag:$0x1], $0x8000, $0x38;
	[tilespmem:$0x8000] =	vst v63  }
0x5fb: {  	s9 =	sld [smem:$0x7EF]  }
0x5fc: {  	[hbm4b:s8+s3] =	stream.linear.scatter [tilespmem:s3], [sflag:$0x1], $0x8000, $0x38;
	[tilespmem:$0x8000] =	vst v63  }
0x5fd: {  	s10 =	sld [smem:$0x7F0]  }
0x5fe: {  	[hbm4b:s9+s3] =	stream.linear.scatter [tilespmem:s3], [sflag:$0x1], $0x8000, $0x38;
	[tilespmem:$0x8000] =	vst v63  }
0x5ff: {  	s8 =	sld [smem:$0x7F1]  }
0x600: {  	[hbm4b:s10+s3] =	stream.linear.scatter [tilespmem:s3], [sflag:$0x1], $0x8000, $0x38;
	[tilespmem:$0x8000] =	vst v63  }
0x601: {  	s9 =	sld [smem:$0x7F2]  }
0x602: {  	[hbm4b:s8+s3] =	stream.linear.scatter [tilespmem:s3], [sflag:$0x1], $0x8000, $0x38;
	[tilespmem:$0x8000] =	vst v63  }
0x603: {  	s10 =	sld [smem:$0x7F3]  }
0x604: {  	[hbm4b:s9+s3] =	stream.linear.scatter [tilespmem:s3], [sflag:$0x1], $0x8000, $0x38;
	[tilespmem:$0x8000] =	vst v63  }
0x605: {  	s8 =	sld [smem:$0x7F4]  }
0x606: {  	[hbm4b:s10+s3] =	stream.linear.scatter [tilespmem:s3], [sflag:$0x1], $0x8000, $0x38;
	[tilespmem:$0x8000] =	vst v63  }
0x607: {  	_ = 	snop  }
0x608: {  	[hbm4b:s8+s3] =	stream.linear.scatter [tilespmem:s3], [sflag:$0x1], $0x8000, $0x38;
	[tilespmem:$0x8000] =	vst v63  }
0x609: {  	_ =	swait.ge [sflag:s31], $0x8000  }
0x60a: {  	[sflag:s31] =	ssyncset.done $0x0  }
0x60b: {  	[sflag:s31] =	ssyncadd.s32 $0xFFFF8000  }
0x60c: {  	_ =	swait.ge [sflag:s31], $0x8000  }
0x60d: {  	[sflag:s31] =	ssyncset.done $0x0  }
0x60e: {  	[sflag:s31] =	ssyncadd.s32 $0xFFFF8000  }
0x60f: {  	_ =	swait.ge [sflag:s31], $0x8000  }
0x610: {  	[sflag:s31] =	ssyncset.done $0x0  }
0x611: {  	[sflag:s31] =	ssyncadd.s32 $0xFFFF8000  }
0x612: {  	_ =	swait.ge [sflag:s31], $0x8000  }
0x613: {  	[sflag:s31] =	ssyncset.done $0x0  }
0x614: {  	[sflag:s31] =	ssyncadd.s32 $0xFFFF8000  }
0x615: {  	_ =	swait.ge [sflag:s31], $0x8000  }
0x616: {  	[sflag:s31] =	ssyncset.done $0x0  }
0x617: {  	[sflag:s31] =	ssyncadd.s32 $0xFFFF8000  }
0x618: {  	_ =	swait.ge [sflag:s31], $0x8000  }
0x619: {  	[sflag:s31] =	ssyncset.done $0x0  }
0x61a: {  	[sflag:s31] =	ssyncadd.s32 $0xFFFF8000  }
0x61b: {  	_ =	swait.ge [sflag:s31], $0x8000  }
0x61c: {  	[sflag:s31] =	ssyncset.done $0x0  }
0x61d: {  	[sflag:s31] =	ssyncadd.s32 $0xFFFF8000  }
0x61e: {  	_ =	swait.ge [sflag:s31], $0x8000  }
0x61f: {  	s9 =	sld [smem:$0x7F5]  }
0x620: {  	[sflag:s31] =	ssyncset.done $0x0  }
0x621: {  	s10 =	sld [smem:$0x7F6];
	[sflag:s31] =	ssyncadd.s32 $0xFFFF8000  }
0x622: {  	[hbm4b:s9+s3] =	stream.linear.scatter [tilespmem:s3], [sflag:$0x1], $0x8000, $0x38;
	[tilespmem:$0x8000] =	vst v63  }
0x623: {  	s8 =	sld [smem:$0x7F7]  }
0x624: {  	[hbm4b:s10+s3] =	stream.linear.scatter [tilespmem:s3], [sflag:$0x1], $0x8000, $0x38;
	[tilespmem:$0x8000] =	vst v63  }
0x625: {  	s9 =	sld [smem:$0x7F8]  }
0x626: {  	[hbm4b:s8+s3] =	stream.linear.scatter [tilespmem:s3], [sflag:$0x1], $0x8000, $0x38;
	[tilespmem:$0x8000] =	vst v63  }
0x627: {  	s10 =	sld [smem:$0x7F9]  }
0x628: {  	[hbm4b:s9+s3] =	stream.linear.scatter [tilespmem:s3], [sflag:$0x1], $0x8000, $0x38;
	[tilespmem:$0x8000] =	vst v63  }
0x629: {  	s8 =	sld [smem:$0x7FA]  }
0x62a: {  	[hbm4b:s10+s3] =	stream.linear.scatter [tilespmem:s3], [sflag:$0x1], $0x8000, $0x38;
	[tilespmem:$0x8000] =	vst v63  }
0x62b: {  	s9 =	sld [smem:$0x7FB]  }
0x62c: {  	[hbm4b:s8+s3] =	stream.linear.scatter [tilespmem:s3], [sflag:$0x1], $0x8000, $0x38;
	[tilespmem:$0x8000] =	vst v63  }
0x62d: {  	s10 =	sld [smem:$0x7FC]  }
0x62e: {  	[hbm4b:s9+s3] =	stream.linear.scatter [tilespmem:s3], [sflag:$0x1], $0x8000, $0x38;
	[tilespmem:$0x8000] =	vst v63  }
0x62f: {  	_ = 	snop  }
0x630: {  	[hbm4b:s10+s3] =	stream.linear.scatter [tilespmem:s3], [sflag:$0x1], $0x8000, $0x38;
	[tilespmem:$0x8000] =	vst v63  }
0x631: {  	_ =	swait.ge [sflag:s31], $0x8000  }
0x632: {  	[sflag:s31] =	ssyncset.done $0x0  }
0x633: {  	[sflag:s31] =	ssyncadd.s32 $0xFFFF8000  }
0x634: {  	_ =	swait.ge [sflag:s31], $0x8000  }
0x635: {  	[sflag:s31] =	ssyncset.done $0x0  }
0x636: {  	[sflag:s31] =	ssyncadd.s32 $0xFFFF8000  }
0x637: {  	_ =	swait.ge [sflag:s31], $0x8000  }
0x638: {  	[sflag:s31] =	ssyncset.done $0x0  }
0x639: {  	[sflag:s31] =	ssyncadd.s32 $0xFFFF8000  }
0x63a: {  	_ =	swait.ge [sflag:s31], $0x8000  }
0x63b: {  	[sflag:s31] =	ssyncset.done $0x0  }
0x63c: {  	[sflag:s31] =	ssyncadd.s32 $0xFFFF8000  }
0x63d: {  	_ =	swait.ge [sflag:s31], $0x8000  }
0x63e: {  	[sflag:s31] =	ssyncset.done $0x0  }
0x63f: {  	[sflag:s31] =	ssyncadd.s32 $0xFFFF8000  }
0x640: {  	_ =	swait.ge [sflag:s31], $0x8000  }
0x641: {  	[sflag:s31] =	ssyncset.done $0x0  }
0x642: {  	p0 =	sne.s32 s0, $0x1;
	[sflag:s31] =	ssyncadd.s32 $0xFFFF8000  }
.Ltmp1:
0x643: {  	_ =	swait.ge [sflag:s31], $0x8000;
	(pc) =	sbr.rel @p0 .LBB2_1-.Ltmp1, $4  }
0x644: {  	[sflag:s31] =	ssyncset.done $0x0  }
0x645: {  	[sflag:s31] =	ssyncadd.s32 $0xFFFF8000  }
0x646: {  	_ =	swait.ge [sflag:s31], $0x8000  }
0x647: {  	s0 =	sadd.s32 $0xFFFFFFFF, s0;
	[sflag:s31] =	ssyncset.done $0x0  }
.LBB2_2:
0x648: {  	[sflag:s31] =	ssyncadd.s32 $0xFFFF8000  }
0x649: {  	_ =	sfence.sel $0x180000  }
0x64a: {  	[bflag:$0x0] =	sbarrier.arrive $0xFFFF  }
0x64b: {  	_ =	strace $0x90000047  }
0x64c: {  	s0 =	stileid.u32;
	[bflag:$0x2] =	sbarrier.arrive $0xFFFF  }
0x64d: {  	p0 =	sne.s32 s0, $0x0;
	s0 =	rddreg [dreg:$0x3]  }
0x64e: {  	s0 =	sadd.s32 @!p0 $0x100000, s0  }
0x64f: {  	[sflag:s0] =	ssyncadd.tile.s32 @!p0 $0x1;
	_ =	shalt  }
.Lfunc_end2:
_tile_overlayer_lowered:
.L_overlay_start_2:
0x650: {  	(tag) =	ssettag $0x2  }
0x651: {  	s0 =	rddreg [dreg:$0x0];
	s2 =	stileid.u32  }
0x652: {  	s1 =	rddreg [dreg:$0x1];
	p0 =	sne.s32 s2, $0x0  }
0x653: {  	s3 =	rddreg [dreg:$0x2];
	[bflag:$0x3] =	sbarrier.arrive $0xFFFF;
	s2 =	simm.s32 @!p0 $0x1C02  }
0x654: {  	[timem:s3], [sflag:s2] =	dma.local @!p0 [hbm:s0], s1  }
0x655: {  	s0 =	simm.s32 @!p0 $0x2  }
0x656: {  	_ =	swait.ge @!p0 [sflag:s0], s1  }
0x657: {  	s1 =	ssub.s32 @!p0 $0x0, s1;
	[sflag:s0] =	ssyncset.done @!p0 $0x0  }
0x658: {  	[sflag:s0] =	ssyncadd.s32 @!p0 s1  }
0x659: {  	[bflag:$0x3] =	sbarrier.arrive $0xFFFF  }
0x65a: {  	_ =	shalt  }

</sc_bundles>
